<compile_context>
chip_gen: v7x
topology: tpu7x:2x2x1
jax: 0.10.2.dev20260603
libtpu: 0.0.44.dev20260713+nightly
codegen_flags: <defaults>
</compile_context>

<pallas_src>
import functools

import jax
import jax.numpy as jnp
from jax import lax
from jax.experimental import pallas as pl
from jax.experimental.pallas import tpu as pltpu
from jax.experimental.pallas import tpu_sc as plsc

_FIELD_DIMS = [1000] * 26
_NUM_FIELDS = len(_FIELD_DIMS)
_EMBED = 128
_BATCH = 16384
_FIELD_SIZE = _FIELD_DIMS[0]

_N = _BATCH * _NUM_FIELDS
_NW = 32
_PER_W = _N // _NW
_CHUNK = 128
_NCHUNK = _PER_W // _CHUNK
_LANES = 16

_mesh = plsc.VectorSubcoreMesh(core_axis_name="c", subcore_axis_name="s")


@functools.partial(
    pl.kernel,
    mesh=_mesh,
    out_type=jax.ShapeDtypeStruct((_NUM_FIELDS, _BATCH, _EMBED), jnp.float32),
    scratch_types=[
        pltpu.VMEM((_PER_W,), jnp.int32),
        pltpu.VMEM((6, _CHUNK, _EMBED), jnp.float32),
        pltpu.SemaphoreType.DMA,
        pltpu.SemaphoreType.DMA,
    ],
    compiler_params=pltpu.CompilerParams(use_tc_tiling_on_sc=True),
)
def _emb_lookup(x_hbm, table_hbm, out_hbm, idx_v, rows_v, gsem, wsem):
    wid = lax.axis_index("s") * 2 + lax.axis_index("c")
    q_base = wid * _PER_W

    pltpu.sync_copy(x_hbm.at[pl.ds(q_base, _PER_W)], idx_v)

    def _add_chunk(j):
        off = ((q_base + j * _CHUNK) // _BATCH) * _FIELD_SIZE
        for v in range(_CHUNK // _LANES):
            sl = pl.ds(j * _CHUNK + v * _LANES, _LANES)
            idx_v[sl] = idx_v[sl] + off

    def _dst(j):
        q0 = q_base + j * _CHUNK
        return out_hbm.at[q0 // _BATCH].at[pl.ds(q0 % _BATCH, _CHUNK)]

    def _start_gather(j, b):
        pltpu.async_copy(table_hbm.at[idx_v.at[pl.ds(j * _CHUNK, _CHUNK)]],
                         rows_v.at[b], gsem)

    def _wait_gather(j, b):
        pltpu.make_async_copy(
            table_hbm.at[idx_v.at[pl.ds(j * _CHUNK, _CHUNK)]],
            rows_v.at[b], gsem).wait()

    def _start_write(j, b):
        pltpu.async_copy(rows_v.at[b], _dst(j), wsem)

    def _wait_write(j, b):
        pltpu.make_async_copy(rows_v.at[b], _dst(j), wsem).wait()

    for j in range(6):
        _add_chunk(j)
    for j in (0, 1, 2):
        _start_gather(j, j)
    for j in (0, 1, 2):
        _wait_gather(j, j)
        _start_write(j, j)
        _add_chunk(j + 6)
        _start_gather(j + 3, j + 3)

    def _steady(s, carry):
        for k in range(6):
            j = 3 + s * 6 + k
            b = (3 + k) % 6
            _wait_gather(j, b)
            _start_write(j, b)
            _wait_write(j - 3, (b + 3) % 6)
            _add_chunk(j + 6)
            _start_gather(j + 3, (b + 3) % 6)
        return carry

    lax.fori_loop(0, (_NCHUNK - 14) // 6, _steady, 0)

    for j in range(_NCHUNK - 11, _NCHUNK):
        b = j % 6
        _wait_gather(j, b)
        _start_write(j, b)
        _wait_write(j - 3, (b + 3) % 6)
        if j + 6 < _NCHUNK:
            _add_chunk(j + 6)
        if j + 3 < _NCHUNK:
            _start_gather(j + 3, (b + 3) % 6)
    for j in range(_NCHUNK - 3, _NCHUNK):
        _wait_write(j, j % 6)


def kernel(x, table):
    x_fmajor = x.astype(jnp.int32).T.reshape(_N)
    out = _emb_lookup(x_fmajor, table)
    return out.transpose(1, 0, 2)

# --- scband reference (transcript-rebuilt; emitter-appended) ---
"""Pipeline reference for scband-features-embedding-40991167873615 (READ-ONLY COPY).

The authoritative reference and input builder live on the scoring server;
editing this copy changes nothing except your own understanding.
"""

import jax, jax.numpy as jnp
import numpy as np

FIELD_DIMS = [1000] * 26
EMBED_DIM = 128
NUM_EMBEDDINGS = int(sum(FIELD_DIMS))
OFFSETS = np.array((0, *np.cumsum(FIELD_DIMS)[:-1]), dtype=np.int64)
BATCH = 16384


def setup_inputs(seed: int = 0) -> dict:
    key = jax.random.key(seed)
    k1, k2 = jax.random.split(key)
    x = jax.random.randint(k1, (BATCH, len(FIELD_DIMS)), 0, 1000)
    # xavier_uniform init for embedding table [sum(field_dims), embed_dim]
    bound = float(np.sqrt(6.0 / (NUM_EMBEDDINGS + EMBED_DIM)))
    table = jax.random.uniform(k2, (NUM_EMBEDDINGS, EMBED_DIM), minval=-bound, maxval=bound, dtype=jnp.float32)
    return {"x": x, "table": table}


def reference(x, table):
    # Faithful core of FeaturesEmbedding.forward: shift per-field indices by
    # cumulative offsets into the shared table, then gather embeddings.
    offsets = jnp.asarray(OFFSETS, dtype=x.dtype)
    idx = x + offsets[None, :]
    return jnp.take(table, idx, axis=0)

if __name__ == "__main__":
    import jax
    _d = setup_inputs()
    print(jax.jit(kernel)(*tuple(_d.values())))

</pallas_src>

<mosaic_0001>
#map = affine_map<(d0, d1) -> (0)>
#map1 = affine_map<(d0, d1) -> (0, 0)>
#map2 = affine_map<(d0, d1) -> (0, 0, 0)>
module attributes {stable_mosaic.version = 14 : i64} {
  func.func @_emb_lookup(%arg0: i32, %arg1: i32, %arg2: memref<425984xi32, #tpu.memory_space<hbm>>, %arg3: memref<26000x128xf32, #tpu.memory_space<hbm>>, %arg4: memref<26x16384x128xf32, #tpu.memory_space<hbm>>, %arg5: memref<13312xi32, #tpu.memory_space<vmem>>, %arg6: memref<6x128x128xf32, #tpu.memory_space<vmem>>, %arg7: memref<!tpu.dma_semaphore, #tpu.memory_space<semaphore_mem>>, %arg8: memref<!tpu.dma_semaphore, #tpu.memory_space<semaphore_mem>>) attributes {dimension_semantics = [#tpu.dimension_semantics<core_parallel>, #tpu.dimension_semantics<subcore_parallel>], iteration_bounds = array<i64: 2, 16>, scalar_prefetch = 0 : i64, scratch_operands = 4 : i64, tpu.core_type = #tpu.core_type<sc_vector_subcore>, window_params = [{transform_indices = #map}, {transform_indices = #map1}, {transform_indices = #map2}]} {
    %mul3A = arith.constant 2 : i32
    %mul3A_0 = arith.muli %arg1, %mul3A : i32
    %add3A = arith.addi %mul3A_0, %arg0 : i32
    %mul3A_1 = arith.constant 13312 : i32
    %mul3A_2 = arith.muli %add3A, %mul3A_1 : i32
    "tpu.region"() ({
      %run_scoped3A = tpu.sem_alloc : memref<!tpu.dma_semaphore, #tpu.memory_space<semaphore_mem>>
      %dma_start3A_3438 = tpu.memref_slice %arg2[%mul3A_2] : memref<425984xi32, #tpu.memory_space<hbm>> -> memref<13312xi32, #tpu.memory_space<hbm>>
      %dma_start3A_3439 = tpu.memref_slice %arg2[%mul3A_2] : memref<425984xi32, #tpu.memory_space<hbm>> -> memref<13312xi32, #tpu.memory_space<hbm>>
      tpu.enqueue_dma source(%dma_start3A_3439 : memref<13312xi32, #tpu.memory_space<hbm>>) target(%arg5 : memref<13312xi32, #tpu.memory_space<vmem>>) target_semaphore(%run_scoped3A : memref<!tpu.dma_semaphore, #tpu.memory_space<semaphore_mem>>)
      %dma_wait3A_3440 = tpu.memref_slice %arg2[%mul3A_2] : memref<425984xi32, #tpu.memory_space<hbm>> -> memref<13312xi32, #tpu.memory_space<hbm>>
      %dma_wait3A_3441 = tpu.memref_slice %arg2[%mul3A_2] : memref<425984xi32, #tpu.memory_space<hbm>> -> memref<13312xi32, #tpu.memory_space<hbm>>
      tpu.wait_dma2 semaphore(%run_scoped3A : memref<!tpu.dma_semaphore, #tpu.memory_space<semaphore_mem>>) src(%dma_wait3A_3441 : memref<13312xi32, #tpu.memory_space<hbm>>) dst(%arg5 : memref<13312xi32, #tpu.memory_space<vmem>>)
      tpu.yield
    }) : () -> ()
    %add3A_3 = arith.constant 0 : i32
    %add3A_4 = arith.addi %mul3A_2, %add3A_3 : i32
    %jit3A = arith.constant 16384 : i32
    %div3A = arith.divsi %add3A_4, %jit3A : i32
    %sign3A = arith.constant 0 : i32
    %sign3A_5 = arith.cmpi sgt, %add3A_4, %sign3A : i32
    %sign3A_6 = arith.extui %sign3A_5 : i1 to i32
    %sign3A_7 = arith.constant 0 : i32
    %sign3A_8 = arith.cmpi slt, %add3A_4, %sign3A_7 : i32
    %sign3A_9 = arith.extui %sign3A_8 : i1 to i32
    %sign3A_10 = arith.subi %sign3A_6, %sign3A_9 : i32
    %sign3A_11 = arith.constant 0 : i32
    %sign3A_12 = arith.cmpi sgt, %jit3A, %sign3A_11 : i32
    %sign3A_13 = arith.extui %sign3A_12 : i1 to i32
    %sign3A_14 = arith.constant 0 : i32
    %sign3A_15 = arith.cmpi slt, %jit3A, %sign3A_14 : i32
    %sign3A_16 = arith.extui %sign3A_15 : i1 to i32
    %sign3A_17 = arith.subi %sign3A_13, %sign3A_16 : i32
    %ne3A = arith.cmpi ne, %sign3A_10, %sign3A_17 : i32
    %rem3A = arith.remsi %add3A_4, %jit3A : i32
    %ne3A_18 = arith.constant 0 : i32
    %ne3A_19 = arith.cmpi ne, %rem3A, %ne3A_18 : i32
    %and3A = arith.andi %ne3A, %ne3A_19 : i1
    %sub3A = arith.constant 1 : i32
    %sub3A_20 = arith.subi %div3A, %sub3A : i32
    %select_n3A = arith.select %and3A, %sub3A_20, %div3A : i32
    %mul3A_21 = arith.constant 1000 : i32
    %mul3A_22 = arith.muli %select_n3A, %mul3A_21 : i32
    %get3A = arith.constant 0 : index
    %get3A_23 = tpu.vector_load %arg5[%get3A] {strides = array<i32>} : memref<13312xi32, #tpu.memory_space<vmem>>, vector<16xi32>,
    %get3A_24 = vector.shape_cast %get3A_23 : vector<16xi32> to vector<16xi32>
    %add3A_25 = vector.broadcast %mul3A_22 : i32 to vector<16xi32>
    %add3A_26 = arith.addi %get3A_24, %add3A_25 : vector<16xi32>
    %swap3A = arith.constant 0 : index
    %swap3A_27 = tpu.vector_load %arg5[%swap3A] {strides = array<i32>} : memref<13312xi32, #tpu.memory_space<vmem>>, vector<16xi32>,
    %swap3A_28 = vector.shape_cast %swap3A_27 : vector<16xi32> to vector<16xi32>
    %swap3A_29 = vector.shape_cast %add3A_26 : vector<16xi32> to vector<16xi32>
    tpu.vector_store %arg5[%swap3A], %swap3A_29 {strides = array<i32>} : memref<13312xi32, #tpu.memory_space<vmem>>, vector<16xi32>,
    %get3A_30 = arith.constant 16 : index
    %get3A_31 = tpu.vector_load %arg5[%get3A_30] {strides = array<i32>} : memref<13312xi32, #tpu.memory_space<vmem>>, vector<16xi32>,
    %get3A_32 = vector.shape_cast %get3A_31 : vector<16xi32> to vector<16xi32>
    %add3A_33 = vector.broadcast %mul3A_22 : i32 to vector<16xi32>
    %add3A_34 = arith.addi %get3A_32, %add3A_33 : vector<16xi32>
    %swap3A_35 = arith.constant 16 : index
    %swap3A_36 = tpu.vector_load %arg5[%swap3A_35] {strides = array<i32>} : memref<13312xi32, #tpu.memory_space<vmem>>, vector<16xi32>,
    %swap3A_37 = vector.shape_cast %swap3A_36 : vector<16xi32> to vector<16xi32>
    %swap3A_38 = vector.shape_cast %add3A_34 : vector<16xi32> to vector<16xi32>
    tpu.vector_store %arg5[%swap3A_35], %swap3A_38 {strides = array<i32>} : memref<13312xi32, #tpu.memory_space<vmem>>, vector<16xi32>,
    %get3A_39 = arith.constant 32 : index
    %get3A_40 = tpu.vector_load %arg5[%get3A_39] {strides = array<i32>} : memref<13312xi32, #tpu.memory_space<vmem>>, vector<16xi32>,
    %get3A_41 = vector.shape_cast %get3A_40 : vector<16xi32> to vector<16xi32>
    %add3A_42 = vector.broadcast %mul3A_22 : i32 to vector<16xi32>
    %add3A_43 = arith.addi %get3A_41, %add3A_42 : vector<16xi32>
    %swap3A_44 = arith.constant 32 : index
    %swap3A_45 = tpu.vector_load %arg5[%swap3A_44] {strides = array<i32>} : memref<13312xi32, #tpu.memory_space<vmem>>, vector<16xi32>,
    %swap3A_46 = vector.shape_cast %swap3A_45 : vector<16xi32> to vector<16xi32>
    %swap3A_47 = vector.shape_cast %add3A_43 : vector<16xi32> to vector<16xi32>
    tpu.vector_store %arg5[%swap3A_44], %swap3A_47 {strides = array<i32>} : memref<13312xi32, #tpu.memory_space<vmem>>, vector<16xi32>,
    %get3A_48 = arith.constant 48 : index
    %get3A_49 = tpu.vector_load %arg5[%get3A_48] {strides = array<i32>} : memref<13312xi32, #tpu.memory_space<vmem>>, vector<16xi32>,
    %get3A_50 = vector.shape_cast %get3A_49 : vector<16xi32> to vector<16xi32>
    %add3A_51 = vector.broadcast %mul3A_22 : i32 to vector<16xi32>
    %add3A_52 = arith.addi %get3A_50, %add3A_51 : vector<16xi32>
    %swap3A_53 = arith.constant 48 : index
    %swap3A_54 = tpu.vector_load %arg5[%swap3A_53] {strides = array<i32>} : memref<13312xi32, #tpu.memory_space<vmem>>, vector<16xi32>,
    %swap3A_55 = vector.shape_cast %swap3A_54 : vector<16xi32> to vector<16xi32>
    %swap3A_56 = vector.shape_cast %add3A_52 : vector<16xi32> to vector<16xi32>
    tpu.vector_store %arg5[%swap3A_53], %swap3A_56 {strides = array<i32>} : memref<13312xi32, #tpu.memory_space<vmem>>, vector<16xi32>,
    %get3A_57 = arith.constant 64 : index
    %get3A_58 = tpu.vector_load %arg5[%get3A_57] {strides = array<i32>} : memref<13312xi32, #tpu.memory_space<vmem>>, vector<16xi32>,
    %get3A_59 = vector.shape_cast %get3A_58 : vector<16xi32> to vector<16xi32>
    %add3A_60 = vector.broadcast %mul3A_22 : i32 to vector<16xi32>
    %add3A_61 = arith.addi %get3A_59, %add3A_60 : vector<16xi32>
    %swap3A_62 = arith.constant 64 : index
    %swap3A_63 = tpu.vector_load %arg5[%swap3A_62] {strides = array<i32>} : memref<13312xi32, #tpu.memory_space<vmem>>, vector<16xi32>,
    %swap3A_64 = vector.shape_cast %swap3A_63 : vector<16xi32> to vector<16xi32>
    %swap3A_65 = vector.shape_cast %add3A_61 : vector<16xi32> to vector<16xi32>
    tpu.vector_store %arg5[%swap3A_62], %swap3A_65 {strides = array<i32>} : memref<13312xi32, #tpu.memory_space<vmem>>, vector<16xi32>,
    %get3A_66 = arith.constant 80 : index
    %get3A_67 = tpu.vector_load %arg5[%get3A_66] {strides = array<i32>} : memref<13312xi32, #tpu.memory_space<vmem>>, vector<16xi32>,
    %get3A_68 = vector.shape_cast %get3A_67 : vector<16xi32> to vector<16xi32>
    %add3A_69 = vector.broadcast %mul3A_22 : i32 to vector<16xi32>
    %add3A_70 = arith.addi %get3A_68, %add3A_69 : vector<16xi32>
    %swap3A_71 = arith.constant 80 : index
    %swap3A_72 = tpu.vector_load %arg5[%swap3A_71] {strides = array<i32>} : memref<13312xi32, #tpu.memory_space<vmem>>, vector<16xi32>,
    %swap3A_73 = vector.shape_cast %swap3A_72 : vector<16xi32> to vector<16xi32>
    %swap3A_74 = vector.shape_cast %add3A_70 : vector<16xi32> to vector<16xi32>
    tpu.vector_store %arg5[%swap3A_71], %swap3A_74 {strides = array<i32>} : memref<13312xi32, #tpu.memory_space<vmem>>, vector<16xi32>,
    %get3A_75 = arith.constant 96 : index
    %get3A_76 = tpu.vector_load %arg5[%get3A_75] {strides = array<i32>} : memref<13312xi32, #tpu.memory_space<vmem>>, vector<16xi32>,
    %get3A_77 = vector.shape_cast %get3A_76 : vector<16xi32> to vector<16xi32>
    %add3A_78 = vector.broadcast %mul3A_22 : i32 to vector<16xi32>
    %add3A_79 = arith.addi %get3A_77, %add3A_78 : vector<16xi32>
    %swap3A_80 = arith.constant 96 : index
    %swap3A_81 = tpu.vector_load %arg5[%swap3A_80] {strides = array<i32>} : memref<13312xi32, #tpu.memory_space<vmem>>, vector<16xi32>,
    %swap3A_82 = vector.shape_cast %swap3A_81 : vector<16xi32> to vector<16xi32>
    %swap3A_83 = vector.shape_cast %add3A_79 : vector<16xi32> to vector<16xi32>
    tpu.vector_store %arg5[%swap3A_80], %swap3A_83 {strides = array<i32>} : memref<13312xi32, #tpu.memory_space<vmem>>, vector<16xi32>,
    %get3A_84 = arith.constant 112 : index
    %get3A_85 = tpu.vector_load %arg5[%get3A_84] {strides = array<i32>} : memref<13312xi32, #tpu.memory_space<vmem>>, vector<16xi32>,
    %get3A_86 = vector.shape_cast %get3A_85 : vector<16xi32> to vector<16xi32>
    %add3A_87 = vector.broadcast %mul3A_22 : i32 to vector<16xi32>
    %add3A_88 = arith.addi %get3A_86, %add3A_87 : vector<16xi32>
    %swap3A_89 = arith.constant 112 : index
    %swap3A_90 = tpu.vector_load %arg5[%swap3A_89] {strides = array<i32>} : memref<13312xi32, #tpu.memory_space<vmem>>, vector<16xi32>,
    %swap3A_91 = vector.shape_cast %swap3A_90 : vector<16xi32> to vector<16xi32>
    %swap3A_92 = vector.shape_cast %add3A_88 : vector<16xi32> to vector<16xi32>
    tpu.vector_store %arg5[%swap3A_89], %swap3A_92 {strides = array<i32>} : memref<13312xi32, #tpu.memory_space<vmem>>, vector<16xi32>,
    %add3A_93 = arith.constant 128 : i32
    %add3A_94 = arith.addi %mul3A_2, %add3A_93 : i32
    %jit3A_95 = arith.constant 16384 : i32
    %div3A_96 = arith.divsi %add3A_94, %jit3A_95 : i32
    %sign3A_97 = arith.constant 0 : i32
    %sign3A_98 = arith.cmpi sgt, %add3A_94, %sign3A_97 : i32
    %sign3A_99 = arith.extui %sign3A_98 : i1 to i32
    %sign3A_100 = arith.constant 0 : i32
    %sign3A_101 = arith.cmpi slt, %add3A_94, %sign3A_100 : i32
    %sign3A_102 = arith.extui %sign3A_101 : i1 to i32
    %sign3A_103 = arith.subi %sign3A_99, %sign3A_102 : i32
    %sign3A_104 = arith.constant 0 : i32
    %sign3A_105 = arith.cmpi sgt, %jit3A_95, %sign3A_104 : i32
    %sign3A_106 = arith.extui %sign3A_105 : i1 to i32
    %sign3A_107 = arith.constant 0 : i32
    %sign3A_108 = arith.cmpi slt, %jit3A_95, %sign3A_107 : i32
    %sign3A_109 = arith.extui %sign3A_108 : i1 to i32
    %sign3A_110 = arith.subi %sign3A_106, %sign3A_109 : i32
    %ne3A_111 = arith.cmpi ne, %sign3A_103, %sign3A_110 : i32
    %rem3A_112 = arith.remsi %add3A_94, %jit3A_95 : i32
    %ne3A_113 = arith.constant 0 : i32
    %ne3A_114 = arith.cmpi ne, %rem3A_112, %ne3A_113 : i32
    %and3A_115 = arith.andi %ne3A_111, %ne3A_114 : i1
    %sub3A_116 = arith.constant 1 : i32
    %sub3A_117 = arith.subi %div3A_96, %sub3A_116 : i32
    %select_n3A_118 = arith.select %and3A_115, %sub3A_117, %div3A_96 : i32
    %mul3A_119 = arith.constant 1000 : i32
    %mul3A_120 = arith.muli %select_n3A_118, %mul3A_119 : i32
    %get3A_121 = arith.constant 128 : index
    %get3A_122 = tpu.vector_load %arg5[%get3A_121] {strides = array<i32>} : memref<13312xi32, #tpu.memory_space<vmem>>, vector<16xi32>,
    %get3A_123 = vector.shape_cast %get3A_122 : vector<16xi32> to vector<16xi32>
    %add3A_124 = vector.broadcast %mul3A_120 : i32 to vector<16xi32>
    %add3A_125 = arith.addi %get3A_123, %add3A_124 : vector<16xi32>
    %swap3A_126 = arith.constant 128 : index
    %swap3A_127 = tpu.vector_load %arg5[%swap3A_126] {strides = array<i32>} : memref<13312xi32, #tpu.memory_space<vmem>>, vector<16xi32>,
    %swap3A_128 = vector.shape_cast %swap3A_127 : vector<16xi32> to vector<16xi32>
    %swap3A_129 = vector.shape_cast %add3A_125 : vector<16xi32> to vector<16xi32>
    tpu.vector_store %arg5[%swap3A_126], %swap3A_129 {strides = array<i32>} : memref<13312xi32, #tpu.memory_space<vmem>>, vector<16xi32>,
    %get3A_130 = arith.constant 144 : index
    %get3A_131 = tpu.vector_load %arg5[%get3A_130] {strides = array<i32>} : memref<13312xi32, #tpu.memory_space<vmem>>, vector<16xi32>,
    %get3A_132 = vector.shape_cast %get3A_131 : vector<16xi32> to vector<16xi32>
    %add3A_133 = vector.broadcast %mul3A_120 : i32 to vector<16xi32>
    %add3A_134 = arith.addi %get3A_132, %add3A_133 : vector<16xi32>
    %swap3A_135 = arith.constant 144 : index
    %swap3A_136 = tpu.vector_load %arg5[%swap3A_135] {strides = array<i32>} : memref<13312xi32, #tpu.memory_space<vmem>>, vector<16xi32>,
    %swap3A_137 = vector.shape_cast %swap3A_136 : vector<16xi32> to vector<16xi32>
    %swap3A_138 = vector.shape_cast %add3A_134 : vector<16xi32> to vector<16xi32>
    tpu.vector_store %arg5[%swap3A_135], %swap3A_138 {strides = array<i32>} : memref<13312xi32, #tpu.memory_space<vmem>>, vector<16xi32>,
    %get3A_139 = arith.constant 160 : index
    %get3A_140 = tpu.vector_load %arg5[%get3A_139] {strides = array<i32>} : memref<13312xi32, #tpu.memory_space<vmem>>, vector<16xi32>,
    %get3A_141 = vector.shape_cast %get3A_140 : vector<16xi32> to vector<16xi32>
    %add3A_142 = vector.broadcast %mul3A_120 : i32 to vector<16xi32>
    %add3A_143 = arith.addi %get3A_141, %add3A_142 : vector<16xi32>
    %swap3A_144 = arith.constant 160 : index
    %swap3A_145 = tpu.vector_load %arg5[%swap3A_144] {strides = array<i32>} : memref<13312xi32, #tpu.memory_space<vmem>>, vector<16xi32>,
    %swap3A_146 = vector.shape_cast %swap3A_145 : vector<16xi32> to vector<16xi32>
    %swap3A_147 = vector.shape_cast %add3A_143 : vector<16xi32> to vector<16xi32>
    tpu.vector_store %arg5[%swap3A_144], %swap3A_147 {strides = array<i32>} : memref<13312xi32, #tpu.memory_space<vmem>>, vector<16xi32>,
    %get3A_148 = arith.constant 176 : index
    %get3A_149 = tpu.vector_load %arg5[%get3A_148] {strides = array<i32>} : memref<13312xi32, #tpu.memory_space<vmem>>, vector<16xi32>,
    %get3A_150 = vector.shape_cast %get3A_149 : vector<16xi32> to vector<16xi32>
    %add3A_151 = vector.broadcast %mul3A_120 : i32 to vector<16xi32>
    %add3A_152 = arith.addi %get3A_150, %add3A_151 : vector<16xi32>
    %swap3A_153 = arith.constant 176 : index
    %swap3A_154 = tpu.vector_load %arg5[%swap3A_153] {strides = array<i32>} : memref<13312xi32, #tpu.memory_space<vmem>>, vector<16xi32>,
    %swap3A_155 = vector.shape_cast %swap3A_154 : vector<16xi32> to vector<16xi32>
    %swap3A_156 = vector.shape_cast %add3A_152 : vector<16xi32> to vector<16xi32>
    tpu.vector_store %arg5[%swap3A_153], %swap3A_156 {strides = array<i32>} : memref<13312xi32, #tpu.memory_space<vmem>>, vector<16xi32>,
    %get3A_157 = arith.constant 192 : index
    %get3A_158 = tpu.vector_load %arg5[%get3A_157] {strides = array<i32>} : memref<13312xi32, #tpu.memory_space<vmem>>, vector<16xi32>,
    %get3A_159 = vector.shape_cast %get3A_158 : vector<16xi32> to vector<16xi32>
    %add3A_160 = vector.broadcast %mul3A_120 : i32 to vector<16xi32>
    %add3A_161 = arith.addi %get3A_159, %add3A_160 : vector<16xi32>
    %swap3A_162 = arith.constant 192 : index
    %swap3A_163 = tpu.vector_load %arg5[%swap3A_162] {strides = array<i32>} : memref<13312xi32, #tpu.memory_space<vmem>>, vector<16xi32>,
    %swap3A_164 = vector.shape_cast %swap3A_163 : vector<16xi32> to vector<16xi32>
    %swap3A_165 = vector.shape_cast %add3A_161 : vector<16xi32> to vector<16xi32>
    tpu.vector_store %arg5[%swap3A_162], %swap3A_165 {strides = array<i32>} : memref<13312xi32, #tpu.memory_space<vmem>>, vector<16xi32>,
    %get3A_166 = arith.constant 208 : index
    %get3A_167 = tpu.vector_load %arg5[%get3A_166] {strides = array<i32>} : memref<13312xi32, #tpu.memory_space<vmem>>, vector<16xi32>,
    %get3A_168 = vector.shape_cast %get3A_167 : vector<16xi32> to vector<16xi32>
    %add3A_169 = vector.broadcast %mul3A_120 : i32 to vector<16xi32>
    %add3A_170 = arith.addi %get3A_168, %add3A_169 : vector<16xi32>
    %swap3A_171 = arith.constant 208 : index
    %swap3A_172 = tpu.vector_load %arg5[%swap3A_171] {strides = array<i32>} : memref<13312xi32, #tpu.memory_space<vmem>>, vector<16xi32>,
    %swap3A_173 = vector.shape_cast %swap3A_172 : vector<16xi32> to vector<16xi32>
    %swap3A_174 = vector.shape_cast %add3A_170 : vector<16xi32> to vector<16xi32>
    tpu.vector_store %arg5[%swap3A_171], %swap3A_174 {strides = array<i32>} : memref<13312xi32, #tpu.memory_space<vmem>>, vector<16xi32>,
    %get3A_175 = arith.constant 224 : index
    %get3A_176 = tpu.vector_load %arg5[%get3A_175] {strides = array<i32>} : memref<13312xi32, #tpu.memory_space<vmem>>, vector<16xi32>,
    %get3A_177 = vector.shape_cast %get3A_176 : vector<16xi32> to vector<16xi32>
    %add3A_178 = vector.broadcast %mul3A_120 : i32 to vector<16xi32>
    %add3A_179 = arith.addi %get3A_177, %add3A_178 : vector<16xi32>
    %swap3A_180 = arith.constant 224 : index
    %swap3A_181 = tpu.vector_load %arg5[%swap3A_180] {strides = array<i32>} : memref<13312xi32, #tpu.memory_space<vmem>>, vector<16xi32>,
    %swap3A_182 = vector.shape_cast %swap3A_181 : vector<16xi32> to vector<16xi32>
    %swap3A_183 = vector.shape_cast %add3A_179 : vector<16xi32> to vector<16xi32>
    tpu.vector_store %arg5[%swap3A_180], %swap3A_183 {strides = array<i32>} : memref<13312xi32, #tpu.memory_space<vmem>>, vector<16xi32>,
    %get3A_184 = arith.constant 240 : index
    %get3A_185 = tpu.vector_load %arg5[%get3A_184] {strides = array<i32>} : memref<13312xi32, #tpu.memory_space<vmem>>, vector<16xi32>,
    %get3A_186 = vector.shape_cast %get3A_185 : vector<16xi32> to vector<16xi32>
    %add3A_187 = vector.broadcast %mul3A_120 : i32 to vector<16xi32>
    %add3A_188 = arith.addi %get3A_186, %add3A_187 : vector<16xi32>
    %swap3A_189 = arith.constant 240 : index
    %swap3A_190 = tpu.vector_load %arg5[%swap3A_189] {strides = array<i32>} : memref<13312xi32, #tpu.memory_space<vmem>>, vector<16xi32>,
    %swap3A_191 = vector.shape_cast %swap3A_190 : vector<16xi32> to vector<16xi32>
    %swap3A_192 = vector.shape_cast %add3A_188 : vector<16xi32> to vector<16xi32>
    tpu.vector_store %arg5[%swap3A_189], %swap3A_192 {strides = array<i32>} : memref<13312xi32, #tpu.memory_space<vmem>>, vector<16xi32>,
    %add3A_193 = arith.constant 256 : i32
    %add3A_194 = arith.addi %mul3A_2, %add3A_193 : i32
    %jit3A_195 = arith.constant 16384 : i32
    %div3A_196 = arith.divsi %add3A_194, %jit3A_195 : i32
    %sign3A_197 = arith.constant 0 : i32
    %sign3A_198 = arith.cmpi sgt, %add3A_194, %sign3A_197 : i32
    %sign3A_199 = arith.extui %sign3A_198 : i1 to i32
    %sign3A_200 = arith.constant 0 : i32
    %sign3A_201 = arith.cmpi slt, %add3A_194, %sign3A_200 : i32
    %sign3A_202 = arith.extui %sign3A_201 : i1 to i32
    %sign3A_203 = arith.subi %sign3A_199, %sign3A_202 : i32
    %sign3A_204 = arith.constant 0 : i32
    %sign3A_205 = arith.cmpi sgt, %jit3A_195, %sign3A_204 : i32
    %sign3A_206 = arith.extui %sign3A_205 : i1 to i32
    %sign3A_207 = arith.constant 0 : i32
    %sign3A_208 = arith.cmpi slt, %jit3A_195, %sign3A_207 : i32
    %sign3A_209 = arith.extui %sign3A_208 : i1 to i32
    %sign3A_210 = arith.subi %sign3A_206, %sign3A_209 : i32
    %ne3A_211 = arith.cmpi ne, %sign3A_203, %sign3A_210 : i32
    %rem3A_212 = arith.remsi %add3A_194, %jit3A_195 : i32
    %ne3A_213 = arith.constant 0 : i32
    %ne3A_214 = arith.cmpi ne, %rem3A_212, %ne3A_213 : i32
    %and3A_215 = arith.andi %ne3A_211, %ne3A_214 : i1
    %sub3A_216 = arith.constant 1 : i32
    %sub3A_217 = arith.subi %div3A_196, %sub3A_216 : i32
    %select_n3A_218 = arith.select %and3A_215, %sub3A_217, %div3A_196 : i32
    %mul3A_219 = arith.constant 1000 : i32
    %mul3A_220 = arith.muli %select_n3A_218, %mul3A_219 : i32
    %get3A_221 = arith.constant 256 : index
    %get3A_222 = tpu.vector_load %arg5[%get3A_221] {strides = array<i32>} : memref<13312xi32, #tpu.memory_space<vmem>>, vector<16xi32>,
    %get3A_223 = vector.shape_cast %get3A_222 : vector<16xi32> to vector<16xi32>
    %add3A_224 = vector.broadcast %mul3A_220 : i32 to vector<16xi32>
    %add3A_225 = arith.addi %get3A_223, %add3A_224 : vector<16xi32>
    %swap3A_226 = arith.constant 256 : index
    %swap3A_227 = tpu.vector_load %arg5[%swap3A_226] {strides = array<i32>} : memref<13312xi32, #tpu.memory_space<vmem>>, vector<16xi32>,
    %swap3A_228 = vector.shape_cast %swap3A_227 : vector<16xi32> to vector<16xi32>
    %swap3A_229 = vector.shape_cast %add3A_225 : vector<16xi32> to vector<16xi32>
    tpu.vector_store %arg5[%swap3A_226], %swap3A_229 {strides = array<i32>} : memref<13312xi32, #tpu.memory_space<vmem>>, vector<16xi32>,
    %get3A_230 = arith.constant 272 : index
    %get3A_231 = tpu.vector_load %arg5[%get3A_230] {strides = array<i32>} : memref<13312xi32, #tpu.memory_space<vmem>>, vector<16xi32>,
    %get3A_232 = vector.shape_cast %get3A_231 : vector<16xi32> to vector<16xi32>
    %add3A_233 = vector.broadcast %mul3A_220 : i32 to vector<16xi32>
    %add3A_234 = arith.addi %get3A_232, %add3A_233 : vector<16xi32>
    %swap3A_235 = arith.constant 272 : index
    %swap3A_236 = tpu.vector_load %arg5[%swap3A_235] {strides = array<i32>} : memref<13312xi32, #tpu.memory_space<vmem>>, vector<16xi32>,
    %swap3A_237 = vector.shape_cast %swap3A_236 : vector<16xi32> to vector<16xi32>
    %swap3A_238 = vector.shape_cast %add3A_234 : vector<16xi32> to vector<16xi32>
    tpu.vector_store %arg5[%swap3A_235], %swap3A_238 {strides = array<i32>} : memref<13312xi32, #tpu.memory_space<vmem>>, vector<16xi32>,
    %get3A_239 = arith.constant 288 : index
    %get3A_240 = tpu.vector_load %arg5[%get3A_239] {strides = array<i32>} : memref<13312xi32, #tpu.memory_space<vmem>>, vector<16xi32>,
    %get3A_241 = vector.shape_cast %get3A_240 : vector<16xi32> to vector<16xi32>
    %add3A_242 = vector.broadcast %mul3A_220 : i32 to vector<16xi32>
    %add3A_243 = arith.addi %get3A_241, %add3A_242 : vector<16xi32>
    %swap3A_244 = arith.constant 288 : index
    %swap3A_245 = tpu.vector_load %arg5[%swap3A_244] {strides = array<i32>} : memref<13312xi32, #tpu.memory_space<vmem>>, vector<16xi32>,
    %swap3A_246 = vector.shape_cast %swap3A_245 : vector<16xi32> to vector<16xi32>
    %swap3A_247 = vector.shape_cast %add3A_243 : vector<16xi32> to vector<16xi32>
    tpu.vector_store %arg5[%swap3A_244], %swap3A_247 {strides = array<i32>} : memref<13312xi32, #tpu.memory_space<vmem>>, vector<16xi32>,
    %get3A_248 = arith.constant 304 : index
    %get3A_249 = tpu.vector_load %arg5[%get3A_248] {strides = array<i32>} : memref<13312xi32, #tpu.memory_space<vmem>>, vector<16xi32>,
    %get3A_250 = vector.shape_cast %get3A_249 : vector<16xi32> to vector<16xi32>
    %add3A_251 = vector.broadcast %mul3A_220 : i32 to vector<16xi32>
    %add3A_252 = arith.addi %get3A_250, %add3A_251 : vector<16xi32>
    %swap3A_253 = arith.constant 304 : index
    %swap3A_254 = tpu.vector_load %arg5[%swap3A_253] {strides = array<i32>} : memref<13312xi32, #tpu.memory_space<vmem>>, vector<16xi32>,
    %swap3A_255 = vector.shape_cast %swap3A_254 : vector<16xi32> to vector<16xi32>
    %swap3A_256 = vector.shape_cast %add3A_252 : vector<16xi32> to vector<16xi32>
    tpu.vector_store %arg5[%swap3A_253], %swap3A_256 {strides = array<i32>} : memref<13312xi32, #tpu.memory_space<vmem>>, vector<16xi32>,
    %get3A_257 = arith.constant 320 : index
    %get3A_258 = tpu.vector_load %arg5[%get3A_257] {strides = array<i32>} : memref<13312xi32, #tpu.memory_space<vmem>>, vector<16xi32>,
    %get3A_259 = vector.shape_cast %get3A_258 : vector<16xi32> to vector<16xi32>
    %add3A_260 = vector.broadcast %mul3A_220 : i32 to vector<16xi32>
    %add3A_261 = arith.addi %get3A_259, %add3A_260 : vector<16xi32>
    %swap3A_262 = arith.constant 320 : index
    %swap3A_263 = tpu.vector_load %arg5[%swap3A_262] {strides = array<i32>} : memref<13312xi32, #tpu.memory_space<vmem>>, vector<16xi32>,
    %swap3A_264 = vector.shape_cast %swap3A_263 : vector<16xi32> to vector<16xi32>
    %swap3A_265 = vector.shape_cast %add3A_261 : vector<16xi32> to vector<16xi32>
    tpu.vector_store %arg5[%swap3A_262], %swap3A_265 {strides = array<i32>} : memref<13312xi32, #tpu.memory_space<vmem>>, vector<16xi32>,
    %get3A_266 = arith.constant 336 : index
    %get3A_267 = tpu.vector_load %arg5[%get3A_266] {strides = array<i32>} : memref<13312xi32, #tpu.memory_space<vmem>>, vector<16xi32>,
    %get3A_268 = vector.shape_cast %get3A_267 : vector<16xi32> to vector<16xi32>
    %add3A_269 = vector.broadcast %mul3A_220 : i32 to vector<16xi32>
    %add3A_270 = arith.addi %get3A_268, %add3A_269 : vector<16xi32>
    %swap3A_271 = arith.constant 336 : index
    %swap3A_272 = tpu.vector_load %arg5[%swap3A_271] {strides = array<i32>} : memref<13312xi32, #tpu.memory_space<vmem>>, vector<16xi32>,
    %swap3A_273 = vector.shape_cast %swap3A_272 : vector<16xi32> to vector<16xi32>
    %swap3A_274 = vector.shape_cast %add3A_270 : vector<16xi32> to vector<16xi32>
    tpu.vector_store %arg5[%swap3A_271], %swap3A_274 {strides = array<i32>} : memref<13312xi32, #tpu.memory_space<vmem>>, vector<16xi32>,
    %get3A_275 = arith.constant 352 : index
    %get3A_276 = tpu.vector_load %arg5[%get3A_275] {strides = array<i32>} : memref<13312xi32, #tpu.memory_space<vmem>>, vector<16xi32>,
    %get3A_277 = vector.shape_cast %get3A_276 : vector<16xi32> to vector<16xi32>
    %add3A_278 = vector.broadcast %mul3A_220 : i32 to vector<16xi32>
    %add3A_279 = arith.addi %get3A_277, %add3A_278 : vector<16xi32>
    %swap3A_280 = arith.constant 352 : index
    %swap3A_281 = tpu.vector_load %arg5[%swap3A_280] {strides = array<i32>} : memref<13312xi32, #tpu.memory_space<vmem>>, vector<16xi32>,
    %swap3A_282 = vector.shape_cast %swap3A_281 : vector<16xi32> to vector<16xi32>
    %swap3A_283 = vector.shape_cast %add3A_279 : vector<16xi32> to vector<16xi32>
    tpu.vector_store %arg5[%swap3A_280], %swap3A_283 {strides = array<i32>} : memref<13312xi32, #tpu.memory_space<vmem>>, vector<16xi32>,
    %get3A_284 = arith.constant 368 : index
    %get3A_285 = tpu.vector_load %arg5[%get3A_284] {strides = array<i32>} : memref<13312xi32, #tpu.memory_space<vmem>>, vector<16xi32>,
    %get3A_286 = vector.shape_cast %get3A_285 : vector<16xi32> to vector<16xi32>
    %add3A_287 = vector.broadcast %mul3A_220 : i32 to vector<16xi32>
    %add3A_288 = arith.addi %get3A_286, %add3A_287 : vector<16xi32>
    %swap3A_289 = arith.constant 368 : index
    %swap3A_290 = tpu.vector_load %arg5[%swap3A_289] {strides = array<i32>} : memref<13312xi32, #tpu.memory_space<vmem>>, vector<16xi32>,
    %swap3A_291 = vector.shape_cast %swap3A_290 : vector<16xi32> to vector<16xi32>
    %swap3A_292 = vector.shape_cast %add3A_288 : vector<16xi32> to vector<16xi32>
    tpu.vector_store %arg5[%swap3A_289], %swap3A_292 {strides = array<i32>} : memref<13312xi32, #tpu.memory_space<vmem>>, vector<16xi32>,
    %add3A_293 = arith.constant 384 : i32
    %add3A_294 = arith.addi %mul3A_2, %add3A_293 : i32
    %jit3A_295 = arith.constant 16384 : i32
    %div3A_296 = arith.divsi %add3A_294, %jit3A_295 : i32
    %sign3A_297 = arith.constant 0 : i32
    %sign3A_298 = arith.cmpi sgt, %add3A_294, %sign3A_297 : i32
    %sign3A_299 = arith.extui %sign3A_298 : i1 to i32
    %sign3A_300 = arith.constant 0 : i32
    %sign3A_301 = arith.cmpi slt, %add3A_294, %sign3A_300 : i32
    %sign3A_302 = arith.extui %sign3A_301 : i1 to i32
    %sign3A_303 = arith.subi %sign3A_299, %sign3A_302 : i32
    %sign3A_304 = arith.constant 0 : i32
    %sign3A_305 = arith.cmpi sgt, %jit3A_295, %sign3A_304 : i32
    %sign3A_306 = arith.extui %sign3A_305 : i1 to i32
    %sign3A_307 = arith.constant 0 : i32
    %sign3A_308 = arith.cmpi slt, %jit3A_295, %sign3A_307 : i32
    %sign3A_309 = arith.extui %sign3A_308 : i1 to i32
    %sign3A_310 = arith.subi %sign3A_306, %sign3A_309 : i32
    %ne3A_311 = arith.cmpi ne, %sign3A_303, %sign3A_310 : i32
    %rem3A_312 = arith.remsi %add3A_294, %jit3A_295 : i32
    %ne3A_313 = arith.constant 0 : i32
    %ne3A_314 = arith.cmpi ne, %rem3A_312, %ne3A_313 : i32
    %and3A_315 = arith.andi %ne3A_311, %ne3A_314 : i1
    %sub3A_316 = arith.constant 1 : i32
    %sub3A_317 = arith.subi %div3A_296, %sub3A_316 : i32
    %select_n3A_318 = arith.select %and3A_315, %sub3A_317, %div3A_296 : i32
    %mul3A_319 = arith.constant 1000 : i32
    %mul3A_320 = arith.muli %select_n3A_318, %mul3A_319 : i32
    %get3A_321 = arith.constant 384 : index
    %get3A_322 = tpu.vector_load %arg5[%get3A_321] {strides = array<i32>} : memref<13312xi32, #tpu.memory_space<vmem>>, vector<16xi32>,
    %get3A_323 = vector.shape_cast %get3A_322 : vector<16xi32> to vector<16xi32>
    %add3A_324 = vector.broadcast %mul3A_320 : i32 to vector<16xi32>
    %add3A_325 = arith.addi %get3A_323, %add3A_324 : vector<16xi32>
    %swap3A_326 = arith.constant 384 : index
    %swap3A_327 = tpu.vector_load %arg5[%swap3A_326] {strides = array<i32>} : memref<13312xi32, #tpu.memory_space<vmem>>, vector<16xi32>,
    %swap3A_328 = vector.shape_cast %swap3A_327 : vector<16xi32> to vector<16xi32>
    %swap3A_329 = vector.shape_cast %add3A_325 : vector<16xi32> to vector<16xi32>
    tpu.vector_store %arg5[%swap3A_326], %swap3A_329 {strides = array<i32>} : memref<13312xi32, #tpu.memory_space<vmem>>, vector<16xi32>,
    %get3A_330 = arith.constant 400 : index
    %get3A_331 = tpu.vector_load %arg5[%get3A_330] {strides = array<i32>} : memref<13312xi32, #tpu.memory_space<vmem>>, vector<16xi32>,
    %get3A_332 = vector.shape_cast %get3A_331 : vector<16xi32> to vector<16xi32>
    %add3A_333 = vector.broadcast %mul3A_320 : i32 to vector<16xi32>
    %add3A_334 = arith.addi %get3A_332, %add3A_333 : vector<16xi32>
    %swap3A_335 = arith.constant 400 : index
    %swap3A_336 = tpu.vector_load %arg5[%swap3A_335] {strides = array<i32>} : memref<13312xi32, #tpu.memory_space<vmem>>, vector<16xi32>,
    %swap3A_337 = vector.shape_cast %swap3A_336 : vector<16xi32> to vector<16xi32>
    %swap3A_338 = vector.shape_cast %add3A_334 : vector<16xi32> to vector<16xi32>
    tpu.vector_store %arg5[%swap3A_335], %swap3A_338 {strides = array<i32>} : memref<13312xi32, #tpu.memory_space<vmem>>, vector<16xi32>,
    %get3A_339 = arith.constant 416 : index
    %get3A_340 = tpu.vector_load %arg5[%get3A_339] {strides = array<i32>} : memref<13312xi32, #tpu.memory_space<vmem>>, vector<16xi32>,
    %get3A_341 = vector.shape_cast %get3A_340 : vector<16xi32> to vector<16xi32>
    %add3A_342 = vector.broadcast %mul3A_320 : i32 to vector<16xi32>
    %add3A_343 = arith.addi %get3A_341, %add3A_342 : vector<16xi32>
    %swap3A_344 = arith.constant 416 : index
    %swap3A_345 = tpu.vector_load %arg5[%swap3A_344] {strides = array<i32>} : memref<13312xi32, #tpu.memory_space<vmem>>, vector<16xi32>,
    %swap3A_346 = vector.shape_cast %swap3A_345 : vector<16xi32> to vector<16xi32>
    %swap3A_347 = vector.shape_cast %add3A_343 : vector<16xi32> to vector<16xi32>
    tpu.vector_store %arg5[%swap3A_344], %swap3A_347 {strides = array<i32>} : memref<13312xi32, #tpu.memory_space<vmem>>, vector<16xi32>,
    %get3A_348 = arith.constant 432 : index
    %get3A_349 = tpu.vector_load %arg5[%get3A_348] {strides = array<i32>} : memref<13312xi32, #tpu.memory_space<vmem>>, vector<16xi32>,
    %get3A_350 = vector.shape_cast %get3A_349 : vector<16xi32> to vector<16xi32>
    %add3A_351 = vector.broadcast %mul3A_320 : i32 to vector<16xi32>
    %add3A_352 = arith.addi %get3A_350, %add3A_351 : vector<16xi32>
    %swap3A_353 = arith.constant 432 : index
    %swap3A_354 = tpu.vector_load %arg5[%swap3A_353] {strides = array<i32>} : memref<13312xi32, #tpu.memory_space<vmem>>, vector<16xi32>,
    %swap3A_355 = vector.shape_cast %swap3A_354 : vector<16xi32> to vector<16xi32>
    %swap3A_356 = vector.shape_cast %add3A_352 : vector<16xi32> to vector<16xi32>
    tpu.vector_store %arg5[%swap3A_353], %swap3A_356 {strides = array<i32>} : memref<13312xi32, #tpu.memory_space<vmem>>, vector<16xi32>,
    %get3A_357 = arith.constant 448 : index
    %get3A_358 = tpu.vector_load %arg5[%get3A_357] {strides = array<i32>} : memref<13312xi32, #tpu.memory_space<vmem>>, vector<16xi32>,
    %get3A_359 = vector.shape_cast %get3A_358 : vector<16xi32> to vector<16xi32>
    %add3A_360 = vector.broadcast %mul3A_320 : i32 to vector<16xi32>
    %add3A_361 = arith.addi %get3A_359, %add3A_360 : vector<16xi32>
    %swap3A_362 = arith.constant 448 : index
    %swap3A_363 = tpu.vector_load %arg5[%swap3A_362] {strides = array<i32>} : memref<13312xi32, #tpu.memory_space<vmem>>, vector<16xi32>,
    %swap3A_364 = vector.shape_cast %swap3A_363 : vector<16xi32> to vector<16xi32>
    %swap3A_365 = vector.shape_cast %add3A_361 : vector<16xi32> to vector<16xi32>
    tpu.vector_store %arg5[%swap3A_362], %swap3A_365 {strides = array<i32>} : memref<13312xi32, #tpu.memory_space<vmem>>, vector<16xi32>,
    %get3A_366 = arith.constant 464 : index
    %get3A_367 = tpu.vector_load %arg5[%get3A_366] {strides = array<i32>} : memref<13312xi32, #tpu.memory_space<vmem>>, vector<16xi32>,
    %get3A_368 = vector.shape_cast %get3A_367 : vector<16xi32> to vector<16xi32>
    %add3A_369 = vector.broadcast %mul3A_320 : i32 to vector<16xi32>
    %add3A_370 = arith.addi %get3A_368, %add3A_369 : vector<16xi32>
    %swap3A_371 = arith.constant 464 : index
    %swap3A_372 = tpu.vector_load %arg5[%swap3A_371] {strides = array<i32>} : memref<13312xi32, #tpu.memory_space<vmem>>, vector<16xi32>,
    %swap3A_373 = vector.shape_cast %swap3A_372 : vector<16xi32> to vector<16xi32>
    %swap3A_374 = vector.shape_cast %add3A_370 : vector<16xi32> to vector<16xi32>
    tpu.vector_store %arg5[%swap3A_371], %swap3A_374 {strides = array<i32>} : memref<13312xi32, #tpu.memory_space<vmem>>, vector<16xi32>,
    %get3A_375 = arith.constant 480 : index
    %get3A_376 = tpu.vector_load %arg5[%get3A_375] {strides = array<i32>} : memref<13312xi32, #tpu.memory_space<vmem>>, vector<16xi32>,
    %get3A_377 = vector.shape_cast %get3A_376 : vector<16xi32> to vector<16xi32>
    %add3A_378 = vector.broadcast %mul3A_320 : i32 to vector<16xi32>
    %add3A_379 = arith.addi %get3A_377, %add3A_378 : vector<16xi32>
    %swap3A_380 = arith.constant 480 : index
    %swap3A_381 = tpu.vector_load %arg5[%swap3A_380] {strides = array<i32>} : memref<13312xi32, #tpu.memory_space<vmem>>, vector<16xi32>,
    %swap3A_382 = vector.shape_cast %swap3A_381 : vector<16xi32> to vector<16xi32>
    %swap3A_383 = vector.shape_cast %add3A_379 : vector<16xi32> to vector<16xi32>
    tpu.vector_store %arg5[%swap3A_380], %swap3A_383 {strides = array<i32>} : memref<13312xi32, #tpu.memory_space<vmem>>, vector<16xi32>,
    %get3A_384 = arith.constant 496 : index
    %get3A_385 = tpu.vector_load %arg5[%get3A_384] {strides = array<i32>} : memref<13312xi32, #tpu.memory_space<vmem>>, vector<16xi32>,
    %get3A_386 = vector.shape_cast %get3A_385 : vector<16xi32> to vector<16xi32>
    %add3A_387 = vector.broadcast %mul3A_320 : i32 to vector<16xi32>
    %add3A_388 = arith.addi %get3A_386, %add3A_387 : vector<16xi32>
    %swap3A_389 = arith.constant 496 : index
    %swap3A_390 = tpu.vector_load %arg5[%swap3A_389] {strides = array<i32>} : memref<13312xi32, #tpu.memory_space<vmem>>, vector<16xi32>,
    %swap3A_391 = vector.shape_cast %swap3A_390 : vector<16xi32> to vector<16xi32>
    %swap3A_392 = vector.shape_cast %add3A_388 : vector<16xi32> to vector<16xi32>
    tpu.vector_store %arg5[%swap3A_389], %swap3A_392 {strides = array<i32>} : memref<13312xi32, #tpu.memory_space<vmem>>, vector<16xi32>,
    %add3A_393 = arith.constant 512 : i32
    %add3A_394 = arith.addi %mul3A_2, %add3A_393 : i32
    %jit3A_395 = arith.constant 16384 : i32
    %div3A_396 = arith.divsi %add3A_394, %jit3A_395 : i32
    %sign3A_397 = arith.constant 0 : i32
    %sign3A_398 = arith.cmpi sgt, %add3A_394, %sign3A_397 : i32
    %sign3A_399 = arith.extui %sign3A_398 : i1 to i32
    %sign3A_400 = arith.constant 0 : i32
    %sign3A_401 = arith.cmpi slt, %add3A_394, %sign3A_400 : i32
    %sign3A_402 = arith.extui %sign3A_401 : i1 to i32
    %sign3A_403 = arith.subi %sign3A_399, %sign3A_402 : i32
    %sign3A_404 = arith.constant 0 : i32
    %sign3A_405 = arith.cmpi sgt, %jit3A_395, %sign3A_404 : i32
    %sign3A_406 = arith.extui %sign3A_405 : i1 to i32
    %sign3A_407 = arith.constant 0 : i32
    %sign3A_408 = arith.cmpi slt, %jit3A_395, %sign3A_407 : i32
    %sign3A_409 = arith.extui %sign3A_408 : i1 to i32
    %sign3A_410 = arith.subi %sign3A_406, %sign3A_409 : i32
    %ne3A_411 = arith.cmpi ne, %sign3A_403, %sign3A_410 : i32
    %rem3A_412 = arith.remsi %add3A_394, %jit3A_395 : i32
    %ne3A_413 = arith.constant 0 : i32
    %ne3A_414 = arith.cmpi ne, %rem3A_412, %ne3A_413 : i32
    %and3A_415 = arith.andi %ne3A_411, %ne3A_414 : i1
    %sub3A_416 = arith.constant 1 : i32
    %sub3A_417 = arith.subi %div3A_396, %sub3A_416 : i32
    %select_n3A_418 = arith.select %and3A_415, %sub3A_417, %div3A_396 : i32
    %mul3A_419 = arith.constant 1000 : i32
    %mul3A_420 = arith.muli %select_n3A_418, %mul3A_419 : i32
    %get3A_421 = arith.constant 512 : index
    %get3A_422 = tpu.vector_load %arg5[%get3A_421] {strides = array<i32>} : memref<13312xi32, #tpu.memory_space<vmem>>, vector<16xi32>,
    %get3A_423 = vector.shape_cast %get3A_422 : vector<16xi32> to vector<16xi32>
    %add3A_424 = vector.broadcast %mul3A_420 : i32 to vector<16xi32>
    %add3A_425 = arith.addi %get3A_423, %add3A_424 : vector<16xi32>
    %swap3A_426 = arith.constant 512 : index
    %swap3A_427 = tpu.vector_load %arg5[%swap3A_426] {strides = array<i32>} : memref<13312xi32, #tpu.memory_space<vmem>>, vector<16xi32>,
    %swap3A_428 = vector.shape_cast %swap3A_427 : vector<16xi32> to vector<16xi32>
    %swap3A_429 = vector.shape_cast %add3A_425 : vector<16xi32> to vector<16xi32>
    tpu.vector_store %arg5[%swap3A_426], %swap3A_429 {strides = array<i32>} : memref<13312xi32, #tpu.memory_space<vmem>>, vector<16xi32>,
    %get3A_430 = arith.constant 528 : index
    %get3A_431 = tpu.vector_load %arg5[%get3A_430] {strides = array<i32>} : memref<13312xi32, #tpu.memory_space<vmem>>, vector<16xi32>,
    %get3A_432 = vector.shape_cast %get3A_431 : vector<16xi32> to vector<16xi32>
    %add3A_433 = vector.broadcast %mul3A_420 : i32 to vector<16xi32>
    %add3A_434 = arith.addi %get3A_432, %add3A_433 : vector<16xi32>
    %swap3A_435 = arith.constant 528 : index
    %swap3A_436 = tpu.vector_load %arg5[%swap3A_435] {strides = array<i32>} : memref<13312xi32, #tpu.memory_space<vmem>>, vector<16xi32>,
    %swap3A_437 = vector.shape_cast %swap3A_436 : vector<16xi32> to vector<16xi32>
    %swap3A_438 = vector.shape_cast %add3A_434 : vector<16xi32> to vector<16xi32>
    tpu.vector_store %arg5[%swap3A_435], %swap3A_438 {strides = array<i32>} : memref<13312xi32, #tpu.memory_space<vmem>>, vector<16xi32>,
    %get3A_439 = arith.constant 544 : index
    %get3A_440 = tpu.vector_load %arg5[%get3A_439] {strides = array<i32>} : memref<13312xi32, #tpu.memory_space<vmem>>, vector<16xi32>,
    %get3A_441 = vector.shape_cast %get3A_440 : vector<16xi32> to vector<16xi32>
    %add3A_442 = vector.broadcast %mul3A_420 : i32 to vector<16xi32>
    %add3A_443 = arith.addi %get3A_441, %add3A_442 : vector<16xi32>
    %swap3A_444 = arith.constant 544 : index
    %swap3A_445 = tpu.vector_load %arg5[%swap3A_444] {strides = array<i32>} : memref<13312xi32, #tpu.memory_space<vmem>>, vector<16xi32>,
    %swap3A_446 = vector.shape_cast %swap3A_445 : vector<16xi32> to vector<16xi32>
    %swap3A_447 = vector.shape_cast %add3A_443 : vector<16xi32> to vector<16xi32>
    tpu.vector_store %arg5[%swap3A_444], %swap3A_447 {strides = array<i32>} : memref<13312xi32, #tpu.memory_space<vmem>>, vector<16xi32>,
    %get3A_448 = arith.constant 560 : index
    %get3A_449 = tpu.vector_load %arg5[%get3A_448] {strides = array<i32>} : memref<13312xi32, #tpu.memory_space<vmem>>, vector<16xi32>,
    %get3A_450 = vector.shape_cast %get3A_449 : vector<16xi32> to vector<16xi32>
    %add3A_451 = vector.broadcast %mul3A_420 : i32 to vector<16xi32>
    %add3A_452 = arith.addi %get3A_450, %add3A_451 : vector<16xi32>
    %swap3A_453 = arith.constant 560 : index
    %swap3A_454 = tpu.vector_load %arg5[%swap3A_453] {strides = array<i32>} : memref<13312xi32, #tpu.memory_space<vmem>>, vector<16xi32>,
    %swap3A_455 = vector.shape_cast %swap3A_454 : vector<16xi32> to vector<16xi32>
    %swap3A_456 = vector.shape_cast %add3A_452 : vector<16xi32> to vector<16xi32>
    tpu.vector_store %arg5[%swap3A_453], %swap3A_456 {strides = array<i32>} : memref<13312xi32, #tpu.memory_space<vmem>>, vector<16xi32>,
    %get3A_457 = arith.constant 576 : index
    %get3A_458 = tpu.vector_load %arg5[%get3A_457] {strides = array<i32>} : memref<13312xi32, #tpu.memory_space<vmem>>, vector<16xi32>,
    %get3A_459 = vector.shape_cast %get3A_458 : vector<16xi32> to vector<16xi32>
    %add3A_460 = vector.broadcast %mul3A_420 : i32 to vector<16xi32>
    %add3A_461 = arith.addi %get3A_459, %add3A_460 : vector<16xi32>
    %swap3A_462 = arith.constant 576 : index
    %swap3A_463 = tpu.vector_load %arg5[%swap3A_462] {strides = array<i32>} : memref<13312xi32, #tpu.memory_space<vmem>>, vector<16xi32>,
    %swap3A_464 = vector.shape_cast %swap3A_463 : vector<16xi32> to vector<16xi32>
    %swap3A_465 = vector.shape_cast %add3A_461 : vector<16xi32> to vector<16xi32>
    tpu.vector_store %arg5[%swap3A_462], %swap3A_465 {strides = array<i32>} : memref<13312xi32, #tpu.memory_space<vmem>>, vector<16xi32>,
    %get3A_466 = arith.constant 592 : index
    %get3A_467 = tpu.vector_load %arg5[%get3A_466] {strides = array<i32>} : memref<13312xi32, #tpu.memory_space<vmem>>, vector<16xi32>,
    %get3A_468 = vector.shape_cast %get3A_467 : vector<16xi32> to vector<16xi32>
    %add3A_469 = vector.broadcast %mul3A_420 : i32 to vector<16xi32>
    %add3A_470 = arith.addi %get3A_468, %add3A_469 : vector<16xi32>
    %swap3A_471 = arith.constant 592 : index
    %swap3A_472 = tpu.vector_load %arg5[%swap3A_471] {strides = array<i32>} : memref<13312xi32, #tpu.memory_space<vmem>>, vector<16xi32>,
    %swap3A_473 = vector.shape_cast %swap3A_472 : vector<16xi32> to vector<16xi32>
    %swap3A_474 = vector.shape_cast %add3A_470 : vector<16xi32> to vector<16xi32>
    tpu.vector_store %arg5[%swap3A_471], %swap3A_474 {strides = array<i32>} : memref<13312xi32, #tpu.memory_space<vmem>>, vector<16xi32>,
    %get3A_475 = arith.constant 608 : index
    %get3A_476 = tpu.vector_load %arg5[%get3A_475] {strides = array<i32>} : memref<13312xi32, #tpu.memory_space<vmem>>, vector<16xi32>,
    %get3A_477 = vector.shape_cast %get3A_476 : vector<16xi32> to vector<16xi32>
    %add3A_478 = vector.broadcast %mul3A_420 : i32 to vector<16xi32>
    %add3A_479 = arith.addi %get3A_477, %add3A_478 : vector<16xi32>
    %swap3A_480 = arith.constant 608 : index
    %swap3A_481 = tpu.vector_load %arg5[%swap3A_480] {strides = array<i32>} : memref<13312xi32, #tpu.memory_space<vmem>>, vector<16xi32>,
    %swap3A_482 = vector.shape_cast %swap3A_481 : vector<16xi32> to vector<16xi32>
    %swap3A_483 = vector.shape_cast %add3A_479 : vector<16xi32> to vector<16xi32>
    tpu.vector_store %arg5[%swap3A_480], %swap3A_483 {strides = array<i32>} : memref<13312xi32, #tpu.memory_space<vmem>>, vector<16xi32>,
    %get3A_484 = arith.constant 624 : index
    %get3A_485 = tpu.vector_load %arg5[%get3A_484] {strides = array<i32>} : memref<13312xi32, #tpu.memory_space<vmem>>, vector<16xi32>,
    %get3A_486 = vector.shape_cast %get3A_485 : vector<16xi32> to vector<16xi32>
    %add3A_487 = vector.broadcast %mul3A_420 : i32 to vector<16xi32>
    %add3A_488 = arith.addi %get3A_486, %add3A_487 : vector<16xi32>
    %swap3A_489 = arith.constant 624 : index
    %swap3A_490 = tpu.vector_load %arg5[%swap3A_489] {strides = array<i32>} : memref<13312xi32, #tpu.memory_space<vmem>>, vector<16xi32>,
    %swap3A_491 = vector.shape_cast %swap3A_490 : vector<16xi32> to vector<16xi32>
    %swap3A_492 = vector.shape_cast %add3A_488 : vector<16xi32> to vector<16xi32>
    tpu.vector_store %arg5[%swap3A_489], %swap3A_492 {strides = array<i32>} : memref<13312xi32, #tpu.memory_space<vmem>>, vector<16xi32>,
    %add3A_493 = arith.constant 640 : i32
    %add3A_494 = arith.addi %mul3A_2, %add3A_493 : i32
    %jit3A_495 = arith.constant 16384 : i32
    %div3A_496 = arith.divsi %add3A_494, %jit3A_495 : i32
    %sign3A_497 = arith.constant 0 : i32
    %sign3A_498 = arith.cmpi sgt, %add3A_494, %sign3A_497 : i32
    %sign3A_499 = arith.extui %sign3A_498 : i1 to i32
    %sign3A_500 = arith.constant 0 : i32
    %sign3A_501 = arith.cmpi slt, %add3A_494, %sign3A_500 : i32
    %sign3A_502 = arith.extui %sign3A_501 : i1 to i32
    %sign3A_503 = arith.subi %sign3A_499, %sign3A_502 : i32
    %sign3A_504 = arith.constant 0 : i32
    %sign3A_505 = arith.cmpi sgt, %jit3A_495, %sign3A_504 : i32
    %sign3A_506 = arith.extui %sign3A_505 : i1 to i32
    %sign3A_507 = arith.constant 0 : i32
    %sign3A_508 = arith.cmpi slt, %jit3A_495, %sign3A_507 : i32
    %sign3A_509 = arith.extui %sign3A_508 : i1 to i32
    %sign3A_510 = arith.subi %sign3A_506, %sign3A_509 : i32
    %ne3A_511 = arith.cmpi ne, %sign3A_503, %sign3A_510 : i32
    %rem3A_512 = arith.remsi %add3A_494, %jit3A_495 : i32
    %ne3A_513 = arith.constant 0 : i32
    %ne3A_514 = arith.cmpi ne, %rem3A_512, %ne3A_513 : i32
    %and3A_515 = arith.andi %ne3A_511, %ne3A_514 : i1
    %sub3A_516 = arith.constant 1 : i32
    %sub3A_517 = arith.subi %div3A_496, %sub3A_516 : i32
    %select_n3A_518 = arith.select %and3A_515, %sub3A_517, %div3A_496 : i32
    %mul3A_519 = arith.constant 1000 : i32
    %mul3A_520 = arith.muli %select_n3A_518, %mul3A_519 : i32
    %get3A_521 = arith.constant 640 : index
    %get3A_522 = tpu.vector_load %arg5[%get3A_521] {strides = array<i32>} : memref<13312xi32, #tpu.memory_space<vmem>>, vector<16xi32>,
    %get3A_523 = vector.shape_cast %get3A_522 : vector<16xi32> to vector<16xi32>
    %add3A_524 = vector.broadcast %mul3A_520 : i32 to vector<16xi32>
    %add3A_525 = arith.addi %get3A_523, %add3A_524 : vector<16xi32>
    %swap3A_526 = arith.constant 640 : index
    %swap3A_527 = tpu.vector_load %arg5[%swap3A_526] {strides = array<i32>} : memref<13312xi32, #tpu.memory_space<vmem>>, vector<16xi32>,
    %swap3A_528 = vector.shape_cast %swap3A_527 : vector<16xi32> to vector<16xi32>
    %swap3A_529 = vector.shape_cast %add3A_525 : vector<16xi32> to vector<16xi32>
    tpu.vector_store %arg5[%swap3A_526], %swap3A_529 {strides = array<i32>} : memref<13312xi32, #tpu.memory_space<vmem>>, vector<16xi32>,
    %get3A_530 = arith.constant 656 : index
    %get3A_531 = tpu.vector_load %arg5[%get3A_530] {strides = array<i32>} : memref<13312xi32, #tpu.memory_space<vmem>>, vector<16xi32>,
    %get3A_532 = vector.shape_cast %get3A_531 : vector<16xi32> to vector<16xi32>
    %add3A_533 = vector.broadcast %mul3A_520 : i32 to vector<16xi32>
    %add3A_534 = arith.addi %get3A_532, %add3A_533 : vector<16xi32>
    %swap3A_535 = arith.constant 656 : index
    %swap3A_536 = tpu.vector_load %arg5[%swap3A_535] {strides = array<i32>} : memref<13312xi32, #tpu.memory_space<vmem>>, vector<16xi32>,
    %swap3A_537 = vector.shape_cast %swap3A_536 : vector<16xi32> to vector<16xi32>
    %swap3A_538 = vector.shape_cast %add3A_534 : vector<16xi32> to vector<16xi32>
    tpu.vector_store %arg5[%swap3A_535], %swap3A_538 {strides = array<i32>} : memref<13312xi32, #tpu.memory_space<vmem>>, vector<16xi32>,
    %get3A_539 = arith.constant 672 : index
    %get3A_540 = tpu.vector_load %arg5[%get3A_539] {strides = array<i32>} : memref<13312xi32, #tpu.memory_space<vmem>>, vector<16xi32>,
    %get3A_541 = vector.shape_cast %get3A_540 : vector<16xi32> to vector<16xi32>
    %add3A_542 = vector.broadcast %mul3A_520 : i32 to vector<16xi32>
    %add3A_543 = arith.addi %get3A_541, %add3A_542 : vector<16xi32>
    %swap3A_544 = arith.constant 672 : index
    %swap3A_545 = tpu.vector_load %arg5[%swap3A_544] {strides = array<i32>} : memref<13312xi32, #tpu.memory_space<vmem>>, vector<16xi32>,
    %swap3A_546 = vector.shape_cast %swap3A_545 : vector<16xi32> to vector<16xi32>
    %swap3A_547 = vector.shape_cast %add3A_543 : vector<16xi32> to vector<16xi32>
    tpu.vector_store %arg5[%swap3A_544], %swap3A_547 {strides = array<i32>} : memref<13312xi32, #tpu.memory_space<vmem>>, vector<16xi32>,
    %get3A_548 = arith.constant 688 : index
    %get3A_549 = tpu.vector_load %arg5[%get3A_548] {strides = array<i32>} : memref<13312xi32, #tpu.memory_space<vmem>>, vector<16xi32>,
    %get3A_550 = vector.shape_cast %get3A_549 : vector<16xi32> to vector<16xi32>
    %add3A_551 = vector.broadcast %mul3A_520 : i32 to vector<16xi32>
    %add3A_552 = arith.addi %get3A_550, %add3A_551 : vector<16xi32>
    %swap3A_553 = arith.constant 688 : index
    %swap3A_554 = tpu.vector_load %arg5[%swap3A_553] {strides = array<i32>} : memref<13312xi32, #tpu.memory_space<vmem>>, vector<16xi32>,
    %swap3A_555 = vector.shape_cast %swap3A_554 : vector<16xi32> to vector<16xi32>
    %swap3A_556 = vector.shape_cast %add3A_552 : vector<16xi32> to vector<16xi32>
    tpu.vector_store %arg5[%swap3A_553], %swap3A_556 {strides = array<i32>} : memref<13312xi32, #tpu.memory_space<vmem>>, vector<16xi32>,
    %get3A_557 = arith.constant 704 : index
    %get3A_558 = tpu.vector_load %arg5[%get3A_557] {strides = array<i32>} : memref<13312xi32, #tpu.memory_space<vmem>>, vector<16xi32>,
    %get3A_559 = vector.shape_cast %get3A_558 : vector<16xi32> to vector<16xi32>
    %add3A_560 = vector.broadcast %mul3A_520 : i32 to vector<16xi32>
    %add3A_561 = arith.addi %get3A_559, %add3A_560 : vector<16xi32>
    %swap3A_562 = arith.constant 704 : index
    %swap3A_563 = tpu.vector_load %arg5[%swap3A_562] {strides = array<i32>} : memref<13312xi32, #tpu.memory_space<vmem>>, vector<16xi32>,
    %swap3A_564 = vector.shape_cast %swap3A_563 : vector<16xi32> to vector<16xi32>
    %swap3A_565 = vector.shape_cast %add3A_561 : vector<16xi32> to vector<16xi32>
    tpu.vector_store %arg5[%swap3A_562], %swap3A_565 {strides = array<i32>} : memref<13312xi32, #tpu.memory_space<vmem>>, vector<16xi32>,
    %get3A_566 = arith.constant 720 : index
    %get3A_567 = tpu.vector_load %arg5[%get3A_566] {strides = array<i32>} : memref<13312xi32, #tpu.memory_space<vmem>>, vector<16xi32>,
    %get3A_568 = vector.shape_cast %get3A_567 : vector<16xi32> to vector<16xi32>
    %add3A_569 = vector.broadcast %mul3A_520 : i32 to vector<16xi32>
    %add3A_570 = arith.addi %get3A_568, %add3A_569 : vector<16xi32>
    %swap3A_571 = arith.constant 720 : index
    %swap3A_572 = tpu.vector_load %arg5[%swap3A_571] {strides = array<i32>} : memref<13312xi32, #tpu.memory_space<vmem>>, vector<16xi32>,
    %swap3A_573 = vector.shape_cast %swap3A_572 : vector<16xi32> to vector<16xi32>
    %swap3A_574 = vector.shape_cast %add3A_570 : vector<16xi32> to vector<16xi32>
    tpu.vector_store %arg5[%swap3A_571], %swap3A_574 {strides = array<i32>} : memref<13312xi32, #tpu.memory_space<vmem>>, vector<16xi32>,
    %get3A_575 = arith.constant 736 : index
    %get3A_576 = tpu.vector_load %arg5[%get3A_575] {strides = array<i32>} : memref<13312xi32, #tpu.memory_space<vmem>>, vector<16xi32>,
    %get3A_577 = vector.shape_cast %get3A_576 : vector<16xi32> to vector<16xi32>
    %add3A_578 = vector.broadcast %mul3A_520 : i32 to vector<16xi32>
    %add3A_579 = arith.addi %get3A_577, %add3A_578 : vector<16xi32>
    %swap3A_580 = arith.constant 736 : index
    %swap3A_581 = tpu.vector_load %arg5[%swap3A_580] {strides = array<i32>} : memref<13312xi32, #tpu.memory_space<vmem>>, vector<16xi32>,
    %swap3A_582 = vector.shape_cast %swap3A_581 : vector<16xi32> to vector<16xi32>
    %swap3A_583 = vector.shape_cast %add3A_579 : vector<16xi32> to vector<16xi32>
    tpu.vector_store %arg5[%swap3A_580], %swap3A_583 {strides = array<i32>} : memref<13312xi32, #tpu.memory_space<vmem>>, vector<16xi32>,
    %get3A_584 = arith.constant 752 : index
    %get3A_585 = tpu.vector_load %arg5[%get3A_584] {strides = array<i32>} : memref<13312xi32, #tpu.memory_space<vmem>>, vector<16xi32>,
    %get3A_586 = vector.shape_cast %get3A_585 : vector<16xi32> to vector<16xi32>
    %add3A_587 = vector.broadcast %mul3A_520 : i32 to vector<16xi32>
    %add3A_588 = arith.addi %get3A_586, %add3A_587 : vector<16xi32>
    %swap3A_589 = arith.constant 752 : index
    %swap3A_590 = tpu.vector_load %arg5[%swap3A_589] {strides = array<i32>} : memref<13312xi32, #tpu.memory_space<vmem>>, vector<16xi32>,
    %swap3A_591 = vector.shape_cast %swap3A_590 : vector<16xi32> to vector<16xi32>
    %swap3A_592 = vector.shape_cast %add3A_588 : vector<16xi32> to vector<16xi32>
    tpu.vector_store %arg5[%swap3A_589], %swap3A_592 {strides = array<i32>} : memref<13312xi32, #tpu.memory_space<vmem>>, vector<16xi32>,
    %dma_start3A = arith.constant 0 : i32
    %dma_start3A_593 = arith.constant 0 : i32
    %dma_start3A_594 = arith.constant 0 : i32
    %dma_start3A_595 = tpu.memref_slice %arg6[%dma_start3A, %dma_start3A_593, %dma_start3A_594] : memref<6x128x128xf32, #tpu.memory_space<vmem>> -> memref<1x128x128xf32, #tpu.memory_space<vmem>>
    %dma_start3A_596 = tpu.memref_squeeze %dma_start3A_595 : memref<1x128x128xf32, #tpu.memory_space<vmem>> -> memref<128x128xf32, #tpu.memory_space<vmem>>
    %dma_start3A_597 = arith.constant 0 : i32
    %dma_start3A_598 = tpu.memref_slice %arg5[%dma_start3A_597] : memref<13312xi32, #tpu.memory_space<vmem>> -> memref<128xi32, #tpu.memory_space<vmem>>
    %dma_start3A_599 = arith.constant 0 : i32
    %dma_start3A_600 = arith.constant 0 : i32
    %dma_start3A_601 = tpu.memref_slice %arg3[%dma_start3A_599, %dma_start3A_600] : memref<26000x128xf32, #tpu.memory_space<hbm>> -> memref<26000x128xf32, #tpu.memory_space<hbm>>
    tpu.enqueue_indirect_dma source(%dma_start3A_601 : memref<26000x128xf32, #tpu.memory_space<hbm>>) target(%dma_start3A_596 : memref<128x128xf32, #tpu.memory_space<vmem>>) offsets(%dma_start3A_598 : memref<128xi32, #tpu.memory_space<vmem>>) semaphore(%arg7 : memref<!tpu.dma_semaphore, #tpu.memory_space<semaphore_mem>>)
    %dma_start3A_602 = arith.constant 1 : i32
    %dma_start3A_603 = arith.constant 0 : i32
    %dma_start3A_604 = arith.constant 0 : i32
    %dma_start3A_605 = tpu.memref_slice %arg6[%dma_start3A_602, %dma_start3A_603, %dma_start3A_604] : memref<6x128x128xf32, #tpu.memory_space<vmem>> -> memref<1x128x128xf32, #tpu.memory_space<vmem>>
    %dma_start3A_606 = tpu.memref_squeeze %dma_start3A_605 : memref<1x128x128xf32, #tpu.memory_space<vmem>> -> memref<128x128xf32, #tpu.memory_space<vmem>>
    %dma_start3A_607 = arith.constant 128 : i32
    %dma_start3A_608 = tpu.memref_slice %arg5[%dma_start3A_607] : memref<13312xi32, #tpu.memory_space<vmem>> -> memref<128xi32, #tpu.memory_space<vmem>>
    %dma_start3A_609 = arith.constant 0 : i32
    %dma_start3A_610 = arith.constant 0 : i32
    %dma_start3A_611 = tpu.memref_slice %arg3[%dma_start3A_609, %dma_start3A_610] : memref<26000x128xf32, #tpu.memory_space<hbm>> -> memref<26000x128xf32, #tpu.memory_space<hbm>>
    tpu.enqueue_indirect_dma source(%dma_start3A_611 : memref<26000x128xf32, #tpu.memory_space<hbm>>) target(%dma_start3A_606 : memref<128x128xf32, #tpu.memory_space<vmem>>) offsets(%dma_start3A_608 : memref<128xi32, #tpu.memory_space<vmem>>) semaphore(%arg7 : memref<!tpu.dma_semaphore, #tpu.memory_space<semaphore_mem>>)
    %dma_start3A_612 = arith.constant 2 : i32
    %dma_start3A_613 = arith.constant 0 : i32
    %dma_start3A_614 = arith.constant 0 : i32
    %dma_start3A_615 = tpu.memref_slice %arg6[%dma_start3A_612, %dma_start3A_613, %dma_start3A_614] : memref<6x128x128xf32, #tpu.memory_space<vmem>> -> memref<1x128x128xf32, #tpu.memory_space<vmem>>
    %dma_start3A_616 = tpu.memref_squeeze %dma_start3A_615 : memref<1x128x128xf32, #tpu.memory_space<vmem>> -> memref<128x128xf32, #tpu.memory_space<vmem>>
    %dma_start3A_617 = arith.constant 256 : i32
    %dma_start3A_618 = tpu.memref_slice %arg5[%dma_start3A_617] : memref<13312xi32, #tpu.memory_space<vmem>> -> memref<128xi32, #tpu.memory_space<vmem>>
    %dma_start3A_619 = arith.constant 0 : i32
    %dma_start3A_620 = arith.constant 0 : i32
    %dma_start3A_621 = tpu.memref_slice %arg3[%dma_start3A_619, %dma_start3A_620] : memref<26000x128xf32, #tpu.memory_space<hbm>> -> memref<26000x128xf32, #tpu.memory_space<hbm>>
    tpu.enqueue_indirect_dma source(%dma_start3A_621 : memref<26000x128xf32, #tpu.memory_space<hbm>>) target(%dma_start3A_616 : memref<128x128xf32, #tpu.memory_space<vmem>>) offsets(%dma_start3A_618 : memref<128xi32, #tpu.memory_space<vmem>>) semaphore(%arg7 : memref<!tpu.dma_semaphore, #tpu.memory_space<semaphore_mem>>)
    %dma_wait3A = arith.constant 0 : i32
    %dma_wait3A_622 = arith.constant 0 : i32
    %dma_wait3A_623 = arith.constant 0 : i32
    %dma_wait3A_624 = tpu.memref_slice %arg6[%dma_wait3A, %dma_wait3A_622, %dma_wait3A_623] : memref<6x128x128xf32, #tpu.memory_space<vmem>> -> memref<1x128x128xf32, #tpu.memory_space<vmem>>
    %dma_wait3A_625 = tpu.memref_squeeze %dma_wait3A_624 : memref<1x128x128xf32, #tpu.memory_space<vmem>> -> memref<128x128xf32, #tpu.memory_space<vmem>>
    %dma_wait3A_626 = arith.constant 0 : i32
    %dma_wait3A_627 = tpu.memref_slice %arg5[%dma_wait3A_626] : memref<13312xi32, #tpu.memory_space<vmem>> -> memref<128xi32, #tpu.memory_space<vmem>>
    %dma_wait3A_628 = arith.constant 0 : i32
    %dma_wait3A_629 = arith.constant 0 : i32
    %dma_wait3A_630 = tpu.memref_slice %arg3[%dma_wait3A_628, %dma_wait3A_629] : memref<26000x128xf32, #tpu.memory_space<hbm>> -> memref<26000x128xf32, #tpu.memory_space<hbm>>
    tpu.wait_indirect_dma semaphore(%arg7 : memref<!tpu.dma_semaphore, #tpu.memory_space<semaphore_mem>>) src(%dma_wait3A_630 : memref<26000x128xf32, #tpu.memory_space<hbm>>) dst(%dma_wait3A_625 : memref<128x128xf32, #tpu.memory_space<vmem>>)
    %add3A_631 = arith.constant 0 : i32
    %add3A_632 = arith.addi %mul3A_2, %add3A_631 : i32
    %jit3A_633 = arith.constant 16384 : i32
    %div3A_634 = arith.divsi %add3A_632, %jit3A_633 : i32
    %sign3A_635 = arith.constant 0 : i32
    %sign3A_636 = arith.cmpi sgt, %add3A_632, %sign3A_635 : i32
    %sign3A_637 = arith.extui %sign3A_636 : i1 to i32
    %sign3A_638 = arith.constant 0 : i32
    %sign3A_639 = arith.cmpi slt, %add3A_632, %sign3A_638 : i32
    %sign3A_640 = arith.extui %sign3A_639 : i1 to i32
    %sign3A_641 = arith.subi %sign3A_637, %sign3A_640 : i32
    %sign3A_642 = arith.constant 0 : i32
    %sign3A_643 = arith.cmpi sgt, %jit3A_633, %sign3A_642 : i32
    %sign3A_644 = arith.extui %sign3A_643 : i1 to i32
    %sign3A_645 = arith.constant 0 : i32
    %sign3A_646 = arith.cmpi slt, %jit3A_633, %sign3A_645 : i32
    %sign3A_647 = arith.extui %sign3A_646 : i1 to i32
    %sign3A_648 = arith.subi %sign3A_644, %sign3A_647 : i32
    %ne3A_649 = arith.cmpi ne, %sign3A_641, %sign3A_648 : i32
    %rem3A_650 = arith.remsi %add3A_632, %jit3A_633 : i32
    %ne3A_651 = arith.constant 0 : i32
    %ne3A_652 = arith.cmpi ne, %rem3A_650, %ne3A_651 : i32
    %and3A_653 = arith.andi %ne3A_649, %ne3A_652 : i1
    %sub3A_654 = arith.constant 1 : i32
    %sub3A_655 = arith.subi %div3A_634, %sub3A_654 : i32
    %select_n3A_656 = arith.select %and3A_653, %sub3A_655, %div3A_634 : i32
    %jit3A_657 = arith.constant 16384 : i32
    %eq3A = arith.constant 0 : i32
    %eq3A_658 = arith.cmpi eq, %jit3A_657, %eq3A : i32
    %jit3A_659 = arith.constant 1 : i32
    %select_n3A_660 = arith.select %eq3A_658, %jit3A_659, %jit3A_657 : i32
    %rem3A_661 = arith.remsi %add3A_632, %select_n3A_660 : i32
    %ne3A_662 = arith.constant 0 : i32
    %ne3A_663 = arith.cmpi ne, %rem3A_661, %ne3A_662 : i32
    %lt3A = arith.constant 0 : i32
    %lt3A_664 = arith.cmpi slt, %rem3A_661, %lt3A : i32
    %lt3A_665 = arith.constant 0 : i32
    %lt3A_666 = arith.cmpi slt, %select_n3A_660, %lt3A_665 : i32
    %ne3A_667 = arith.xori %lt3A_664, %lt3A_666 : i1
    %and3A_668 = arith.andi %ne3A_667, %ne3A_663 : i1
    %add3A_669 = arith.addi %rem3A_661, %select_n3A_660 : i32
    %select_n3A_670 = arith.select %and3A_668, %add3A_669, %rem3A_661 : i32
    %dma_start3A_671 = arith.constant 0 : i32
    %dma_start3A_672 = arith.constant 0 : i32
    %dma_start3A_673 = arith.constant 0 : i32
    %dma_start3A_674 = tpu.memref_slice %arg6[%dma_start3A_671, %dma_start3A_672, %dma_start3A_673] : memref<6x128x128xf32, #tpu.memory_space<vmem>> -> memref<1x128x128xf32, #tpu.memory_space<vmem>>
    %dma_start3A_675 = tpu.memref_squeeze %dma_start3A_674 : memref<1x128x128xf32, #tpu.memory_space<vmem>> -> memref<128x128xf32, #tpu.memory_space<vmem>>
    %dma_start3A_676 = arith.constant 0 : i32
    %dma_start3A_677 = arith.constant 0 : i32
    %dma_start3A_678 = tpu.memref_slice %arg4[%select_n3A_656, %dma_start3A_676, %dma_start3A_677] : memref<26x16384x128xf32, #tpu.memory_space<hbm>> -> memref<1x16384x128xf32, #tpu.memory_space<hbm>>
    %dma_start3A_679 = tpu.memref_squeeze %dma_start3A_678 : memref<1x16384x128xf32, #tpu.memory_space<hbm>> -> memref<16384x128xf32, #tpu.memory_space<hbm>>
    %dma_start3A_680 = arith.constant 0 : i32
    %dma_start3A_681 = tpu.memref_slice %dma_start3A_679[%select_n3A_670, %dma_start3A_680] : memref<16384x128xf32, #tpu.memory_space<hbm>> -> memref<128x128xf32, #tpu.memory_space<hbm>>
    %dma_start3A_682 = arith.constant 0 : i32
    %dma_start3A_683 = arith.constant 0 : i32
    %dma_start3A_684 = tpu.memref_slice %arg4[%select_n3A_656, %dma_start3A_682, %dma_start3A_683] : memref<26x16384x128xf32, #tpu.memory_space<hbm>> -> memref<1x16384x128xf32, #tpu.memory_space<hbm>>
    %dma_start3A_685 = tpu.memref_squeeze %dma_start3A_684 : memref<1x16384x128xf32, #tpu.memory_space<hbm>> -> memref<16384x128xf32, #tpu.memory_space<hbm>>
    %dma_start3A_686 = arith.constant 0 : i32
    %dma_start3A_687 = tpu.memref_slice %dma_start3A_685[%select_n3A_670, %dma_start3A_686] : memref<16384x128xf32, #tpu.memory_space<hbm>> -> memref<128x128xf32, #tpu.memory_space<hbm>>
    %dma_start3A_688 = arith.constant 0 : i32
    %dma_start3A_689 = arith.constant 0 : i32
    %dma_start3A_690 = tpu.memref_slice %arg6[%dma_start3A_671, %dma_start3A_688, %dma_start3A_689] : memref<6x128x128xf32, #tpu.memory_space<vmem>> -> memref<1x128x128xf32, #tpu.memory_space<vmem>>
    %dma_start3A_691 = tpu.memref_squeeze %dma_start3A_690 : memref<1x128x128xf32, #tpu.memory_space<vmem>> -> memref<128x128xf32, #tpu.memory_space<vmem>>
    tpu.enqueue_dma source(%dma_start3A_691 : memref<128x128xf32, #tpu.memory_space<vmem>>) target(%dma_start3A_687 : memref<128x128xf32, #tpu.memory_space<hbm>>) target_semaphore(%arg8 : memref<!tpu.dma_semaphore, #tpu.memory_space<semaphore_mem>>)
    %add3A_692 = arith.constant 768 : i32
    %add3A_693 = arith.addi %mul3A_2, %add3A_692 : i32
    %jit3A_694 = arith.constant 16384 : i32
    %div3A_695 = arith.divsi %add3A_693, %jit3A_694 : i32
    %sign3A_696 = arith.constant 0 : i32
    %sign3A_697 = arith.cmpi sgt, %add3A_693, %sign3A_696 : i32
    %sign3A_698 = arith.extui %sign3A_697 : i1 to i32
    %sign3A_699 = arith.constant 0 : i32
    %sign3A_700 = arith.cmpi slt, %add3A_693, %sign3A_699 : i32
    %sign3A_701 = arith.extui %sign3A_700 : i1 to i32
    %sign3A_702 = arith.subi %sign3A_698, %sign3A_701 : i32
    %sign3A_703 = arith.constant 0 : i32
    %sign3A_704 = arith.cmpi sgt, %jit3A_694, %sign3A_703 : i32
    %sign3A_705 = arith.extui %sign3A_704 : i1 to i32
    %sign3A_706 = arith.constant 0 : i32
    %sign3A_707 = arith.cmpi slt, %jit3A_694, %sign3A_706 : i32
    %sign3A_708 = arith.extui %sign3A_707 : i1 to i32
    %sign3A_709 = arith.subi %sign3A_705, %sign3A_708 : i32
    %ne3A_710 = arith.cmpi ne, %sign3A_702, %sign3A_709 : i32
    %rem3A_711 = arith.remsi %add3A_693, %jit3A_694 : i32
    %ne3A_712 = arith.constant 0 : i32
    %ne3A_713 = arith.cmpi ne, %rem3A_711, %ne3A_712 : i32
    %and3A_714 = arith.andi %ne3A_710, %ne3A_713 : i1
    %sub3A_715 = arith.constant 1 : i32
    %sub3A_716 = arith.subi %div3A_695, %sub3A_715 : i32
    %select_n3A_717 = arith.select %and3A_714, %sub3A_716, %div3A_695 : i32
    %mul3A_718 = arith.constant 1000 : i32
    %mul3A_719 = arith.muli %select_n3A_717, %mul3A_718 : i32
    %get3A_720 = arith.constant 768 : index
    %get3A_721 = tpu.vector_load %arg5[%get3A_720] {strides = array<i32>} : memref<13312xi32, #tpu.memory_space<vmem>>, vector<16xi32>,
    %get3A_722 = vector.shape_cast %get3A_721 : vector<16xi32> to vector<16xi32>
    %add3A_723 = vector.broadcast %mul3A_719 : i32 to vector<16xi32>
    %add3A_724 = arith.addi %get3A_722, %add3A_723 : vector<16xi32>
    %swap3A_725 = arith.constant 768 : index
    %swap3A_726 = tpu.vector_load %arg5[%swap3A_725] {strides = array<i32>} : memref<13312xi32, #tpu.memory_space<vmem>>, vector<16xi32>,
    %swap3A_727 = vector.shape_cast %swap3A_726 : vector<16xi32> to vector<16xi32>
    %swap3A_728 = vector.shape_cast %add3A_724 : vector<16xi32> to vector<16xi32>
    tpu.vector_store %arg5[%swap3A_725], %swap3A_728 {strides = array<i32>} : memref<13312xi32, #tpu.memory_space<vmem>>, vector<16xi32>,
    %get3A_729 = arith.constant 784 : index
    %get3A_730 = tpu.vector_load %arg5[%get3A_729] {strides = array<i32>} : memref<13312xi32, #tpu.memory_space<vmem>>, vector<16xi32>,
    %get3A_731 = vector.shape_cast %get3A_730 : vector<16xi32> to vector<16xi32>
    %add3A_732 = vector.broadcast %mul3A_719 : i32 to vector<16xi32>
    %add3A_733 = arith.addi %get3A_731, %add3A_732 : vector<16xi32>
    %swap3A_734 = arith.constant 784 : index
    %swap3A_735 = tpu.vector_load %arg5[%swap3A_734] {strides = array<i32>} : memref<13312xi32, #tpu.memory_space<vmem>>, vector<16xi32>,
    %swap3A_736 = vector.shape_cast %swap3A_735 : vector<16xi32> to vector<16xi32>
    %swap3A_737 = vector.shape_cast %add3A_733 : vector<16xi32> to vector<16xi32>
    tpu.vector_store %arg5[%swap3A_734], %swap3A_737 {strides = array<i32>} : memref<13312xi32, #tpu.memory_space<vmem>>, vector<16xi32>,
    %get3A_738 = arith.constant 800 : index
    %get3A_739 = tpu.vector_load %arg5[%get3A_738] {strides = array<i32>} : memref<13312xi32, #tpu.memory_space<vmem>>, vector<16xi32>,
    %get3A_740 = vector.shape_cast %get3A_739 : vector<16xi32> to vector<16xi32>
    %add3A_741 = vector.broadcast %mul3A_719 : i32 to vector<16xi32>
    %add3A_742 = arith.addi %get3A_740, %add3A_741 : vector<16xi32>
    %swap3A_743 = arith.constant 800 : index
    %swap3A_744 = tpu.vector_load %arg5[%swap3A_743] {strides = array<i32>} : memref<13312xi32, #tpu.memory_space<vmem>>, vector<16xi32>,
    %swap3A_745 = vector.shape_cast %swap3A_744 : vector<16xi32> to vector<16xi32>
    %swap3A_746 = vector.shape_cast %add3A_742 : vector<16xi32> to vector<16xi32>
    tpu.vector_store %arg5[%swap3A_743], %swap3A_746 {strides = array<i32>} : memref<13312xi32, #tpu.memory_space<vmem>>, vector<16xi32>,
    %get3A_747 = arith.constant 816 : index
    %get3A_748 = tpu.vector_load %arg5[%get3A_747] {strides = array<i32>} : memref<13312xi32, #tpu.memory_space<vmem>>, vector<16xi32>,
    %get3A_749 = vector.shape_cast %get3A_748 : vector<16xi32> to vector<16xi32>
    %add3A_750 = vector.broadcast %mul3A_719 : i32 to vector<16xi32>
    %add3A_751 = arith.addi %get3A_749, %add3A_750 : vector<16xi32>
    %swap3A_752 = arith.constant 816 : index
    %swap3A_753 = tpu.vector_load %arg5[%swap3A_752] {strides = array<i32>} : memref<13312xi32, #tpu.memory_space<vmem>>, vector<16xi32>,
    %swap3A_754 = vector.shape_cast %swap3A_753 : vector<16xi32> to vector<16xi32>
    %swap3A_755 = vector.shape_cast %add3A_751 : vector<16xi32> to vector<16xi32>
    tpu.vector_store %arg5[%swap3A_752], %swap3A_755 {strides = array<i32>} : memref<13312xi32, #tpu.memory_space<vmem>>, vector<16xi32>,
    %get3A_756 = arith.constant 832 : index
    %get3A_757 = tpu.vector_load %arg5[%get3A_756] {strides = array<i32>} : memref<13312xi32, #tpu.memory_space<vmem>>, vector<16xi32>,
    %get3A_758 = vector.shape_cast %get3A_757 : vector<16xi32> to vector<16xi32>
    %add3A_759 = vector.broadcast %mul3A_719 : i32 to vector<16xi32>
    %add3A_760 = arith.addi %get3A_758, %add3A_759 : vector<16xi32>
    %swap3A_761 = arith.constant 832 : index
    %swap3A_762 = tpu.vector_load %arg5[%swap3A_761] {strides = array<i32>} : memref<13312xi32, #tpu.memory_space<vmem>>, vector<16xi32>,
    %swap3A_763 = vector.shape_cast %swap3A_762 : vector<16xi32> to vector<16xi32>
    %swap3A_764 = vector.shape_cast %add3A_760 : vector<16xi32> to vector<16xi32>
    tpu.vector_store %arg5[%swap3A_761], %swap3A_764 {strides = array<i32>} : memref<13312xi32, #tpu.memory_space<vmem>>, vector<16xi32>,
    %get3A_765 = arith.constant 848 : index
    %get3A_766 = tpu.vector_load %arg5[%get3A_765] {strides = array<i32>} : memref<13312xi32, #tpu.memory_space<vmem>>, vector<16xi32>,
    %get3A_767 = vector.shape_cast %get3A_766 : vector<16xi32> to vector<16xi32>
    %add3A_768 = vector.broadcast %mul3A_719 : i32 to vector<16xi32>
    %add3A_769 = arith.addi %get3A_767, %add3A_768 : vector<16xi32>
    %swap3A_770 = arith.constant 848 : index
    %swap3A_771 = tpu.vector_load %arg5[%swap3A_770] {strides = array<i32>} : memref<13312xi32, #tpu.memory_space<vmem>>, vector<16xi32>,
    %swap3A_772 = vector.shape_cast %swap3A_771 : vector<16xi32> to vector<16xi32>
    %swap3A_773 = vector.shape_cast %add3A_769 : vector<16xi32> to vector<16xi32>
    tpu.vector_store %arg5[%swap3A_770], %swap3A_773 {strides = array<i32>} : memref<13312xi32, #tpu.memory_space<vmem>>, vector<16xi32>,
    %get3A_774 = arith.constant 864 : index
    %get3A_775 = tpu.vector_load %arg5[%get3A_774] {strides = array<i32>} : memref<13312xi32, #tpu.memory_space<vmem>>, vector<16xi32>,
    %get3A_776 = vector.shape_cast %get3A_775 : vector<16xi32> to vector<16xi32>
    %add3A_777 = vector.broadcast %mul3A_719 : i32 to vector<16xi32>
    %add3A_778 = arith.addi %get3A_776, %add3A_777 : vector<16xi32>
    %swap3A_779 = arith.constant 864 : index
    %swap3A_780 = tpu.vector_load %arg5[%swap3A_779] {strides = array<i32>} : memref<13312xi32, #tpu.memory_space<vmem>>, vector<16xi32>,
    %swap3A_781 = vector.shape_cast %swap3A_780 : vector<16xi32> to vector<16xi32>
    %swap3A_782 = vector.shape_cast %add3A_778 : vector<16xi32> to vector<16xi32>
    tpu.vector_store %arg5[%swap3A_779], %swap3A_782 {strides = array<i32>} : memref<13312xi32, #tpu.memory_space<vmem>>, vector<16xi32>,
    %get3A_783 = arith.constant 880 : index
    %get3A_784 = tpu.vector_load %arg5[%get3A_783] {strides = array<i32>} : memref<13312xi32, #tpu.memory_space<vmem>>, vector<16xi32>,
    %get3A_785 = vector.shape_cast %get3A_784 : vector<16xi32> to vector<16xi32>
    %add3A_786 = vector.broadcast %mul3A_719 : i32 to vector<16xi32>
    %add3A_787 = arith.addi %get3A_785, %add3A_786 : vector<16xi32>
    %swap3A_788 = arith.constant 880 : index
    %swap3A_789 = tpu.vector_load %arg5[%swap3A_788] {strides = array<i32>} : memref<13312xi32, #tpu.memory_space<vmem>>, vector<16xi32>,
    %swap3A_790 = vector.shape_cast %swap3A_789 : vector<16xi32> to vector<16xi32>
    %swap3A_791 = vector.shape_cast %add3A_787 : vector<16xi32> to vector<16xi32>
    tpu.vector_store %arg5[%swap3A_788], %swap3A_791 {strides = array<i32>} : memref<13312xi32, #tpu.memory_space<vmem>>, vector<16xi32>,
    %dma_start3A_792 = arith.constant 3 : i32
    %dma_start3A_793 = arith.constant 0 : i32
    %dma_start3A_794 = arith.constant 0 : i32
    %dma_start3A_795 = tpu.memref_slice %arg6[%dma_start3A_792, %dma_start3A_793, %dma_start3A_794] : memref<6x128x128xf32, #tpu.memory_space<vmem>> -> memref<1x128x128xf32, #tpu.memory_space<vmem>>
    %dma_start3A_796 = tpu.memref_squeeze %dma_start3A_795 : memref<1x128x128xf32, #tpu.memory_space<vmem>> -> memref<128x128xf32, #tpu.memory_space<vmem>>
    %dma_start3A_797 = arith.constant 384 : i32
    %dma_start3A_798 = tpu.memref_slice %arg5[%dma_start3A_797] : memref<13312xi32, #tpu.memory_space<vmem>> -> memref<128xi32, #tpu.memory_space<vmem>>
    %dma_start3A_799 = arith.constant 0 : i32
    %dma_start3A_800 = arith.constant 0 : i32
    %dma_start3A_801 = tpu.memref_slice %arg3[%dma_start3A_799, %dma_start3A_800] : memref<26000x128xf32, #tpu.memory_space<hbm>> -> memref<26000x128xf32, #tpu.memory_space<hbm>>
    tpu.enqueue_indirect_dma source(%dma_start3A_801 : memref<26000x128xf32, #tpu.memory_space<hbm>>) target(%dma_start3A_796 : memref<128x128xf32, #tpu.memory_space<vmem>>) offsets(%dma_start3A_798 : memref<128xi32, #tpu.memory_space<vmem>>) semaphore(%arg7 : memref<!tpu.dma_semaphore, #tpu.memory_space<semaphore_mem>>)
    %dma_wait3A_802 = arith.constant 1 : i32
    %dma_wait3A_803 = arith.constant 0 : i32
    %dma_wait3A_804 = arith.constant 0 : i32
    %dma_wait3A_805 = tpu.memref_slice %arg6[%dma_wait3A_802, %dma_wait3A_803, %dma_wait3A_804] : memref<6x128x128xf32, #tpu.memory_space<vmem>> -> memref<1x128x128xf32, #tpu.memory_space<vmem>>
    %dma_wait3A_806 = tpu.memref_squeeze %dma_wait3A_805 : memref<1x128x128xf32, #tpu.memory_space<vmem>> -> memref<128x128xf32, #tpu.memory_space<vmem>>
    %dma_wait3A_807 = arith.constant 128 : i32
    %dma_wait3A_808 = tpu.memref_slice %arg5[%dma_wait3A_807] : memref<13312xi32, #tpu.memory_space<vmem>> -> memref<128xi32, #tpu.memory_space<vmem>>
    %dma_wait3A_809 = arith.constant 0 : i32
    %dma_wait3A_810 = arith.constant 0 : i32
    %dma_wait3A_811 = tpu.memref_slice %arg3[%dma_wait3A_809, %dma_wait3A_810] : memref<26000x128xf32, #tpu.memory_space<hbm>> -> memref<26000x128xf32, #tpu.memory_space<hbm>>
    tpu.wait_indirect_dma semaphore(%arg7 : memref<!tpu.dma_semaphore, #tpu.memory_space<semaphore_mem>>) src(%dma_wait3A_811 : memref<26000x128xf32, #tpu.memory_space<hbm>>) dst(%dma_wait3A_806 : memref<128x128xf32, #tpu.memory_space<vmem>>)
    %add3A_812 = arith.constant 128 : i32
    %add3A_813 = arith.addi %mul3A_2, %add3A_812 : i32
    %jit3A_814 = arith.constant 16384 : i32
    %div3A_815 = arith.divsi %add3A_813, %jit3A_814 : i32
    %sign3A_816 = arith.constant 0 : i32
    %sign3A_817 = arith.cmpi sgt, %add3A_813, %sign3A_816 : i32
    %sign3A_818 = arith.extui %sign3A_817 : i1 to i32
    %sign3A_819 = arith.constant 0 : i32
    %sign3A_820 = arith.cmpi slt, %add3A_813, %sign3A_819 : i32
    %sign3A_821 = arith.extui %sign3A_820 : i1 to i32
    %sign3A_822 = arith.subi %sign3A_818, %sign3A_821 : i32
    %sign3A_823 = arith.constant 0 : i32
    %sign3A_824 = arith.cmpi sgt, %jit3A_814, %sign3A_823 : i32
    %sign3A_825 = arith.extui %sign3A_824 : i1 to i32
    %sign3A_826 = arith.constant 0 : i32
    %sign3A_827 = arith.cmpi slt, %jit3A_814, %sign3A_826 : i32
    %sign3A_828 = arith.extui %sign3A_827 : i1 to i32
    %sign3A_829 = arith.subi %sign3A_825, %sign3A_828 : i32
    %ne3A_830 = arith.cmpi ne, %sign3A_822, %sign3A_829 : i32
    %rem3A_831 = arith.remsi %add3A_813, %jit3A_814 : i32
    %ne3A_832 = arith.constant 0 : i32
    %ne3A_833 = arith.cmpi ne, %rem3A_831, %ne3A_832 : i32
    %and3A_834 = arith.andi %ne3A_830, %ne3A_833 : i1
    %sub3A_835 = arith.constant 1 : i32
    %sub3A_836 = arith.subi %div3A_815, %sub3A_835 : i32
    %select_n3A_837 = arith.select %and3A_834, %sub3A_836, %div3A_815 : i32
    %jit3A_838 = arith.constant 16384 : i32
    %eq3A_839 = arith.constant 0 : i32
    %eq3A_840 = arith.cmpi eq, %jit3A_838, %eq3A_839 : i32
    %jit3A_841 = arith.constant 1 : i32
    %select_n3A_842 = arith.select %eq3A_840, %jit3A_841, %jit3A_838 : i32
    %rem3A_843 = arith.remsi %add3A_813, %select_n3A_842 : i32
    %ne3A_844 = arith.constant 0 : i32
    %ne3A_845 = arith.cmpi ne, %rem3A_843, %ne3A_844 : i32
    %lt3A_846 = arith.constant 0 : i32
    %lt3A_847 = arith.cmpi slt, %rem3A_843, %lt3A_846 : i32
    %lt3A_848 = arith.constant 0 : i32
    %lt3A_849 = arith.cmpi slt, %select_n3A_842, %lt3A_848 : i32
    %ne3A_850 = arith.xori %lt3A_847, %lt3A_849 : i1
    %and3A_851 = arith.andi %ne3A_850, %ne3A_845 : i1
    %add3A_852 = arith.addi %rem3A_843, %select_n3A_842 : i32
    %select_n3A_853 = arith.select %and3A_851, %add3A_852, %rem3A_843 : i32
    %dma_start3A_854 = arith.constant 1 : i32
    %dma_start3A_855 = arith.constant 0 : i32
    %dma_start3A_856 = arith.constant 0 : i32
    %dma_start3A_857 = tpu.memref_slice %arg6[%dma_start3A_854, %dma_start3A_855, %dma_start3A_856] : memref<6x128x128xf32, #tpu.memory_space<vmem>> -> memref<1x128x128xf32, #tpu.memory_space<vmem>>
    %dma_start3A_858 = tpu.memref_squeeze %dma_start3A_857 : memref<1x128x128xf32, #tpu.memory_space<vmem>> -> memref<128x128xf32, #tpu.memory_space<vmem>>
    %dma_start3A_859 = arith.constant 0 : i32
    %dma_start3A_860 = arith.constant 0 : i32
    %dma_start3A_861 = tpu.memref_slice %arg4[%select_n3A_837, %dma_start3A_859, %dma_start3A_860] : memref<26x16384x128xf32, #tpu.memory_space<hbm>> -> memref<1x16384x128xf32, #tpu.memory_space<hbm>>
    %dma_start3A_862 = tpu.memref_squeeze %dma_start3A_861 : memref<1x16384x128xf32, #tpu.memory_space<hbm>> -> memref<16384x128xf32, #tpu.memory_space<hbm>>
    %dma_start3A_863 = arith.constant 0 : i32
    %dma_start3A_864 = tpu.memref_slice %dma_start3A_862[%select_n3A_853, %dma_start3A_863] : memref<16384x128xf32, #tpu.memory_space<hbm>> -> memref<128x128xf32, #tpu.memory_space<hbm>>
    %dma_start3A_865 = arith.constant 0 : i32
    %dma_start3A_866 = arith.constant 0 : i32
    %dma_start3A_867 = tpu.memref_slice %arg4[%select_n3A_837, %dma_start3A_865, %dma_start3A_866] : memref<26x16384x128xf32, #tpu.memory_space<hbm>> -> memref<1x16384x128xf32, #tpu.memory_space<hbm>>
    %dma_start3A_868 = tpu.memref_squeeze %dma_start3A_867 : memref<1x16384x128xf32, #tpu.memory_space<hbm>> -> memref<16384x128xf32, #tpu.memory_space<hbm>>
    %dma_start3A_869 = arith.constant 0 : i32
    %dma_start3A_870 = tpu.memref_slice %dma_start3A_868[%select_n3A_853, %dma_start3A_869] : memref<16384x128xf32, #tpu.memory_space<hbm>> -> memref<128x128xf32, #tpu.memory_space<hbm>>
    %dma_start3A_871 = arith.constant 0 : i32
    %dma_start3A_872 = arith.constant 0 : i32
    %dma_start3A_873 = tpu.memref_slice %arg6[%dma_start3A_854, %dma_start3A_871, %dma_start3A_872] : memref<6x128x128xf32, #tpu.memory_space<vmem>> -> memref<1x128x128xf32, #tpu.memory_space<vmem>>
    %dma_start3A_874 = tpu.memref_squeeze %dma_start3A_873 : memref<1x128x128xf32, #tpu.memory_space<vmem>> -> memref<128x128xf32, #tpu.memory_space<vmem>>
    tpu.enqueue_dma source(%dma_start3A_874 : memref<128x128xf32, #tpu.memory_space<vmem>>) target(%dma_start3A_870 : memref<128x128xf32, #tpu.memory_space<hbm>>) target_semaphore(%arg8 : memref<!tpu.dma_semaphore, #tpu.memory_space<semaphore_mem>>)
    %add3A_875 = arith.constant 896 : i32
    %add3A_876 = arith.addi %mul3A_2, %add3A_875 : i32
    %jit3A_877 = arith.constant 16384 : i32
    %div3A_878 = arith.divsi %add3A_876, %jit3A_877 : i32
    %sign3A_879 = arith.constant 0 : i32
    %sign3A_880 = arith.cmpi sgt, %add3A_876, %sign3A_879 : i32
    %sign3A_881 = arith.extui %sign3A_880 : i1 to i32
    %sign3A_882 = arith.constant 0 : i32
    %sign3A_883 = arith.cmpi slt, %add3A_876, %sign3A_882 : i32
    %sign3A_884 = arith.extui %sign3A_883 : i1 to i32
    %sign3A_885 = arith.subi %sign3A_881, %sign3A_884 : i32
    %sign3A_886 = arith.constant 0 : i32
    %sign3A_887 = arith.cmpi sgt, %jit3A_877, %sign3A_886 : i32
    %sign3A_888 = arith.extui %sign3A_887 : i1 to i32
    %sign3A_889 = arith.constant 0 : i32
    %sign3A_890 = arith.cmpi slt, %jit3A_877, %sign3A_889 : i32
    %sign3A_891 = arith.extui %sign3A_890 : i1 to i32
    %sign3A_892 = arith.subi %sign3A_888, %sign3A_891 : i32
    %ne3A_893 = arith.cmpi ne, %sign3A_885, %sign3A_892 : i32
    %rem3A_894 = arith.remsi %add3A_876, %jit3A_877 : i32
    %ne3A_895 = arith.constant 0 : i32
    %ne3A_896 = arith.cmpi ne, %rem3A_894, %ne3A_895 : i32
    %and3A_897 = arith.andi %ne3A_893, %ne3A_896 : i1
    %sub3A_898 = arith.constant 1 : i32
    %sub3A_899 = arith.subi %div3A_878, %sub3A_898 : i32
    %select_n3A_900 = arith.select %and3A_897, %sub3A_899, %div3A_878 : i32
    %mul3A_901 = arith.constant 1000 : i32
    %mul3A_902 = arith.muli %select_n3A_900, %mul3A_901 : i32
    %get3A_903 = arith.constant 896 : index
    %get3A_904 = tpu.vector_load %arg5[%get3A_903] {strides = array<i32>} : memref<13312xi32, #tpu.memory_space<vmem>>, vector<16xi32>,
    %get3A_905 = vector.shape_cast %get3A_904 : vector<16xi32> to vector<16xi32>
    %add3A_906 = vector.broadcast %mul3A_902 : i32 to vector<16xi32>
    %add3A_907 = arith.addi %get3A_905, %add3A_906 : vector<16xi32>
    %swap3A_908 = arith.constant 896 : index
    %swap3A_909 = tpu.vector_load %arg5[%swap3A_908] {strides = array<i32>} : memref<13312xi32, #tpu.memory_space<vmem>>, vector<16xi32>,
    %swap3A_910 = vector.shape_cast %swap3A_909 : vector<16xi32> to vector<16xi32>
    %swap3A_911 = vector.shape_cast %add3A_907 : vector<16xi32> to vector<16xi32>
    tpu.vector_store %arg5[%swap3A_908], %swap3A_911 {strides = array<i32>} : memref<13312xi32, #tpu.memory_space<vmem>>, vector<16xi32>,
    %get3A_912 = arith.constant 912 : index
    %get3A_913 = tpu.vector_load %arg5[%get3A_912] {strides = array<i32>} : memref<13312xi32, #tpu.memory_space<vmem>>, vector<16xi32>,
    %get3A_914 = vector.shape_cast %get3A_913 : vector<16xi32> to vector<16xi32>
    %add3A_915 = vector.broadcast %mul3A_902 : i32 to vector<16xi32>
    %add3A_916 = arith.addi %get3A_914, %add3A_915 : vector<16xi32>
    %swap3A_917 = arith.constant 912 : index
    %swap3A_918 = tpu.vector_load %arg5[%swap3A_917] {strides = array<i32>} : memref<13312xi32, #tpu.memory_space<vmem>>, vector<16xi32>,
    %swap3A_919 = vector.shape_cast %swap3A_918 : vector<16xi32> to vector<16xi32>
    %swap3A_920 = vector.shape_cast %add3A_916 : vector<16xi32> to vector<16xi32>
    tpu.vector_store %arg5[%swap3A_917], %swap3A_920 {strides = array<i32>} : memref<13312xi32, #tpu.memory_space<vmem>>, vector<16xi32>,
    %get3A_921 = arith.constant 928 : index
    %get3A_922 = tpu.vector_load %arg5[%get3A_921] {strides = array<i32>} : memref<13312xi32, #tpu.memory_space<vmem>>, vector<16xi32>,
    %get3A_923 = vector.shape_cast %get3A_922 : vector<16xi32> to vector<16xi32>
    %add3A_924 = vector.broadcast %mul3A_902 : i32 to vector<16xi32>
    %add3A_925 = arith.addi %get3A_923, %add3A_924 : vector<16xi32>
    %swap3A_926 = arith.constant 928 : index
    %swap3A_927 = tpu.vector_load %arg5[%swap3A_926] {strides = array<i32>} : memref<13312xi32, #tpu.memory_space<vmem>>, vector<16xi32>,
    %swap3A_928 = vector.shape_cast %swap3A_927 : vector<16xi32> to vector<16xi32>
    %swap3A_929 = vector.shape_cast %add3A_925 : vector<16xi32> to vector<16xi32>
    tpu.vector_store %arg5[%swap3A_926], %swap3A_929 {strides = array<i32>} : memref<13312xi32, #tpu.memory_space<vmem>>, vector<16xi32>,
    %get3A_930 = arith.constant 944 : index
    %get3A_931 = tpu.vector_load %arg5[%get3A_930] {strides = array<i32>} : memref<13312xi32, #tpu.memory_space<vmem>>, vector<16xi32>,
    %get3A_932 = vector.shape_cast %get3A_931 : vector<16xi32> to vector<16xi32>
    %add3A_933 = vector.broadcast %mul3A_902 : i32 to vector<16xi32>
    %add3A_934 = arith.addi %get3A_932, %add3A_933 : vector<16xi32>
    %swap3A_935 = arith.constant 944 : index
    %swap3A_936 = tpu.vector_load %arg5[%swap3A_935] {strides = array<i32>} : memref<13312xi32, #tpu.memory_space<vmem>>, vector<16xi32>,
    %swap3A_937 = vector.shape_cast %swap3A_936 : vector<16xi32> to vector<16xi32>
    %swap3A_938 = vector.shape_cast %add3A_934 : vector<16xi32> to vector<16xi32>
    tpu.vector_store %arg5[%swap3A_935], %swap3A_938 {strides = array<i32>} : memref<13312xi32, #tpu.memory_space<vmem>>, vector<16xi32>,
    %get3A_939 = arith.constant 960 : index
    %get3A_940 = tpu.vector_load %arg5[%get3A_939] {strides = array<i32>} : memref<13312xi32, #tpu.memory_space<vmem>>, vector<16xi32>,
    %get3A_941 = vector.shape_cast %get3A_940 : vector<16xi32> to vector<16xi32>
    %add3A_942 = vector.broadcast %mul3A_902 : i32 to vector<16xi32>
    %add3A_943 = arith.addi %get3A_941, %add3A_942 : vector<16xi32>
    %swap3A_944 = arith.constant 960 : index
    %swap3A_945 = tpu.vector_load %arg5[%swap3A_944] {strides = array<i32>} : memref<13312xi32, #tpu.memory_space<vmem>>, vector<16xi32>,
    %swap3A_946 = vector.shape_cast %swap3A_945 : vector<16xi32> to vector<16xi32>
    %swap3A_947 = vector.shape_cast %add3A_943 : vector<16xi32> to vector<16xi32>
    tpu.vector_store %arg5[%swap3A_944], %swap3A_947 {strides = array<i32>} : memref<13312xi32, #tpu.memory_space<vmem>>, vector<16xi32>,
    %get3A_948 = arith.constant 976 : index
    %get3A_949 = tpu.vector_load %arg5[%get3A_948] {strides = array<i32>} : memref<13312xi32, #tpu.memory_space<vmem>>, vector<16xi32>,
    %get3A_950 = vector.shape_cast %get3A_949 : vector<16xi32> to vector<16xi32>
    %add3A_951 = vector.broadcast %mul3A_902 : i32 to vector<16xi32>
    %add3A_952 = arith.addi %get3A_950, %add3A_951 : vector<16xi32>
    %swap3A_953 = arith.constant 976 : index
    %swap3A_954 = tpu.vector_load %arg5[%swap3A_953] {strides = array<i32>} : memref<13312xi32, #tpu.memory_space<vmem>>, vector<16xi32>,
    %swap3A_955 = vector.shape_cast %swap3A_954 : vector<16xi32> to vector<16xi32>
    %swap3A_956 = vector.shape_cast %add3A_952 : vector<16xi32> to vector<16xi32>
    tpu.vector_store %arg5[%swap3A_953], %swap3A_956 {strides = array<i32>} : memref<13312xi32, #tpu.memory_space<vmem>>, vector<16xi32>,
    %get3A_957 = arith.constant 992 : index
    %get3A_958 = tpu.vector_load %arg5[%get3A_957] {strides = array<i32>} : memref<13312xi32, #tpu.memory_space<vmem>>, vector<16xi32>,
    %get3A_959 = vector.shape_cast %get3A_958 : vector<16xi32> to vector<16xi32>
    %add3A_960 = vector.broadcast %mul3A_902 : i32 to vector<16xi32>
    %add3A_961 = arith.addi %get3A_959, %add3A_960 : vector<16xi32>
    %swap3A_962 = arith.constant 992 : index
    %swap3A_963 = tpu.vector_load %arg5[%swap3A_962] {strides = array<i32>} : memref<13312xi32, #tpu.memory_space<vmem>>, vector<16xi32>,
    %swap3A_964 = vector.shape_cast %swap3A_963 : vector<16xi32> to vector<16xi32>
    %swap3A_965 = vector.shape_cast %add3A_961 : vector<16xi32> to vector<16xi32>
    tpu.vector_store %arg5[%swap3A_962], %swap3A_965 {strides = array<i32>} : memref<13312xi32, #tpu.memory_space<vmem>>, vector<16xi32>,
    %get3A_966 = arith.constant 1008 : index
    %get3A_967 = tpu.vector_load %arg5[%get3A_966] {strides = array<i32>} : memref<13312xi32, #tpu.memory_space<vmem>>, vector<16xi32>,
    %get3A_968 = vector.shape_cast %get3A_967 : vector<16xi32> to vector<16xi32>
    %add3A_969 = vector.broadcast %mul3A_902 : i32 to vector<16xi32>
    %add3A_970 = arith.addi %get3A_968, %add3A_969 : vector<16xi32>
    %swap3A_971 = arith.constant 1008 : index
    %swap3A_972 = tpu.vector_load %arg5[%swap3A_971] {strides = array<i32>} : memref<13312xi32, #tpu.memory_space<vmem>>, vector<16xi32>,
    %swap3A_973 = vector.shape_cast %swap3A_972 : vector<16xi32> to vector<16xi32>
    %swap3A_974 = vector.shape_cast %add3A_970 : vector<16xi32> to vector<16xi32>
    tpu.vector_store %arg5[%swap3A_971], %swap3A_974 {strides = array<i32>} : memref<13312xi32, #tpu.memory_space<vmem>>, vector<16xi32>,
    %dma_start3A_975 = arith.constant 4 : i32
    %dma_start3A_976 = arith.constant 0 : i32
    %dma_start3A_977 = arith.constant 0 : i32
    %dma_start3A_978 = tpu.memref_slice %arg6[%dma_start3A_975, %dma_start3A_976, %dma_start3A_977] : memref<6x128x128xf32, #tpu.memory_space<vmem>> -> memref<1x128x128xf32, #tpu.memory_space<vmem>>
    %dma_start3A_979 = tpu.memref_squeeze %dma_start3A_978 : memref<1x128x128xf32, #tpu.memory_space<vmem>> -> memref<128x128xf32, #tpu.memory_space<vmem>>
    %dma_start3A_980 = arith.constant 512 : i32
    %dma_start3A_981 = tpu.memref_slice %arg5[%dma_start3A_980] : memref<13312xi32, #tpu.memory_space<vmem>> -> memref<128xi32, #tpu.memory_space<vmem>>
    %dma_start3A_982 = arith.constant 0 : i32
    %dma_start3A_983 = arith.constant 0 : i32
    %dma_start3A_984 = tpu.memref_slice %arg3[%dma_start3A_982, %dma_start3A_983] : memref<26000x128xf32, #tpu.memory_space<hbm>> -> memref<26000x128xf32, #tpu.memory_space<hbm>>
    tpu.enqueue_indirect_dma source(%dma_start3A_984 : memref<26000x128xf32, #tpu.memory_space<hbm>>) target(%dma_start3A_979 : memref<128x128xf32, #tpu.memory_space<vmem>>) offsets(%dma_start3A_981 : memref<128xi32, #tpu.memory_space<vmem>>) semaphore(%arg7 : memref<!tpu.dma_semaphore, #tpu.memory_space<semaphore_mem>>)
    %dma_wait3A_985 = arith.constant 2 : i32
    %dma_wait3A_986 = arith.constant 0 : i32
    %dma_wait3A_987 = arith.constant 0 : i32
    %dma_wait3A_988 = tpu.memref_slice %arg6[%dma_wait3A_985, %dma_wait3A_986, %dma_wait3A_987] : memref<6x128x128xf32, #tpu.memory_space<vmem>> -> memref<1x128x128xf32, #tpu.memory_space<vmem>>
    %dma_wait3A_989 = tpu.memref_squeeze %dma_wait3A_988 : memref<1x128x128xf32, #tpu.memory_space<vmem>> -> memref<128x128xf32, #tpu.memory_space<vmem>>
    %dma_wait3A_990 = arith.constant 256 : i32
    %dma_wait3A_991 = tpu.memref_slice %arg5[%dma_wait3A_990] : memref<13312xi32, #tpu.memory_space<vmem>> -> memref<128xi32, #tpu.memory_space<vmem>>
    %dma_wait3A_992 = arith.constant 0 : i32
    %dma_wait3A_993 = arith.constant 0 : i32
    %dma_wait3A_994 = tpu.memref_slice %arg3[%dma_wait3A_992, %dma_wait3A_993] : memref<26000x128xf32, #tpu.memory_space<hbm>> -> memref<26000x128xf32, #tpu.memory_space<hbm>>
    tpu.wait_indirect_dma semaphore(%arg7 : memref<!tpu.dma_semaphore, #tpu.memory_space<semaphore_mem>>) src(%dma_wait3A_994 : memref<26000x128xf32, #tpu.memory_space<hbm>>) dst(%dma_wait3A_989 : memref<128x128xf32, #tpu.memory_space<vmem>>)
    %add3A_995 = arith.constant 256 : i32
    %add3A_996 = arith.addi %mul3A_2, %add3A_995 : i32
    %jit3A_997 = arith.constant 16384 : i32
    %div3A_998 = arith.divsi %add3A_996, %jit3A_997 : i32
    %sign3A_999 = arith.constant 0 : i32
    %sign3A_1000 = arith.cmpi sgt, %add3A_996, %sign3A_999 : i32
    %sign3A_1001 = arith.extui %sign3A_1000 : i1 to i32
    %sign3A_1002 = arith.constant 0 : i32
    %sign3A_1003 = arith.cmpi slt, %add3A_996, %sign3A_1002 : i32
    %sign3A_1004 = arith.extui %sign3A_1003 : i1 to i32
    %sign3A_1005 = arith.subi %sign3A_1001, %sign3A_1004 : i32
    %sign3A_1006 = arith.constant 0 : i32
    %sign3A_1007 = arith.cmpi sgt, %jit3A_997, %sign3A_1006 : i32
    %sign3A_1008 = arith.extui %sign3A_1007 : i1 to i32
    %sign3A_1009 = arith.constant 0 : i32
    %sign3A_1010 = arith.cmpi slt, %jit3A_997, %sign3A_1009 : i32
    %sign3A_1011 = arith.extui %sign3A_1010 : i1 to i32
    %sign3A_1012 = arith.subi %sign3A_1008, %sign3A_1011 : i32
    %ne3A_1013 = arith.cmpi ne, %sign3A_1005, %sign3A_1012 : i32
    %rem3A_1014 = arith.remsi %add3A_996, %jit3A_997 : i32
    %ne3A_1015 = arith.constant 0 : i32
    %ne3A_1016 = arith.cmpi ne, %rem3A_1014, %ne3A_1015 : i32
    %and3A_1017 = arith.andi %ne3A_1013, %ne3A_1016 : i1
    %sub3A_1018 = arith.constant 1 : i32
    %sub3A_1019 = arith.subi %div3A_998, %sub3A_1018 : i32
    %select_n3A_1020 = arith.select %and3A_1017, %sub3A_1019, %div3A_998 : i32
    %jit3A_1021 = arith.constant 16384 : i32
    %eq3A_1022 = arith.constant 0 : i32
    %eq3A_1023 = arith.cmpi eq, %jit3A_1021, %eq3A_1022 : i32
    %jit3A_1024 = arith.constant 1 : i32
    %select_n3A_1025 = arith.select %eq3A_1023, %jit3A_1024, %jit3A_1021 : i32
    %rem3A_1026 = arith.remsi %add3A_996, %select_n3A_1025 : i32
    %ne3A_1027 = arith.constant 0 : i32
    %ne3A_1028 = arith.cmpi ne, %rem3A_1026, %ne3A_1027 : i32
    %lt3A_1029 = arith.constant 0 : i32
    %lt3A_1030 = arith.cmpi slt, %rem3A_1026, %lt3A_1029 : i32
    %lt3A_1031 = arith.constant 0 : i32
    %lt3A_1032 = arith.cmpi slt, %select_n3A_1025, %lt3A_1031 : i32
    %ne3A_1033 = arith.xori %lt3A_1030, %lt3A_1032 : i1
    %and3A_1034 = arith.andi %ne3A_1033, %ne3A_1028 : i1
    %add3A_1035 = arith.addi %rem3A_1026, %select_n3A_1025 : i32
    %select_n3A_1036 = arith.select %and3A_1034, %add3A_1035, %rem3A_1026 : i32
    %dma_start3A_1037 = arith.constant 2 : i32
    %dma_start3A_1038 = arith.constant 0 : i32
    %dma_start3A_1039 = arith.constant 0 : i32
    %dma_start3A_1040 = tpu.memref_slice %arg6[%dma_start3A_1037, %dma_start3A_1038, %dma_start3A_1039] : memref<6x128x128xf32, #tpu.memory_space<vmem>> -> memref<1x128x128xf32, #tpu.memory_space<vmem>>
    %dma_start3A_1041 = tpu.memref_squeeze %dma_start3A_1040 : memref<1x128x128xf32, #tpu.memory_space<vmem>> -> memref<128x128xf32, #tpu.memory_space<vmem>>
    %dma_start3A_1042 = arith.constant 0 : i32
    %dma_start3A_1043 = arith.constant 0 : i32
    %dma_start3A_1044 = tpu.memref_slice %arg4[%select_n3A_1020, %dma_start3A_1042, %dma_start3A_1043] : memref<26x16384x128xf32, #tpu.memory_space<hbm>> -> memref<1x16384x128xf32, #tpu.memory_space<hbm>>
    %dma_start3A_1045 = tpu.memref_squeeze %dma_start3A_1044 : memref<1x16384x128xf32, #tpu.memory_space<hbm>> -> memref<16384x128xf32, #tpu.memory_space<hbm>>
    %dma_start3A_1046 = arith.constant 0 : i32
    %dma_start3A_1047 = tpu.memref_slice %dma_start3A_1045[%select_n3A_1036, %dma_start3A_1046] : memref<16384x128xf32, #tpu.memory_space<hbm>> -> memref<128x128xf32, #tpu.memory_space<hbm>>
    %dma_start3A_1048 = arith.constant 0 : i32
    %dma_start3A_1049 = arith.constant 0 : i32
    %dma_start3A_1050 = tpu.memref_slice %arg4[%select_n3A_1020, %dma_start3A_1048, %dma_start3A_1049] : memref<26x16384x128xf32, #tpu.memory_space<hbm>> -> memref<1x16384x128xf32, #tpu.memory_space<hbm>>
    %dma_start3A_1051 = tpu.memref_squeeze %dma_start3A_1050 : memref<1x16384x128xf32, #tpu.memory_space<hbm>> -> memref<16384x128xf32, #tpu.memory_space<hbm>>
    %dma_start3A_1052 = arith.constant 0 : i32
    %dma_start3A_1053 = tpu.memref_slice %dma_start3A_1051[%select_n3A_1036, %dma_start3A_1052] : memref<16384x128xf32, #tpu.memory_space<hbm>> -> memref<128x128xf32, #tpu.memory_space<hbm>>
    %dma_start3A_1054 = arith.constant 0 : i32
    %dma_start3A_1055 = arith.constant 0 : i32
    %dma_start3A_1056 = tpu.memref_slice %arg6[%dma_start3A_1037, %dma_start3A_1054, %dma_start3A_1055] : memref<6x128x128xf32, #tpu.memory_space<vmem>> -> memref<1x128x128xf32, #tpu.memory_space<vmem>>
    %dma_start3A_1057 = tpu.memref_squeeze %dma_start3A_1056 : memref<1x128x128xf32, #tpu.memory_space<vmem>> -> memref<128x128xf32, #tpu.memory_space<vmem>>
    tpu.enqueue_dma source(%dma_start3A_1057 : memref<128x128xf32, #tpu.memory_space<vmem>>) target(%dma_start3A_1053 : memref<128x128xf32, #tpu.memory_space<hbm>>) target_semaphore(%arg8 : memref<!tpu.dma_semaphore, #tpu.memory_space<semaphore_mem>>)
    %add3A_1058 = arith.constant 1024 : i32
    %add3A_1059 = arith.addi %mul3A_2, %add3A_1058 : i32
    %jit3A_1060 = arith.constant 16384 : i32
    %div3A_1061 = arith.divsi %add3A_1059, %jit3A_1060 : i32
    %sign3A_1062 = arith.constant 0 : i32
    %sign3A_1063 = arith.cmpi sgt, %add3A_1059, %sign3A_1062 : i32
    %sign3A_1064 = arith.extui %sign3A_1063 : i1 to i32
    %sign3A_1065 = arith.constant 0 : i32
    %sign3A_1066 = arith.cmpi slt, %add3A_1059, %sign3A_1065 : i32
    %sign3A_1067 = arith.extui %sign3A_1066 : i1 to i32
    %sign3A_1068 = arith.subi %sign3A_1064, %sign3A_1067 : i32
    %sign3A_1069 = arith.constant 0 : i32
    %sign3A_1070 = arith.cmpi sgt, %jit3A_1060, %sign3A_1069 : i32
    %sign3A_1071 = arith.extui %sign3A_1070 : i1 to i32
    %sign3A_1072 = arith.constant 0 : i32
    %sign3A_1073 = arith.cmpi slt, %jit3A_1060, %sign3A_1072 : i32
    %sign3A_1074 = arith.extui %sign3A_1073 : i1 to i32
    %sign3A_1075 = arith.subi %sign3A_1071, %sign3A_1074 : i32
    %ne3A_1076 = arith.cmpi ne, %sign3A_1068, %sign3A_1075 : i32
    %rem3A_1077 = arith.remsi %add3A_1059, %jit3A_1060 : i32
    %ne3A_1078 = arith.constant 0 : i32
    %ne3A_1079 = arith.cmpi ne, %rem3A_1077, %ne3A_1078 : i32
    %and3A_1080 = arith.andi %ne3A_1076, %ne3A_1079 : i1
    %sub3A_1081 = arith.constant 1 : i32
    %sub3A_1082 = arith.subi %div3A_1061, %sub3A_1081 : i32
    %select_n3A_1083 = arith.select %and3A_1080, %sub3A_1082, %div3A_1061 : i32
    %mul3A_1084 = arith.constant 1000 : i32
    %mul3A_1085 = arith.muli %select_n3A_1083, %mul3A_1084 : i32
    %get3A_1086 = arith.constant 1024 : index
    %get3A_1087 = tpu.vector_load %arg5[%get3A_1086] {strides = array<i32>} : memref<13312xi32, #tpu.memory_space<vmem>>, vector<16xi32>,
    %get3A_1088 = vector.shape_cast %get3A_1087 : vector<16xi32> to vector<16xi32>
    %add3A_1089 = vector.broadcast %mul3A_1085 : i32 to vector<16xi32>
    %add3A_1090 = arith.addi %get3A_1088, %add3A_1089 : vector<16xi32>
    %swap3A_1091 = arith.constant 1024 : index
    %swap3A_1092 = tpu.vector_load %arg5[%swap3A_1091] {strides = array<i32>} : memref<13312xi32, #tpu.memory_space<vmem>>, vector<16xi32>,
    %swap3A_1093 = vector.shape_cast %swap3A_1092 : vector<16xi32> to vector<16xi32>
    %swap3A_1094 = vector.shape_cast %add3A_1090 : vector<16xi32> to vector<16xi32>
    tpu.vector_store %arg5[%swap3A_1091], %swap3A_1094 {strides = array<i32>} : memref<13312xi32, #tpu.memory_space<vmem>>, vector<16xi32>,
    %get3A_1095 = arith.constant 1040 : index
    %get3A_1096 = tpu.vector_load %arg5[%get3A_1095] {strides = array<i32>} : memref<13312xi32, #tpu.memory_space<vmem>>, vector<16xi32>,
    %get3A_1097 = vector.shape_cast %get3A_1096 : vector<16xi32> to vector<16xi32>
    %add3A_1098 = vector.broadcast %mul3A_1085 : i32 to vector<16xi32>
    %add3A_1099 = arith.addi %get3A_1097, %add3A_1098 : vector<16xi32>
    %swap3A_1100 = arith.constant 1040 : index
    %swap3A_1101 = tpu.vector_load %arg5[%swap3A_1100] {strides = array<i32>} : memref<13312xi32, #tpu.memory_space<vmem>>, vector<16xi32>,
    %swap3A_1102 = vector.shape_cast %swap3A_1101 : vector<16xi32> to vector<16xi32>
    %swap3A_1103 = vector.shape_cast %add3A_1099 : vector<16xi32> to vector<16xi32>
    tpu.vector_store %arg5[%swap3A_1100], %swap3A_1103 {strides = array<i32>} : memref<13312xi32, #tpu.memory_space<vmem>>, vector<16xi32>,
    %get3A_1104 = arith.constant 1056 : index
    %get3A_1105 = tpu.vector_load %arg5[%get3A_1104] {strides = array<i32>} : memref<13312xi32, #tpu.memory_space<vmem>>, vector<16xi32>,
    %get3A_1106 = vector.shape_cast %get3A_1105 : vector<16xi32> to vector<16xi32>
    %add3A_1107 = vector.broadcast %mul3A_1085 : i32 to vector<16xi32>
    %add3A_1108 = arith.addi %get3A_1106, %add3A_1107 : vector<16xi32>
    %swap3A_1109 = arith.constant 1056 : index
    %swap3A_1110 = tpu.vector_load %arg5[%swap3A_1109] {strides = array<i32>} : memref<13312xi32, #tpu.memory_space<vmem>>, vector<16xi32>,
    %swap3A_1111 = vector.shape_cast %swap3A_1110 : vector<16xi32> to vector<16xi32>
    %swap3A_1112 = vector.shape_cast %add3A_1108 : vector<16xi32> to vector<16xi32>
    tpu.vector_store %arg5[%swap3A_1109], %swap3A_1112 {strides = array<i32>} : memref<13312xi32, #tpu.memory_space<vmem>>, vector<16xi32>,
    %get3A_1113 = arith.constant 1072 : index
    %get3A_1114 = tpu.vector_load %arg5[%get3A_1113] {strides = array<i32>} : memref<13312xi32, #tpu.memory_space<vmem>>, vector<16xi32>,
    %get3A_1115 = vector.shape_cast %get3A_1114 : vector<16xi32> to vector<16xi32>
    %add3A_1116 = vector.broadcast %mul3A_1085 : i32 to vector<16xi32>
    %add3A_1117 = arith.addi %get3A_1115, %add3A_1116 : vector<16xi32>
    %swap3A_1118 = arith.constant 1072 : index
    %swap3A_1119 = tpu.vector_load %arg5[%swap3A_1118] {strides = array<i32>} : memref<13312xi32, #tpu.memory_space<vmem>>, vector<16xi32>,
    %swap3A_1120 = vector.shape_cast %swap3A_1119 : vector<16xi32> to vector<16xi32>
    %swap3A_1121 = vector.shape_cast %add3A_1117 : vector<16xi32> to vector<16xi32>
    tpu.vector_store %arg5[%swap3A_1118], %swap3A_1121 {strides = array<i32>} : memref<13312xi32, #tpu.memory_space<vmem>>, vector<16xi32>,
    %get3A_1122 = arith.constant 1088 : index
    %get3A_1123 = tpu.vector_load %arg5[%get3A_1122] {strides = array<i32>} : memref<13312xi32, #tpu.memory_space<vmem>>, vector<16xi32>,
    %get3A_1124 = vector.shape_cast %get3A_1123 : vector<16xi32> to vector<16xi32>
    %add3A_1125 = vector.broadcast %mul3A_1085 : i32 to vector<16xi32>
    %add3A_1126 = arith.addi %get3A_1124, %add3A_1125 : vector<16xi32>
    %swap3A_1127 = arith.constant 1088 : index
    %swap3A_1128 = tpu.vector_load %arg5[%swap3A_1127] {strides = array<i32>} : memref<13312xi32, #tpu.memory_space<vmem>>, vector<16xi32>,
    %swap3A_1129 = vector.shape_cast %swap3A_1128 : vector<16xi32> to vector<16xi32>
    %swap3A_1130 = vector.shape_cast %add3A_1126 : vector<16xi32> to vector<16xi32>
    tpu.vector_store %arg5[%swap3A_1127], %swap3A_1130 {strides = array<i32>} : memref<13312xi32, #tpu.memory_space<vmem>>, vector<16xi32>,
    %get3A_1131 = arith.constant 1104 : index
    %get3A_1132 = tpu.vector_load %arg5[%get3A_1131] {strides = array<i32>} : memref<13312xi32, #tpu.memory_space<vmem>>, vector<16xi32>,
    %get3A_1133 = vector.shape_cast %get3A_1132 : vector<16xi32> to vector<16xi32>
    %add3A_1134 = vector.broadcast %mul3A_1085 : i32 to vector<16xi32>
    %add3A_1135 = arith.addi %get3A_1133, %add3A_1134 : vector<16xi32>
    %swap3A_1136 = arith.constant 1104 : index
    %swap3A_1137 = tpu.vector_load %arg5[%swap3A_1136] {strides = array<i32>} : memref<13312xi32, #tpu.memory_space<vmem>>, vector<16xi32>,
    %swap3A_1138 = vector.shape_cast %swap3A_1137 : vector<16xi32> to vector<16xi32>
    %swap3A_1139 = vector.shape_cast %add3A_1135 : vector<16xi32> to vector<16xi32>
    tpu.vector_store %arg5[%swap3A_1136], %swap3A_1139 {strides = array<i32>} : memref<13312xi32, #tpu.memory_space<vmem>>, vector<16xi32>,
    %get3A_1140 = arith.constant 1120 : index
    %get3A_1141 = tpu.vector_load %arg5[%get3A_1140] {strides = array<i32>} : memref<13312xi32, #tpu.memory_space<vmem>>, vector<16xi32>,
    %get3A_1142 = vector.shape_cast %get3A_1141 : vector<16xi32> to vector<16xi32>
    %add3A_1143 = vector.broadcast %mul3A_1085 : i32 to vector<16xi32>
    %add3A_1144 = arith.addi %get3A_1142, %add3A_1143 : vector<16xi32>
    %swap3A_1145 = arith.constant 1120 : index
    %swap3A_1146 = tpu.vector_load %arg5[%swap3A_1145] {strides = array<i32>} : memref<13312xi32, #tpu.memory_space<vmem>>, vector<16xi32>,
    %swap3A_1147 = vector.shape_cast %swap3A_1146 : vector<16xi32> to vector<16xi32>
    %swap3A_1148 = vector.shape_cast %add3A_1144 : vector<16xi32> to vector<16xi32>
    tpu.vector_store %arg5[%swap3A_1145], %swap3A_1148 {strides = array<i32>} : memref<13312xi32, #tpu.memory_space<vmem>>, vector<16xi32>,
    %get3A_1149 = arith.constant 1136 : index
    %get3A_1150 = tpu.vector_load %arg5[%get3A_1149] {strides = array<i32>} : memref<13312xi32, #tpu.memory_space<vmem>>, vector<16xi32>,
    %get3A_1151 = vector.shape_cast %get3A_1150 : vector<16xi32> to vector<16xi32>
    %add3A_1152 = vector.broadcast %mul3A_1085 : i32 to vector<16xi32>
    %add3A_1153 = arith.addi %get3A_1151, %add3A_1152 : vector<16xi32>
    %swap3A_1154 = arith.constant 1136 : index
    %swap3A_1155 = tpu.vector_load %arg5[%swap3A_1154] {strides = array<i32>} : memref<13312xi32, #tpu.memory_space<vmem>>, vector<16xi32>,
    %swap3A_1156 = vector.shape_cast %swap3A_1155 : vector<16xi32> to vector<16xi32>
    %swap3A_1157 = vector.shape_cast %add3A_1153 : vector<16xi32> to vector<16xi32>
    tpu.vector_store %arg5[%swap3A_1154], %swap3A_1157 {strides = array<i32>} : memref<13312xi32, #tpu.memory_space<vmem>>, vector<16xi32>,
    %dma_start3A_1158 = arith.constant 5 : i32
    %dma_start3A_1159 = arith.constant 0 : i32
    %dma_start3A_1160 = arith.constant 0 : i32
    %dma_start3A_1161 = tpu.memref_slice %arg6[%dma_start3A_1158, %dma_start3A_1159, %dma_start3A_1160] : memref<6x128x128xf32, #tpu.memory_space<vmem>> -> memref<1x128x128xf32, #tpu.memory_space<vmem>>
    %dma_start3A_1162 = tpu.memref_squeeze %dma_start3A_1161 : memref<1x128x128xf32, #tpu.memory_space<vmem>> -> memref<128x128xf32, #tpu.memory_space<vmem>>
    %dma_start3A_1163 = arith.constant 640 : i32
    %dma_start3A_1164 = tpu.memref_slice %arg5[%dma_start3A_1163] : memref<13312xi32, #tpu.memory_space<vmem>> -> memref<128xi32, #tpu.memory_space<vmem>>
    %dma_start3A_1165 = arith.constant 0 : i32
    %dma_start3A_1166 = arith.constant 0 : i32
    %dma_start3A_1167 = tpu.memref_slice %arg3[%dma_start3A_1165, %dma_start3A_1166] : memref<26000x128xf32, #tpu.memory_space<hbm>> -> memref<26000x128xf32, #tpu.memory_space<hbm>>
    tpu.enqueue_indirect_dma source(%dma_start3A_1167 : memref<26000x128xf32, #tpu.memory_space<hbm>>) target(%dma_start3A_1162 : memref<128x128xf32, #tpu.memory_space<vmem>>) offsets(%dma_start3A_1164 : memref<128xi32, #tpu.memory_space<vmem>>) semaphore(%arg7 : memref<!tpu.dma_semaphore, #tpu.memory_space<semaphore_mem>>)
    %scan3A = arith.constant 0 : i32
    %scan3A_1168 = arith.constant 0 : i32
    %scan3A_1169 = arith.constant 15 : i32
    %scan3A_1170 = arith.addi %scan3A_1168, %scan3A_1169 : i32
    %scan3A_1171 = arith.constant 1 : i32
    scf.for %scan3A_3438 = %scan3A_1168 to %scan3A_1170 step %scan3A_1171  : i32 {
      %mul3A_3439 = arith.constant 6 : i32
      %mul3A_3440 = arith.muli %scan3A_3438, %mul3A_3439 : i32
      %add3A_3441 = arith.constant 3 : i32
      %add3A_3442 = arith.addi %add3A_3441, %mul3A_3440 : i32
      %add3A_3443 = arith.constant 0 : i32
      %add3A_3444 = arith.addi %add3A_3442, %add3A_3443 : i32
      %mul3A_3445 = arith.constant 128 : i32
      %mul3A_3446 = arith.muli %add3A_3444, %mul3A_3445 : i32
      %dma_wait3A_3447 = arith.constant 3 : i32
      %dma_wait3A_3448 = arith.constant 0 : i32
      %dma_wait3A_3449 = arith.constant 0 : i32
      %dma_wait3A_3450 = tpu.memref_slice %arg6[%dma_wait3A_3447, %dma_wait3A_3448, %dma_wait3A_3449] : memref<6x128x128xf32, #tpu.memory_space<vmem>> -> memref<1x128x128xf32, #tpu.memory_space<vmem>>
      %dma_wait3A_3451 = tpu.memref_squeeze %dma_wait3A_3450 : memref<1x128x128xf32, #tpu.memory_space<vmem>> -> memref<128x128xf32, #tpu.memory_space<vmem>>
      %dma_wait3A_3452 = tpu.memref_slice %arg5[%mul3A_3446] : memref<13312xi32, #tpu.memory_space<vmem>> -> memref<128xi32, #tpu.memory_space<vmem>>
      %dma_wait3A_3453 = arith.constant 0 : i32
      %dma_wait3A_3454 = arith.constant 0 : i32
      %dma_wait3A_3455 = tpu.memref_slice %arg3[%dma_wait3A_3453, %dma_wait3A_3454] : memref<26000x128xf32, #tpu.memory_space<hbm>> -> memref<26000x128xf32, #tpu.memory_space<hbm>>
      tpu.wait_indirect_dma semaphore(%arg7 : memref<!tpu.dma_semaphore, #tpu.memory_space<semaphore_mem>>) src(%dma_wait3A_3455 : memref<26000x128xf32, #tpu.memory_space<hbm>>) dst(%dma_wait3A_3451 : memref<128x128xf32, #tpu.memory_space<vmem>>)
      %mul3A_3456 = arith.constant 128 : i32
      %mul3A_3457 = arith.muli %add3A_3444, %mul3A_3456 : i32
      %add3A_3458 = arith.addi %mul3A_2, %mul3A_3457 : i32
      %jit3A_3459 = arith.constant 16384 : i32
      %div3A_3460 = arith.divsi %add3A_3458, %jit3A_3459 : i32
      %sign3A_3461 = arith.constant 0 : i32
      %sign3A_3462 = arith.cmpi sgt, %add3A_3458, %sign3A_3461 : i32
      %sign3A_3463 = arith.extui %sign3A_3462 : i1 to i32
      %sign3A_3464 = arith.constant 0 : i32
      %sign3A_3465 = arith.cmpi slt, %add3A_3458, %sign3A_3464 : i32
      %sign3A_3466 = arith.extui %sign3A_3465 : i1 to i32
      %sign3A_3467 = arith.subi %sign3A_3463, %sign3A_3466 : i32
      %sign3A_3468 = arith.constant 0 : i32
      %sign3A_3469 = arith.cmpi sgt, %jit3A_3459, %sign3A_3468 : i32
      %sign3A_3470 = arith.extui %sign3A_3469 : i1 to i32
      %sign3A_3471 = arith.constant 0 : i32
      %sign3A_3472 = arith.cmpi slt, %jit3A_3459, %sign3A_3471 : i32
      %sign3A_3473 = arith.extui %sign3A_3472 : i1 to i32
      %sign3A_3474 = arith.subi %sign3A_3470, %sign3A_3473 : i32
      %ne3A_3475 = arith.cmpi ne, %sign3A_3467, %sign3A_3474 : i32
      %rem3A_3476 = arith.remsi %add3A_3458, %jit3A_3459 : i32
      %ne3A_3477 = arith.constant 0 : i32
      %ne3A_3478 = arith.cmpi ne, %rem3A_3476, %ne3A_3477 : i32
      %and3A_3479 = arith.andi %ne3A_3475, %ne3A_3478 : i1
      %sub3A_3480 = arith.constant 1 : i32
      %sub3A_3481 = arith.subi %div3A_3460, %sub3A_3480 : i32
      %select_n3A_3482 = arith.select %and3A_3479, %sub3A_3481, %div3A_3460 : i32
      %jit3A_3483 = arith.constant 16384 : i32
      %eq3A_3484 = arith.constant 0 : i32
      %eq3A_3485 = arith.cmpi eq, %jit3A_3483, %eq3A_3484 : i32
      %jit3A_3486 = arith.constant 1 : i32
      %select_n3A_3487 = arith.select %eq3A_3485, %jit3A_3486, %jit3A_3483 : i32
      %rem3A_3488 = arith.remsi %add3A_3458, %select_n3A_3487 : i32
      %ne3A_3489 = arith.constant 0 : i32
      %ne3A_3490 = arith.cmpi ne, %rem3A_3488, %ne3A_3489 : i32
      %lt3A_3491 = arith.constant 0 : i32
      %lt3A_3492 = arith.cmpi slt, %rem3A_3488, %lt3A_3491 : i32
      %lt3A_3493 = arith.constant 0 : i32
      %lt3A_3494 = arith.cmpi slt, %select_n3A_3487, %lt3A_3493 : i32
      %ne3A_3495 = arith.xori %lt3A_3492, %lt3A_3494 : i1
      %and3A_3496 = arith.andi %ne3A_3495, %ne3A_3490 : i1
      %add3A_3497 = arith.addi %rem3A_3488, %select_n3A_3487 : i32
      %select_n3A_3498 = arith.select %and3A_3496, %add3A_3497, %rem3A_3488 : i32
      %dma_start3A_3499 = arith.constant 3 : i32
      %dma_start3A_3500 = arith.constant 0 : i32
      %dma_start3A_3501 = arith.constant 0 : i32
      %dma_start3A_3502 = tpu.memref_slice %arg6[%dma_start3A_3499, %dma_start3A_3500, %dma_start3A_3501] : memref<6x128x128xf32, #tpu.memory_space<vmem>> -> memref<1x128x128xf32, #tpu.memory_space<vmem>>
      %dma_start3A_3503 = tpu.memref_squeeze %dma_start3A_3502 : memref<1x128x128xf32, #tpu.memory_space<vmem>> -> memref<128x128xf32, #tpu.memory_space<vmem>>
      %dma_start3A_3504 = arith.constant 0 : i32
      %dma_start3A_3505 = arith.constant 0 : i32
      %dma_start3A_3506 = tpu.memref_slice %arg4[%select_n3A_3482, %dma_start3A_3504, %dma_start3A_3505] : memref<26x16384x128xf32, #tpu.memory_space<hbm>> -> memref<1x16384x128xf32, #tpu.memory_space<hbm>>
      %dma_start3A_3507 = tpu.memref_squeeze %dma_start3A_3506 : memref<1x16384x128xf32, #tpu.memory_space<hbm>> -> memref<16384x128xf32, #tpu.memory_space<hbm>>
      %dma_start3A_3508 = arith.constant 0 : i32
      %dma_start3A_3509 = tpu.memref_slice %dma_start3A_3507[%select_n3A_3498, %dma_start3A_3508] : memref<16384x128xf32, #tpu.memory_space<hbm>> -> memref<128x128xf32, #tpu.memory_space<hbm>>
      %dma_start3A_3510 = arith.constant 0 : i32
      %dma_start3A_3511 = arith.constant 0 : i32
      %dma_start3A_3512 = tpu.memref_slice %arg4[%select_n3A_3482, %dma_start3A_3510, %dma_start3A_3511] : memref<26x16384x128xf32, #tpu.memory_space<hbm>> -> memref<1x16384x128xf32, #tpu.memory_space<hbm>>
      %dma_start3A_3513 = tpu.memref_squeeze %dma_start3A_3512 : memref<1x16384x128xf32, #tpu.memory_space<hbm>> -> memref<16384x128xf32, #tpu.memory_space<hbm>>
      %dma_start3A_3514 = arith.constant 0 : i32
      %dma_start3A_3515 = tpu.memref_slice %dma_start3A_3513[%select_n3A_3498, %dma_start3A_3514] : memref<16384x128xf32, #tpu.memory_space<hbm>> -> memref<128x128xf32, #tpu.memory_space<hbm>>
      %dma_start3A_3516 = arith.constant 0 : i32
      %dma_start3A_3517 = arith.constant 0 : i32
      %dma_start3A_3518 = tpu.memref_slice %arg6[%dma_start3A_3499, %dma_start3A_3516, %dma_start3A_3517] : memref<6x128x128xf32, #tpu.memory_space<vmem>> -> memref<1x128x128xf32, #tpu.memory_space<vmem>>
      %dma_start3A_3519 = tpu.memref_squeeze %dma_start3A_3518 : memref<1x128x128xf32, #tpu.memory_space<vmem>> -> memref<128x128xf32, #tpu.memory_space<vmem>>
      tpu.enqueue_dma source(%dma_start3A_3519 : memref<128x128xf32, #tpu.memory_space<vmem>>) target(%dma_start3A_3515 : memref<128x128xf32, #tpu.memory_space<hbm>>) target_semaphore(%arg8 : memref<!tpu.dma_semaphore, #tpu.memory_space<semaphore_mem>>)
      %sub3A_3520 = arith.constant 3 : i32
      %sub3A_3521 = arith.subi %add3A_3444, %sub3A_3520 : i32
      %mul3A_3522 = arith.constant 128 : i32
      %mul3A_3523 = arith.muli %sub3A_3521, %mul3A_3522 : i32
      %add3A_3524 = arith.addi %mul3A_2, %mul3A_3523 : i32
      %jit3A_3525 = arith.constant 16384 : i32
      %div3A_3526 = arith.divsi %add3A_3524, %jit3A_3525 : i32
      %sign3A_3527 = arith.constant 0 : i32
      %sign3A_3528 = arith.cmpi sgt, %add3A_3524, %sign3A_3527 : i32
      %sign3A_3529 = arith.extui %sign3A_3528 : i1 to i32
      %sign3A_3530 = arith.constant 0 : i32
      %sign3A_3531 = arith.cmpi slt, %add3A_3524, %sign3A_3530 : i32
      %sign3A_3532 = arith.extui %sign3A_3531 : i1 to i32
      %sign3A_3533 = arith.subi %sign3A_3529, %sign3A_3532 : i32
      %sign3A_3534 = arith.constant 0 : i32
      %sign3A_3535 = arith.cmpi sgt, %jit3A_3525, %sign3A_3534 : i32
      %sign3A_3536 = arith.extui %sign3A_3535 : i1 to i32
      %sign3A_3537 = arith.constant 0 : i32
      %sign3A_3538 = arith.cmpi slt, %jit3A_3525, %sign3A_3537 : i32
      %sign3A_3539 = arith.extui %sign3A_3538 : i1 to i32
      %sign3A_3540 = arith.subi %sign3A_3536, %sign3A_3539 : i32
      %ne3A_3541 = arith.cmpi ne, %sign3A_3533, %sign3A_3540 : i32
      %rem3A_3542 = arith.remsi %add3A_3524, %jit3A_3525 : i32
      %ne3A_3543 = arith.constant 0 : i32
      %ne3A_3544 = arith.cmpi ne, %rem3A_3542, %ne3A_3543 : i32
      %and3A_3545 = arith.andi %ne3A_3541, %ne3A_3544 : i1
      %sub3A_3546 = arith.constant 1 : i32
      %sub3A_3547 = arith.subi %div3A_3526, %sub3A_3546 : i32
      %select_n3A_3548 = arith.select %and3A_3545, %sub3A_3547, %div3A_3526 : i32
      %jit3A_3549 = arith.constant 16384 : i32
      %eq3A_3550 = arith.constant 0 : i32
      %eq3A_3551 = arith.cmpi eq, %jit3A_3549, %eq3A_3550 : i32
      %jit3A_3552 = arith.constant 1 : i32
      %select_n3A_3553 = arith.select %eq3A_3551, %jit3A_3552, %jit3A_3549 : i32
      %rem3A_3554 = arith.remsi %add3A_3524, %select_n3A_3553 : i32
      %ne3A_3555 = arith.constant 0 : i32
      %ne3A_3556 = arith.cmpi ne, %rem3A_3554, %ne3A_3555 : i32
      %lt3A_3557 = arith.constant 0 : i32
      %lt3A_3558 = arith.cmpi slt, %rem3A_3554, %lt3A_3557 : i32
      %lt3A_3559 = arith.constant 0 : i32
      %lt3A_3560 = arith.cmpi slt, %select_n3A_3553, %lt3A_3559 : i32
      %ne3A_3561 = arith.xori %lt3A_3558, %lt3A_3560 : i1
      %and3A_3562 = arith.andi %ne3A_3561, %ne3A_3556 : i1
      %add3A_3563 = arith.addi %rem3A_3554, %select_n3A_3553 : i32
      %select_n3A_3564 = arith.select %and3A_3562, %add3A_3563, %rem3A_3554 : i32
      %dma_wait3A_3565 = arith.constant 0 : i32
      %dma_wait3A_3566 = arith.constant 0 : i32
      %dma_wait3A_3567 = arith.constant 0 : i32
      %dma_wait3A_3568 = tpu.memref_slice %arg6[%dma_wait3A_3565, %dma_wait3A_3566, %dma_wait3A_3567] : memref<6x128x128xf32, #tpu.memory_space<vmem>> -> memref<1x128x128xf32, #tpu.memory_space<vmem>>
      %dma_wait3A_3569 = tpu.memref_squeeze %dma_wait3A_3568 : memref<1x128x128xf32, #tpu.memory_space<vmem>> -> memref<128x128xf32, #tpu.memory_space<vmem>>
      %dma_wait3A_3570 = arith.constant 0 : i32
      %dma_wait3A_3571 = arith.constant 0 : i32
      %dma_wait3A_3572 = tpu.memref_slice %arg4[%select_n3A_3548, %dma_wait3A_3570, %dma_wait3A_3571] : memref<26x16384x128xf32, #tpu.memory_space<hbm>> -> memref<1x16384x128xf32, #tpu.memory_space<hbm>>
      %dma_wait3A_3573 = tpu.memref_squeeze %dma_wait3A_3572 : memref<1x16384x128xf32, #tpu.memory_space<hbm>> -> memref<16384x128xf32, #tpu.memory_space<hbm>>
      %dma_wait3A_3574 = arith.constant 0 : i32
      %dma_wait3A_3575 = tpu.memref_slice %dma_wait3A_3573[%select_n3A_3564, %dma_wait3A_3574] : memref<16384x128xf32, #tpu.memory_space<hbm>> -> memref<128x128xf32, #tpu.memory_space<hbm>>
      %dma_wait3A_3576 = arith.constant 0 : i32
      %dma_wait3A_3577 = arith.constant 0 : i32
      %dma_wait3A_3578 = tpu.memref_slice %arg4[%select_n3A_3548, %dma_wait3A_3576, %dma_wait3A_3577] : memref<26x16384x128xf32, #tpu.memory_space<hbm>> -> memref<1x16384x128xf32, #tpu.memory_space<hbm>>
      %dma_wait3A_3579 = tpu.memref_squeeze %dma_wait3A_3578 : memref<1x16384x128xf32, #tpu.memory_space<hbm>> -> memref<16384x128xf32, #tpu.memory_space<hbm>>
      %dma_wait3A_3580 = arith.constant 0 : i32
      %dma_wait3A_3581 = tpu.memref_slice %dma_wait3A_3579[%select_n3A_3564, %dma_wait3A_3580] : memref<16384x128xf32, #tpu.memory_space<hbm>> -> memref<128x128xf32, #tpu.memory_space<hbm>>
      %dma_wait3A_3582 = arith.constant 0 : i32
      %dma_wait3A_3583 = arith.constant 0 : i32
      %dma_wait3A_3584 = tpu.memref_slice %arg6[%dma_wait3A_3565, %dma_wait3A_3582, %dma_wait3A_3583] : memref<6x128x128xf32, #tpu.memory_space<vmem>> -> memref<1x128x128xf32, #tpu.memory_space<vmem>>
      %dma_wait3A_3585 = tpu.memref_squeeze %dma_wait3A_3584 : memref<1x128x128xf32, #tpu.memory_space<vmem>> -> memref<128x128xf32, #tpu.memory_space<vmem>>
      tpu.wait_dma2 semaphore(%arg8 : memref<!tpu.dma_semaphore, #tpu.memory_space<semaphore_mem>>) src(%dma_wait3A_3585 : memref<128x128xf32, #tpu.memory_space<vmem>>) dst(%dma_wait3A_3581 : memref<128x128xf32, #tpu.memory_space<hbm>>)
      %add3A_3586 = arith.constant 6 : i32
      %add3A_3587 = arith.addi %add3A_3444, %add3A_3586 : i32
      %mul3A_3588 = arith.constant 128 : i32
      %mul3A_3589 = arith.muli %add3A_3587, %mul3A_3588 : i32
      %add3A_3590 = arith.addi %mul3A_2, %mul3A_3589 : i32
      %jit3A_3591 = arith.constant 16384 : i32
      %div3A_3592 = arith.divsi %add3A_3590, %jit3A_3591 : i32
      %sign3A_3593 = arith.constant 0 : i32
      %sign3A_3594 = arith.cmpi sgt, %add3A_3590, %sign3A_3593 : i32
      %sign3A_3595 = arith.extui %sign3A_3594 : i1 to i32
      %sign3A_3596 = arith.constant 0 : i32
      %sign3A_3597 = arith.cmpi slt, %add3A_3590, %sign3A_3596 : i32
      %sign3A_3598 = arith.extui %sign3A_3597 : i1 to i32
      %sign3A_3599 = arith.subi %sign3A_3595, %sign3A_3598 : i32
      %sign3A_3600 = arith.constant 0 : i32
      %sign3A_3601 = arith.cmpi sgt, %jit3A_3591, %sign3A_3600 : i32
      %sign3A_3602 = arith.extui %sign3A_3601 : i1 to i32
      %sign3A_3603 = arith.constant 0 : i32
      %sign3A_3604 = arith.cmpi slt, %jit3A_3591, %sign3A_3603 : i32
      %sign3A_3605 = arith.extui %sign3A_3604 : i1 to i32
      %sign3A_3606 = arith.subi %sign3A_3602, %sign3A_3605 : i32
      %ne3A_3607 = arith.cmpi ne, %sign3A_3599, %sign3A_3606 : i32
      %rem3A_3608 = arith.remsi %add3A_3590, %jit3A_3591 : i32
      %ne3A_3609 = arith.constant 0 : i32
      %ne3A_3610 = arith.cmpi ne, %rem3A_3608, %ne3A_3609 : i32
      %and3A_3611 = arith.andi %ne3A_3607, %ne3A_3610 : i1
      %sub3A_3612 = arith.constant 1 : i32
      %sub3A_3613 = arith.subi %div3A_3592, %sub3A_3612 : i32
      %select_n3A_3614 = arith.select %and3A_3611, %sub3A_3613, %div3A_3592 : i32
      %mul3A_3615 = arith.constant 1000 : i32
      %mul3A_3616 = arith.muli %select_n3A_3614, %mul3A_3615 : i32
      %mul3A_3617 = arith.constant 128 : i32
      %mul3A_3618 = arith.muli %add3A_3587, %mul3A_3617 : i32
      %add3A_3619 = arith.constant 0 : i32
      %add3A_3620 = arith.addi %mul3A_3618, %add3A_3619 : i32
      %get3A_3621 = arith.index_cast %add3A_3620 : i32 to index
      %get3A_3622 = tpu.vector_load %arg5[%get3A_3621] {strides = array<i32>} : memref<13312xi32, #tpu.memory_space<vmem>>, vector<16xi32>,
      %get3A_3623 = vector.shape_cast %get3A_3622 : vector<16xi32> to vector<16xi32>
      %add3A_3624 = vector.broadcast %mul3A_3616 : i32 to vector<16xi32>
      %add3A_3625 = arith.addi %get3A_3623, %add3A_3624 : vector<16xi32>
      %swap3A_3626 = arith.index_cast %add3A_3620 : i32 to index
      %swap3A_3627 = tpu.vector_load %arg5[%swap3A_3626] {strides = array<i32>} : memref<13312xi32, #tpu.memory_space<vmem>>, vector<16xi32>,
      %swap3A_3628 = vector.shape_cast %swap3A_3627 : vector<16xi32> to vector<16xi32>
      %swap3A_3629 = vector.shape_cast %add3A_3625 : vector<16xi32> to vector<16xi32>
      tpu.vector_store %arg5[%swap3A_3626], %swap3A_3629 {strides = array<i32>} : memref<13312xi32, #tpu.memory_space<vmem>>, vector<16xi32>,
      %mul3A_3630 = arith.constant 128 : i32
      %mul3A_3631 = arith.muli %add3A_3587, %mul3A_3630 : i32
      %add3A_3632 = arith.constant 16 : i32
      %add3A_3633 = arith.addi %mul3A_3631, %add3A_3632 : i32
      %get3A_3634 = arith.index_cast %add3A_3633 : i32 to index
      %get3A_3635 = tpu.vector_load %arg5[%get3A_3634] {strides = array<i32>} : memref<13312xi32, #tpu.memory_space<vmem>>, vector<16xi32>,
      %get3A_3636 = vector.shape_cast %get3A_3635 : vector<16xi32> to vector<16xi32>
      %add3A_3637 = vector.broadcast %mul3A_3616 : i32 to vector<16xi32>
      %add3A_3638 = arith.addi %get3A_3636, %add3A_3637 : vector<16xi32>
      %swap3A_3639 = arith.index_cast %add3A_3633 : i32 to index
      %swap3A_3640 = tpu.vector_load %arg5[%swap3A_3639] {strides = array<i32>} : memref<13312xi32, #tpu.memory_space<vmem>>, vector<16xi32>,
      %swap3A_3641 = vector.shape_cast %swap3A_3640 : vector<16xi32> to vector<16xi32>
      %swap3A_3642 = vector.shape_cast %add3A_3638 : vector<16xi32> to vector<16xi32>
      tpu.vector_store %arg5[%swap3A_3639], %swap3A_3642 {strides = array<i32>} : memref<13312xi32, #tpu.memory_space<vmem>>, vector<16xi32>,
      %mul3A_3643 = arith.constant 128 : i32
      %mul3A_3644 = arith.muli %add3A_3587, %mul3A_3643 : i32
      %add3A_3645 = arith.constant 32 : i32
      %add3A_3646 = arith.addi %mul3A_3644, %add3A_3645 : i32
      %get3A_3647 = arith.index_cast %add3A_3646 : i32 to index
      %get3A_3648 = tpu.vector_load %arg5[%get3A_3647] {strides = array<i32>} : memref<13312xi32, #tpu.memory_space<vmem>>, vector<16xi32>,
      %get3A_3649 = vector.shape_cast %get3A_3648 : vector<16xi32> to vector<16xi32>
      %add3A_3650 = vector.broadcast %mul3A_3616 : i32 to vector<16xi32>
      %add3A_3651 = arith.addi %get3A_3649, %add3A_3650 : vector<16xi32>
      %swap3A_3652 = arith.index_cast %add3A_3646 : i32 to index
      %swap3A_3653 = tpu.vector_load %arg5[%swap3A_3652] {strides = array<i32>} : memref<13312xi32, #tpu.memory_space<vmem>>, vector<16xi32>,
      %swap3A_3654 = vector.shape_cast %swap3A_3653 : vector<16xi32> to vector<16xi32>
      %swap3A_3655 = vector.shape_cast %add3A_3651 : vector<16xi32> to vector<16xi32>
      tpu.vector_store %arg5[%swap3A_3652], %swap3A_3655 {strides = array<i32>} : memref<13312xi32, #tpu.memory_space<vmem>>, vector<16xi32>,
      %mul3A_3656 = arith.constant 128 : i32
      %mul3A_3657 = arith.muli %add3A_3587, %mul3A_3656 : i32
      %add3A_3658 = arith.constant 48 : i32
      %add3A_3659 = arith.addi %mul3A_3657, %add3A_3658 : i32
      %get3A_3660 = arith.index_cast %add3A_3659 : i32 to index
      %get3A_3661 = tpu.vector_load %arg5[%get3A_3660] {strides = array<i32>} : memref<13312xi32, #tpu.memory_space<vmem>>, vector<16xi32>,
      %get3A_3662 = vector.shape_cast %get3A_3661 : vector<16xi32> to vector<16xi32>
      %add3A_3663 = vector.broadcast %mul3A_3616 : i32 to vector<16xi32>
      %add3A_3664 = arith.addi %get3A_3662, %add3A_3663 : vector<16xi32>
      %swap3A_3665 = arith.index_cast %add3A_3659 : i32 to index
      %swap3A_3666 = tpu.vector_load %arg5[%swap3A_3665] {strides = array<i32>} : memref<13312xi32, #tpu.memory_space<vmem>>, vector<16xi32>,
      %swap3A_3667 = vector.shape_cast %swap3A_3666 : vector<16xi32> to vector<16xi32>
      %swap3A_3668 = vector.shape_cast %add3A_3664 : vector<16xi32> to vector<16xi32>
      tpu.vector_store %arg5[%swap3A_3665], %swap3A_3668 {strides = array<i32>} : memref<13312xi32, #tpu.memory_space<vmem>>, vector<16xi32>,
      %mul3A_3669 = arith.constant 128 : i32
      %mul3A_3670 = arith.muli %add3A_3587, %mul3A_3669 : i32
      %add3A_3671 = arith.constant 64 : i32
      %add3A_3672 = arith.addi %mul3A_3670, %add3A_3671 : i32
      %get3A_3673 = arith.index_cast %add3A_3672 : i32 to index
      %get3A_3674 = tpu.vector_load %arg5[%get3A_3673] {strides = array<i32>} : memref<13312xi32, #tpu.memory_space<vmem>>, vector<16xi32>,
      %get3A_3675 = vector.shape_cast %get3A_3674 : vector<16xi32> to vector<16xi32>
      %add3A_3676 = vector.broadcast %mul3A_3616 : i32 to vector<16xi32>
      %add3A_3677 = arith.addi %get3A_3675, %add3A_3676 : vector<16xi32>
      %swap3A_3678 = arith.index_cast %add3A_3672 : i32 to index
      %swap3A_3679 = tpu.vector_load %arg5[%swap3A_3678] {strides = array<i32>} : memref<13312xi32, #tpu.memory_space<vmem>>, vector<16xi32>,
      %swap3A_3680 = vector.shape_cast %swap3A_3679 : vector<16xi32> to vector<16xi32>
      %swap3A_3681 = vector.shape_cast %add3A_3677 : vector<16xi32> to vector<16xi32>
      tpu.vector_store %arg5[%swap3A_3678], %swap3A_3681 {strides = array<i32>} : memref<13312xi32, #tpu.memory_space<vmem>>, vector<16xi32>,
      %mul3A_3682 = arith.constant 128 : i32
      %mul3A_3683 = arith.muli %add3A_3587, %mul3A_3682 : i32
      %add3A_3684 = arith.constant 80 : i32
      %add3A_3685 = arith.addi %mul3A_3683, %add3A_3684 : i32
      %get3A_3686 = arith.index_cast %add3A_3685 : i32 to index
      %get3A_3687 = tpu.vector_load %arg5[%get3A_3686] {strides = array<i32>} : memref<13312xi32, #tpu.memory_space<vmem>>, vector<16xi32>,
      %get3A_3688 = vector.shape_cast %get3A_3687 : vector<16xi32> to vector<16xi32>
      %add3A_3689 = vector.broadcast %mul3A_3616 : i32 to vector<16xi32>
      %add3A_3690 = arith.addi %get3A_3688, %add3A_3689 : vector<16xi32>
      %swap3A_3691 = arith.index_cast %add3A_3685 : i32 to index
      %swap3A_3692 = tpu.vector_load %arg5[%swap3A_3691] {strides = array<i32>} : memref<13312xi32, #tpu.memory_space<vmem>>, vector<16xi32>,
      %swap3A_3693 = vector.shape_cast %swap3A_3692 : vector<16xi32> to vector<16xi32>
      %swap3A_3694 = vector.shape_cast %add3A_3690 : vector<16xi32> to vector<16xi32>
      tpu.vector_store %arg5[%swap3A_3691], %swap3A_3694 {strides = array<i32>} : memref<13312xi32, #tpu.memory_space<vmem>>, vector<16xi32>,
      %mul3A_3695 = arith.constant 128 : i32
      %mul3A_3696 = arith.muli %add3A_3587, %mul3A_3695 : i32
      %add3A_3697 = arith.constant 96 : i32
      %add3A_3698 = arith.addi %mul3A_3696, %add3A_3697 : i32
      %get3A_3699 = arith.index_cast %add3A_3698 : i32 to index
      %get3A_3700 = tpu.vector_load %arg5[%get3A_3699] {strides = array<i32>} : memref<13312xi32, #tpu.memory_space<vmem>>, vector<16xi32>,
      %get3A_3701 = vector.shape_cast %get3A_3700 : vector<16xi32> to vector<16xi32>
      %add3A_3702 = vector.broadcast %mul3A_3616 : i32 to vector<16xi32>
      %add3A_3703 = arith.addi %get3A_3701, %add3A_3702 : vector<16xi32>
      %swap3A_3704 = arith.index_cast %add3A_3698 : i32 to index
      %swap3A_3705 = tpu.vector_load %arg5[%swap3A_3704] {strides = array<i32>} : memref<13312xi32, #tpu.memory_space<vmem>>, vector<16xi32>,
      %swap3A_3706 = vector.shape_cast %swap3A_3705 : vector<16xi32> to vector<16xi32>
      %swap3A_3707 = vector.shape_cast %add3A_3703 : vector<16xi32> to vector<16xi32>
      tpu.vector_store %arg5[%swap3A_3704], %swap3A_3707 {strides = array<i32>} : memref<13312xi32, #tpu.memory_space<vmem>>, vector<16xi32>,
      %mul3A_3708 = arith.constant 128 : i32
      %mul3A_3709 = arith.muli %add3A_3587, %mul3A_3708 : i32
      %add3A_3710 = arith.constant 112 : i32
      %add3A_3711 = arith.addi %mul3A_3709, %add3A_3710 : i32
      %get3A_3712 = arith.index_cast %add3A_3711 : i32 to index
      %get3A_3713 = tpu.vector_load %arg5[%get3A_3712] {strides = array<i32>} : memref<13312xi32, #tpu.memory_space<vmem>>, vector<16xi32>,
      %get3A_3714 = vector.shape_cast %get3A_3713 : vector<16xi32> to vector<16xi32>
      %add3A_3715 = vector.broadcast %mul3A_3616 : i32 to vector<16xi32>
      %add3A_3716 = arith.addi %get3A_3714, %add3A_3715 : vector<16xi32>
      %swap3A_3717 = arith.index_cast %add3A_3711 : i32 to index
      %swap3A_3718 = tpu.vector_load %arg5[%swap3A_3717] {strides = array<i32>} : memref<13312xi32, #tpu.memory_space<vmem>>, vector<16xi32>,
      %swap3A_3719 = vector.shape_cast %swap3A_3718 : vector<16xi32> to vector<16xi32>
      %swap3A_3720 = vector.shape_cast %add3A_3716 : vector<16xi32> to vector<16xi32>
      tpu.vector_store %arg5[%swap3A_3717], %swap3A_3720 {strides = array<i32>} : memref<13312xi32, #tpu.memory_space<vmem>>, vector<16xi32>,
      %add3A_3721 = arith.constant 3 : i32
      %add3A_3722 = arith.addi %add3A_3444, %add3A_3721 : i32
      %mul3A_3723 = arith.constant 128 : i32
      %mul3A_3724 = arith.muli %add3A_3722, %mul3A_3723 : i32
      %dma_start3A_3725 = arith.constant 0 : i32
      %dma_start3A_3726 = arith.constant 0 : i32
      %dma_start3A_3727 = arith.constant 0 : i32
      %dma_start3A_3728 = tpu.memref_slice %arg6[%dma_start3A_3725, %dma_start3A_3726, %dma_start3A_3727] : memref<6x128x128xf32, #tpu.memory_space<vmem>> -> memref<1x128x128xf32, #tpu.memory_space<vmem>>
      %dma_start3A_3729 = tpu.memref_squeeze %dma_start3A_3728 : memref<1x128x128xf32, #tpu.memory_space<vmem>> -> memref<128x128xf32, #tpu.memory_space<vmem>>
      %dma_start3A_3730 = tpu.memref_slice %arg5[%mul3A_3724] : memref<13312xi32, #tpu.memory_space<vmem>> -> memref<128xi32, #tpu.memory_space<vmem>>
      %dma_start3A_3731 = arith.constant 0 : i32
      %dma_start3A_3732 = arith.constant 0 : i32
      %dma_start3A_3733 = tpu.memref_slice %arg3[%dma_start3A_3731, %dma_start3A_3732] : memref<26000x128xf32, #tpu.memory_space<hbm>> -> memref<26000x128xf32, #tpu.memory_space<hbm>>
      tpu.enqueue_indirect_dma source(%dma_start3A_3733 : memref<26000x128xf32, #tpu.memory_space<hbm>>) target(%dma_start3A_3729 : memref<128x128xf32, #tpu.memory_space<vmem>>) offsets(%dma_start3A_3730 : memref<128xi32, #tpu.memory_space<vmem>>) semaphore(%arg7 : memref<!tpu.dma_semaphore, #tpu.memory_space<semaphore_mem>>)
      %mul3A_3734 = arith.constant 6 : i32
      %mul3A_3735 = arith.muli %scan3A_3438, %mul3A_3734 : i32
      %add3A_3736 = arith.constant 3 : i32
      %add3A_3737 = arith.addi %add3A_3736, %mul3A_3735 : i32
      %add3A_3738 = arith.constant 1 : i32
      %add3A_3739 = arith.addi %add3A_3737, %add3A_3738 : i32
      %mul3A_3740 = arith.constant 128 : i32
      %mul3A_3741 = arith.muli %add3A_3739, %mul3A_3740 : i32
      %dma_wait3A_3742 = arith.constant 4 : i32
      %dma_wait3A_3743 = arith.constant 0 : i32
      %dma_wait3A_3744 = arith.constant 0 : i32
      %dma_wait3A_3745 = tpu.memref_slice %arg6[%dma_wait3A_3742, %dma_wait3A_3743, %dma_wait3A_3744] : memref<6x128x128xf32, #tpu.memory_space<vmem>> -> memref<1x128x128xf32, #tpu.memory_space<vmem>>
      %dma_wait3A_3746 = tpu.memref_squeeze %dma_wait3A_3745 : memref<1x128x128xf32, #tpu.memory_space<vmem>> -> memref<128x128xf32, #tpu.memory_space<vmem>>
      %dma_wait3A_3747 = tpu.memref_slice %arg5[%mul3A_3741] : memref<13312xi32, #tpu.memory_space<vmem>> -> memref<128xi32, #tpu.memory_space<vmem>>
      %dma_wait3A_3748 = arith.constant 0 : i32
      %dma_wait3A_3749 = arith.constant 0 : i32
      %dma_wait3A_3750 = tpu.memref_slice %arg3[%dma_wait3A_3748, %dma_wait3A_3749] : memref<26000x128xf32, #tpu.memory_space<hbm>> -> memref<26000x128xf32, #tpu.memory_space<hbm>>
      tpu.wait_indirect_dma semaphore(%arg7 : memref<!tpu.dma_semaphore, #tpu.memory_space<semaphore_mem>>) src(%dma_wait3A_3750 : memref<26000x128xf32, #tpu.memory_space<hbm>>) dst(%dma_wait3A_3746 : memref<128x128xf32, #tpu.memory_space<vmem>>)
      %mul3A_3751 = arith.constant 128 : i32
      %mul3A_3752 = arith.muli %add3A_3739, %mul3A_3751 : i32
      %add3A_3753 = arith.addi %mul3A_2, %mul3A_3752 : i32
      %jit3A_3754 = arith.constant 16384 : i32
      %div3A_3755 = arith.divsi %add3A_3753, %jit3A_3754 : i32
      %sign3A_3756 = arith.constant 0 : i32
      %sign3A_3757 = arith.cmpi sgt, %add3A_3753, %sign3A_3756 : i32
      %sign3A_3758 = arith.extui %sign3A_3757 : i1 to i32
      %sign3A_3759 = arith.constant 0 : i32
      %sign3A_3760 = arith.cmpi slt, %add3A_3753, %sign3A_3759 : i32
      %sign3A_3761 = arith.extui %sign3A_3760 : i1 to i32
      %sign3A_3762 = arith.subi %sign3A_3758, %sign3A_3761 : i32
      %sign3A_3763 = arith.constant 0 : i32
      %sign3A_3764 = arith.cmpi sgt, %jit3A_3754, %sign3A_3763 : i32
      %sign3A_3765 = arith.extui %sign3A_3764 : i1 to i32
      %sign3A_3766 = arith.constant 0 : i32
      %sign3A_3767 = arith.cmpi slt, %jit3A_3754, %sign3A_3766 : i32
      %sign3A_3768 = arith.extui %sign3A_3767 : i1 to i32
      %sign3A_3769 = arith.subi %sign3A_3765, %sign3A_3768 : i32
      %ne3A_3770 = arith.cmpi ne, %sign3A_3762, %sign3A_3769 : i32
      %rem3A_3771 = arith.remsi %add3A_3753, %jit3A_3754 : i32
      %ne3A_3772 = arith.constant 0 : i32
      %ne3A_3773 = arith.cmpi ne, %rem3A_3771, %ne3A_3772 : i32
      %and3A_3774 = arith.andi %ne3A_3770, %ne3A_3773 : i1
      %sub3A_3775 = arith.constant 1 : i32
      %sub3A_3776 = arith.subi %div3A_3755, %sub3A_3775 : i32
      %select_n3A_3777 = arith.select %and3A_3774, %sub3A_3776, %div3A_3755 : i32
      %jit3A_3778 = arith.constant 16384 : i32
      %eq3A_3779 = arith.constant 0 : i32
      %eq3A_3780 = arith.cmpi eq, %jit3A_3778, %eq3A_3779 : i32
      %jit3A_3781 = arith.constant 1 : i32
      %select_n3A_3782 = arith.select %eq3A_3780, %jit3A_3781, %jit3A_3778 : i32
      %rem3A_3783 = arith.remsi %add3A_3753, %select_n3A_3782 : i32
      %ne3A_3784 = arith.constant 0 : i32
      %ne3A_3785 = arith.cmpi ne, %rem3A_3783, %ne3A_3784 : i32
      %lt3A_3786 = arith.constant 0 : i32
      %lt3A_3787 = arith.cmpi slt, %rem3A_3783, %lt3A_3786 : i32
      %lt3A_3788 = arith.constant 0 : i32
      %lt3A_3789 = arith.cmpi slt, %select_n3A_3782, %lt3A_3788 : i32
      %ne3A_3790 = arith.xori %lt3A_3787, %lt3A_3789 : i1
      %and3A_3791 = arith.andi %ne3A_3790, %ne3A_3785 : i1
      %add3A_3792 = arith.addi %rem3A_3783, %select_n3A_3782 : i32
      %select_n3A_3793 = arith.select %and3A_3791, %add3A_3792, %rem3A_3783 : i32
      %dma_start3A_3794 = arith.constant 4 : i32
      %dma_start3A_3795 = arith.constant 0 : i32
      %dma_start3A_3796 = arith.constant 0 : i32
      %dma_start3A_3797 = tpu.memref_slice %arg6[%dma_start3A_3794, %dma_start3A_3795, %dma_start3A_3796] : memref<6x128x128xf32, #tpu.memory_space<vmem>> -> memref<1x128x128xf32, #tpu.memory_space<vmem>>
      %dma_start3A_3798 = tpu.memref_squeeze %dma_start3A_3797 : memref<1x128x128xf32, #tpu.memory_space<vmem>> -> memref<128x128xf32, #tpu.memory_space<vmem>>
      %dma_start3A_3799 = arith.constant 0 : i32
      %dma_start3A_3800 = arith.constant 0 : i32
      %dma_start3A_3801 = tpu.memref_slice %arg4[%select_n3A_3777, %dma_start3A_3799, %dma_start3A_3800] : memref<26x16384x128xf32, #tpu.memory_space<hbm>> -> memref<1x16384x128xf32, #tpu.memory_space<hbm>>
      %dma_start3A_3802 = tpu.memref_squeeze %dma_start3A_3801 : memref<1x16384x128xf32, #tpu.memory_space<hbm>> -> memref<16384x128xf32, #tpu.memory_space<hbm>>
      %dma_start3A_3803 = arith.constant 0 : i32
      %dma_start3A_3804 = tpu.memref_slice %dma_start3A_3802[%select_n3A_3793, %dma_start3A_3803] : memref<16384x128xf32, #tpu.memory_space<hbm>> -> memref<128x128xf32, #tpu.memory_space<hbm>>
      %dma_start3A_3805 = arith.constant 0 : i32
      %dma_start3A_3806 = arith.constant 0 : i32
      %dma_start3A_3807 = tpu.memref_slice %arg4[%select_n3A_3777, %dma_start3A_3805, %dma_start3A_3806] : memref<26x16384x128xf32, #tpu.memory_space<hbm>> -> memref<1x16384x128xf32, #tpu.memory_space<hbm>>
      %dma_start3A_3808 = tpu.memref_squeeze %dma_start3A_3807 : memref<1x16384x128xf32, #tpu.memory_space<hbm>> -> memref<16384x128xf32, #tpu.memory_space<hbm>>
      %dma_start3A_3809 = arith.constant 0 : i32
      %dma_start3A_3810 = tpu.memref_slice %dma_start3A_3808[%select_n3A_3793, %dma_start3A_3809] : memref<16384x128xf32, #tpu.memory_space<hbm>> -> memref<128x128xf32, #tpu.memory_space<hbm>>
      %dma_start3A_3811 = arith.constant 0 : i32
      %dma_start3A_3812 = arith.constant 0 : i32
      %dma_start3A_3813 = tpu.memref_slice %arg6[%dma_start3A_3794, %dma_start3A_3811, %dma_start3A_3812] : memref<6x128x128xf32, #tpu.memory_space<vmem>> -> memref<1x128x128xf32, #tpu.memory_space<vmem>>
      %dma_start3A_3814 = tpu.memref_squeeze %dma_start3A_3813 : memref<1x128x128xf32, #tpu.memory_space<vmem>> -> memref<128x128xf32, #tpu.memory_space<vmem>>
      tpu.enqueue_dma source(%dma_start3A_3814 : memref<128x128xf32, #tpu.memory_space<vmem>>) target(%dma_start3A_3810 : memref<128x128xf32, #tpu.memory_space<hbm>>) target_semaphore(%arg8 : memref<!tpu.dma_semaphore, #tpu.memory_space<semaphore_mem>>)
      %sub3A_3815 = arith.constant 3 : i32
      %sub3A_3816 = arith.subi %add3A_3739, %sub3A_3815 : i32
      %mul3A_3817 = arith.constant 128 : i32
      %mul3A_3818 = arith.muli %sub3A_3816, %mul3A_3817 : i32
      %add3A_3819 = arith.addi %mul3A_2, %mul3A_3818 : i32
      %jit3A_3820 = arith.constant 16384 : i32
      %div3A_3821 = arith.divsi %add3A_3819, %jit3A_3820 : i32
      %sign3A_3822 = arith.constant 0 : i32
      %sign3A_3823 = arith.cmpi sgt, %add3A_3819, %sign3A_3822 : i32
      %sign3A_3824 = arith.extui %sign3A_3823 : i1 to i32
      %sign3A_3825 = arith.constant 0 : i32
      %sign3A_3826 = arith.cmpi slt, %add3A_3819, %sign3A_3825 : i32
      %sign3A_3827 = arith.extui %sign3A_3826 : i1 to i32
      %sign3A_3828 = arith.subi %sign3A_3824, %sign3A_3827 : i32
      %sign3A_3829 = arith.constant 0 : i32
      %sign3A_3830 = arith.cmpi sgt, %jit3A_3820, %sign3A_3829 : i32
      %sign3A_3831 = arith.extui %sign3A_3830 : i1 to i32
      %sign3A_3832 = arith.constant 0 : i32
      %sign3A_3833 = arith.cmpi slt, %jit3A_3820, %sign3A_3832 : i32
      %sign3A_3834 = arith.extui %sign3A_3833 : i1 to i32
      %sign3A_3835 = arith.subi %sign3A_3831, %sign3A_3834 : i32
      %ne3A_3836 = arith.cmpi ne, %sign3A_3828, %sign3A_3835 : i32
      %rem3A_3837 = arith.remsi %add3A_3819, %jit3A_3820 : i32
      %ne3A_3838 = arith.constant 0 : i32
      %ne3A_3839 = arith.cmpi ne, %rem3A_3837, %ne3A_3838 : i32
      %and3A_3840 = arith.andi %ne3A_3836, %ne3A_3839 : i1
      %sub3A_3841 = arith.constant 1 : i32
      %sub3A_3842 = arith.subi %div3A_3821, %sub3A_3841 : i32
      %select_n3A_3843 = arith.select %and3A_3840, %sub3A_3842, %div3A_3821 : i32
      %jit3A_3844 = arith.constant 16384 : i32
      %eq3A_3845 = arith.constant 0 : i32
      %eq3A_3846 = arith.cmpi eq, %jit3A_3844, %eq3A_3845 : i32
      %jit3A_3847 = arith.constant 1 : i32
      %select_n3A_3848 = arith.select %eq3A_3846, %jit3A_3847, %jit3A_3844 : i32
      %rem3A_3849 = arith.remsi %add3A_3819, %select_n3A_3848 : i32
      %ne3A_3850 = arith.constant 0 : i32
      %ne3A_3851 = arith.cmpi ne, %rem3A_3849, %ne3A_3850 : i32
      %lt3A_3852 = arith.constant 0 : i32
      %lt3A_3853 = arith.cmpi slt, %rem3A_3849, %lt3A_3852 : i32
      %lt3A_3854 = arith.constant 0 : i32
      %lt3A_3855 = arith.cmpi slt, %select_n3A_3848, %lt3A_3854 : i32
      %ne3A_3856 = arith.xori %lt3A_3853, %lt3A_3855 : i1
      %and3A_3857 = arith.andi %ne3A_3856, %ne3A_3851 : i1
      %add3A_3858 = arith.addi %rem3A_3849, %select_n3A_3848 : i32
      %select_n3A_3859 = arith.select %and3A_3857, %add3A_3858, %rem3A_3849 : i32
      %dma_wait3A_3860 = arith.constant 1 : i32
      %dma_wait3A_3861 = arith.constant 0 : i32
      %dma_wait3A_3862 = arith.constant 0 : i32
      %dma_wait3A_3863 = tpu.memref_slice %arg6[%dma_wait3A_3860, %dma_wait3A_3861, %dma_wait3A_3862] : memref<6x128x128xf32, #tpu.memory_space<vmem>> -> memref<1x128x128xf32, #tpu.memory_space<vmem>>
      %dma_wait3A_3864 = tpu.memref_squeeze %dma_wait3A_3863 : memref<1x128x128xf32, #tpu.memory_space<vmem>> -> memref<128x128xf32, #tpu.memory_space<vmem>>
      %dma_wait3A_3865 = arith.constant 0 : i32
      %dma_wait3A_3866 = arith.constant 0 : i32
      %dma_wait3A_3867 = tpu.memref_slice %arg4[%select_n3A_3843, %dma_wait3A_3865, %dma_wait3A_3866] : memref<26x16384x128xf32, #tpu.memory_space<hbm>> -> memref<1x16384x128xf32, #tpu.memory_space<hbm>>
      %dma_wait3A_3868 = tpu.memref_squeeze %dma_wait3A_3867 : memref<1x16384x128xf32, #tpu.memory_space<hbm>> -> memref<16384x128xf32, #tpu.memory_space<hbm>>
      %dma_wait3A_3869 = arith.constant 0 : i32
      %dma_wait3A_3870 = tpu.memref_slice %dma_wait3A_3868[%select_n3A_3859, %dma_wait3A_3869] : memref<16384x128xf32, #tpu.memory_space<hbm>> -> memref<128x128xf32, #tpu.memory_space<hbm>>
      %dma_wait3A_3871 = arith.constant 0 : i32
      %dma_wait3A_3872 = arith.constant 0 : i32
      %dma_wait3A_3873 = tpu.memref_slice %arg4[%select_n3A_3843, %dma_wait3A_3871, %dma_wait3A_3872] : memref<26x16384x128xf32, #tpu.memory_space<hbm>> -> memref<1x16384x128xf32, #tpu.memory_space<hbm>>
      %dma_wait3A_3874 = tpu.memref_squeeze %dma_wait3A_3873 : memref<1x16384x128xf32, #tpu.memory_space<hbm>> -> memref<16384x128xf32, #tpu.memory_space<hbm>>
      %dma_wait3A_3875 = arith.constant 0 : i32
      %dma_wait3A_3876 = tpu.memref_slice %dma_wait3A_3874[%select_n3A_3859, %dma_wait3A_3875] : memref<16384x128xf32, #tpu.memory_space<hbm>> -> memref<128x128xf32, #tpu.memory_space<hbm>>
      %dma_wait3A_3877 = arith.constant 0 : i32
      %dma_wait3A_3878 = arith.constant 0 : i32
      %dma_wait3A_3879 = tpu.memref_slice %arg6[%dma_wait3A_3860, %dma_wait3A_3877, %dma_wait3A_3878] : memref<6x128x128xf32, #tpu.memory_space<vmem>> -> memref<1x128x128xf32, #tpu.memory_space<vmem>>
      %dma_wait3A_3880 = tpu.memref_squeeze %dma_wait3A_3879 : memref<1x128x128xf32, #tpu.memory_space<vmem>> -> memref<128x128xf32, #tpu.memory_space<vmem>>
      tpu.wait_dma2 semaphore(%arg8 : memref<!tpu.dma_semaphore, #tpu.memory_space<semaphore_mem>>) src(%dma_wait3A_3880 : memref<128x128xf32, #tpu.memory_space<vmem>>) dst(%dma_wait3A_3876 : memref<128x128xf32, #tpu.memory_space<hbm>>)
      %add3A_3881 = arith.constant 6 : i32
      %add3A_3882 = arith.addi %add3A_3739, %add3A_3881 : i32
      %mul3A_3883 = arith.constant 128 : i32
      %mul3A_3884 = arith.muli %add3A_3882, %mul3A_3883 : i32
      %add3A_3885 = arith.addi %mul3A_2, %mul3A_3884 : i32
      %jit3A_3886 = arith.constant 16384 : i32
      %div3A_3887 = arith.divsi %add3A_3885, %jit3A_3886 : i32
      %sign3A_3888 = arith.constant 0 : i32
      %sign3A_3889 = arith.cmpi sgt, %add3A_3885, %sign3A_3888 : i32
      %sign3A_3890 = arith.extui %sign3A_3889 : i1 to i32
      %sign3A_3891 = arith.constant 0 : i32
      %sign3A_3892 = arith.cmpi slt, %add3A_3885, %sign3A_3891 : i32
      %sign3A_3893 = arith.extui %sign3A_3892 : i1 to i32
      %sign3A_3894 = arith.subi %sign3A_3890, %sign3A_3893 : i32
      %sign3A_3895 = arith.constant 0 : i32
      %sign3A_3896 = arith.cmpi sgt, %jit3A_3886, %sign3A_3895 : i32
      %sign3A_3897 = arith.extui %sign3A_3896 : i1 to i32
      %sign3A_3898 = arith.constant 0 : i32
      %sign3A_3899 = arith.cmpi slt, %jit3A_3886, %sign3A_3898 : i32
      %sign3A_3900 = arith.extui %sign3A_3899 : i1 to i32
      %sign3A_3901 = arith.subi %sign3A_3897, %sign3A_3900 : i32
      %ne3A_3902 = arith.cmpi ne, %sign3A_3894, %sign3A_3901 : i32
      %rem3A_3903 = arith.remsi %add3A_3885, %jit3A_3886 : i32
      %ne3A_3904 = arith.constant 0 : i32
      %ne3A_3905 = arith.cmpi ne, %rem3A_3903, %ne3A_3904 : i32
      %and3A_3906 = arith.andi %ne3A_3902, %ne3A_3905 : i1
      %sub3A_3907 = arith.constant 1 : i32
      %sub3A_3908 = arith.subi %div3A_3887, %sub3A_3907 : i32
      %select_n3A_3909 = arith.select %and3A_3906, %sub3A_3908, %div3A_3887 : i32
      %mul3A_3910 = arith.constant 1000 : i32
      %mul3A_3911 = arith.muli %select_n3A_3909, %mul3A_3910 : i32
      %mul3A_3912 = arith.constant 128 : i32
      %mul3A_3913 = arith.muli %add3A_3882, %mul3A_3912 : i32
      %add3A_3914 = arith.constant 0 : i32
      %add3A_3915 = arith.addi %mul3A_3913, %add3A_3914 : i32
      %get3A_3916 = arith.index_cast %add3A_3915 : i32 to index
      %get3A_3917 = tpu.vector_load %arg5[%get3A_3916] {strides = array<i32>} : memref<13312xi32, #tpu.memory_space<vmem>>, vector<16xi32>,
      %get3A_3918 = vector.shape_cast %get3A_3917 : vector<16xi32> to vector<16xi32>
      %add3A_3919 = vector.broadcast %mul3A_3911 : i32 to vector<16xi32>
      %add3A_3920 = arith.addi %get3A_3918, %add3A_3919 : vector<16xi32>
      %swap3A_3921 = arith.index_cast %add3A_3915 : i32 to index
      %swap3A_3922 = tpu.vector_load %arg5[%swap3A_3921] {strides = array<i32>} : memref<13312xi32, #tpu.memory_space<vmem>>, vector<16xi32>,
      %swap3A_3923 = vector.shape_cast %swap3A_3922 : vector<16xi32> to vector<16xi32>
      %swap3A_3924 = vector.shape_cast %add3A_3920 : vector<16xi32> to vector<16xi32>
      tpu.vector_store %arg5[%swap3A_3921], %swap3A_3924 {strides = array<i32>} : memref<13312xi32, #tpu.memory_space<vmem>>, vector<16xi32>,
      %mul3A_3925 = arith.constant 128 : i32
      %mul3A_3926 = arith.muli %add3A_3882, %mul3A_3925 : i32
      %add3A_3927 = arith.constant 16 : i32
      %add3A_3928 = arith.addi %mul3A_3926, %add3A_3927 : i32
      %get3A_3929 = arith.index_cast %add3A_3928 : i32 to index
      %get3A_3930 = tpu.vector_load %arg5[%get3A_3929] {strides = array<i32>} : memref<13312xi32, #tpu.memory_space<vmem>>, vector<16xi32>,
      %get3A_3931 = vector.shape_cast %get3A_3930 : vector<16xi32> to vector<16xi32>
      %add3A_3932 = vector.broadcast %mul3A_3911 : i32 to vector<16xi32>
      %add3A_3933 = arith.addi %get3A_3931, %add3A_3932 : vector<16xi32>
      %swap3A_3934 = arith.index_cast %add3A_3928 : i32 to index
      %swap3A_3935 = tpu.vector_load %arg5[%swap3A_3934] {strides = array<i32>} : memref<13312xi32, #tpu.memory_space<vmem>>, vector<16xi32>,
      %swap3A_3936 = vector.shape_cast %swap3A_3935 : vector<16xi32> to vector<16xi32>
      %swap3A_3937 = vector.shape_cast %add3A_3933 : vector<16xi32> to vector<16xi32>
      tpu.vector_store %arg5[%swap3A_3934], %swap3A_3937 {strides = array<i32>} : memref<13312xi32, #tpu.memory_space<vmem>>, vector<16xi32>,
      %mul3A_3938 = arith.constant 128 : i32
      %mul3A_3939 = arith.muli %add3A_3882, %mul3A_3938 : i32
      %add3A_3940 = arith.constant 32 : i32
      %add3A_3941 = arith.addi %mul3A_3939, %add3A_3940 : i32
      %get3A_3942 = arith.index_cast %add3A_3941 : i32 to index
      %get3A_3943 = tpu.vector_load %arg5[%get3A_3942] {strides = array<i32>} : memref<13312xi32, #tpu.memory_space<vmem>>, vector<16xi32>,
      %get3A_3944 = vector.shape_cast %get3A_3943 : vector<16xi32> to vector<16xi32>
      %add3A_3945 = vector.broadcast %mul3A_3911 : i32 to vector<16xi32>
      %add3A_3946 = arith.addi %get3A_3944, %add3A_3945 : vector<16xi32>
      %swap3A_3947 = arith.index_cast %add3A_3941 : i32 to index
      %swap3A_3948 = tpu.vector_load %arg5[%swap3A_3947] {strides = array<i32>} : memref<13312xi32, #tpu.memory_space<vmem>>, vector<16xi32>,
      %swap3A_3949 = vector.shape_cast %swap3A_3948 : vector<16xi32> to vector<16xi32>
      %swap3A_3950 = vector.shape_cast %add3A_3946 : vector<16xi32> to vector<16xi32>
      tpu.vector_store %arg5[%swap3A_3947], %swap3A_3950 {strides = array<i32>} : memref<13312xi32, #tpu.memory_space<vmem>>, vector<16xi32>,
      %mul3A_3951 = arith.constant 128 : i32
      %mul3A_3952 = arith.muli %add3A_3882, %mul3A_3951 : i32
      %add3A_3953 = arith.constant 48 : i32
      %add3A_3954 = arith.addi %mul3A_3952, %add3A_3953 : i32
      %get3A_3955 = arith.index_cast %add3A_3954 : i32 to index
      %get3A_3956 = tpu.vector_load %arg5[%get3A_3955] {strides = array<i32>} : memref<13312xi32, #tpu.memory_space<vmem>>, vector<16xi32>,
      %get3A_3957 = vector.shape_cast %get3A_3956 : vector<16xi32> to vector<16xi32>
      %add3A_3958 = vector.broadcast %mul3A_3911 : i32 to vector<16xi32>
      %add3A_3959 = arith.addi %get3A_3957, %add3A_3958 : vector<16xi32>
      %swap3A_3960 = arith.index_cast %add3A_3954 : i32 to index
      %swap3A_3961 = tpu.vector_load %arg5[%swap3A_3960] {strides = array<i32>} : memref<13312xi32, #tpu.memory_space<vmem>>, vector<16xi32>,
      %swap3A_3962 = vector.shape_cast %swap3A_3961 : vector<16xi32> to vector<16xi32>
      %swap3A_3963 = vector.shape_cast %add3A_3959 : vector<16xi32> to vector<16xi32>
      tpu.vector_store %arg5[%swap3A_3960], %swap3A_3963 {strides = array<i32>} : memref<13312xi32, #tpu.memory_space<vmem>>, vector<16xi32>,
      %mul3A_3964 = arith.constant 128 : i32
      %mul3A_3965 = arith.muli %add3A_3882, %mul3A_3964 : i32
      %add3A_3966 = arith.constant 64 : i32
      %add3A_3967 = arith.addi %mul3A_3965, %add3A_3966 : i32
      %get3A_3968 = arith.index_cast %add3A_3967 : i32 to index
      %get3A_3969 = tpu.vector_load %arg5[%get3A_3968] {strides = array<i32>} : memref<13312xi32, #tpu.memory_space<vmem>>, vector<16xi32>,
      %get3A_3970 = vector.shape_cast %get3A_3969 : vector<16xi32> to vector<16xi32>
      %add3A_3971 = vector.broadcast %mul3A_3911 : i32 to vector<16xi32>
      %add3A_3972 = arith.addi %get3A_3970, %add3A_3971 : vector<16xi32>
      %swap3A_3973 = arith.index_cast %add3A_3967 : i32 to index
      %swap3A_3974 = tpu.vector_load %arg5[%swap3A_3973] {strides = array<i32>} : memref<13312xi32, #tpu.memory_space<vmem>>, vector<16xi32>,
      %swap3A_3975 = vector.shape_cast %swap3A_3974 : vector<16xi32> to vector<16xi32>
      %swap3A_3976 = vector.shape_cast %add3A_3972 : vector<16xi32> to vector<16xi32>
      tpu.vector_store %arg5[%swap3A_3973], %swap3A_3976 {strides = array<i32>} : memref<13312xi32, #tpu.memory_space<vmem>>, vector<16xi32>,
      %mul3A_3977 = arith.constant 128 : i32
      %mul3A_3978 = arith.muli %add3A_3882, %mul3A_3977 : i32
      %add3A_3979 = arith.constant 80 : i32
      %add3A_3980 = arith.addi %mul3A_3978, %add3A_3979 : i32
      %get3A_3981 = arith.index_cast %add3A_3980 : i32 to index
      %get3A_3982 = tpu.vector_load %arg5[%get3A_3981] {strides = array<i32>} : memref<13312xi32, #tpu.memory_space<vmem>>, vector<16xi32>,
      %get3A_3983 = vector.shape_cast %get3A_3982 : vector<16xi32> to vector<16xi32>
      %add3A_3984 = vector.broadcast %mul3A_3911 : i32 to vector<16xi32>
      %add3A_3985 = arith.addi %get3A_3983, %add3A_3984 : vector<16xi32>
      %swap3A_3986 = arith.index_cast %add3A_3980 : i32 to index
      %swap3A_3987 = tpu.vector_load %arg5[%swap3A_3986] {strides = array<i32>} : memref<13312xi32, #tpu.memory_space<vmem>>, vector<16xi32>,
      %swap3A_3988 = vector.shape_cast %swap3A_3987 : vector<16xi32> to vector<16xi32>
      %swap3A_3989 = vector.shape_cast %add3A_3985 : vector<16xi32> to vector<16xi32>
      tpu.vector_store %arg5[%swap3A_3986], %swap3A_3989 {strides = array<i32>} : memref<13312xi32, #tpu.memory_space<vmem>>, vector<16xi32>,
      %mul3A_3990 = arith.constant 128 : i32
      %mul3A_3991 = arith.muli %add3A_3882, %mul3A_3990 : i32
      %add3A_3992 = arith.constant 96 : i32
      %add3A_3993 = arith.addi %mul3A_3991, %add3A_3992 : i32
      %get3A_3994 = arith.index_cast %add3A_3993 : i32 to index
      %get3A_3995 = tpu.vector_load %arg5[%get3A_3994] {strides = array<i32>} : memref<13312xi32, #tpu.memory_space<vmem>>, vector<16xi32>,
      %get3A_3996 = vector.shape_cast %get3A_3995 : vector<16xi32> to vector<16xi32>
      %add3A_3997 = vector.broadcast %mul3A_3911 : i32 to vector<16xi32>
      %add3A_3998 = arith.addi %get3A_3996, %add3A_3997 : vector<16xi32>
      %swap3A_3999 = arith.index_cast %add3A_3993 : i32 to index
      %swap3A_4000 = tpu.vector_load %arg5[%swap3A_3999] {strides = array<i32>} : memref<13312xi32, #tpu.memory_space<vmem>>, vector<16xi32>,
      %swap3A_4001 = vector.shape_cast %swap3A_4000 : vector<16xi32> to vector<16xi32>
      %swap3A_4002 = vector.shape_cast %add3A_3998 : vector<16xi32> to vector<16xi32>
      tpu.vector_store %arg5[%swap3A_3999], %swap3A_4002 {strides = array<i32>} : memref<13312xi32, #tpu.memory_space<vmem>>, vector<16xi32>,
      %mul3A_4003 = arith.constant 128 : i32
      %mul3A_4004 = arith.muli %add3A_3882, %mul3A_4003 : i32
      %add3A_4005 = arith.constant 112 : i32
      %add3A_4006 = arith.addi %mul3A_4004, %add3A_4005 : i32
      %get3A_4007 = arith.index_cast %add3A_4006 : i32 to index
      %get3A_4008 = tpu.vector_load %arg5[%get3A_4007] {strides = array<i32>} : memref<13312xi32, #tpu.memory_space<vmem>>, vector<16xi32>,
      %get3A_4009 = vector.shape_cast %get3A_4008 : vector<16xi32> to vector<16xi32>
      %add3A_4010 = vector.broadcast %mul3A_3911 : i32 to vector<16xi32>
      %add3A_4011 = arith.addi %get3A_4009, %add3A_4010 : vector<16xi32>
      %swap3A_4012 = arith.index_cast %add3A_4006 : i32 to index
      %swap3A_4013 = tpu.vector_load %arg5[%swap3A_4012] {strides = array<i32>} : memref<13312xi32, #tpu.memory_space<vmem>>, vector<16xi32>,
      %swap3A_4014 = vector.shape_cast %swap3A_4013 : vector<16xi32> to vector<16xi32>
      %swap3A_4015 = vector.shape_cast %add3A_4011 : vector<16xi32> to vector<16xi32>
      tpu.vector_store %arg5[%swap3A_4012], %swap3A_4015 {strides = array<i32>} : memref<13312xi32, #tpu.memory_space<vmem>>, vector<16xi32>,
      %add3A_4016 = arith.constant 3 : i32
      %add3A_4017 = arith.addi %add3A_3739, %add3A_4016 : i32
      %mul3A_4018 = arith.constant 128 : i32
      %mul3A_4019 = arith.muli %add3A_4017, %mul3A_4018 : i32
      %dma_start3A_4020 = arith.constant 1 : i32
      %dma_start3A_4021 = arith.constant 0 : i32
      %dma_start3A_4022 = arith.constant 0 : i32
      %dma_start3A_4023 = tpu.memref_slice %arg6[%dma_start3A_4020, %dma_start3A_4021, %dma_start3A_4022] : memref<6x128x128xf32, #tpu.memory_space<vmem>> -> memref<1x128x128xf32, #tpu.memory_space<vmem>>
      %dma_start3A_4024 = tpu.memref_squeeze %dma_start3A_4023 : memref<1x128x128xf32, #tpu.memory_space<vmem>> -> memref<128x128xf32, #tpu.memory_space<vmem>>
      %dma_start3A_4025 = tpu.memref_slice %arg5[%mul3A_4019] : memref<13312xi32, #tpu.memory_space<vmem>> -> memref<128xi32, #tpu.memory_space<vmem>>
      %dma_start3A_4026 = arith.constant 0 : i32
      %dma_start3A_4027 = arith.constant 0 : i32
      %dma_start3A_4028 = tpu.memref_slice %arg3[%dma_start3A_4026, %dma_start3A_4027] : memref<26000x128xf32, #tpu.memory_space<hbm>> -> memref<26000x128xf32, #tpu.memory_space<hbm>>
      tpu.enqueue_indirect_dma source(%dma_start3A_4028 : memref<26000x128xf32, #tpu.memory_space<hbm>>) target(%dma_start3A_4024 : memref<128x128xf32, #tpu.memory_space<vmem>>) offsets(%dma_start3A_4025 : memref<128xi32, #tpu.memory_space<vmem>>) semaphore(%arg7 : memref<!tpu.dma_semaphore, #tpu.memory_space<semaphore_mem>>)
      %mul3A_4029 = arith.constant 6 : i32
      %mul3A_4030 = arith.muli %scan3A_3438, %mul3A_4029 : i32
      %add3A_4031 = arith.constant 3 : i32
      %add3A_4032 = arith.addi %add3A_4031, %mul3A_4030 : i32
      %add3A_4033 = arith.constant 2 : i32
      %add3A_4034 = arith.addi %add3A_4032, %add3A_4033 : i32
      %mul3A_4035 = arith.constant 128 : i32
      %mul3A_4036 = arith.muli %add3A_4034, %mul3A_4035 : i32
      %dma_wait3A_4037 = arith.constant 5 : i32
      %dma_wait3A_4038 = arith.constant 0 : i32
      %dma_wait3A_4039 = arith.constant 0 : i32
      %dma_wait3A_4040 = tpu.memref_slice %arg6[%dma_wait3A_4037, %dma_wait3A_4038, %dma_wait3A_4039] : memref<6x128x128xf32, #tpu.memory_space<vmem>> -> memref<1x128x128xf32, #tpu.memory_space<vmem>>
      %dma_wait3A_4041 = tpu.memref_squeeze %dma_wait3A_4040 : memref<1x128x128xf32, #tpu.memory_space<vmem>> -> memref<128x128xf32, #tpu.memory_space<vmem>>
      %dma_wait3A_4042 = tpu.memref_slice %arg5[%mul3A_4036] : memref<13312xi32, #tpu.memory_space<vmem>> -> memref<128xi32, #tpu.memory_space<vmem>>
      %dma_wait3A_4043 = arith.constant 0 : i32
      %dma_wait3A_4044 = arith.constant 0 : i32
      %dma_wait3A_4045 = tpu.memref_slice %arg3[%dma_wait3A_4043, %dma_wait3A_4044] : memref<26000x128xf32, #tpu.memory_space<hbm>> -> memref<26000x128xf32, #tpu.memory_space<hbm>>
      tpu.wait_indirect_dma semaphore(%arg7 : memref<!tpu.dma_semaphore, #tpu.memory_space<semaphore_mem>>) src(%dma_wait3A_4045 : memref<26000x128xf32, #tpu.memory_space<hbm>>) dst(%dma_wait3A_4041 : memref<128x128xf32, #tpu.memory_space<vmem>>)
      %mul3A_4046 = arith.constant 128 : i32
      %mul3A_4047 = arith.muli %add3A_4034, %mul3A_4046 : i32
      %add3A_4048 = arith.addi %mul3A_2, %mul3A_4047 : i32
      %jit3A_4049 = arith.constant 16384 : i32
      %div3A_4050 = arith.divsi %add3A_4048, %jit3A_4049 : i32
      %sign3A_4051 = arith.constant 0 : i32
      %sign3A_4052 = arith.cmpi sgt, %add3A_4048, %sign3A_4051 : i32
      %sign3A_4053 = arith.extui %sign3A_4052 : i1 to i32
      %sign3A_4054 = arith.constant 0 : i32
      %sign3A_4055 = arith.cmpi slt, %add3A_4048, %sign3A_4054 : i32
      %sign3A_4056 = arith.extui %sign3A_4055 : i1 to i32
      %sign3A_4057 = arith.subi %sign3A_4053, %sign3A_4056 : i32
      %sign3A_4058 = arith.constant 0 : i32
      %sign3A_4059 = arith.cmpi sgt, %jit3A_4049, %sign3A_4058 : i32
      %sign3A_4060 = arith.extui %sign3A_4059 : i1 to i32
      %sign3A_4061 = arith.constant 0 : i32
      %sign3A_4062 = arith.cmpi slt, %jit3A_4049, %sign3A_4061 : i32
      %sign3A_4063 = arith.extui %sign3A_4062 : i1 to i32
      %sign3A_4064 = arith.subi %sign3A_4060, %sign3A_4063 : i32
      %ne3A_4065 = arith.cmpi ne, %sign3A_4057, %sign3A_4064 : i32
      %rem3A_4066 = arith.remsi %add3A_4048, %jit3A_4049 : i32
      %ne3A_4067 = arith.constant 0 : i32
      %ne3A_4068 = arith.cmpi ne, %rem3A_4066, %ne3A_4067 : i32
      %and3A_4069 = arith.andi %ne3A_4065, %ne3A_4068 : i1
      %sub3A_4070 = arith.constant 1 : i32
      %sub3A_4071 = arith.subi %div3A_4050, %sub3A_4070 : i32
      %select_n3A_4072 = arith.select %and3A_4069, %sub3A_4071, %div3A_4050 : i32
      %jit3A_4073 = arith.constant 16384 : i32
      %eq3A_4074 = arith.constant 0 : i32
      %eq3A_4075 = arith.cmpi eq, %jit3A_4073, %eq3A_4074 : i32
      %jit3A_4076 = arith.constant 1 : i32
      %select_n3A_4077 = arith.select %eq3A_4075, %jit3A_4076, %jit3A_4073 : i32
      %rem3A_4078 = arith.remsi %add3A_4048, %select_n3A_4077 : i32
      %ne3A_4079 = arith.constant 0 : i32
      %ne3A_4080 = arith.cmpi ne, %rem3A_4078, %ne3A_4079 : i32
      %lt3A_4081 = arith.constant 0 : i32
      %lt3A_4082 = arith.cmpi slt, %rem3A_4078, %lt3A_4081 : i32
      %lt3A_4083 = arith.constant 0 : i32
      %lt3A_4084 = arith.cmpi slt, %select_n3A_4077, %lt3A_4083 : i32
      %ne3A_4085 = arith.xori %lt3A_4082, %lt3A_4084 : i1
      %and3A_4086 = arith.andi %ne3A_4085, %ne3A_4080 : i1
      %add3A_4087 = arith.addi %rem3A_4078, %select_n3A_4077 : i32
      %select_n3A_4088 = arith.select %and3A_4086, %add3A_4087, %rem3A_4078 : i32
      %dma_start3A_4089 = arith.constant 5 : i32
      %dma_start3A_4090 = arith.constant 0 : i32
      %dma_start3A_4091 = arith.constant 0 : i32
      %dma_start3A_4092 = tpu.memref_slice %arg6[%dma_start3A_4089, %dma_start3A_4090, %dma_start3A_4091] : memref<6x128x128xf32, #tpu.memory_space<vmem>> -> memref<1x128x128xf32, #tpu.memory_space<vmem>>
      %dma_start3A_4093 = tpu.memref_squeeze %dma_start3A_4092 : memref<1x128x128xf32, #tpu.memory_space<vmem>> -> memref<128x128xf32, #tpu.memory_space<vmem>>
      %dma_start3A_4094 = arith.constant 0 : i32
      %dma_start3A_4095 = arith.constant 0 : i32
      %dma_start3A_4096 = tpu.memref_slice %arg4[%select_n3A_4072, %dma_start3A_4094, %dma_start3A_4095] : memref<26x16384x128xf32, #tpu.memory_space<hbm>> -> memref<1x16384x128xf32, #tpu.memory_space<hbm>>
      %dma_start3A_4097 = tpu.memref_squeeze %dma_start3A_4096 : memref<1x16384x128xf32, #tpu.memory_space<hbm>> -> memref<16384x128xf32, #tpu.memory_space<hbm>>
      %dma_start3A_4098 = arith.constant 0 : i32
      %dma_start3A_4099 = tpu.memref_slice %dma_start3A_4097[%select_n3A_4088, %dma_start3A_4098] : memref<16384x128xf32, #tpu.memory_space<hbm>> -> memref<128x128xf32, #tpu.memory_space<hbm>>
      %dma_start3A_4100 = arith.constant 0 : i32
      %dma_start3A_4101 = arith.constant 0 : i32
      %dma_start3A_4102 = tpu.memref_slice %arg4[%select_n3A_4072, %dma_start3A_4100, %dma_start3A_4101] : memref<26x16384x128xf32, #tpu.memory_space<hbm>> -> memref<1x16384x128xf32, #tpu.memory_space<hbm>>
      %dma_start3A_4103 = tpu.memref_squeeze %dma_start3A_4102 : memref<1x16384x128xf32, #tpu.memory_space<hbm>> -> memref<16384x128xf32, #tpu.memory_space<hbm>>
      %dma_start3A_4104 = arith.constant 0 : i32
      %dma_start3A_4105 = tpu.memref_slice %dma_start3A_4103[%select_n3A_4088, %dma_start3A_4104] : memref<16384x128xf32, #tpu.memory_space<hbm>> -> memref<128x128xf32, #tpu.memory_space<hbm>>
      %dma_start3A_4106 = arith.constant 0 : i32
      %dma_start3A_4107 = arith.constant 0 : i32
      %dma_start3A_4108 = tpu.memref_slice %arg6[%dma_start3A_4089, %dma_start3A_4106, %dma_start3A_4107] : memref<6x128x128xf32, #tpu.memory_space<vmem>> -> memref<1x128x128xf32, #tpu.memory_space<vmem>>
      %dma_start3A_4109 = tpu.memref_squeeze %dma_start3A_4108 : memref<1x128x128xf32, #tpu.memory_space<vmem>> -> memref<128x128xf32, #tpu.memory_space<vmem>>
      tpu.enqueue_dma source(%dma_start3A_4109 : memref<128x128xf32, #tpu.memory_space<vmem>>) target(%dma_start3A_4105 : memref<128x128xf32, #tpu.memory_space<hbm>>) target_semaphore(%arg8 : memref<!tpu.dma_semaphore, #tpu.memory_space<semaphore_mem>>)
      %sub3A_4110 = arith.constant 3 : i32
      %sub3A_4111 = arith.subi %add3A_4034, %sub3A_4110 : i32
      %mul3A_4112 = arith.constant 128 : i32
      %mul3A_4113 = arith.muli %sub3A_4111, %mul3A_4112 : i32
      %add3A_4114 = arith.addi %mul3A_2, %mul3A_4113 : i32
      %jit3A_4115 = arith.constant 16384 : i32
      %div3A_4116 = arith.divsi %add3A_4114, %jit3A_4115 : i32
      %sign3A_4117 = arith.constant 0 : i32
      %sign3A_4118 = arith.cmpi sgt, %add3A_4114, %sign3A_4117 : i32
      %sign3A_4119 = arith.extui %sign3A_4118 : i1 to i32
      %sign3A_4120 = arith.constant 0 : i32
      %sign3A_4121 = arith.cmpi slt, %add3A_4114, %sign3A_4120 : i32
      %sign3A_4122 = arith.extui %sign3A_4121 : i1 to i32
      %sign3A_4123 = arith.subi %sign3A_4119, %sign3A_4122 : i32
      %sign3A_4124 = arith.constant 0 : i32
      %sign3A_4125 = arith.cmpi sgt, %jit3A_4115, %sign3A_4124 : i32
      %sign3A_4126 = arith.extui %sign3A_4125 : i1 to i32
      %sign3A_4127 = arith.constant 0 : i32
      %sign3A_4128 = arith.cmpi slt, %jit3A_4115, %sign3A_4127 : i32
      %sign3A_4129 = arith.extui %sign3A_4128 : i1 to i32
      %sign3A_4130 = arith.subi %sign3A_4126, %sign3A_4129 : i32
      %ne3A_4131 = arith.cmpi ne, %sign3A_4123, %sign3A_4130 : i32
      %rem3A_4132 = arith.remsi %add3A_4114, %jit3A_4115 : i32
      %ne3A_4133 = arith.constant 0 : i32
      %ne3A_4134 = arith.cmpi ne, %rem3A_4132, %ne3A_4133 : i32
      %and3A_4135 = arith.andi %ne3A_4131, %ne3A_4134 : i1
      %sub3A_4136 = arith.constant 1 : i32
      %sub3A_4137 = arith.subi %div3A_4116, %sub3A_4136 : i32
      %select_n3A_4138 = arith.select %and3A_4135, %sub3A_4137, %div3A_4116 : i32
      %jit3A_4139 = arith.constant 16384 : i32
      %eq3A_4140 = arith.constant 0 : i32
      %eq3A_4141 = arith.cmpi eq, %jit3A_4139, %eq3A_4140 : i32
      %jit3A_4142 = arith.constant 1 : i32
      %select_n3A_4143 = arith.select %eq3A_4141, %jit3A_4142, %jit3A_4139 : i32
      %rem3A_4144 = arith.remsi %add3A_4114, %select_n3A_4143 : i32
      %ne3A_4145 = arith.constant 0 : i32
      %ne3A_4146 = arith.cmpi ne, %rem3A_4144, %ne3A_4145 : i32
      %lt3A_4147 = arith.constant 0 : i32
      %lt3A_4148 = arith.cmpi slt, %rem3A_4144, %lt3A_4147 : i32
      %lt3A_4149 = arith.constant 0 : i32
      %lt3A_4150 = arith.cmpi slt, %select_n3A_4143, %lt3A_4149 : i32
      %ne3A_4151 = arith.xori %lt3A_4148, %lt3A_4150 : i1
      %and3A_4152 = arith.andi %ne3A_4151, %ne3A_4146 : i1
      %add3A_4153 = arith.addi %rem3A_4144, %select_n3A_4143 : i32
      %select_n3A_4154 = arith.select %and3A_4152, %add3A_4153, %rem3A_4144 : i32
      %dma_wait3A_4155 = arith.constant 2 : i32
      %dma_wait3A_4156 = arith.constant 0 : i32
      %dma_wait3A_4157 = arith.constant 0 : i32
      %dma_wait3A_4158 = tpu.memref_slice %arg6[%dma_wait3A_4155, %dma_wait3A_4156, %dma_wait3A_4157] : memref<6x128x128xf32, #tpu.memory_space<vmem>> -> memref<1x128x128xf32, #tpu.memory_space<vmem>>
      %dma_wait3A_4159 = tpu.memref_squeeze %dma_wait3A_4158 : memref<1x128x128xf32, #tpu.memory_space<vmem>> -> memref<128x128xf32, #tpu.memory_space<vmem>>
      %dma_wait3A_4160 = arith.constant 0 : i32
      %dma_wait3A_4161 = arith.constant 0 : i32
      %dma_wait3A_4162 = tpu.memref_slice %arg4[%select_n3A_4138, %dma_wait3A_4160, %dma_wait3A_4161] : memref<26x16384x128xf32, #tpu.memory_space<hbm>> -> memref<1x16384x128xf32, #tpu.memory_space<hbm>>
      %dma_wait3A_4163 = tpu.memref_squeeze %dma_wait3A_4162 : memref<1x16384x128xf32, #tpu.memory_space<hbm>> -> memref<16384x128xf32, #tpu.memory_space<hbm>>
      %dma_wait3A_4164 = arith.constant 0 : i32
      %dma_wait3A_4165 = tpu.memref_slice %dma_wait3A_4163[%select_n3A_4154, %dma_wait3A_4164] : memref<16384x128xf32, #tpu.memory_space<hbm>> -> memref<128x128xf32, #tpu.memory_space<hbm>>
      %dma_wait3A_4166 = arith.constant 0 : i32
      %dma_wait3A_4167 = arith.constant 0 : i32
      %dma_wait3A_4168 = tpu.memref_slice %arg4[%select_n3A_4138, %dma_wait3A_4166, %dma_wait3A_4167] : memref<26x16384x128xf32, #tpu.memory_space<hbm>> -> memref<1x16384x128xf32, #tpu.memory_space<hbm>>
      %dma_wait3A_4169 = tpu.memref_squeeze %dma_wait3A_4168 : memref<1x16384x128xf32, #tpu.memory_space<hbm>> -> memref<16384x128xf32, #tpu.memory_space<hbm>>
      %dma_wait3A_4170 = arith.constant 0 : i32
      %dma_wait3A_4171 = tpu.memref_slice %dma_wait3A_4169[%select_n3A_4154, %dma_wait3A_4170] : memref<16384x128xf32, #tpu.memory_space<hbm>> -> memref<128x128xf32, #tpu.memory_space<hbm>>
      %dma_wait3A_4172 = arith.constant 0 : i32
      %dma_wait3A_4173 = arith.constant 0 : i32
      %dma_wait3A_4174 = tpu.memref_slice %arg6[%dma_wait3A_4155, %dma_wait3A_4172, %dma_wait3A_4173] : memref<6x128x128xf32, #tpu.memory_space<vmem>> -> memref<1x128x128xf32, #tpu.memory_space<vmem>>
      %dma_wait3A_4175 = tpu.memref_squeeze %dma_wait3A_4174 : memref<1x128x128xf32, #tpu.memory_space<vmem>> -> memref<128x128xf32, #tpu.memory_space<vmem>>
      tpu.wait_dma2 semaphore(%arg8 : memref<!tpu.dma_semaphore, #tpu.memory_space<semaphore_mem>>) src(%dma_wait3A_4175 : memref<128x128xf32, #tpu.memory_space<vmem>>) dst(%dma_wait3A_4171 : memref<128x128xf32, #tpu.memory_space<hbm>>)
      %add3A_4176 = arith.constant 6 : i32
      %add3A_4177 = arith.addi %add3A_4034, %add3A_4176 : i32
      %mul3A_4178 = arith.constant 128 : i32
      %mul3A_4179 = arith.muli %add3A_4177, %mul3A_4178 : i32
      %add3A_4180 = arith.addi %mul3A_2, %mul3A_4179 : i32
      %jit3A_4181 = arith.constant 16384 : i32
      %div3A_4182 = arith.divsi %add3A_4180, %jit3A_4181 : i32
      %sign3A_4183 = arith.constant 0 : i32
      %sign3A_4184 = arith.cmpi sgt, %add3A_4180, %sign3A_4183 : i32
      %sign3A_4185 = arith.extui %sign3A_4184 : i1 to i32
      %sign3A_4186 = arith.constant 0 : i32
      %sign3A_4187 = arith.cmpi slt, %add3A_4180, %sign3A_4186 : i32
      %sign3A_4188 = arith.extui %sign3A_4187 : i1 to i32
      %sign3A_4189 = arith.subi %sign3A_4185, %sign3A_4188 : i32
      %sign3A_4190 = arith.constant 0 : i32
      %sign3A_4191 = arith.cmpi sgt, %jit3A_4181, %sign3A_4190 : i32
      %sign3A_4192 = arith.extui %sign3A_4191 : i1 to i32
      %sign3A_4193 = arith.constant 0 : i32
      %sign3A_4194 = arith.cmpi slt, %jit3A_4181, %sign3A_4193 : i32
      %sign3A_4195 = arith.extui %sign3A_4194 : i1 to i32
      %sign3A_4196 = arith.subi %sign3A_4192, %sign3A_4195 : i32
      %ne3A_4197 = arith.cmpi ne, %sign3A_4189, %sign3A_4196 : i32
      %rem3A_4198 = arith.remsi %add3A_4180, %jit3A_4181 : i32
      %ne3A_4199 = arith.constant 0 : i32
      %ne3A_4200 = arith.cmpi ne, %rem3A_4198, %ne3A_4199 : i32
      %and3A_4201 = arith.andi %ne3A_4197, %ne3A_4200 : i1
      %sub3A_4202 = arith.constant 1 : i32
      %sub3A_4203 = arith.subi %div3A_4182, %sub3A_4202 : i32
      %select_n3A_4204 = arith.select %and3A_4201, %sub3A_4203, %div3A_4182 : i32
      %mul3A_4205 = arith.constant 1000 : i32
      %mul3A_4206 = arith.muli %select_n3A_4204, %mul3A_4205 : i32
      %mul3A_4207 = arith.constant 128 : i32
      %mul3A_4208 = arith.muli %add3A_4177, %mul3A_4207 : i32
      %add3A_4209 = arith.constant 0 : i32
      %add3A_4210 = arith.addi %mul3A_4208, %add3A_4209 : i32
      %get3A_4211 = arith.index_cast %add3A_4210 : i32 to index
      %get3A_4212 = tpu.vector_load %arg5[%get3A_4211] {strides = array<i32>} : memref<13312xi32, #tpu.memory_space<vmem>>, vector<16xi32>,
      %get3A_4213 = vector.shape_cast %get3A_4212 : vector<16xi32> to vector<16xi32>
      %add3A_4214 = vector.broadcast %mul3A_4206 : i32 to vector<16xi32>
      %add3A_4215 = arith.addi %get3A_4213, %add3A_4214 : vector<16xi32>
      %swap3A_4216 = arith.index_cast %add3A_4210 : i32 to index
      %swap3A_4217 = tpu.vector_load %arg5[%swap3A_4216] {strides = array<i32>} : memref<13312xi32, #tpu.memory_space<vmem>>, vector<16xi32>,
      %swap3A_4218 = vector.shape_cast %swap3A_4217 : vector<16xi32> to vector<16xi32>
      %swap3A_4219 = vector.shape_cast %add3A_4215 : vector<16xi32> to vector<16xi32>
      tpu.vector_store %arg5[%swap3A_4216], %swap3A_4219 {strides = array<i32>} : memref<13312xi32, #tpu.memory_space<vmem>>, vector<16xi32>,
      %mul3A_4220 = arith.constant 128 : i32
      %mul3A_4221 = arith.muli %add3A_4177, %mul3A_4220 : i32
      %add3A_4222 = arith.constant 16 : i32
      %add3A_4223 = arith.addi %mul3A_4221, %add3A_4222 : i32
      %get3A_4224 = arith.index_cast %add3A_4223 : i32 to index
      %get3A_4225 = tpu.vector_load %arg5[%get3A_4224] {strides = array<i32>} : memref<13312xi32, #tpu.memory_space<vmem>>, vector<16xi32>,
      %get3A_4226 = vector.shape_cast %get3A_4225 : vector<16xi32> to vector<16xi32>
      %add3A_4227 = vector.broadcast %mul3A_4206 : i32 to vector<16xi32>
      %add3A_4228 = arith.addi %get3A_4226, %add3A_4227 : vector<16xi32>
      %swap3A_4229 = arith.index_cast %add3A_4223 : i32 to index
      %swap3A_4230 = tpu.vector_load %arg5[%swap3A_4229] {strides = array<i32>} : memref<13312xi32, #tpu.memory_space<vmem>>, vector<16xi32>,
      %swap3A_4231 = vector.shape_cast %swap3A_4230 : vector<16xi32> to vector<16xi32>
      %swap3A_4232 = vector.shape_cast %add3A_4228 : vector<16xi32> to vector<16xi32>
      tpu.vector_store %arg5[%swap3A_4229], %swap3A_4232 {strides = array<i32>} : memref<13312xi32, #tpu.memory_space<vmem>>, vector<16xi32>,
      %mul3A_4233 = arith.constant 128 : i32
      %mul3A_4234 = arith.muli %add3A_4177, %mul3A_4233 : i32
      %add3A_4235 = arith.constant 32 : i32
      %add3A_4236 = arith.addi %mul3A_4234, %add3A_4235 : i32
      %get3A_4237 = arith.index_cast %add3A_4236 : i32 to index
      %get3A_4238 = tpu.vector_load %arg5[%get3A_4237] {strides = array<i32>} : memref<13312xi32, #tpu.memory_space<vmem>>, vector<16xi32>,
      %get3A_4239 = vector.shape_cast %get3A_4238 : vector<16xi32> to vector<16xi32>
      %add3A_4240 = vector.broadcast %mul3A_4206 : i32 to vector<16xi32>
      %add3A_4241 = arith.addi %get3A_4239, %add3A_4240 : vector<16xi32>
      %swap3A_4242 = arith.index_cast %add3A_4236 : i32 to index
      %swap3A_4243 = tpu.vector_load %arg5[%swap3A_4242] {strides = array<i32>} : memref<13312xi32, #tpu.memory_space<vmem>>, vector<16xi32>,
      %swap3A_4244 = vector.shape_cast %swap3A_4243 : vector<16xi32> to vector<16xi32>
      %swap3A_4245 = vector.shape_cast %add3A_4241 : vector<16xi32> to vector<16xi32>
      tpu.vector_store %arg5[%swap3A_4242], %swap3A_4245 {strides = array<i32>} : memref<13312xi32, #tpu.memory_space<vmem>>, vector<16xi32>,
      %mul3A_4246 = arith.constant 128 : i32
      %mul3A_4247 = arith.muli %add3A_4177, %mul3A_4246 : i32
      %add3A_4248 = arith.constant 48 : i32
      %add3A_4249 = arith.addi %mul3A_4247, %add3A_4248 : i32
      %get3A_4250 = arith.index_cast %add3A_4249 : i32 to index
      %get3A_4251 = tpu.vector_load %arg5[%get3A_4250] {strides = array<i32>} : memref<13312xi32, #tpu.memory_space<vmem>>, vector<16xi32>,
      %get3A_4252 = vector.shape_cast %get3A_4251 : vector<16xi32> to vector<16xi32>
      %add3A_4253 = vector.broadcast %mul3A_4206 : i32 to vector<16xi32>
      %add3A_4254 = arith.addi %get3A_4252, %add3A_4253 : vector<16xi32>
      %swap3A_4255 = arith.index_cast %add3A_4249 : i32 to index
      %swap3A_4256 = tpu.vector_load %arg5[%swap3A_4255] {strides = array<i32>} : memref<13312xi32, #tpu.memory_space<vmem>>, vector<16xi32>,
      %swap3A_4257 = vector.shape_cast %swap3A_4256 : vector<16xi32> to vector<16xi32>
      %swap3A_4258 = vector.shape_cast %add3A_4254 : vector<16xi32> to vector<16xi32>
      tpu.vector_store %arg5[%swap3A_4255], %swap3A_4258 {strides = array<i32>} : memref<13312xi32, #tpu.memory_space<vmem>>, vector<16xi32>,
      %mul3A_4259 = arith.constant 128 : i32
      %mul3A_4260 = arith.muli %add3A_4177, %mul3A_4259 : i32
      %add3A_4261 = arith.constant 64 : i32
      %add3A_4262 = arith.addi %mul3A_4260, %add3A_4261 : i32
      %get3A_4263 = arith.index_cast %add3A_4262 : i32 to index
      %get3A_4264 = tpu.vector_load %arg5[%get3A_4263] {strides = array<i32>} : memref<13312xi32, #tpu.memory_space<vmem>>, vector<16xi32>,
      %get3A_4265 = vector.shape_cast %get3A_4264 : vector<16xi32> to vector<16xi32>
      %add3A_4266 = vector.broadcast %mul3A_4206 : i32 to vector<16xi32>
      %add3A_4267 = arith.addi %get3A_4265, %add3A_4266 : vector<16xi32>
      %swap3A_4268 = arith.index_cast %add3A_4262 : i32 to index
      %swap3A_4269 = tpu.vector_load %arg5[%swap3A_4268] {strides = array<i32>} : memref<13312xi32, #tpu.memory_space<vmem>>, vector<16xi32>,
      %swap3A_4270 = vector.shape_cast %swap3A_4269 : vector<16xi32> to vector<16xi32>
      %swap3A_4271 = vector.shape_cast %add3A_4267 : vector<16xi32> to vector<16xi32>
      tpu.vector_store %arg5[%swap3A_4268], %swap3A_4271 {strides = array<i32>} : memref<13312xi32, #tpu.memory_space<vmem>>, vector<16xi32>,
      %mul3A_4272 = arith.constant 128 : i32
      %mul3A_4273 = arith.muli %add3A_4177, %mul3A_4272 : i32
      %add3A_4274 = arith.constant 80 : i32
      %add3A_4275 = arith.addi %mul3A_4273, %add3A_4274 : i32
      %get3A_4276 = arith.index_cast %add3A_4275 : i32 to index
      %get3A_4277 = tpu.vector_load %arg5[%get3A_4276] {strides = array<i32>} : memref<13312xi32, #tpu.memory_space<vmem>>, vector<16xi32>,
      %get3A_4278 = vector.shape_cast %get3A_4277 : vector<16xi32> to vector<16xi32>
      %add3A_4279 = vector.broadcast %mul3A_4206 : i32 to vector<16xi32>
      %add3A_4280 = arith.addi %get3A_4278, %add3A_4279 : vector<16xi32>
      %swap3A_4281 = arith.index_cast %add3A_4275 : i32 to index
      %swap3A_4282 = tpu.vector_load %arg5[%swap3A_4281] {strides = array<i32>} : memref<13312xi32, #tpu.memory_space<vmem>>, vector<16xi32>,
      %swap3A_4283 = vector.shape_cast %swap3A_4282 : vector<16xi32> to vector<16xi32>
      %swap3A_4284 = vector.shape_cast %add3A_4280 : vector<16xi32> to vector<16xi32>
      tpu.vector_store %arg5[%swap3A_4281], %swap3A_4284 {strides = array<i32>} : memref<13312xi32, #tpu.memory_space<vmem>>, vector<16xi32>,
      %mul3A_4285 = arith.constant 128 : i32
      %mul3A_4286 = arith.muli %add3A_4177, %mul3A_4285 : i32
      %add3A_4287 = arith.constant 96 : i32
      %add3A_4288 = arith.addi %mul3A_4286, %add3A_4287 : i32
      %get3A_4289 = arith.index_cast %add3A_4288 : i32 to index
      %get3A_4290 = tpu.vector_load %arg5[%get3A_4289] {strides = array<i32>} : memref<13312xi32, #tpu.memory_space<vmem>>, vector<16xi32>,
      %get3A_4291 = vector.shape_cast %get3A_4290 : vector<16xi32> to vector<16xi32>
      %add3A_4292 = vector.broadcast %mul3A_4206 : i32 to vector<16xi32>
      %add3A_4293 = arith.addi %get3A_4291, %add3A_4292 : vector<16xi32>
      %swap3A_4294 = arith.index_cast %add3A_4288 : i32 to index
      %swap3A_4295 = tpu.vector_load %arg5[%swap3A_4294] {strides = array<i32>} : memref<13312xi32, #tpu.memory_space<vmem>>, vector<16xi32>,
      %swap3A_4296 = vector.shape_cast %swap3A_4295 : vector<16xi32> to vector<16xi32>
      %swap3A_4297 = vector.shape_cast %add3A_4293 : vector<16xi32> to vector<16xi32>
      tpu.vector_store %arg5[%swap3A_4294], %swap3A_4297 {strides = array<i32>} : memref<13312xi32, #tpu.memory_space<vmem>>, vector<16xi32>,
      %mul3A_4298 = arith.constant 128 : i32
      %mul3A_4299 = arith.muli %add3A_4177, %mul3A_4298 : i32
      %add3A_4300 = arith.constant 112 : i32
      %add3A_4301 = arith.addi %mul3A_4299, %add3A_4300 : i32
      %get3A_4302 = arith.index_cast %add3A_4301 : i32 to index
      %get3A_4303 = tpu.vector_load %arg5[%get3A_4302] {strides = array<i32>} : memref<13312xi32, #tpu.memory_space<vmem>>, vector<16xi32>,
      %get3A_4304 = vector.shape_cast %get3A_4303 : vector<16xi32> to vector<16xi32>
      %add3A_4305 = vector.broadcast %mul3A_4206 : i32 to vector<16xi32>
      %add3A_4306 = arith.addi %get3A_4304, %add3A_4305 : vector<16xi32>
      %swap3A_4307 = arith.index_cast %add3A_4301 : i32 to index
      %swap3A_4308 = tpu.vector_load %arg5[%swap3A_4307] {strides = array<i32>} : memref<13312xi32, #tpu.memory_space<vmem>>, vector<16xi32>,
      %swap3A_4309 = vector.shape_cast %swap3A_4308 : vector<16xi32> to vector<16xi32>
      %swap3A_4310 = vector.shape_cast %add3A_4306 : vector<16xi32> to vector<16xi32>
      tpu.vector_store %arg5[%swap3A_4307], %swap3A_4310 {strides = array<i32>} : memref<13312xi32, #tpu.memory_space<vmem>>, vector<16xi32>,
      %add3A_4311 = arith.constant 3 : i32
      %add3A_4312 = arith.addi %add3A_4034, %add3A_4311 : i32
      %mul3A_4313 = arith.constant 128 : i32
      %mul3A_4314 = arith.muli %add3A_4312, %mul3A_4313 : i32
      %dma_start3A_4315 = arith.constant 2 : i32
      %dma_start3A_4316 = arith.constant 0 : i32
      %dma_start3A_4317 = arith.constant 0 : i32
      %dma_start3A_4318 = tpu.memref_slice %arg6[%dma_start3A_4315, %dma_start3A_4316, %dma_start3A_4317] : memref<6x128x128xf32, #tpu.memory_space<vmem>> -> memref<1x128x128xf32, #tpu.memory_space<vmem>>
      %dma_start3A_4319 = tpu.memref_squeeze %dma_start3A_4318 : memref<1x128x128xf32, #tpu.memory_space<vmem>> -> memref<128x128xf32, #tpu.memory_space<vmem>>
      %dma_start3A_4320 = tpu.memref_slice %arg5[%mul3A_4314] : memref<13312xi32, #tpu.memory_space<vmem>> -> memref<128xi32, #tpu.memory_space<vmem>>
      %dma_start3A_4321 = arith.constant 0 : i32
      %dma_start3A_4322 = arith.constant 0 : i32
      %dma_start3A_4323 = tpu.memref_slice %arg3[%dma_start3A_4321, %dma_start3A_4322] : memref<26000x128xf32, #tpu.memory_space<hbm>> -> memref<26000x128xf32, #tpu.memory_space<hbm>>
      tpu.enqueue_indirect_dma source(%dma_start3A_4323 : memref<26000x128xf32, #tpu.memory_space<hbm>>) target(%dma_start3A_4319 : memref<128x128xf32, #tpu.memory_space<vmem>>) offsets(%dma_start3A_4320 : memref<128xi32, #tpu.memory_space<vmem>>) semaphore(%arg7 : memref<!tpu.dma_semaphore, #tpu.memory_space<semaphore_mem>>)
      %mul3A_4324 = arith.constant 6 : i32
      %mul3A_4325 = arith.muli %scan3A_3438, %mul3A_4324 : i32
      %add3A_4326 = arith.constant 3 : i32
      %add3A_4327 = arith.addi %add3A_4326, %mul3A_4325 : i32
      %add3A_4328 = arith.constant 3 : i32
      %add3A_4329 = arith.addi %add3A_4327, %add3A_4328 : i32
      %mul3A_4330 = arith.constant 128 : i32
      %mul3A_4331 = arith.muli %add3A_4329, %mul3A_4330 : i32
      %dma_wait3A_4332 = arith.constant 0 : i32
      %dma_wait3A_4333 = arith.constant 0 : i32
      %dma_wait3A_4334 = arith.constant 0 : i32
      %dma_wait3A_4335 = tpu.memref_slice %arg6[%dma_wait3A_4332, %dma_wait3A_4333, %dma_wait3A_4334] : memref<6x128x128xf32, #tpu.memory_space<vmem>> -> memref<1x128x128xf32, #tpu.memory_space<vmem>>
      %dma_wait3A_4336 = tpu.memref_squeeze %dma_wait3A_4335 : memref<1x128x128xf32, #tpu.memory_space<vmem>> -> memref<128x128xf32, #tpu.memory_space<vmem>>
      %dma_wait3A_4337 = tpu.memref_slice %arg5[%mul3A_4331] : memref<13312xi32, #tpu.memory_space<vmem>> -> memref<128xi32, #tpu.memory_space<vmem>>
      %dma_wait3A_4338 = arith.constant 0 : i32
      %dma_wait3A_4339 = arith.constant 0 : i32
      %dma_wait3A_4340 = tpu.memref_slice %arg3[%dma_wait3A_4338, %dma_wait3A_4339] : memref<26000x128xf32, #tpu.memory_space<hbm>> -> memref<26000x128xf32, #tpu.memory_space<hbm>>
      tpu.wait_indirect_dma semaphore(%arg7 : memref<!tpu.dma_semaphore, #tpu.memory_space<semaphore_mem>>) src(%dma_wait3A_4340 : memref<26000x128xf32, #tpu.memory_space<hbm>>) dst(%dma_wait3A_4336 : memref<128x128xf32, #tpu.memory_space<vmem>>)
      %mul3A_4341 = arith.constant 128 : i32
      %mul3A_4342 = arith.muli %add3A_4329, %mul3A_4341 : i32
      %add3A_4343 = arith.addi %mul3A_2, %mul3A_4342 : i32
      %jit3A_4344 = arith.constant 16384 : i32
      %div3A_4345 = arith.divsi %add3A_4343, %jit3A_4344 : i32
      %sign3A_4346 = arith.constant 0 : i32
      %sign3A_4347 = arith.cmpi sgt, %add3A_4343, %sign3A_4346 : i32
      %sign3A_4348 = arith.extui %sign3A_4347 : i1 to i32
      %sign3A_4349 = arith.constant 0 : i32
      %sign3A_4350 = arith.cmpi slt, %add3A_4343, %sign3A_4349 : i32
      %sign3A_4351 = arith.extui %sign3A_4350 : i1 to i32
      %sign3A_4352 = arith.subi %sign3A_4348, %sign3A_4351 : i32
      %sign3A_4353 = arith.constant 0 : i32
      %sign3A_4354 = arith.cmpi sgt, %jit3A_4344, %sign3A_4353 : i32
      %sign3A_4355 = arith.extui %sign3A_4354 : i1 to i32
      %sign3A_4356 = arith.constant 0 : i32
      %sign3A_4357 = arith.cmpi slt, %jit3A_4344, %sign3A_4356 : i32
      %sign3A_4358 = arith.extui %sign3A_4357 : i1 to i32
      %sign3A_4359 = arith.subi %sign3A_4355, %sign3A_4358 : i32
      %ne3A_4360 = arith.cmpi ne, %sign3A_4352, %sign3A_4359 : i32
      %rem3A_4361 = arith.remsi %add3A_4343, %jit3A_4344 : i32
      %ne3A_4362 = arith.constant 0 : i32
      %ne3A_4363 = arith.cmpi ne, %rem3A_4361, %ne3A_4362 : i32
      %and3A_4364 = arith.andi %ne3A_4360, %ne3A_4363 : i1
      %sub3A_4365 = arith.constant 1 : i32
      %sub3A_4366 = arith.subi %div3A_4345, %sub3A_4365 : i32
      %select_n3A_4367 = arith.select %and3A_4364, %sub3A_4366, %div3A_4345 : i32
      %jit3A_4368 = arith.constant 16384 : i32
      %eq3A_4369 = arith.constant 0 : i32
      %eq3A_4370 = arith.cmpi eq, %jit3A_4368, %eq3A_4369 : i32
      %jit3A_4371 = arith.constant 1 : i32
      %select_n3A_4372 = arith.select %eq3A_4370, %jit3A_4371, %jit3A_4368 : i32
      %rem3A_4373 = arith.remsi %add3A_4343, %select_n3A_4372 : i32
      %ne3A_4374 = arith.constant 0 : i32
      %ne3A_4375 = arith.cmpi ne, %rem3A_4373, %ne3A_4374 : i32
      %lt3A_4376 = arith.constant 0 : i32
      %lt3A_4377 = arith.cmpi slt, %rem3A_4373, %lt3A_4376 : i32
      %lt3A_4378 = arith.constant 0 : i32
      %lt3A_4379 = arith.cmpi slt, %select_n3A_4372, %lt3A_4378 : i32
      %ne3A_4380 = arith.xori %lt3A_4377, %lt3A_4379 : i1
      %and3A_4381 = arith.andi %ne3A_4380, %ne3A_4375 : i1
      %add3A_4382 = arith.addi %rem3A_4373, %select_n3A_4372 : i32
      %select_n3A_4383 = arith.select %and3A_4381, %add3A_4382, %rem3A_4373 : i32
      %dma_start3A_4384 = arith.constant 0 : i32
      %dma_start3A_4385 = arith.constant 0 : i32
      %dma_start3A_4386 = arith.constant 0 : i32
      %dma_start3A_4387 = tpu.memref_slice %arg6[%dma_start3A_4384, %dma_start3A_4385, %dma_start3A_4386] : memref<6x128x128xf32, #tpu.memory_space<vmem>> -> memref<1x128x128xf32, #tpu.memory_space<vmem>>
      %dma_start3A_4388 = tpu.memref_squeeze %dma_start3A_4387 : memref<1x128x128xf32, #tpu.memory_space<vmem>> -> memref<128x128xf32, #tpu.memory_space<vmem>>
      %dma_start3A_4389 = arith.constant 0 : i32
      %dma_start3A_4390 = arith.constant 0 : i32
      %dma_start3A_4391 = tpu.memref_slice %arg4[%select_n3A_4367, %dma_start3A_4389, %dma_start3A_4390] : memref<26x16384x128xf32, #tpu.memory_space<hbm>> -> memref<1x16384x128xf32, #tpu.memory_space<hbm>>
      %dma_start3A_4392 = tpu.memref_squeeze %dma_start3A_4391 : memref<1x16384x128xf32, #tpu.memory_space<hbm>> -> memref<16384x128xf32, #tpu.memory_space<hbm>>
      %dma_start3A_4393 = arith.constant 0 : i32
      %dma_start3A_4394 = tpu.memref_slice %dma_start3A_4392[%select_n3A_4383, %dma_start3A_4393] : memref<16384x128xf32, #tpu.memory_space<hbm>> -> memref<128x128xf32, #tpu.memory_space<hbm>>
      %dma_start3A_4395 = arith.constant 0 : i32
      %dma_start3A_4396 = arith.constant 0 : i32
      %dma_start3A_4397 = tpu.memref_slice %arg4[%select_n3A_4367, %dma_start3A_4395, %dma_start3A_4396] : memref<26x16384x128xf32, #tpu.memory_space<hbm>> -> memref<1x16384x128xf32, #tpu.memory_space<hbm>>
      %dma_start3A_4398 = tpu.memref_squeeze %dma_start3A_4397 : memref<1x16384x128xf32, #tpu.memory_space<hbm>> -> memref<16384x128xf32, #tpu.memory_space<hbm>>
      %dma_start3A_4399 = arith.constant 0 : i32
      %dma_start3A_4400 = tpu.memref_slice %dma_start3A_4398[%select_n3A_4383, %dma_start3A_4399] : memref<16384x128xf32, #tpu.memory_space<hbm>> -> memref<128x128xf32, #tpu.memory_space<hbm>>
      %dma_start3A_4401 = arith.constant 0 : i32
      %dma_start3A_4402 = arith.constant 0 : i32
      %dma_start3A_4403 = tpu.memref_slice %arg6[%dma_start3A_4384, %dma_start3A_4401, %dma_start3A_4402] : memref<6x128x128xf32, #tpu.memory_space<vmem>> -> memref<1x128x128xf32, #tpu.memory_space<vmem>>
      %dma_start3A_4404 = tpu.memref_squeeze %dma_start3A_4403 : memref<1x128x128xf32, #tpu.memory_space<vmem>> -> memref<128x128xf32, #tpu.memory_space<vmem>>
      tpu.enqueue_dma source(%dma_start3A_4404 : memref<128x128xf32, #tpu.memory_space<vmem>>) target(%dma_start3A_4400 : memref<128x128xf32, #tpu.memory_space<hbm>>) target_semaphore(%arg8 : memref<!tpu.dma_semaphore, #tpu.memory_space<semaphore_mem>>)
      %sub3A_4405 = arith.constant 3 : i32
      %sub3A_4406 = arith.subi %add3A_4329, %sub3A_4405 : i32
      %mul3A_4407 = arith.constant 128 : i32
      %mul3A_4408 = arith.muli %sub3A_4406, %mul3A_4407 : i32
      %add3A_4409 = arith.addi %mul3A_2, %mul3A_4408 : i32
      %jit3A_4410 = arith.constant 16384 : i32
      %div3A_4411 = arith.divsi %add3A_4409, %jit3A_4410 : i32
      %sign3A_4412 = arith.constant 0 : i32
      %sign3A_4413 = arith.cmpi sgt, %add3A_4409, %sign3A_4412 : i32
      %sign3A_4414 = arith.extui %sign3A_4413 : i1 to i32
      %sign3A_4415 = arith.constant 0 : i32
      %sign3A_4416 = arith.cmpi slt, %add3A_4409, %sign3A_4415 : i32
      %sign3A_4417 = arith.extui %sign3A_4416 : i1 to i32
      %sign3A_4418 = arith.subi %sign3A_4414, %sign3A_4417 : i32
      %sign3A_4419 = arith.constant 0 : i32
      %sign3A_4420 = arith.cmpi sgt, %jit3A_4410, %sign3A_4419 : i32
      %sign3A_4421 = arith.extui %sign3A_4420 : i1 to i32
      %sign3A_4422 = arith.constant 0 : i32
      %sign3A_4423 = arith.cmpi slt, %jit3A_4410, %sign3A_4422 : i32
      %sign3A_4424 = arith.extui %sign3A_4423 : i1 to i32
      %sign3A_4425 = arith.subi %sign3A_4421, %sign3A_4424 : i32
      %ne3A_4426 = arith.cmpi ne, %sign3A_4418, %sign3A_4425 : i32
      %rem3A_4427 = arith.remsi %add3A_4409, %jit3A_4410 : i32
      %ne3A_4428 = arith.constant 0 : i32
      %ne3A_4429 = arith.cmpi ne, %rem3A_4427, %ne3A_4428 : i32
      %and3A_4430 = arith.andi %ne3A_4426, %ne3A_4429 : i1
      %sub3A_4431 = arith.constant 1 : i32
      %sub3A_4432 = arith.subi %div3A_4411, %sub3A_4431 : i32
      %select_n3A_4433 = arith.select %and3A_4430, %sub3A_4432, %div3A_4411 : i32
      %jit3A_4434 = arith.constant 16384 : i32
      %eq3A_4435 = arith.constant 0 : i32
      %eq3A_4436 = arith.cmpi eq, %jit3A_4434, %eq3A_4435 : i32
      %jit3A_4437 = arith.constant 1 : i32
      %select_n3A_4438 = arith.select %eq3A_4436, %jit3A_4437, %jit3A_4434 : i32
      %rem3A_4439 = arith.remsi %add3A_4409, %select_n3A_4438 : i32
      %ne3A_4440 = arith.constant 0 : i32
      %ne3A_4441 = arith.cmpi ne, %rem3A_4439, %ne3A_4440 : i32
      %lt3A_4442 = arith.constant 0 : i32
      %lt3A_4443 = arith.cmpi slt, %rem3A_4439, %lt3A_4442 : i32
      %lt3A_4444 = arith.constant 0 : i32
      %lt3A_4445 = arith.cmpi slt, %select_n3A_4438, %lt3A_4444 : i32
      %ne3A_4446 = arith.xori %lt3A_4443, %lt3A_4445 : i1
      %and3A_4447 = arith.andi %ne3A_4446, %ne3A_4441 : i1
      %add3A_4448 = arith.addi %rem3A_4439, %select_n3A_4438 : i32
      %select_n3A_4449 = arith.select %and3A_4447, %add3A_4448, %rem3A_4439 : i32
      %dma_wait3A_4450 = arith.constant 3 : i32
      %dma_wait3A_4451 = arith.constant 0 : i32
      %dma_wait3A_4452 = arith.constant 0 : i32
      %dma_wait3A_4453 = tpu.memref_slice %arg6[%dma_wait3A_4450, %dma_wait3A_4451, %dma_wait3A_4452] : memref<6x128x128xf32, #tpu.memory_space<vmem>> -> memref<1x128x128xf32, #tpu.memory_space<vmem>>
      %dma_wait3A_4454 = tpu.memref_squeeze %dma_wait3A_4453 : memref<1x128x128xf32, #tpu.memory_space<vmem>> -> memref<128x128xf32, #tpu.memory_space<vmem>>
      %dma_wait3A_4455 = arith.constant 0 : i32
      %dma_wait3A_4456 = arith.constant 0 : i32
      %dma_wait3A_4457 = tpu.memref_slice %arg4[%select_n3A_4433, %dma_wait3A_4455, %dma_wait3A_4456] : memref<26x16384x128xf32, #tpu.memory_space<hbm>> -> memref<1x16384x128xf32, #tpu.memory_space<hbm>>
      %dma_wait3A_4458 = tpu.memref_squeeze %dma_wait3A_4457 : memref<1x16384x128xf32, #tpu.memory_space<hbm>> -> memref<16384x128xf32, #tpu.memory_space<hbm>>
      %dma_wait3A_4459 = arith.constant 0 : i32
      %dma_wait3A_4460 = tpu.memref_slice %dma_wait3A_4458[%select_n3A_4449, %dma_wait3A_4459] : memref<16384x128xf32, #tpu.memory_space<hbm>> -> memref<128x128xf32, #tpu.memory_space<hbm>>
      %dma_wait3A_4461 = arith.constant 0 : i32
      %dma_wait3A_4462 = arith.constant 0 : i32
      %dma_wait3A_4463 = tpu.memref_slice %arg4[%select_n3A_4433, %dma_wait3A_4461, %dma_wait3A_4462] : memref<26x16384x128xf32, #tpu.memory_space<hbm>> -> memref<1x16384x128xf32, #tpu.memory_space<hbm>>
      %dma_wait3A_4464 = tpu.memref_squeeze %dma_wait3A_4463 : memref<1x16384x128xf32, #tpu.memory_space<hbm>> -> memref<16384x128xf32, #tpu.memory_space<hbm>>
      %dma_wait3A_4465 = arith.constant 0 : i32
      %dma_wait3A_4466 = tpu.memref_slice %dma_wait3A_4464[%select_n3A_4449, %dma_wait3A_4465] : memref<16384x128xf32, #tpu.memory_space<hbm>> -> memref<128x128xf32, #tpu.memory_space<hbm>>
      %dma_wait3A_4467 = arith.constant 0 : i32
      %dma_wait3A_4468 = arith.constant 0 : i32
      %dma_wait3A_4469 = tpu.memref_slice %arg6[%dma_wait3A_4450, %dma_wait3A_4467, %dma_wait3A_4468] : memref<6x128x128xf32, #tpu.memory_space<vmem>> -> memref<1x128x128xf32, #tpu.memory_space<vmem>>
      %dma_wait3A_4470 = tpu.memref_squeeze %dma_wait3A_4469 : memref<1x128x128xf32, #tpu.memory_space<vmem>> -> memref<128x128xf32, #tpu.memory_space<vmem>>
      tpu.wait_dma2 semaphore(%arg8 : memref<!tpu.dma_semaphore, #tpu.memory_space<semaphore_mem>>) src(%dma_wait3A_4470 : memref<128x128xf32, #tpu.memory_space<vmem>>) dst(%dma_wait3A_4466 : memref<128x128xf32, #tpu.memory_space<hbm>>)
      %add3A_4471 = arith.constant 6 : i32
      %add3A_4472 = arith.addi %add3A_4329, %add3A_4471 : i32
      %mul3A_4473 = arith.constant 128 : i32
      %mul3A_4474 = arith.muli %add3A_4472, %mul3A_4473 : i32
      %add3A_4475 = arith.addi %mul3A_2, %mul3A_4474 : i32
      %jit3A_4476 = arith.constant 16384 : i32
      %div3A_4477 = arith.divsi %add3A_4475, %jit3A_4476 : i32
      %sign3A_4478 = arith.constant 0 : i32
      %sign3A_4479 = arith.cmpi sgt, %add3A_4475, %sign3A_4478 : i32
      %sign3A_4480 = arith.extui %sign3A_4479 : i1 to i32
      %sign3A_4481 = arith.constant 0 : i32
      %sign3A_4482 = arith.cmpi slt, %add3A_4475, %sign3A_4481 : i32
      %sign3A_4483 = arith.extui %sign3A_4482 : i1 to i32
      %sign3A_4484 = arith.subi %sign3A_4480, %sign3A_4483 : i32
      %sign3A_4485 = arith.constant 0 : i32
      %sign3A_4486 = arith.cmpi sgt, %jit3A_4476, %sign3A_4485 : i32
      %sign3A_4487 = arith.extui %sign3A_4486 : i1 to i32
      %sign3A_4488 = arith.constant 0 : i32
      %sign3A_4489 = arith.cmpi slt, %jit3A_4476, %sign3A_4488 : i32
      %sign3A_4490 = arith.extui %sign3A_4489 : i1 to i32
      %sign3A_4491 = arith.subi %sign3A_4487, %sign3A_4490 : i32
      %ne3A_4492 = arith.cmpi ne, %sign3A_4484, %sign3A_4491 : i32
      %rem3A_4493 = arith.remsi %add3A_4475, %jit3A_4476 : i32
      %ne3A_4494 = arith.constant 0 : i32
      %ne3A_4495 = arith.cmpi ne, %rem3A_4493, %ne3A_4494 : i32
      %and3A_4496 = arith.andi %ne3A_4492, %ne3A_4495 : i1
      %sub3A_4497 = arith.constant 1 : i32
      %sub3A_4498 = arith.subi %div3A_4477, %sub3A_4497 : i32
      %select_n3A_4499 = arith.select %and3A_4496, %sub3A_4498, %div3A_4477 : i32
      %mul3A_4500 = arith.constant 1000 : i32
      %mul3A_4501 = arith.muli %select_n3A_4499, %mul3A_4500 : i32
      %mul3A_4502 = arith.constant 128 : i32
      %mul3A_4503 = arith.muli %add3A_4472, %mul3A_4502 : i32
      %add3A_4504 = arith.constant 0 : i32
      %add3A_4505 = arith.addi %mul3A_4503, %add3A_4504 : i32
      %get3A_4506 = arith.index_cast %add3A_4505 : i32 to index
      %get3A_4507 = tpu.vector_load %arg5[%get3A_4506] {strides = array<i32>} : memref<13312xi32, #tpu.memory_space<vmem>>, vector<16xi32>,
      %get3A_4508 = vector.shape_cast %get3A_4507 : vector<16xi32> to vector<16xi32>
      %add3A_4509 = vector.broadcast %mul3A_4501 : i32 to vector<16xi32>
      %add3A_4510 = arith.addi %get3A_4508, %add3A_4509 : vector<16xi32>
      %swap3A_4511 = arith.index_cast %add3A_4505 : i32 to index
      %swap3A_4512 = tpu.vector_load %arg5[%swap3A_4511] {strides = array<i32>} : memref<13312xi32, #tpu.memory_space<vmem>>, vector<16xi32>,
      %swap3A_4513 = vector.shape_cast %swap3A_4512 : vector<16xi32> to vector<16xi32>
      %swap3A_4514 = vector.shape_cast %add3A_4510 : vector<16xi32> to vector<16xi32>
      tpu.vector_store %arg5[%swap3A_4511], %swap3A_4514 {strides = array<i32>} : memref<13312xi32, #tpu.memory_space<vmem>>, vector<16xi32>,
      %mul3A_4515 = arith.constant 128 : i32
      %mul3A_4516 = arith.muli %add3A_4472, %mul3A_4515 : i32
      %add3A_4517 = arith.constant 16 : i32
      %add3A_4518 = arith.addi %mul3A_4516, %add3A_4517 : i32
      %get3A_4519 = arith.index_cast %add3A_4518 : i32 to index
      %get3A_4520 = tpu.vector_load %arg5[%get3A_4519] {strides = array<i32>} : memref<13312xi32, #tpu.memory_space<vmem>>, vector<16xi32>,
      %get3A_4521 = vector.shape_cast %get3A_4520 : vector<16xi32> to vector<16xi32>
      %add3A_4522 = vector.broadcast %mul3A_4501 : i32 to vector<16xi32>
      %add3A_4523 = arith.addi %get3A_4521, %add3A_4522 : vector<16xi32>
      %swap3A_4524 = arith.index_cast %add3A_4518 : i32 to index
      %swap3A_4525 = tpu.vector_load %arg5[%swap3A_4524] {strides = array<i32>} : memref<13312xi32, #tpu.memory_space<vmem>>, vector<16xi32>,
      %swap3A_4526 = vector.shape_cast %swap3A_4525 : vector<16xi32> to vector<16xi32>
      %swap3A_4527 = vector.shape_cast %add3A_4523 : vector<16xi32> to vector<16xi32>
      tpu.vector_store %arg5[%swap3A_4524], %swap3A_4527 {strides = array<i32>} : memref<13312xi32, #tpu.memory_space<vmem>>, vector<16xi32>,
      %mul3A_4528 = arith.constant 128 : i32
      %mul3A_4529 = arith.muli %add3A_4472, %mul3A_4528 : i32
      %add3A_4530 = arith.constant 32 : i32
      %add3A_4531 = arith.addi %mul3A_4529, %add3A_4530 : i32
      %get3A_4532 = arith.index_cast %add3A_4531 : i32 to index
      %get3A_4533 = tpu.vector_load %arg5[%get3A_4532] {strides = array<i32>} : memref<13312xi32, #tpu.memory_space<vmem>>, vector<16xi32>,
      %get3A_4534 = vector.shape_cast %get3A_4533 : vector<16xi32> to vector<16xi32>
      %add3A_4535 = vector.broadcast %mul3A_4501 : i32 to vector<16xi32>
      %add3A_4536 = arith.addi %get3A_4534, %add3A_4535 : vector<16xi32>
      %swap3A_4537 = arith.index_cast %add3A_4531 : i32 to index
      %swap3A_4538 = tpu.vector_load %arg5[%swap3A_4537] {strides = array<i32>} : memref<13312xi32, #tpu.memory_space<vmem>>, vector<16xi32>,
      %swap3A_4539 = vector.shape_cast %swap3A_4538 : vector<16xi32> to vector<16xi32>
      %swap3A_4540 = vector.shape_cast %add3A_4536 : vector<16xi32> to vector<16xi32>
      tpu.vector_store %arg5[%swap3A_4537], %swap3A_4540 {strides = array<i32>} : memref<13312xi32, #tpu.memory_space<vmem>>, vector<16xi32>,
      %mul3A_4541 = arith.constant 128 : i32
      %mul3A_4542 = arith.muli %add3A_4472, %mul3A_4541 : i32
      %add3A_4543 = arith.constant 48 : i32
      %add3A_4544 = arith.addi %mul3A_4542, %add3A_4543 : i32
      %get3A_4545 = arith.index_cast %add3A_4544 : i32 to index
      %get3A_4546 = tpu.vector_load %arg5[%get3A_4545] {strides = array<i32>} : memref<13312xi32, #tpu.memory_space<vmem>>, vector<16xi32>,
      %get3A_4547 = vector.shape_cast %get3A_4546 : vector<16xi32> to vector<16xi32>
      %add3A_4548 = vector.broadcast %mul3A_4501 : i32 to vector<16xi32>
      %add3A_4549 = arith.addi %get3A_4547, %add3A_4548 : vector<16xi32>
      %swap3A_4550 = arith.index_cast %add3A_4544 : i32 to index
      %swap3A_4551 = tpu.vector_load %arg5[%swap3A_4550] {strides = array<i32>} : memref<13312xi32, #tpu.memory_space<vmem>>, vector<16xi32>,
      %swap3A_4552 = vector.shape_cast %swap3A_4551 : vector<16xi32> to vector<16xi32>
      %swap3A_4553 = vector.shape_cast %add3A_4549 : vector<16xi32> to vector<16xi32>
      tpu.vector_store %arg5[%swap3A_4550], %swap3A_4553 {strides = array<i32>} : memref<13312xi32, #tpu.memory_space<vmem>>, vector<16xi32>,
      %mul3A_4554 = arith.constant 128 : i32
      %mul3A_4555 = arith.muli %add3A_4472, %mul3A_4554 : i32
      %add3A_4556 = arith.constant 64 : i32
      %add3A_4557 = arith.addi %mul3A_4555, %add3A_4556 : i32
      %get3A_4558 = arith.index_cast %add3A_4557 : i32 to index
      %get3A_4559 = tpu.vector_load %arg5[%get3A_4558] {strides = array<i32>} : memref<13312xi32, #tpu.memory_space<vmem>>, vector<16xi32>,
      %get3A_4560 = vector.shape_cast %get3A_4559 : vector<16xi32> to vector<16xi32>
      %add3A_4561 = vector.broadcast %mul3A_4501 : i32 to vector<16xi32>
      %add3A_4562 = arith.addi %get3A_4560, %add3A_4561 : vector<16xi32>
      %swap3A_4563 = arith.index_cast %add3A_4557 : i32 to index
      %swap3A_4564 = tpu.vector_load %arg5[%swap3A_4563] {strides = array<i32>} : memref<13312xi32, #tpu.memory_space<vmem>>, vector<16xi32>,
      %swap3A_4565 = vector.shape_cast %swap3A_4564 : vector<16xi32> to vector<16xi32>
      %swap3A_4566 = vector.shape_cast %add3A_4562 : vector<16xi32> to vector<16xi32>
      tpu.vector_store %arg5[%swap3A_4563], %swap3A_4566 {strides = array<i32>} : memref<13312xi32, #tpu.memory_space<vmem>>, vector<16xi32>,
      %mul3A_4567 = arith.constant 128 : i32
      %mul3A_4568 = arith.muli %add3A_4472, %mul3A_4567 : i32
      %add3A_4569 = arith.constant 80 : i32
      %add3A_4570 = arith.addi %mul3A_4568, %add3A_4569 : i32
      %get3A_4571 = arith.index_cast %add3A_4570 : i32 to index
      %get3A_4572 = tpu.vector_load %arg5[%get3A_4571] {strides = array<i32>} : memref<13312xi32, #tpu.memory_space<vmem>>, vector<16xi32>,
      %get3A_4573 = vector.shape_cast %get3A_4572 : vector<16xi32> to vector<16xi32>
      %add3A_4574 = vector.broadcast %mul3A_4501 : i32 to vector<16xi32>
      %add3A_4575 = arith.addi %get3A_4573, %add3A_4574 : vector<16xi32>
      %swap3A_4576 = arith.index_cast %add3A_4570 : i32 to index
      %swap3A_4577 = tpu.vector_load %arg5[%swap3A_4576] {strides = array<i32>} : memref<13312xi32, #tpu.memory_space<vmem>>, vector<16xi32>,
      %swap3A_4578 = vector.shape_cast %swap3A_4577 : vector<16xi32> to vector<16xi32>
      %swap3A_4579 = vector.shape_cast %add3A_4575 : vector<16xi32> to vector<16xi32>
      tpu.vector_store %arg5[%swap3A_4576], %swap3A_4579 {strides = array<i32>} : memref<13312xi32, #tpu.memory_space<vmem>>, vector<16xi32>,
      %mul3A_4580 = arith.constant 128 : i32
      %mul3A_4581 = arith.muli %add3A_4472, %mul3A_4580 : i32
      %add3A_4582 = arith.constant 96 : i32
      %add3A_4583 = arith.addi %mul3A_4581, %add3A_4582 : i32
      %get3A_4584 = arith.index_cast %add3A_4583 : i32 to index
      %get3A_4585 = tpu.vector_load %arg5[%get3A_4584] {strides = array<i32>} : memref<13312xi32, #tpu.memory_space<vmem>>, vector<16xi32>,
      %get3A_4586 = vector.shape_cast %get3A_4585 : vector<16xi32> to vector<16xi32>
      %add3A_4587 = vector.broadcast %mul3A_4501 : i32 to vector<16xi32>
      %add3A_4588 = arith.addi %get3A_4586, %add3A_4587 : vector<16xi32>
      %swap3A_4589 = arith.index_cast %add3A_4583 : i32 to index
      %swap3A_4590 = tpu.vector_load %arg5[%swap3A_4589] {strides = array<i32>} : memref<13312xi32, #tpu.memory_space<vmem>>, vector<16xi32>,
      %swap3A_4591 = vector.shape_cast %swap3A_4590 : vector<16xi32> to vector<16xi32>
      %swap3A_4592 = vector.shape_cast %add3A_4588 : vector<16xi32> to vector<16xi32>
      tpu.vector_store %arg5[%swap3A_4589], %swap3A_4592 {strides = array<i32>} : memref<13312xi32, #tpu.memory_space<vmem>>, vector<16xi32>,
      %mul3A_4593 = arith.constant 128 : i32
      %mul3A_4594 = arith.muli %add3A_4472, %mul3A_4593 : i32
      %add3A_4595 = arith.constant 112 : i32
      %add3A_4596 = arith.addi %mul3A_4594, %add3A_4595 : i32
      %get3A_4597 = arith.index_cast %add3A_4596 : i32 to index
      %get3A_4598 = tpu.vector_load %arg5[%get3A_4597] {strides = array<i32>} : memref<13312xi32, #tpu.memory_space<vmem>>, vector<16xi32>,
      %get3A_4599 = vector.shape_cast %get3A_4598 : vector<16xi32> to vector<16xi32>
      %add3A_4600 = vector.broadcast %mul3A_4501 : i32 to vector<16xi32>
      %add3A_4601 = arith.addi %get3A_4599, %add3A_4600 : vector<16xi32>
      %swap3A_4602 = arith.index_cast %add3A_4596 : i32 to index
      %swap3A_4603 = tpu.vector_load %arg5[%swap3A_4602] {strides = array<i32>} : memref<13312xi32, #tpu.memory_space<vmem>>, vector<16xi32>,
      %swap3A_4604 = vector.shape_cast %swap3A_4603 : vector<16xi32> to vector<16xi32>
      %swap3A_4605 = vector.shape_cast %add3A_4601 : vector<16xi32> to vector<16xi32>
      tpu.vector_store %arg5[%swap3A_4602], %swap3A_4605 {strides = array<i32>} : memref<13312xi32, #tpu.memory_space<vmem>>, vector<16xi32>,
      %add3A_4606 = arith.constant 3 : i32
      %add3A_4607 = arith.addi %add3A_4329, %add3A_4606 : i32
      %mul3A_4608 = arith.constant 128 : i32
      %mul3A_4609 = arith.muli %add3A_4607, %mul3A_4608 : i32
      %dma_start3A_4610 = arith.constant 3 : i32
      %dma_start3A_4611 = arith.constant 0 : i32
      %dma_start3A_4612 = arith.constant 0 : i32
      %dma_start3A_4613 = tpu.memref_slice %arg6[%dma_start3A_4610, %dma_start3A_4611, %dma_start3A_4612] : memref<6x128x128xf32, #tpu.memory_space<vmem>> -> memref<1x128x128xf32, #tpu.memory_space<vmem>>
      %dma_start3A_4614 = tpu.memref_squeeze %dma_start3A_4613 : memref<1x128x128xf32, #tpu.memory_space<vmem>> -> memref<128x128xf32, #tpu.memory_space<vmem>>
      %dma_start3A_4615 = tpu.memref_slice %arg5[%mul3A_4609] : memref<13312xi32, #tpu.memory_space<vmem>> -> memref<128xi32, #tpu.memory_space<vmem>>
      %dma_start3A_4616 = arith.constant 0 : i32
      %dma_start3A_4617 = arith.constant 0 : i32
      %dma_start3A_4618 = tpu.memref_slice %arg3[%dma_start3A_4616, %dma_start3A_4617] : memref<26000x128xf32, #tpu.memory_space<hbm>> -> memref<26000x128xf32, #tpu.memory_space<hbm>>
      tpu.enqueue_indirect_dma source(%dma_start3A_4618 : memref<26000x128xf32, #tpu.memory_space<hbm>>) target(%dma_start3A_4614 : memref<128x128xf32, #tpu.memory_space<vmem>>) offsets(%dma_start3A_4615 : memref<128xi32, #tpu.memory_space<vmem>>) semaphore(%arg7 : memref<!tpu.dma_semaphore, #tpu.memory_space<semaphore_mem>>)
      %mul3A_4619 = arith.constant 6 : i32
      %mul3A_4620 = arith.muli %scan3A_3438, %mul3A_4619 : i32
      %add3A_4621 = arith.constant 3 : i32
      %add3A_4622 = arith.addi %add3A_4621, %mul3A_4620 : i32
      %add3A_4623 = arith.constant 4 : i32
      %add3A_4624 = arith.addi %add3A_4622, %add3A_4623 : i32
      %mul3A_4625 = arith.constant 128 : i32
      %mul3A_4626 = arith.muli %add3A_4624, %mul3A_4625 : i32
      %dma_wait3A_4627 = arith.constant 1 : i32
      %dma_wait3A_4628 = arith.constant 0 : i32
      %dma_wait3A_4629 = arith.constant 0 : i32
      %dma_wait3A_4630 = tpu.memref_slice %arg6[%dma_wait3A_4627, %dma_wait3A_4628, %dma_wait3A_4629] : memref<6x128x128xf32, #tpu.memory_space<vmem>> -> memref<1x128x128xf32, #tpu.memory_space<vmem>>
      %dma_wait3A_4631 = tpu.memref_squeeze %dma_wait3A_4630 : memref<1x128x128xf32, #tpu.memory_space<vmem>> -> memref<128x128xf32, #tpu.memory_space<vmem>>
      %dma_wait3A_4632 = tpu.memref_slice %arg5[%mul3A_4626] : memref<13312xi32, #tpu.memory_space<vmem>> -> memref<128xi32, #tpu.memory_space<vmem>>
      %dma_wait3A_4633 = arith.constant 0 : i32
      %dma_wait3A_4634 = arith.constant 0 : i32
      %dma_wait3A_4635 = tpu.memref_slice %arg3[%dma_wait3A_4633, %dma_wait3A_4634] : memref<26000x128xf32, #tpu.memory_space<hbm>> -> memref<26000x128xf32, #tpu.memory_space<hbm>>
      tpu.wait_indirect_dma semaphore(%arg7 : memref<!tpu.dma_semaphore, #tpu.memory_space<semaphore_mem>>) src(%dma_wait3A_4635 : memref<26000x128xf32, #tpu.memory_space<hbm>>) dst(%dma_wait3A_4631 : memref<128x128xf32, #tpu.memory_space<vmem>>)
      %mul3A_4636 = arith.constant 128 : i32
      %mul3A_4637 = arith.muli %add3A_4624, %mul3A_4636 : i32
      %add3A_4638 = arith.addi %mul3A_2, %mul3A_4637 : i32
      %jit3A_4639 = arith.constant 16384 : i32
      %div3A_4640 = arith.divsi %add3A_4638, %jit3A_4639 : i32
      %sign3A_4641 = arith.constant 0 : i32
      %sign3A_4642 = arith.cmpi sgt, %add3A_4638, %sign3A_4641 : i32
      %sign3A_4643 = arith.extui %sign3A_4642 : i1 to i32
      %sign3A_4644 = arith.constant 0 : i32
      %sign3A_4645 = arith.cmpi slt, %add3A_4638, %sign3A_4644 : i32
      %sign3A_4646 = arith.extui %sign3A_4645 : i1 to i32
      %sign3A_4647 = arith.subi %sign3A_4643, %sign3A_4646 : i32
      %sign3A_4648 = arith.constant 0 : i32
      %sign3A_4649 = arith.cmpi sgt, %jit3A_4639, %sign3A_4648 : i32
      %sign3A_4650 = arith.extui %sign3A_4649 : i1 to i32
      %sign3A_4651 = arith.constant 0 : i32
      %sign3A_4652 = arith.cmpi slt, %jit3A_4639, %sign3A_4651 : i32
      %sign3A_4653 = arith.extui %sign3A_4652 : i1 to i32
      %sign3A_4654 = arith.subi %sign3A_4650, %sign3A_4653 : i32
      %ne3A_4655 = arith.cmpi ne, %sign3A_4647, %sign3A_4654 : i32
      %rem3A_4656 = arith.remsi %add3A_4638, %jit3A_4639 : i32
      %ne3A_4657 = arith.constant 0 : i32
      %ne3A_4658 = arith.cmpi ne, %rem3A_4656, %ne3A_4657 : i32
      %and3A_4659 = arith.andi %ne3A_4655, %ne3A_4658 : i1
      %sub3A_4660 = arith.constant 1 : i32
      %sub3A_4661 = arith.subi %div3A_4640, %sub3A_4660 : i32
      %select_n3A_4662 = arith.select %and3A_4659, %sub3A_4661, %div3A_4640 : i32
      %jit3A_4663 = arith.constant 16384 : i32
      %eq3A_4664 = arith.constant 0 : i32
      %eq3A_4665 = arith.cmpi eq, %jit3A_4663, %eq3A_4664 : i32
      %jit3A_4666 = arith.constant 1 : i32
      %select_n3A_4667 = arith.select %eq3A_4665, %jit3A_4666, %jit3A_4663 : i32
      %rem3A_4668 = arith.remsi %add3A_4638, %select_n3A_4667 : i32
      %ne3A_4669 = arith.constant 0 : i32
      %ne3A_4670 = arith.cmpi ne, %rem3A_4668, %ne3A_4669 : i32
      %lt3A_4671 = arith.constant 0 : i32
      %lt3A_4672 = arith.cmpi slt, %rem3A_4668, %lt3A_4671 : i32
      %lt3A_4673 = arith.constant 0 : i32
      %lt3A_4674 = arith.cmpi slt, %select_n3A_4667, %lt3A_4673 : i32
      %ne3A_4675 = arith.xori %lt3A_4672, %lt3A_4674 : i1
      %and3A_4676 = arith.andi %ne3A_4675, %ne3A_4670 : i1
      %add3A_4677 = arith.addi %rem3A_4668, %select_n3A_4667 : i32
      %select_n3A_4678 = arith.select %and3A_4676, %add3A_4677, %rem3A_4668 : i32
      %dma_start3A_4679 = arith.constant 1 : i32
      %dma_start3A_4680 = arith.constant 0 : i32
      %dma_start3A_4681 = arith.constant 0 : i32
      %dma_start3A_4682 = tpu.memref_slice %arg6[%dma_start3A_4679, %dma_start3A_4680, %dma_start3A_4681] : memref<6x128x128xf32, #tpu.memory_space<vmem>> -> memref<1x128x128xf32, #tpu.memory_space<vmem>>
      %dma_start3A_4683 = tpu.memref_squeeze %dma_start3A_4682 : memref<1x128x128xf32, #tpu.memory_space<vmem>> -> memref<128x128xf32, #tpu.memory_space<vmem>>
      %dma_start3A_4684 = arith.constant 0 : i32
      %dma_start3A_4685 = arith.constant 0 : i32
      %dma_start3A_4686 = tpu.memref_slice %arg4[%select_n3A_4662, %dma_start3A_4684, %dma_start3A_4685] : memref<26x16384x128xf32, #tpu.memory_space<hbm>> -> memref<1x16384x128xf32, #tpu.memory_space<hbm>>
      %dma_start3A_4687 = tpu.memref_squeeze %dma_start3A_4686 : memref<1x16384x128xf32, #tpu.memory_space<hbm>> -> memref<16384x128xf32, #tpu.memory_space<hbm>>
      %dma_start3A_4688 = arith.constant 0 : i32
      %dma_start3A_4689 = tpu.memref_slice %dma_start3A_4687[%select_n3A_4678, %dma_start3A_4688] : memref<16384x128xf32, #tpu.memory_space<hbm>> -> memref<128x128xf32, #tpu.memory_space<hbm>>
      %dma_start3A_4690 = arith.constant 0 : i32
      %dma_start3A_4691 = arith.constant 0 : i32
      %dma_start3A_4692 = tpu.memref_slice %arg4[%select_n3A_4662, %dma_start3A_4690, %dma_start3A_4691] : memref<26x16384x128xf32, #tpu.memory_space<hbm>> -> memref<1x16384x128xf32, #tpu.memory_space<hbm>>
      %dma_start3A_4693 = tpu.memref_squeeze %dma_start3A_4692 : memref<1x16384x128xf32, #tpu.memory_space<hbm>> -> memref<16384x128xf32, #tpu.memory_space<hbm>>
      %dma_start3A_4694 = arith.constant 0 : i32
      %dma_start3A_4695 = tpu.memref_slice %dma_start3A_4693[%select_n3A_4678, %dma_start3A_4694] : memref<16384x128xf32, #tpu.memory_space<hbm>> -> memref<128x128xf32, #tpu.memory_space<hbm>>
      %dma_start3A_4696 = arith.constant 0 : i32
      %dma_start3A_4697 = arith.constant 0 : i32
      %dma_start3A_4698 = tpu.memref_slice %arg6[%dma_start3A_4679, %dma_start3A_4696, %dma_start3A_4697] : memref<6x128x128xf32, #tpu.memory_space<vmem>> -> memref<1x128x128xf32, #tpu.memory_space<vmem>>
      %dma_start3A_4699 = tpu.memref_squeeze %dma_start3A_4698 : memref<1x128x128xf32, #tpu.memory_space<vmem>> -> memref<128x128xf32, #tpu.memory_space<vmem>>
      tpu.enqueue_dma source(%dma_start3A_4699 : memref<128x128xf32, #tpu.memory_space<vmem>>) target(%dma_start3A_4695 : memref<128x128xf32, #tpu.memory_space<hbm>>) target_semaphore(%arg8 : memref<!tpu.dma_semaphore, #tpu.memory_space<semaphore_mem>>)
      %sub3A_4700 = arith.constant 3 : i32
      %sub3A_4701 = arith.subi %add3A_4624, %sub3A_4700 : i32
      %mul3A_4702 = arith.constant 128 : i32
      %mul3A_4703 = arith.muli %sub3A_4701, %mul3A_4702 : i32
      %add3A_4704 = arith.addi %mul3A_2, %mul3A_4703 : i32
      %jit3A_4705 = arith.constant 16384 : i32
      %div3A_4706 = arith.divsi %add3A_4704, %jit3A_4705 : i32
      %sign3A_4707 = arith.constant 0 : i32
      %sign3A_4708 = arith.cmpi sgt, %add3A_4704, %sign3A_4707 : i32
      %sign3A_4709 = arith.extui %sign3A_4708 : i1 to i32
      %sign3A_4710 = arith.constant 0 : i32
      %sign3A_4711 = arith.cmpi slt, %add3A_4704, %sign3A_4710 : i32
      %sign3A_4712 = arith.extui %sign3A_4711 : i1 to i32
      %sign3A_4713 = arith.subi %sign3A_4709, %sign3A_4712 : i32
      %sign3A_4714 = arith.constant 0 : i32
      %sign3A_4715 = arith.cmpi sgt, %jit3A_4705, %sign3A_4714 : i32
      %sign3A_4716 = arith.extui %sign3A_4715 : i1 to i32
      %sign3A_4717 = arith.constant 0 : i32
      %sign3A_4718 = arith.cmpi slt, %jit3A_4705, %sign3A_4717 : i32
      %sign3A_4719 = arith.extui %sign3A_4718 : i1 to i32
      %sign3A_4720 = arith.subi %sign3A_4716, %sign3A_4719 : i32
      %ne3A_4721 = arith.cmpi ne, %sign3A_4713, %sign3A_4720 : i32
      %rem3A_4722 = arith.remsi %add3A_4704, %jit3A_4705 : i32
      %ne3A_4723 = arith.constant 0 : i32
      %ne3A_4724 = arith.cmpi ne, %rem3A_4722, %ne3A_4723 : i32
      %and3A_4725 = arith.andi %ne3A_4721, %ne3A_4724 : i1
      %sub3A_4726 = arith.constant 1 : i32
      %sub3A_4727 = arith.subi %div3A_4706, %sub3A_4726 : i32
      %select_n3A_4728 = arith.select %and3A_4725, %sub3A_4727, %div3A_4706 : i32
      %jit3A_4729 = arith.constant 16384 : i32
      %eq3A_4730 = arith.constant 0 : i32
      %eq3A_4731 = arith.cmpi eq, %jit3A_4729, %eq3A_4730 : i32
      %jit3A_4732 = arith.constant 1 : i32
      %select_n3A_4733 = arith.select %eq3A_4731, %jit3A_4732, %jit3A_4729 : i32
      %rem3A_4734 = arith.remsi %add3A_4704, %select_n3A_4733 : i32
      %ne3A_4735 = arith.constant 0 : i32
      %ne3A_4736 = arith.cmpi ne, %rem3A_4734, %ne3A_4735 : i32
      %lt3A_4737 = arith.constant 0 : i32
      %lt3A_4738 = arith.cmpi slt, %rem3A_4734, %lt3A_4737 : i32
      %lt3A_4739 = arith.constant 0 : i32
      %lt3A_4740 = arith.cmpi slt, %select_n3A_4733, %lt3A_4739 : i32
      %ne3A_4741 = arith.xori %lt3A_4738, %lt3A_4740 : i1
      %and3A_4742 = arith.andi %ne3A_4741, %ne3A_4736 : i1
      %add3A_4743 = arith.addi %rem3A_4734, %select_n3A_4733 : i32
      %select_n3A_4744 = arith.select %and3A_4742, %add3A_4743, %rem3A_4734 : i32
      %dma_wait3A_4745 = arith.constant 4 : i32
      %dma_wait3A_4746 = arith.constant 0 : i32
      %dma_wait3A_4747 = arith.constant 0 : i32
      %dma_wait3A_4748 = tpu.memref_slice %arg6[%dma_wait3A_4745, %dma_wait3A_4746, %dma_wait3A_4747] : memref<6x128x128xf32, #tpu.memory_space<vmem>> -> memref<1x128x128xf32, #tpu.memory_space<vmem>>
      %dma_wait3A_4749 = tpu.memref_squeeze %dma_wait3A_4748 : memref<1x128x128xf32, #tpu.memory_space<vmem>> -> memref<128x128xf32, #tpu.memory_space<vmem>>
      %dma_wait3A_4750 = arith.constant 0 : i32
      %dma_wait3A_4751 = arith.constant 0 : i32
      %dma_wait3A_4752 = tpu.memref_slice %arg4[%select_n3A_4728, %dma_wait3A_4750, %dma_wait3A_4751] : memref<26x16384x128xf32, #tpu.memory_space<hbm>> -> memref<1x16384x128xf32, #tpu.memory_space<hbm>>
      %dma_wait3A_4753 = tpu.memref_squeeze %dma_wait3A_4752 : memref<1x16384x128xf32, #tpu.memory_space<hbm>> -> memref<16384x128xf32, #tpu.memory_space<hbm>>
      %dma_wait3A_4754 = arith.constant 0 : i32
      %dma_wait3A_4755 = tpu.memref_slice %dma_wait3A_4753[%select_n3A_4744, %dma_wait3A_4754] : memref<16384x128xf32, #tpu.memory_space<hbm>> -> memref<128x128xf32, #tpu.memory_space<hbm>>
      %dma_wait3A_4756 = arith.constant 0 : i32
      %dma_wait3A_4757 = arith.constant 0 : i32
      %dma_wait3A_4758 = tpu.memref_slice %arg4[%select_n3A_4728, %dma_wait3A_4756, %dma_wait3A_4757] : memref<26x16384x128xf32, #tpu.memory_space<hbm>> -> memref<1x16384x128xf32, #tpu.memory_space<hbm>>
      %dma_wait3A_4759 = tpu.memref_squeeze %dma_wait3A_4758 : memref<1x16384x128xf32, #tpu.memory_space<hbm>> -> memref<16384x128xf32, #tpu.memory_space<hbm>>
      %dma_wait3A_4760 = arith.constant 0 : i32
      %dma_wait3A_4761 = tpu.memref_slice %dma_wait3A_4759[%select_n3A_4744, %dma_wait3A_4760] : memref<16384x128xf32, #tpu.memory_space<hbm>> -> memref<128x128xf32, #tpu.memory_space<hbm>>
      %dma_wait3A_4762 = arith.constant 0 : i32
      %dma_wait3A_4763 = arith.constant 0 : i32
      %dma_wait3A_4764 = tpu.memref_slice %arg6[%dma_wait3A_4745, %dma_wait3A_4762, %dma_wait3A_4763] : memref<6x128x128xf32, #tpu.memory_space<vmem>> -> memref<1x128x128xf32, #tpu.memory_space<vmem>>
      %dma_wait3A_4765 = tpu.memref_squeeze %dma_wait3A_4764 : memref<1x128x128xf32, #tpu.memory_space<vmem>> -> memref<128x128xf32, #tpu.memory_space<vmem>>
      tpu.wait_dma2 semaphore(%arg8 : memref<!tpu.dma_semaphore, #tpu.memory_space<semaphore_mem>>) src(%dma_wait3A_4765 : memref<128x128xf32, #tpu.memory_space<vmem>>) dst(%dma_wait3A_4761 : memref<128x128xf32, #tpu.memory_space<hbm>>)
      %add3A_4766 = arith.constant 6 : i32
      %add3A_4767 = arith.addi %add3A_4624, %add3A_4766 : i32
      %mul3A_4768 = arith.constant 128 : i32
      %mul3A_4769 = arith.muli %add3A_4767, %mul3A_4768 : i32
      %add3A_4770 = arith.addi %mul3A_2, %mul3A_4769 : i32
      %jit3A_4771 = arith.constant 16384 : i32
      %div3A_4772 = arith.divsi %add3A_4770, %jit3A_4771 : i32
      %sign3A_4773 = arith.constant 0 : i32
      %sign3A_4774 = arith.cmpi sgt, %add3A_4770, %sign3A_4773 : i32
      %sign3A_4775 = arith.extui %sign3A_4774 : i1 to i32
      %sign3A_4776 = arith.constant 0 : i32
      %sign3A_4777 = arith.cmpi slt, %add3A_4770, %sign3A_4776 : i32
      %sign3A_4778 = arith.extui %sign3A_4777 : i1 to i32
      %sign3A_4779 = arith.subi %sign3A_4775, %sign3A_4778 : i32
      %sign3A_4780 = arith.constant 0 : i32
      %sign3A_4781 = arith.cmpi sgt, %jit3A_4771, %sign3A_4780 : i32
      %sign3A_4782 = arith.extui %sign3A_4781 : i1 to i32
      %sign3A_4783 = arith.constant 0 : i32
      %sign3A_4784 = arith.cmpi slt, %jit3A_4771, %sign3A_4783 : i32
      %sign3A_4785 = arith.extui %sign3A_4784 : i1 to i32
      %sign3A_4786 = arith.subi %sign3A_4782, %sign3A_4785 : i32
      %ne3A_4787 = arith.cmpi ne, %sign3A_4779, %sign3A_4786 : i32
      %rem3A_4788 = arith.remsi %add3A_4770, %jit3A_4771 : i32
      %ne3A_4789 = arith.constant 0 : i32
      %ne3A_4790 = arith.cmpi ne, %rem3A_4788, %ne3A_4789 : i32
      %and3A_4791 = arith.andi %ne3A_4787, %ne3A_4790 : i1
      %sub3A_4792 = arith.constant 1 : i32
      %sub3A_4793 = arith.subi %div3A_4772, %sub3A_4792 : i32
      %select_n3A_4794 = arith.select %and3A_4791, %sub3A_4793, %div3A_4772 : i32
      %mul3A_4795 = arith.constant 1000 : i32
      %mul3A_4796 = arith.muli %select_n3A_4794, %mul3A_4795 : i32
      %mul3A_4797 = arith.constant 128 : i32
      %mul3A_4798 = arith.muli %add3A_4767, %mul3A_4797 : i32
      %add3A_4799 = arith.constant 0 : i32
      %add3A_4800 = arith.addi %mul3A_4798, %add3A_4799 : i32
      %get3A_4801 = arith.index_cast %add3A_4800 : i32 to index
      %get3A_4802 = tpu.vector_load %arg5[%get3A_4801] {strides = array<i32>} : memref<13312xi32, #tpu.memory_space<vmem>>, vector<16xi32>,
      %get3A_4803 = vector.shape_cast %get3A_4802 : vector<16xi32> to vector<16xi32>
      %add3A_4804 = vector.broadcast %mul3A_4796 : i32 to vector<16xi32>
      %add3A_4805 = arith.addi %get3A_4803, %add3A_4804 : vector<16xi32>
      %swap3A_4806 = arith.index_cast %add3A_4800 : i32 to index
      %swap3A_4807 = tpu.vector_load %arg5[%swap3A_4806] {strides = array<i32>} : memref<13312xi32, #tpu.memory_space<vmem>>, vector<16xi32>,
      %swap3A_4808 = vector.shape_cast %swap3A_4807 : vector<16xi32> to vector<16xi32>
      %swap3A_4809 = vector.shape_cast %add3A_4805 : vector<16xi32> to vector<16xi32>
      tpu.vector_store %arg5[%swap3A_4806], %swap3A_4809 {strides = array<i32>} : memref<13312xi32, #tpu.memory_space<vmem>>, vector<16xi32>,
      %mul3A_4810 = arith.constant 128 : i32
      %mul3A_4811 = arith.muli %add3A_4767, %mul3A_4810 : i32
      %add3A_4812 = arith.constant 16 : i32
      %add3A_4813 = arith.addi %mul3A_4811, %add3A_4812 : i32
      %get3A_4814 = arith.index_cast %add3A_4813 : i32 to index
      %get3A_4815 = tpu.vector_load %arg5[%get3A_4814] {strides = array<i32>} : memref<13312xi32, #tpu.memory_space<vmem>>, vector<16xi32>,
      %get3A_4816 = vector.shape_cast %get3A_4815 : vector<16xi32> to vector<16xi32>
      %add3A_4817 = vector.broadcast %mul3A_4796 : i32 to vector<16xi32>
      %add3A_4818 = arith.addi %get3A_4816, %add3A_4817 : vector<16xi32>
      %swap3A_4819 = arith.index_cast %add3A_4813 : i32 to index
      %swap3A_4820 = tpu.vector_load %arg5[%swap3A_4819] {strides = array<i32>} : memref<13312xi32, #tpu.memory_space<vmem>>, vector<16xi32>,
      %swap3A_4821 = vector.shape_cast %swap3A_4820 : vector<16xi32> to vector<16xi32>
      %swap3A_4822 = vector.shape_cast %add3A_4818 : vector<16xi32> to vector<16xi32>
      tpu.vector_store %arg5[%swap3A_4819], %swap3A_4822 {strides = array<i32>} : memref<13312xi32, #tpu.memory_space<vmem>>, vector<16xi32>,
      %mul3A_4823 = arith.constant 128 : i32
      %mul3A_4824 = arith.muli %add3A_4767, %mul3A_4823 : i32
      %add3A_4825 = arith.constant 32 : i32
      %add3A_4826 = arith.addi %mul3A_4824, %add3A_4825 : i32
      %get3A_4827 = arith.index_cast %add3A_4826 : i32 to index
      %get3A_4828 = tpu.vector_load %arg5[%get3A_4827] {strides = array<i32>} : memref<13312xi32, #tpu.memory_space<vmem>>, vector<16xi32>,
      %get3A_4829 = vector.shape_cast %get3A_4828 : vector<16xi32> to vector<16xi32>
      %add3A_4830 = vector.broadcast %mul3A_4796 : i32 to vector<16xi32>
      %add3A_4831 = arith.addi %get3A_4829, %add3A_4830 : vector<16xi32>
      %swap3A_4832 = arith.index_cast %add3A_4826 : i32 to index
      %swap3A_4833 = tpu.vector_load %arg5[%swap3A_4832] {strides = array<i32>} : memref<13312xi32, #tpu.memory_space<vmem>>, vector<16xi32>,
      %swap3A_4834 = vector.shape_cast %swap3A_4833 : vector<16xi32> to vector<16xi32>
      %swap3A_4835 = vector.shape_cast %add3A_4831 : vector<16xi32> to vector<16xi32>
      tpu.vector_store %arg5[%swap3A_4832], %swap3A_4835 {strides = array<i32>} : memref<13312xi32, #tpu.memory_space<vmem>>, vector<16xi32>,
      %mul3A_4836 = arith.constant 128 : i32
      %mul3A_4837 = arith.muli %add3A_4767, %mul3A_4836 : i32
      %add3A_4838 = arith.constant 48 : i32
      %add3A_4839 = arith.addi %mul3A_4837, %add3A_4838 : i32
      %get3A_4840 = arith.index_cast %add3A_4839 : i32 to index
      %get3A_4841 = tpu.vector_load %arg5[%get3A_4840] {strides = array<i32>} : memref<13312xi32, #tpu.memory_space<vmem>>, vector<16xi32>,
      %get3A_4842 = vector.shape_cast %get3A_4841 : vector<16xi32> to vector<16xi32>
      %add3A_4843 = vector.broadcast %mul3A_4796 : i32 to vector<16xi32>
      %add3A_4844 = arith.addi %get3A_4842, %add3A_4843 : vector<16xi32>
      %swap3A_4845 = arith.index_cast %add3A_4839 : i32 to index
      %swap3A_4846 = tpu.vector_load %arg5[%swap3A_4845] {strides = array<i32>} : memref<13312xi32, #tpu.memory_space<vmem>>, vector<16xi32>,
      %swap3A_4847 = vector.shape_cast %swap3A_4846 : vector<16xi32> to vector<16xi32>
      %swap3A_4848 = vector.shape_cast %add3A_4844 : vector<16xi32> to vector<16xi32>
      tpu.vector_store %arg5[%swap3A_4845], %swap3A_4848 {strides = array<i32>} : memref<13312xi32, #tpu.memory_space<vmem>>, vector<16xi32>,
      %mul3A_4849 = arith.constant 128 : i32
      %mul3A_4850 = arith.muli %add3A_4767, %mul3A_4849 : i32
      %add3A_4851 = arith.constant 64 : i32
      %add3A_4852 = arith.addi %mul3A_4850, %add3A_4851 : i32
      %get3A_4853 = arith.index_cast %add3A_4852 : i32 to index
      %get3A_4854 = tpu.vector_load %arg5[%get3A_4853] {strides = array<i32>} : memref<13312xi32, #tpu.memory_space<vmem>>, vector<16xi32>,
      %get3A_4855 = vector.shape_cast %get3A_4854 : vector<16xi32> to vector<16xi32>
      %add3A_4856 = vector.broadcast %mul3A_4796 : i32 to vector<16xi32>
      %add3A_4857 = arith.addi %get3A_4855, %add3A_4856 : vector<16xi32>
      %swap3A_4858 = arith.index_cast %add3A_4852 : i32 to index
      %swap3A_4859 = tpu.vector_load %arg5[%swap3A_4858] {strides = array<i32>} : memref<13312xi32, #tpu.memory_space<vmem>>, vector<16xi32>,
      %swap3A_4860 = vector.shape_cast %swap3A_4859 : vector<16xi32> to vector<16xi32>
      %swap3A_4861 = vector.shape_cast %add3A_4857 : vector<16xi32> to vector<16xi32>
      tpu.vector_store %arg5[%swap3A_4858], %swap3A_4861 {strides = array<i32>} : memref<13312xi32, #tpu.memory_space<vmem>>, vector<16xi32>,
      %mul3A_4862 = arith.constant 128 : i32
      %mul3A_4863 = arith.muli %add3A_4767, %mul3A_4862 : i32
      %add3A_4864 = arith.constant 80 : i32
      %add3A_4865 = arith.addi %mul3A_4863, %add3A_4864 : i32
      %get3A_4866 = arith.index_cast %add3A_4865 : i32 to index
      %get3A_4867 = tpu.vector_load %arg5[%get3A_4866] {strides = array<i32>} : memref<13312xi32, #tpu.memory_space<vmem>>, vector<16xi32>,
      %get3A_4868 = vector.shape_cast %get3A_4867 : vector<16xi32> to vector<16xi32>
      %add3A_4869 = vector.broadcast %mul3A_4796 : i32 to vector<16xi32>
      %add3A_4870 = arith.addi %get3A_4868, %add3A_4869 : vector<16xi32>
      %swap3A_4871 = arith.index_cast %add3A_4865 : i32 to index
      %swap3A_4872 = tpu.vector_load %arg5[%swap3A_4871] {strides = array<i32>} : memref<13312xi32, #tpu.memory_space<vmem>>, vector<16xi32>,
      %swap3A_4873 = vector.shape_cast %swap3A_4872 : vector<16xi32> to vector<16xi32>
      %swap3A_4874 = vector.shape_cast %add3A_4870 : vector<16xi32> to vector<16xi32>
      tpu.vector_store %arg5[%swap3A_4871], %swap3A_4874 {strides = array<i32>} : memref<13312xi32, #tpu.memory_space<vmem>>, vector<16xi32>,
      %mul3A_4875 = arith.constant 128 : i32
      %mul3A_4876 = arith.muli %add3A_4767, %mul3A_4875 : i32
      %add3A_4877 = arith.constant 96 : i32
      %add3A_4878 = arith.addi %mul3A_4876, %add3A_4877 : i32
      %get3A_4879 = arith.index_cast %add3A_4878 : i32 to index
      %get3A_4880 = tpu.vector_load %arg5[%get3A_4879] {strides = array<i32>} : memref<13312xi32, #tpu.memory_space<vmem>>, vector<16xi32>,
      %get3A_4881 = vector.shape_cast %get3A_4880 : vector<16xi32> to vector<16xi32>
      %add3A_4882 = vector.broadcast %mul3A_4796 : i32 to vector<16xi32>
      %add3A_4883 = arith.addi %get3A_4881, %add3A_4882 : vector<16xi32>
      %swap3A_4884 = arith.index_cast %add3A_4878 : i32 to index
      %swap3A_4885 = tpu.vector_load %arg5[%swap3A_4884] {strides = array<i32>} : memref<13312xi32, #tpu.memory_space<vmem>>, vector<16xi32>,
      %swap3A_4886 = vector.shape_cast %swap3A_4885 : vector<16xi32> to vector<16xi32>
      %swap3A_4887 = vector.shape_cast %add3A_4883 : vector<16xi32> to vector<16xi32>
      tpu.vector_store %arg5[%swap3A_4884], %swap3A_4887 {strides = array<i32>} : memref<13312xi32, #tpu.memory_space<vmem>>, vector<16xi32>,
      %mul3A_4888 = arith.constant 128 : i32
      %mul3A_4889 = arith.muli %add3A_4767, %mul3A_4888 : i32
      %add3A_4890 = arith.constant 112 : i32
      %add3A_4891 = arith.addi %mul3A_4889, %add3A_4890 : i32
      %get3A_4892 = arith.index_cast %add3A_4891 : i32 to index
      %get3A_4893 = tpu.vector_load %arg5[%get3A_4892] {strides = array<i32>} : memref<13312xi32, #tpu.memory_space<vmem>>, vector<16xi32>,
      %get3A_4894 = vector.shape_cast %get3A_4893 : vector<16xi32> to vector<16xi32>
      %add3A_4895 = vector.broadcast %mul3A_4796 : i32 to vector<16xi32>
      %add3A_4896 = arith.addi %get3A_4894, %add3A_4895 : vector<16xi32>
      %swap3A_4897 = arith.index_cast %add3A_4891 : i32 to index
      %swap3A_4898 = tpu.vector_load %arg5[%swap3A_4897] {strides = array<i32>} : memref<13312xi32, #tpu.memory_space<vmem>>, vector<16xi32>,
      %swap3A_4899 = vector.shape_cast %swap3A_4898 : vector<16xi32> to vector<16xi32>
      %swap3A_4900 = vector.shape_cast %add3A_4896 : vector<16xi32> to vector<16xi32>
      tpu.vector_store %arg5[%swap3A_4897], %swap3A_4900 {strides = array<i32>} : memref<13312xi32, #tpu.memory_space<vmem>>, vector<16xi32>,
      %add3A_4901 = arith.constant 3 : i32
      %add3A_4902 = arith.addi %add3A_4624, %add3A_4901 : i32
      %mul3A_4903 = arith.constant 128 : i32
      %mul3A_4904 = arith.muli %add3A_4902, %mul3A_4903 : i32
      %dma_start3A_4905 = arith.constant 4 : i32
      %dma_start3A_4906 = arith.constant 0 : i32
      %dma_start3A_4907 = arith.constant 0 : i32
      %dma_start3A_4908 = tpu.memref_slice %arg6[%dma_start3A_4905, %dma_start3A_4906, %dma_start3A_4907] : memref<6x128x128xf32, #tpu.memory_space<vmem>> -> memref<1x128x128xf32, #tpu.memory_space<vmem>>
      %dma_start3A_4909 = tpu.memref_squeeze %dma_start3A_4908 : memref<1x128x128xf32, #tpu.memory_space<vmem>> -> memref<128x128xf32, #tpu.memory_space<vmem>>
      %dma_start3A_4910 = tpu.memref_slice %arg5[%mul3A_4904] : memref<13312xi32, #tpu.memory_space<vmem>> -> memref<128xi32, #tpu.memory_space<vmem>>
      %dma_start3A_4911 = arith.constant 0 : i32
      %dma_start3A_4912 = arith.constant 0 : i32
      %dma_start3A_4913 = tpu.memref_slice %arg3[%dma_start3A_4911, %dma_start3A_4912] : memref<26000x128xf32, #tpu.memory_space<hbm>> -> memref<26000x128xf32, #tpu.memory_space<hbm>>
      tpu.enqueue_indirect_dma source(%dma_start3A_4913 : memref<26000x128xf32, #tpu.memory_space<hbm>>) target(%dma_start3A_4909 : memref<128x128xf32, #tpu.memory_space<vmem>>) offsets(%dma_start3A_4910 : memref<128xi32, #tpu.memory_space<vmem>>) semaphore(%arg7 : memref<!tpu.dma_semaphore, #tpu.memory_space<semaphore_mem>>)
      %mul3A_4914 = arith.constant 6 : i32
      %mul3A_4915 = arith.muli %scan3A_3438, %mul3A_4914 : i32
      %add3A_4916 = arith.constant 3 : i32
      %add3A_4917 = arith.addi %add3A_4916, %mul3A_4915 : i32
      %add3A_4918 = arith.constant 5 : i32
      %add3A_4919 = arith.addi %add3A_4917, %add3A_4918 : i32
      %mul3A_4920 = arith.constant 128 : i32
      %mul3A_4921 = arith.muli %add3A_4919, %mul3A_4920 : i32
      %dma_wait3A_4922 = arith.constant 2 : i32
      %dma_wait3A_4923 = arith.constant 0 : i32
      %dma_wait3A_4924 = arith.constant 0 : i32
      %dma_wait3A_4925 = tpu.memref_slice %arg6[%dma_wait3A_4922, %dma_wait3A_4923, %dma_wait3A_4924] : memref<6x128x128xf32, #tpu.memory_space<vmem>> -> memref<1x128x128xf32, #tpu.memory_space<vmem>>
      %dma_wait3A_4926 = tpu.memref_squeeze %dma_wait3A_4925 : memref<1x128x128xf32, #tpu.memory_space<vmem>> -> memref<128x128xf32, #tpu.memory_space<vmem>>
      %dma_wait3A_4927 = tpu.memref_slice %arg5[%mul3A_4921] : memref<13312xi32, #tpu.memory_space<vmem>> -> memref<128xi32, #tpu.memory_space<vmem>>
      %dma_wait3A_4928 = arith.constant 0 : i32
      %dma_wait3A_4929 = arith.constant 0 : i32
      %dma_wait3A_4930 = tpu.memref_slice %arg3[%dma_wait3A_4928, %dma_wait3A_4929] : memref<26000x128xf32, #tpu.memory_space<hbm>> -> memref<26000x128xf32, #tpu.memory_space<hbm>>
      tpu.wait_indirect_dma semaphore(%arg7 : memref<!tpu.dma_semaphore, #tpu.memory_space<semaphore_mem>>) src(%dma_wait3A_4930 : memref<26000x128xf32, #tpu.memory_space<hbm>>) dst(%dma_wait3A_4926 : memref<128x128xf32, #tpu.memory_space<vmem>>)
      %mul3A_4931 = arith.constant 128 : i32
      %mul3A_4932 = arith.muli %add3A_4919, %mul3A_4931 : i32
      %add3A_4933 = arith.addi %mul3A_2, %mul3A_4932 : i32
      %jit3A_4934 = arith.constant 16384 : i32
      %div3A_4935 = arith.divsi %add3A_4933, %jit3A_4934 : i32
      %sign3A_4936 = arith.constant 0 : i32
      %sign3A_4937 = arith.cmpi sgt, %add3A_4933, %sign3A_4936 : i32
      %sign3A_4938 = arith.extui %sign3A_4937 : i1 to i32
      %sign3A_4939 = arith.constant 0 : i32
      %sign3A_4940 = arith.cmpi slt, %add3A_4933, %sign3A_4939 : i32
      %sign3A_4941 = arith.extui %sign3A_4940 : i1 to i32
      %sign3A_4942 = arith.subi %sign3A_4938, %sign3A_4941 : i32
      %sign3A_4943 = arith.constant 0 : i32
      %sign3A_4944 = arith.cmpi sgt, %jit3A_4934, %sign3A_4943 : i32
      %sign3A_4945 = arith.extui %sign3A_4944 : i1 to i32
      %sign3A_4946 = arith.constant 0 : i32
      %sign3A_4947 = arith.cmpi slt, %jit3A_4934, %sign3A_4946 : i32
      %sign3A_4948 = arith.extui %sign3A_4947 : i1 to i32
      %sign3A_4949 = arith.subi %sign3A_4945, %sign3A_4948 : i32
      %ne3A_4950 = arith.cmpi ne, %sign3A_4942, %sign3A_4949 : i32
      %rem3A_4951 = arith.remsi %add3A_4933, %jit3A_4934 : i32
      %ne3A_4952 = arith.constant 0 : i32
      %ne3A_4953 = arith.cmpi ne, %rem3A_4951, %ne3A_4952 : i32
      %and3A_4954 = arith.andi %ne3A_4950, %ne3A_4953 : i1
      %sub3A_4955 = arith.constant 1 : i32
      %sub3A_4956 = arith.subi %div3A_4935, %sub3A_4955 : i32
      %select_n3A_4957 = arith.select %and3A_4954, %sub3A_4956, %div3A_4935 : i32
      %jit3A_4958 = arith.constant 16384 : i32
      %eq3A_4959 = arith.constant 0 : i32
      %eq3A_4960 = arith.cmpi eq, %jit3A_4958, %eq3A_4959 : i32
      %jit3A_4961 = arith.constant 1 : i32
      %select_n3A_4962 = arith.select %eq3A_4960, %jit3A_4961, %jit3A_4958 : i32
      %rem3A_4963 = arith.remsi %add3A_4933, %select_n3A_4962 : i32
      %ne3A_4964 = arith.constant 0 : i32
      %ne3A_4965 = arith.cmpi ne, %rem3A_4963, %ne3A_4964 : i32
      %lt3A_4966 = arith.constant 0 : i32
      %lt3A_4967 = arith.cmpi slt, %rem3A_4963, %lt3A_4966 : i32
      %lt3A_4968 = arith.constant 0 : i32
      %lt3A_4969 = arith.cmpi slt, %select_n3A_4962, %lt3A_4968 : i32
      %ne3A_4970 = arith.xori %lt3A_4967, %lt3A_4969 : i1
      %and3A_4971 = arith.andi %ne3A_4970, %ne3A_4965 : i1
      %add3A_4972 = arith.addi %rem3A_4963, %select_n3A_4962 : i32
      %select_n3A_4973 = arith.select %and3A_4971, %add3A_4972, %rem3A_4963 : i32
      %dma_start3A_4974 = arith.constant 2 : i32
      %dma_start3A_4975 = arith.constant 0 : i32
      %dma_start3A_4976 = arith.constant 0 : i32
      %dma_start3A_4977 = tpu.memref_slice %arg6[%dma_start3A_4974, %dma_start3A_4975, %dma_start3A_4976] : memref<6x128x128xf32, #tpu.memory_space<vmem>> -> memref<1x128x128xf32, #tpu.memory_space<vmem>>
      %dma_start3A_4978 = tpu.memref_squeeze %dma_start3A_4977 : memref<1x128x128xf32, #tpu.memory_space<vmem>> -> memref<128x128xf32, #tpu.memory_space<vmem>>
      %dma_start3A_4979 = arith.constant 0 : i32
      %dma_start3A_4980 = arith.constant 0 : i32
      %dma_start3A_4981 = tpu.memref_slice %arg4[%select_n3A_4957, %dma_start3A_4979, %dma_start3A_4980] : memref<26x16384x128xf32, #tpu.memory_space<hbm>> -> memref<1x16384x128xf32, #tpu.memory_space<hbm>>
      %dma_start3A_4982 = tpu.memref_squeeze %dma_start3A_4981 : memref<1x16384x128xf32, #tpu.memory_space<hbm>> -> memref<16384x128xf32, #tpu.memory_space<hbm>>
      %dma_start3A_4983 = arith.constant 0 : i32
      %dma_start3A_4984 = tpu.memref_slice %dma_start3A_4982[%select_n3A_4973, %dma_start3A_4983] : memref<16384x128xf32, #tpu.memory_space<hbm>> -> memref<128x128xf32, #tpu.memory_space<hbm>>
      %dma_start3A_4985 = arith.constant 0 : i32
      %dma_start3A_4986 = arith.constant 0 : i32
      %dma_start3A_4987 = tpu.memref_slice %arg4[%select_n3A_4957, %dma_start3A_4985, %dma_start3A_4986] : memref<26x16384x128xf32, #tpu.memory_space<hbm>> -> memref<1x16384x128xf32, #tpu.memory_space<hbm>>
      %dma_start3A_4988 = tpu.memref_squeeze %dma_start3A_4987 : memref<1x16384x128xf32, #tpu.memory_space<hbm>> -> memref<16384x128xf32, #tpu.memory_space<hbm>>
      %dma_start3A_4989 = arith.constant 0 : i32
      %dma_start3A_4990 = tpu.memref_slice %dma_start3A_4988[%select_n3A_4973, %dma_start3A_4989] : memref<16384x128xf32, #tpu.memory_space<hbm>> -> memref<128x128xf32, #tpu.memory_space<hbm>>
      %dma_start3A_4991 = arith.constant 0 : i32
      %dma_start3A_4992 = arith.constant 0 : i32
      %dma_start3A_4993 = tpu.memref_slice %arg6[%dma_start3A_4974, %dma_start3A_4991, %dma_start3A_4992] : memref<6x128x128xf32, #tpu.memory_space<vmem>> -> memref<1x128x128xf32, #tpu.memory_space<vmem>>
      %dma_start3A_4994 = tpu.memref_squeeze %dma_start3A_4993 : memref<1x128x128xf32, #tpu.memory_space<vmem>> -> memref<128x128xf32, #tpu.memory_space<vmem>>
      tpu.enqueue_dma source(%dma_start3A_4994 : memref<128x128xf32, #tpu.memory_space<vmem>>) target(%dma_start3A_4990 : memref<128x128xf32, #tpu.memory_space<hbm>>) target_semaphore(%arg8 : memref<!tpu.dma_semaphore, #tpu.memory_space<semaphore_mem>>)
      %sub3A_4995 = arith.constant 3 : i32
      %sub3A_4996 = arith.subi %add3A_4919, %sub3A_4995 : i32
      %mul3A_4997 = arith.constant 128 : i32
      %mul3A_4998 = arith.muli %sub3A_4996, %mul3A_4997 : i32
      %add3A_4999 = arith.addi %mul3A_2, %mul3A_4998 : i32
      %jit3A_5000 = arith.constant 16384 : i32
      %div3A_5001 = arith.divsi %add3A_4999, %jit3A_5000 : i32
      %sign3A_5002 = arith.constant 0 : i32
      %sign3A_5003 = arith.cmpi sgt, %add3A_4999, %sign3A_5002 : i32
      %sign3A_5004 = arith.extui %sign3A_5003 : i1 to i32
      %sign3A_5005 = arith.constant 0 : i32
      %sign3A_5006 = arith.cmpi slt, %add3A_4999, %sign3A_5005 : i32
      %sign3A_5007 = arith.extui %sign3A_5006 : i1 to i32
      %sign3A_5008 = arith.subi %sign3A_5004, %sign3A_5007 : i32
      %sign3A_5009 = arith.constant 0 : i32
      %sign3A_5010 = arith.cmpi sgt, %jit3A_5000, %sign3A_5009 : i32
      %sign3A_5011 = arith.extui %sign3A_5010 : i1 to i32
      %sign3A_5012 = arith.constant 0 : i32
      %sign3A_5013 = arith.cmpi slt, %jit3A_5000, %sign3A_5012 : i32
      %sign3A_5014 = arith.extui %sign3A_5013 : i1 to i32
      %sign3A_5015 = arith.subi %sign3A_5011, %sign3A_5014 : i32
      %ne3A_5016 = arith.cmpi ne, %sign3A_5008, %sign3A_5015 : i32
      %rem3A_5017 = arith.remsi %add3A_4999, %jit3A_5000 : i32
      %ne3A_5018 = arith.constant 0 : i32
      %ne3A_5019 = arith.cmpi ne, %rem3A_5017, %ne3A_5018 : i32
      %and3A_5020 = arith.andi %ne3A_5016, %ne3A_5019 : i1
      %sub3A_5021 = arith.constant 1 : i32
      %sub3A_5022 = arith.subi %div3A_5001, %sub3A_5021 : i32
      %select_n3A_5023 = arith.select %and3A_5020, %sub3A_5022, %div3A_5001 : i32
      %jit3A_5024 = arith.constant 16384 : i32
      %eq3A_5025 = arith.constant 0 : i32
      %eq3A_5026 = arith.cmpi eq, %jit3A_5024, %eq3A_5025 : i32
      %jit3A_5027 = arith.constant 1 : i32
      %select_n3A_5028 = arith.select %eq3A_5026, %jit3A_5027, %jit3A_5024 : i32
      %rem3A_5029 = arith.remsi %add3A_4999, %select_n3A_5028 : i32
      %ne3A_5030 = arith.constant 0 : i32
      %ne3A_5031 = arith.cmpi ne, %rem3A_5029, %ne3A_5030 : i32
      %lt3A_5032 = arith.constant 0 : i32
      %lt3A_5033 = arith.cmpi slt, %rem3A_5029, %lt3A_5032 : i32
      %lt3A_5034 = arith.constant 0 : i32
      %lt3A_5035 = arith.cmpi slt, %select_n3A_5028, %lt3A_5034 : i32
      %ne3A_5036 = arith.xori %lt3A_5033, %lt3A_5035 : i1
      %and3A_5037 = arith.andi %ne3A_5036, %ne3A_5031 : i1
      %add3A_5038 = arith.addi %rem3A_5029, %select_n3A_5028 : i32
      %select_n3A_5039 = arith.select %and3A_5037, %add3A_5038, %rem3A_5029 : i32
      %dma_wait3A_5040 = arith.constant 5 : i32
      %dma_wait3A_5041 = arith.constant 0 : i32
      %dma_wait3A_5042 = arith.constant 0 : i32
      %dma_wait3A_5043 = tpu.memref_slice %arg6[%dma_wait3A_5040, %dma_wait3A_5041, %dma_wait3A_5042] : memref<6x128x128xf32, #tpu.memory_space<vmem>> -> memref<1x128x128xf32, #tpu.memory_space<vmem>>
      %dma_wait3A_5044 = tpu.memref_squeeze %dma_wait3A_5043 : memref<1x128x128xf32, #tpu.memory_space<vmem>> -> memref<128x128xf32, #tpu.memory_space<vmem>>
      %dma_wait3A_5045 = arith.constant 0 : i32
      %dma_wait3A_5046 = arith.constant 0 : i32
      %dma_wait3A_5047 = tpu.memref_slice %arg4[%select_n3A_5023, %dma_wait3A_5045, %dma_wait3A_5046] : memref<26x16384x128xf32, #tpu.memory_space<hbm>> -> memref<1x16384x128xf32, #tpu.memory_space<hbm>>
      %dma_wait3A_5048 = tpu.memref_squeeze %dma_wait3A_5047 : memref<1x16384x128xf32, #tpu.memory_space<hbm>> -> memref<16384x128xf32, #tpu.memory_space<hbm>>
      %dma_wait3A_5049 = arith.constant 0 : i32
      %dma_wait3A_5050 = tpu.memref_slice %dma_wait3A_5048[%select_n3A_5039, %dma_wait3A_5049] : memref<16384x128xf32, #tpu.memory_space<hbm>> -> memref<128x128xf32, #tpu.memory_space<hbm>>
      %dma_wait3A_5051 = arith.constant 0 : i32
      %dma_wait3A_5052 = arith.constant 0 : i32
      %dma_wait3A_5053 = tpu.memref_slice %arg4[%select_n3A_5023, %dma_wait3A_5051, %dma_wait3A_5052] : memref<26x16384x128xf32, #tpu.memory_space<hbm>> -> memref<1x16384x128xf32, #tpu.memory_space<hbm>>
      %dma_wait3A_5054 = tpu.memref_squeeze %dma_wait3A_5053 : memref<1x16384x128xf32, #tpu.memory_space<hbm>> -> memref<16384x128xf32, #tpu.memory_space<hbm>>
      %dma_wait3A_5055 = arith.constant 0 : i32
      %dma_wait3A_5056 = tpu.memref_slice %dma_wait3A_5054[%select_n3A_5039, %dma_wait3A_5055] : memref<16384x128xf32, #tpu.memory_space<hbm>> -> memref<128x128xf32, #tpu.memory_space<hbm>>
      %dma_wait3A_5057 = arith.constant 0 : i32
      %dma_wait3A_5058 = arith.constant 0 : i32
      %dma_wait3A_5059 = tpu.memref_slice %arg6[%dma_wait3A_5040, %dma_wait3A_5057, %dma_wait3A_5058] : memref<6x128x128xf32, #tpu.memory_space<vmem>> -> memref<1x128x128xf32, #tpu.memory_space<vmem>>
      %dma_wait3A_5060 = tpu.memref_squeeze %dma_wait3A_5059 : memref<1x128x128xf32, #tpu.memory_space<vmem>> -> memref<128x128xf32, #tpu.memory_space<vmem>>
      tpu.wait_dma2 semaphore(%arg8 : memref<!tpu.dma_semaphore, #tpu.memory_space<semaphore_mem>>) src(%dma_wait3A_5060 : memref<128x128xf32, #tpu.memory_space<vmem>>) dst(%dma_wait3A_5056 : memref<128x128xf32, #tpu.memory_space<hbm>>)
      %add3A_5061 = arith.constant 6 : i32
      %add3A_5062 = arith.addi %add3A_4919, %add3A_5061 : i32
      %mul3A_5063 = arith.constant 128 : i32
      %mul3A_5064 = arith.muli %add3A_5062, %mul3A_5063 : i32
      %add3A_5065 = arith.addi %mul3A_2, %mul3A_5064 : i32
      %jit3A_5066 = arith.constant 16384 : i32
      %div3A_5067 = arith.divsi %add3A_5065, %jit3A_5066 : i32
      %sign3A_5068 = arith.constant 0 : i32
      %sign3A_5069 = arith.cmpi sgt, %add3A_5065, %sign3A_5068 : i32
      %sign3A_5070 = arith.extui %sign3A_5069 : i1 to i32
      %sign3A_5071 = arith.constant 0 : i32
      %sign3A_5072 = arith.cmpi slt, %add3A_5065, %sign3A_5071 : i32
      %sign3A_5073 = arith.extui %sign3A_5072 : i1 to i32
      %sign3A_5074 = arith.subi %sign3A_5070, %sign3A_5073 : i32
      %sign3A_5075 = arith.constant 0 : i32
      %sign3A_5076 = arith.cmpi sgt, %jit3A_5066, %sign3A_5075 : i32
      %sign3A_5077 = arith.extui %sign3A_5076 : i1 to i32
      %sign3A_5078 = arith.constant 0 : i32
      %sign3A_5079 = arith.cmpi slt, %jit3A_5066, %sign3A_5078 : i32
      %sign3A_5080 = arith.extui %sign3A_5079 : i1 to i32
      %sign3A_5081 = arith.subi %sign3A_5077, %sign3A_5080 : i32
      %ne3A_5082 = arith.cmpi ne, %sign3A_5074, %sign3A_5081 : i32
      %rem3A_5083 = arith.remsi %add3A_5065, %jit3A_5066 : i32
      %ne3A_5084 = arith.constant 0 : i32
      %ne3A_5085 = arith.cmpi ne, %rem3A_5083, %ne3A_5084 : i32
      %and3A_5086 = arith.andi %ne3A_5082, %ne3A_5085 : i1
      %sub3A_5087 = arith.constant 1 : i32
      %sub3A_5088 = arith.subi %div3A_5067, %sub3A_5087 : i32
      %select_n3A_5089 = arith.select %and3A_5086, %sub3A_5088, %div3A_5067 : i32
      %mul3A_5090 = arith.constant 1000 : i32
      %mul3A_5091 = arith.muli %select_n3A_5089, %mul3A_5090 : i32
      %mul3A_5092 = arith.constant 128 : i32
      %mul3A_5093 = arith.muli %add3A_5062, %mul3A_5092 : i32
      %add3A_5094 = arith.constant 0 : i32
      %add3A_5095 = arith.addi %mul3A_5093, %add3A_5094 : i32
      %get3A_5096 = arith.index_cast %add3A_5095 : i32 to index
      %get3A_5097 = tpu.vector_load %arg5[%get3A_5096] {strides = array<i32>} : memref<13312xi32, #tpu.memory_space<vmem>>, vector<16xi32>,
      %get3A_5098 = vector.shape_cast %get3A_5097 : vector<16xi32> to vector<16xi32>
      %add3A_5099 = vector.broadcast %mul3A_5091 : i32 to vector<16xi32>
      %add3A_5100 = arith.addi %get3A_5098, %add3A_5099 : vector<16xi32>
      %swap3A_5101 = arith.index_cast %add3A_5095 : i32 to index
      %swap3A_5102 = tpu.vector_load %arg5[%swap3A_5101] {strides = array<i32>} : memref<13312xi32, #tpu.memory_space<vmem>>, vector<16xi32>,
      %swap3A_5103 = vector.shape_cast %swap3A_5102 : vector<16xi32> to vector<16xi32>
      %swap3A_5104 = vector.shape_cast %add3A_5100 : vector<16xi32> to vector<16xi32>
      tpu.vector_store %arg5[%swap3A_5101], %swap3A_5104 {strides = array<i32>} : memref<13312xi32, #tpu.memory_space<vmem>>, vector<16xi32>,
      %mul3A_5105 = arith.constant 128 : i32
      %mul3A_5106 = arith.muli %add3A_5062, %mul3A_5105 : i32
      %add3A_5107 = arith.constant 16 : i32
      %add3A_5108 = arith.addi %mul3A_5106, %add3A_5107 : i32
      %get3A_5109 = arith.index_cast %add3A_5108 : i32 to index
      %get3A_5110 = tpu.vector_load %arg5[%get3A_5109] {strides = array<i32>} : memref<13312xi32, #tpu.memory_space<vmem>>, vector<16xi32>,
      %get3A_5111 = vector.shape_cast %get3A_5110 : vector<16xi32> to vector<16xi32>
      %add3A_5112 = vector.broadcast %mul3A_5091 : i32 to vector<16xi32>
      %add3A_5113 = arith.addi %get3A_5111, %add3A_5112 : vector<16xi32>
      %swap3A_5114 = arith.index_cast %add3A_5108 : i32 to index
      %swap3A_5115 = tpu.vector_load %arg5[%swap3A_5114] {strides = array<i32>} : memref<13312xi32, #tpu.memory_space<vmem>>, vector<16xi32>,
      %swap3A_5116 = vector.shape_cast %swap3A_5115 : vector<16xi32> to vector<16xi32>
      %swap3A_5117 = vector.shape_cast %add3A_5113 : vector<16xi32> to vector<16xi32>
      tpu.vector_store %arg5[%swap3A_5114], %swap3A_5117 {strides = array<i32>} : memref<13312xi32, #tpu.memory_space<vmem>>, vector<16xi32>,
      %mul3A_5118 = arith.constant 128 : i32
      %mul3A_5119 = arith.muli %add3A_5062, %mul3A_5118 : i32
      %add3A_5120 = arith.constant 32 : i32
      %add3A_5121 = arith.addi %mul3A_5119, %add3A_5120 : i32
      %get3A_5122 = arith.index_cast %add3A_5121 : i32 to index
      %get3A_5123 = tpu.vector_load %arg5[%get3A_5122] {strides = array<i32>} : memref<13312xi32, #tpu.memory_space<vmem>>, vector<16xi32>,
      %get3A_5124 = vector.shape_cast %get3A_5123 : vector<16xi32> to vector<16xi32>
      %add3A_5125 = vector.broadcast %mul3A_5091 : i32 to vector<16xi32>
      %add3A_5126 = arith.addi %get3A_5124, %add3A_5125 : vector<16xi32>
      %swap3A_5127 = arith.index_cast %add3A_5121 : i32 to index
      %swap3A_5128 = tpu.vector_load %arg5[%swap3A_5127] {strides = array<i32>} : memref<13312xi32, #tpu.memory_space<vmem>>, vector<16xi32>,
      %swap3A_5129 = vector.shape_cast %swap3A_5128 : vector<16xi32> to vector<16xi32>
      %swap3A_5130 = vector.shape_cast %add3A_5126 : vector<16xi32> to vector<16xi32>
      tpu.vector_store %arg5[%swap3A_5127], %swap3A_5130 {strides = array<i32>} : memref<13312xi32, #tpu.memory_space<vmem>>, vector<16xi32>,
      %mul3A_5131 = arith.constant 128 : i32
      %mul3A_5132 = arith.muli %add3A_5062, %mul3A_5131 : i32
      %add3A_5133 = arith.constant 48 : i32
      %add3A_5134 = arith.addi %mul3A_5132, %add3A_5133 : i32
      %get3A_5135 = arith.index_cast %add3A_5134 : i32 to index
      %get3A_5136 = tpu.vector_load %arg5[%get3A_5135] {strides = array<i32>} : memref<13312xi32, #tpu.memory_space<vmem>>, vector<16xi32>,
      %get3A_5137 = vector.shape_cast %get3A_5136 : vector<16xi32> to vector<16xi32>
      %add3A_5138 = vector.broadcast %mul3A_5091 : i32 to vector<16xi32>
      %add3A_5139 = arith.addi %get3A_5137, %add3A_5138 : vector<16xi32>
      %swap3A_5140 = arith.index_cast %add3A_5134 : i32 to index
      %swap3A_5141 = tpu.vector_load %arg5[%swap3A_5140] {strides = array<i32>} : memref<13312xi32, #tpu.memory_space<vmem>>, vector<16xi32>,
      %swap3A_5142 = vector.shape_cast %swap3A_5141 : vector<16xi32> to vector<16xi32>
      %swap3A_5143 = vector.shape_cast %add3A_5139 : vector<16xi32> to vector<16xi32>
      tpu.vector_store %arg5[%swap3A_5140], %swap3A_5143 {strides = array<i32>} : memref<13312xi32, #tpu.memory_space<vmem>>, vector<16xi32>,
      %mul3A_5144 = arith.constant 128 : i32
      %mul3A_5145 = arith.muli %add3A_5062, %mul3A_5144 : i32
      %add3A_5146 = arith.constant 64 : i32
      %add3A_5147 = arith.addi %mul3A_5145, %add3A_5146 : i32
      %get3A_5148 = arith.index_cast %add3A_5147 : i32 to index
      %get3A_5149 = tpu.vector_load %arg5[%get3A_5148] {strides = array<i32>} : memref<13312xi32, #tpu.memory_space<vmem>>, vector<16xi32>,
      %get3A_5150 = vector.shape_cast %get3A_5149 : vector<16xi32> to vector<16xi32>
      %add3A_5151 = vector.broadcast %mul3A_5091 : i32 to vector<16xi32>
      %add3A_5152 = arith.addi %get3A_5150, %add3A_5151 : vector<16xi32>
      %swap3A_5153 = arith.index_cast %add3A_5147 : i32 to index
      %swap3A_5154 = tpu.vector_load %arg5[%swap3A_5153] {strides = array<i32>} : memref<13312xi32, #tpu.memory_space<vmem>>, vector<16xi32>,
      %swap3A_5155 = vector.shape_cast %swap3A_5154 : vector<16xi32> to vector<16xi32>
      %swap3A_5156 = vector.shape_cast %add3A_5152 : vector<16xi32> to vector<16xi32>
      tpu.vector_store %arg5[%swap3A_5153], %swap3A_5156 {strides = array<i32>} : memref<13312xi32, #tpu.memory_space<vmem>>, vector<16xi32>,
      %mul3A_5157 = arith.constant 128 : i32
      %mul3A_5158 = arith.muli %add3A_5062, %mul3A_5157 : i32
      %add3A_5159 = arith.constant 80 : i32
      %add3A_5160 = arith.addi %mul3A_5158, %add3A_5159 : i32
      %get3A_5161 = arith.index_cast %add3A_5160 : i32 to index
      %get3A_5162 = tpu.vector_load %arg5[%get3A_5161] {strides = array<i32>} : memref<13312xi32, #tpu.memory_space<vmem>>, vector<16xi32>,
      %get3A_5163 = vector.shape_cast %get3A_5162 : vector<16xi32> to vector<16xi32>
      %add3A_5164 = vector.broadcast %mul3A_5091 : i32 to vector<16xi32>
      %add3A_5165 = arith.addi %get3A_5163, %add3A_5164 : vector<16xi32>
      %swap3A_5166 = arith.index_cast %add3A_5160 : i32 to index
      %swap3A_5167 = tpu.vector_load %arg5[%swap3A_5166] {strides = array<i32>} : memref<13312xi32, #tpu.memory_space<vmem>>, vector<16xi32>,
      %swap3A_5168 = vector.shape_cast %swap3A_5167 : vector<16xi32> to vector<16xi32>
      %swap3A_5169 = vector.shape_cast %add3A_5165 : vector<16xi32> to vector<16xi32>
      tpu.vector_store %arg5[%swap3A_5166], %swap3A_5169 {strides = array<i32>} : memref<13312xi32, #tpu.memory_space<vmem>>, vector<16xi32>,
      %mul3A_5170 = arith.constant 128 : i32
      %mul3A_5171 = arith.muli %add3A_5062, %mul3A_5170 : i32
      %add3A_5172 = arith.constant 96 : i32
      %add3A_5173 = arith.addi %mul3A_5171, %add3A_5172 : i32
      %get3A_5174 = arith.index_cast %add3A_5173 : i32 to index
      %get3A_5175 = tpu.vector_load %arg5[%get3A_5174] {strides = array<i32>} : memref<13312xi32, #tpu.memory_space<vmem>>, vector<16xi32>,
      %get3A_5176 = vector.shape_cast %get3A_5175 : vector<16xi32> to vector<16xi32>
      %add3A_5177 = vector.broadcast %mul3A_5091 : i32 to vector<16xi32>
      %add3A_5178 = arith.addi %get3A_5176, %add3A_5177 : vector<16xi32>
      %swap3A_5179 = arith.index_cast %add3A_5173 : i32 to index
      %swap3A_5180 = tpu.vector_load %arg5[%swap3A_5179] {strides = array<i32>} : memref<13312xi32, #tpu.memory_space<vmem>>, vector<16xi32>,
      %swap3A_5181 = vector.shape_cast %swap3A_5180 : vector<16xi32> to vector<16xi32>
      %swap3A_5182 = vector.shape_cast %add3A_5178 : vector<16xi32> to vector<16xi32>
      tpu.vector_store %arg5[%swap3A_5179], %swap3A_5182 {strides = array<i32>} : memref<13312xi32, #tpu.memory_space<vmem>>, vector<16xi32>,
      %mul3A_5183 = arith.constant 128 : i32
      %mul3A_5184 = arith.muli %add3A_5062, %mul3A_5183 : i32
      %add3A_5185 = arith.constant 112 : i32
      %add3A_5186 = arith.addi %mul3A_5184, %add3A_5185 : i32
      %get3A_5187 = arith.index_cast %add3A_5186 : i32 to index
      %get3A_5188 = tpu.vector_load %arg5[%get3A_5187] {strides = array<i32>} : memref<13312xi32, #tpu.memory_space<vmem>>, vector<16xi32>,
      %get3A_5189 = vector.shape_cast %get3A_5188 : vector<16xi32> to vector<16xi32>
      %add3A_5190 = vector.broadcast %mul3A_5091 : i32 to vector<16xi32>
      %add3A_5191 = arith.addi %get3A_5189, %add3A_5190 : vector<16xi32>
      %swap3A_5192 = arith.index_cast %add3A_5186 : i32 to index
      %swap3A_5193 = tpu.vector_load %arg5[%swap3A_5192] {strides = array<i32>} : memref<13312xi32, #tpu.memory_space<vmem>>, vector<16xi32>,
      %swap3A_5194 = vector.shape_cast %swap3A_5193 : vector<16xi32> to vector<16xi32>
      %swap3A_5195 = vector.shape_cast %add3A_5191 : vector<16xi32> to vector<16xi32>
      tpu.vector_store %arg5[%swap3A_5192], %swap3A_5195 {strides = array<i32>} : memref<13312xi32, #tpu.memory_space<vmem>>, vector<16xi32>,
      %add3A_5196 = arith.constant 3 : i32
      %add3A_5197 = arith.addi %add3A_4919, %add3A_5196 : i32
      %mul3A_5198 = arith.constant 128 : i32
      %mul3A_5199 = arith.muli %add3A_5197, %mul3A_5198 : i32
      %dma_start3A_5200 = arith.constant 5 : i32
      %dma_start3A_5201 = arith.constant 0 : i32
      %dma_start3A_5202 = arith.constant 0 : i32
      %dma_start3A_5203 = tpu.memref_slice %arg6[%dma_start3A_5200, %dma_start3A_5201, %dma_start3A_5202] : memref<6x128x128xf32, #tpu.memory_space<vmem>> -> memref<1x128x128xf32, #tpu.memory_space<vmem>>
      %dma_start3A_5204 = tpu.memref_squeeze %dma_start3A_5203 : memref<1x128x128xf32, #tpu.memory_space<vmem>> -> memref<128x128xf32, #tpu.memory_space<vmem>>
      %dma_start3A_5205 = tpu.memref_slice %arg5[%mul3A_5199] : memref<13312xi32, #tpu.memory_space<vmem>> -> memref<128xi32, #tpu.memory_space<vmem>>
      %dma_start3A_5206 = arith.constant 0 : i32
      %dma_start3A_5207 = arith.constant 0 : i32
      %dma_start3A_5208 = tpu.memref_slice %arg3[%dma_start3A_5206, %dma_start3A_5207] : memref<26000x128xf32, #tpu.memory_space<hbm>> -> memref<26000x128xf32, #tpu.memory_space<hbm>>
      tpu.enqueue_indirect_dma source(%dma_start3A_5208 : memref<26000x128xf32, #tpu.memory_space<hbm>>) target(%dma_start3A_5204 : memref<128x128xf32, #tpu.memory_space<vmem>>) offsets(%dma_start3A_5205 : memref<128xi32, #tpu.memory_space<vmem>>) semaphore(%arg7 : memref<!tpu.dma_semaphore, #tpu.memory_space<semaphore_mem>>)
    }
    %scan3A_1172 = arith.constant 15 : i32
    %dma_wait3A_1173 = arith.constant 3 : i32
    %dma_wait3A_1174 = arith.constant 0 : i32
    %dma_wait3A_1175 = arith.constant 0 : i32
    %dma_wait3A_1176 = tpu.memref_slice %arg6[%dma_wait3A_1173, %dma_wait3A_1174, %dma_wait3A_1175] : memref<6x128x128xf32, #tpu.memory_space<vmem>> -> memref<1x128x128xf32, #tpu.memory_space<vmem>>
    %dma_wait3A_1177 = tpu.memref_squeeze %dma_wait3A_1176 : memref<1x128x128xf32, #tpu.memory_space<vmem>> -> memref<128x128xf32, #tpu.memory_space<vmem>>
    %dma_wait3A_1178 = arith.constant 11904 : i32
    %dma_wait3A_1179 = tpu.memref_slice %arg5[%dma_wait3A_1178] : memref<13312xi32, #tpu.memory_space<vmem>> -> memref<128xi32, #tpu.memory_space<vmem>>
    %dma_wait3A_1180 = arith.constant 0 : i32
    %dma_wait3A_1181 = arith.constant 0 : i32
    %dma_wait3A_1182 = tpu.memref_slice %arg3[%dma_wait3A_1180, %dma_wait3A_1181] : memref<26000x128xf32, #tpu.memory_space<hbm>> -> memref<26000x128xf32, #tpu.memory_space<hbm>>
    tpu.wait_indirect_dma semaphore(%arg7 : memref<!tpu.dma_semaphore, #tpu.memory_space<semaphore_mem>>) src(%dma_wait3A_1182 : memref<26000x128xf32, #tpu.memory_space<hbm>>) dst(%dma_wait3A_1177 : memref<128x128xf32, #tpu.memory_space<vmem>>)
    %add3A_1183 = arith.constant 11904 : i32
    %add3A_1184 = arith.addi %mul3A_2, %add3A_1183 : i32
    %jit3A_1185 = arith.constant 16384 : i32
    %div3A_1186 = arith.divsi %add3A_1184, %jit3A_1185 : i32
    %sign3A_1187 = arith.constant 0 : i32
    %sign3A_1188 = arith.cmpi sgt, %add3A_1184, %sign3A_1187 : i32
    %sign3A_1189 = arith.extui %sign3A_1188 : i1 to i32
    %sign3A_1190 = arith.constant 0 : i32
    %sign3A_1191 = arith.cmpi slt, %add3A_1184, %sign3A_1190 : i32
    %sign3A_1192 = arith.extui %sign3A_1191 : i1 to i32
    %sign3A_1193 = arith.subi %sign3A_1189, %sign3A_1192 : i32
    %sign3A_1194 = arith.constant 0 : i32
    %sign3A_1195 = arith.cmpi sgt, %jit3A_1185, %sign3A_1194 : i32
    %sign3A_1196 = arith.extui %sign3A_1195 : i1 to i32
    %sign3A_1197 = arith.constant 0 : i32
    %sign3A_1198 = arith.cmpi slt, %jit3A_1185, %sign3A_1197 : i32
    %sign3A_1199 = arith.extui %sign3A_1198 : i1 to i32
    %sign3A_1200 = arith.subi %sign3A_1196, %sign3A_1199 : i32
    %ne3A_1201 = arith.cmpi ne, %sign3A_1193, %sign3A_1200 : i32
    %rem3A_1202 = arith.remsi %add3A_1184, %jit3A_1185 : i32
    %ne3A_1203 = arith.constant 0 : i32
    %ne3A_1204 = arith.cmpi ne, %rem3A_1202, %ne3A_1203 : i32
    %and3A_1205 = arith.andi %ne3A_1201, %ne3A_1204 : i1
    %sub3A_1206 = arith.constant 1 : i32
    %sub3A_1207 = arith.subi %div3A_1186, %sub3A_1206 : i32
    %select_n3A_1208 = arith.select %and3A_1205, %sub3A_1207, %div3A_1186 : i32
    %jit3A_1209 = arith.constant 16384 : i32
    %eq3A_1210 = arith.constant 0 : i32
    %eq3A_1211 = arith.cmpi eq, %jit3A_1209, %eq3A_1210 : i32
    %jit3A_1212 = arith.constant 1 : i32
    %select_n3A_1213 = arith.select %eq3A_1211, %jit3A_1212, %jit3A_1209 : i32
    %rem3A_1214 = arith.remsi %add3A_1184, %select_n3A_1213 : i32
    %ne3A_1215 = arith.constant 0 : i32
    %ne3A_1216 = arith.cmpi ne, %rem3A_1214, %ne3A_1215 : i32
    %lt3A_1217 = arith.constant 0 : i32
    %lt3A_1218 = arith.cmpi slt, %rem3A_1214, %lt3A_1217 : i32
    %lt3A_1219 = arith.constant 0 : i32
    %lt3A_1220 = arith.cmpi slt, %select_n3A_1213, %lt3A_1219 : i32
    %ne3A_1221 = arith.xori %lt3A_1218, %lt3A_1220 : i1
    %and3A_1222 = arith.andi %ne3A_1221, %ne3A_1216 : i1
    %add3A_1223 = arith.addi %rem3A_1214, %select_n3A_1213 : i32
    %select_n3A_1224 = arith.select %and3A_1222, %add3A_1223, %rem3A_1214 : i32
    %dma_start3A_1225 = arith.constant 3 : i32
    %dma_start3A_1226 = arith.constant 0 : i32
    %dma_start3A_1227 = arith.constant 0 : i32
    %dma_start3A_1228 = tpu.memref_slice %arg6[%dma_start3A_1225, %dma_start3A_1226, %dma_start3A_1227] : memref<6x128x128xf32, #tpu.memory_space<vmem>> -> memref<1x128x128xf32, #tpu.memory_space<vmem>>
    %dma_start3A_1229 = tpu.memref_squeeze %dma_start3A_1228 : memref<1x128x128xf32, #tpu.memory_space<vmem>> -> memref<128x128xf32, #tpu.memory_space<vmem>>
    %dma_start3A_1230 = arith.constant 0 : i32
    %dma_start3A_1231 = arith.constant 0 : i32
    %dma_start3A_1232 = tpu.memref_slice %arg4[%select_n3A_1208, %dma_start3A_1230, %dma_start3A_1231] : memref<26x16384x128xf32, #tpu.memory_space<hbm>> -> memref<1x16384x128xf32, #tpu.memory_space<hbm>>
    %dma_start3A_1233 = tpu.memref_squeeze %dma_start3A_1232 : memref<1x16384x128xf32, #tpu.memory_space<hbm>> -> memref<16384x128xf32, #tpu.memory_space<hbm>>
    %dma_start3A_1234 = arith.constant 0 : i32
    %dma_start3A_1235 = tpu.memref_slice %dma_start3A_1233[%select_n3A_1224, %dma_start3A_1234] : memref<16384x128xf32, #tpu.memory_space<hbm>> -> memref<128x128xf32, #tpu.memory_space<hbm>>
    %dma_start3A_1236 = arith.constant 0 : i32
    %dma_start3A_1237 = arith.constant 0 : i32
    %dma_start3A_1238 = tpu.memref_slice %arg4[%select_n3A_1208, %dma_start3A_1236, %dma_start3A_1237] : memref<26x16384x128xf32, #tpu.memory_space<hbm>> -> memref<1x16384x128xf32, #tpu.memory_space<hbm>>
    %dma_start3A_1239 = tpu.memref_squeeze %dma_start3A_1238 : memref<1x16384x128xf32, #tpu.memory_space<hbm>> -> memref<16384x128xf32, #tpu.memory_space<hbm>>
    %dma_start3A_1240 = arith.constant 0 : i32
    %dma_start3A_1241 = tpu.memref_slice %dma_start3A_1239[%select_n3A_1224, %dma_start3A_1240] : memref<16384x128xf32, #tpu.memory_space<hbm>> -> memref<128x128xf32, #tpu.memory_space<hbm>>
    %dma_start3A_1242 = arith.constant 0 : i32
    %dma_start3A_1243 = arith.constant 0 : i32
    %dma_start3A_1244 = tpu.memref_slice %arg6[%dma_start3A_1225, %dma_start3A_1242, %dma_start3A_1243] : memref<6x128x128xf32, #tpu.memory_space<vmem>> -> memref<1x128x128xf32, #tpu.memory_space<vmem>>
    %dma_start3A_1245 = tpu.memref_squeeze %dma_start3A_1244 : memref<1x128x128xf32, #tpu.memory_space<vmem>> -> memref<128x128xf32, #tpu.memory_space<vmem>>
    tpu.enqueue_dma source(%dma_start3A_1245 : memref<128x128xf32, #tpu.memory_space<vmem>>) target(%dma_start3A_1241 : memref<128x128xf32, #tpu.memory_space<hbm>>) target_semaphore(%arg8 : memref<!tpu.dma_semaphore, #tpu.memory_space<semaphore_mem>>)
    %add3A_1246 = arith.constant 11520 : i32
    %add3A_1247 = arith.addi %mul3A_2, %add3A_1246 : i32
    %jit3A_1248 = arith.constant 16384 : i32
    %div3A_1249 = arith.divsi %add3A_1247, %jit3A_1248 : i32
    %sign3A_1250 = arith.constant 0 : i32
    %sign3A_1251 = arith.cmpi sgt, %add3A_1247, %sign3A_1250 : i32
    %sign3A_1252 = arith.extui %sign3A_1251 : i1 to i32
    %sign3A_1253 = arith.constant 0 : i32
    %sign3A_1254 = arith.cmpi slt, %add3A_1247, %sign3A_1253 : i32
    %sign3A_1255 = arith.extui %sign3A_1254 : i1 to i32
    %sign3A_1256 = arith.subi %sign3A_1252, %sign3A_1255 : i32
    %sign3A_1257 = arith.constant 0 : i32
    %sign3A_1258 = arith.cmpi sgt, %jit3A_1248, %sign3A_1257 : i32
    %sign3A_1259 = arith.extui %sign3A_1258 : i1 to i32
    %sign3A_1260 = arith.constant 0 : i32
    %sign3A_1261 = arith.cmpi slt, %jit3A_1248, %sign3A_1260 : i32
    %sign3A_1262 = arith.extui %sign3A_1261 : i1 to i32
    %sign3A_1263 = arith.subi %sign3A_1259, %sign3A_1262 : i32
    %ne3A_1264 = arith.cmpi ne, %sign3A_1256, %sign3A_1263 : i32
    %rem3A_1265 = arith.remsi %add3A_1247, %jit3A_1248 : i32
    %ne3A_1266 = arith.constant 0 : i32
    %ne3A_1267 = arith.cmpi ne, %rem3A_1265, %ne3A_1266 : i32
    %and3A_1268 = arith.andi %ne3A_1264, %ne3A_1267 : i1
    %sub3A_1269 = arith.constant 1 : i32
    %sub3A_1270 = arith.subi %div3A_1249, %sub3A_1269 : i32
    %select_n3A_1271 = arith.select %and3A_1268, %sub3A_1270, %div3A_1249 : i32
    %jit3A_1272 = arith.constant 16384 : i32
    %eq3A_1273 = arith.constant 0 : i32
    %eq3A_1274 = arith.cmpi eq, %jit3A_1272, %eq3A_1273 : i32
    %jit3A_1275 = arith.constant 1 : i32
    %select_n3A_1276 = arith.select %eq3A_1274, %jit3A_1275, %jit3A_1272 : i32
    %rem3A_1277 = arith.remsi %add3A_1247, %select_n3A_1276 : i32
    %ne3A_1278 = arith.constant 0 : i32
    %ne3A_1279 = arith.cmpi ne, %rem3A_1277, %ne3A_1278 : i32
    %lt3A_1280 = arith.constant 0 : i32
    %lt3A_1281 = arith.cmpi slt, %rem3A_1277, %lt3A_1280 : i32
    %lt3A_1282 = arith.constant 0 : i32
    %lt3A_1283 = arith.cmpi slt, %select_n3A_1276, %lt3A_1282 : i32
    %ne3A_1284 = arith.xori %lt3A_1281, %lt3A_1283 : i1
    %and3A_1285 = arith.andi %ne3A_1284, %ne3A_1279 : i1
    %add3A_1286 = arith.addi %rem3A_1277, %select_n3A_1276 : i32
    %select_n3A_1287 = arith.select %and3A_1285, %add3A_1286, %rem3A_1277 : i32
    %dma_wait3A_1288 = arith.constant 0 : i32
    %dma_wait3A_1289 = arith.constant 0 : i32
    %dma_wait3A_1290 = arith.constant 0 : i32
    %dma_wait3A_1291 = tpu.memref_slice %arg6[%dma_wait3A_1288, %dma_wait3A_1289, %dma_wait3A_1290] : memref<6x128x128xf32, #tpu.memory_space<vmem>> -> memref<1x128x128xf32, #tpu.memory_space<vmem>>
    %dma_wait3A_1292 = tpu.memref_squeeze %dma_wait3A_1291 : memref<1x128x128xf32, #tpu.memory_space<vmem>> -> memref<128x128xf32, #tpu.memory_space<vmem>>
    %dma_wait3A_1293 = arith.constant 0 : i32
    %dma_wait3A_1294 = arith.constant 0 : i32
    %dma_wait3A_1295 = tpu.memref_slice %arg4[%select_n3A_1271, %dma_wait3A_1293, %dma_wait3A_1294] : memref<26x16384x128xf32, #tpu.memory_space<hbm>> -> memref<1x16384x128xf32, #tpu.memory_space<hbm>>
    %dma_wait3A_1296 = tpu.memref_squeeze %dma_wait3A_1295 : memref<1x16384x128xf32, #tpu.memory_space<hbm>> -> memref<16384x128xf32, #tpu.memory_space<hbm>>
    %dma_wait3A_1297 = arith.constant 0 : i32
    %dma_wait3A_1298 = tpu.memref_slice %dma_wait3A_1296[%select_n3A_1287, %dma_wait3A_1297] : memref<16384x128xf32, #tpu.memory_space<hbm>> -> memref<128x128xf32, #tpu.memory_space<hbm>>
    %dma_wait3A_1299 = arith.constant 0 : i32
    %dma_wait3A_1300 = arith.constant 0 : i32
    %dma_wait3A_1301 = tpu.memref_slice %arg4[%select_n3A_1271, %dma_wait3A_1299, %dma_wait3A_1300] : memref<26x16384x128xf32, #tpu.memory_space<hbm>> -> memref<1x16384x128xf32, #tpu.memory_space<hbm>>
    %dma_wait3A_1302 = tpu.memref_squeeze %dma_wait3A_1301 : memref<1x16384x128xf32, #tpu.memory_space<hbm>> -> memref<16384x128xf32, #tpu.memory_space<hbm>>
    %dma_wait3A_1303 = arith.constant 0 : i32
    %dma_wait3A_1304 = tpu.memref_slice %dma_wait3A_1302[%select_n3A_1287, %dma_wait3A_1303] : memref<16384x128xf32, #tpu.memory_space<hbm>> -> memref<128x128xf32, #tpu.memory_space<hbm>>
    %dma_wait3A_1305 = arith.constant 0 : i32
    %dma_wait3A_1306 = arith.constant 0 : i32
    %dma_wait3A_1307 = tpu.memref_slice %arg6[%dma_wait3A_1288, %dma_wait3A_1305, %dma_wait3A_1306] : memref<6x128x128xf32, #tpu.memory_space<vmem>> -> memref<1x128x128xf32, #tpu.memory_space<vmem>>
    %dma_wait3A_1308 = tpu.memref_squeeze %dma_wait3A_1307 : memref<1x128x128xf32, #tpu.memory_space<vmem>> -> memref<128x128xf32, #tpu.memory_space<vmem>>
    tpu.wait_dma2 semaphore(%arg8 : memref<!tpu.dma_semaphore, #tpu.memory_space<semaphore_mem>>) src(%dma_wait3A_1308 : memref<128x128xf32, #tpu.memory_space<vmem>>) dst(%dma_wait3A_1304 : memref<128x128xf32, #tpu.memory_space<hbm>>)
    %add3A_1309 = arith.constant 12672 : i32
    %add3A_1310 = arith.addi %mul3A_2, %add3A_1309 : i32
    %jit3A_1311 = arith.constant 16384 : i32
    %div3A_1312 = arith.divsi %add3A_1310, %jit3A_1311 : i32
    %sign3A_1313 = arith.constant 0 : i32
    %sign3A_1314 = arith.cmpi sgt, %add3A_1310, %sign3A_1313 : i32
    %sign3A_1315 = arith.extui %sign3A_1314 : i1 to i32
    %sign3A_1316 = arith.constant 0 : i32
    %sign3A_1317 = arith.cmpi slt, %add3A_1310, %sign3A_1316 : i32
    %sign3A_1318 = arith.extui %sign3A_1317 : i1 to i32
    %sign3A_1319 = arith.subi %sign3A_1315, %sign3A_1318 : i32
    %sign3A_1320 = arith.constant 0 : i32
    %sign3A_1321 = arith.cmpi sgt, %jit3A_1311, %sign3A_1320 : i32
    %sign3A_1322 = arith.extui %sign3A_1321 : i1 to i32
    %sign3A_1323 = arith.constant 0 : i32
    %sign3A_1324 = arith.cmpi slt, %jit3A_1311, %sign3A_1323 : i32
    %sign3A_1325 = arith.extui %sign3A_1324 : i1 to i32
    %sign3A_1326 = arith.subi %sign3A_1322, %sign3A_1325 : i32
    %ne3A_1327 = arith.cmpi ne, %sign3A_1319, %sign3A_1326 : i32
    %rem3A_1328 = arith.remsi %add3A_1310, %jit3A_1311 : i32
    %ne3A_1329 = arith.constant 0 : i32
    %ne3A_1330 = arith.cmpi ne, %rem3A_1328, %ne3A_1329 : i32
    %and3A_1331 = arith.andi %ne3A_1327, %ne3A_1330 : i1
    %sub3A_1332 = arith.constant 1 : i32
    %sub3A_1333 = arith.subi %div3A_1312, %sub3A_1332 : i32
    %select_n3A_1334 = arith.select %and3A_1331, %sub3A_1333, %div3A_1312 : i32
    %mul3A_1335 = arith.constant 1000 : i32
    %mul3A_1336 = arith.muli %select_n3A_1334, %mul3A_1335 : i32
    %get3A_1337 = arith.constant 12672 : index
    %get3A_1338 = tpu.vector_load %arg5[%get3A_1337] {strides = array<i32>} : memref<13312xi32, #tpu.memory_space<vmem>>, vector<16xi32>,
    %get3A_1339 = vector.shape_cast %get3A_1338 : vector<16xi32> to vector<16xi32>
    %add3A_1340 = vector.broadcast %mul3A_1336 : i32 to vector<16xi32>
    %add3A_1341 = arith.addi %get3A_1339, %add3A_1340 : vector<16xi32>
    %swap3A_1342 = arith.constant 12672 : index
    %swap3A_1343 = tpu.vector_load %arg5[%swap3A_1342] {strides = array<i32>} : memref<13312xi32, #tpu.memory_space<vmem>>, vector<16xi32>,
    %swap3A_1344 = vector.shape_cast %swap3A_1343 : vector<16xi32> to vector<16xi32>
    %swap3A_1345 = vector.shape_cast %add3A_1341 : vector<16xi32> to vector<16xi32>
    tpu.vector_store %arg5[%swap3A_1342], %swap3A_1345 {strides = array<i32>} : memref<13312xi32, #tpu.memory_space<vmem>>, vector<16xi32>,
    %get3A_1346 = arith.constant 12688 : index
    %get3A_1347 = tpu.vector_load %arg5[%get3A_1346] {strides = array<i32>} : memref<13312xi32, #tpu.memory_space<vmem>>, vector<16xi32>,
    %get3A_1348 = vector.shape_cast %get3A_1347 : vector<16xi32> to vector<16xi32>
    %add3A_1349 = vector.broadcast %mul3A_1336 : i32 to vector<16xi32>
    %add3A_1350 = arith.addi %get3A_1348, %add3A_1349 : vector<16xi32>
    %swap3A_1351 = arith.constant 12688 : index
    %swap3A_1352 = tpu.vector_load %arg5[%swap3A_1351] {strides = array<i32>} : memref<13312xi32, #tpu.memory_space<vmem>>, vector<16xi32>,
    %swap3A_1353 = vector.shape_cast %swap3A_1352 : vector<16xi32> to vector<16xi32>
    %swap3A_1354 = vector.shape_cast %add3A_1350 : vector<16xi32> to vector<16xi32>
    tpu.vector_store %arg5[%swap3A_1351], %swap3A_1354 {strides = array<i32>} : memref<13312xi32, #tpu.memory_space<vmem>>, vector<16xi32>,
    %get3A_1355 = arith.constant 12704 : index
    %get3A_1356 = tpu.vector_load %arg5[%get3A_1355] {strides = array<i32>} : memref<13312xi32, #tpu.memory_space<vmem>>, vector<16xi32>,
    %get3A_1357 = vector.shape_cast %get3A_1356 : vector<16xi32> to vector<16xi32>
    %add3A_1358 = vector.broadcast %mul3A_1336 : i32 to vector<16xi32>
    %add3A_1359 = arith.addi %get3A_1357, %add3A_1358 : vector<16xi32>
    %swap3A_1360 = arith.constant 12704 : index
    %swap3A_1361 = tpu.vector_load %arg5[%swap3A_1360] {strides = array<i32>} : memref<13312xi32, #tpu.memory_space<vmem>>, vector<16xi32>,
    %swap3A_1362 = vector.shape_cast %swap3A_1361 : vector<16xi32> to vector<16xi32>
    %swap3A_1363 = vector.shape_cast %add3A_1359 : vector<16xi32> to vector<16xi32>
    tpu.vector_store %arg5[%swap3A_1360], %swap3A_1363 {strides = array<i32>} : memref<13312xi32, #tpu.memory_space<vmem>>, vector<16xi32>,
    %get3A_1364 = arith.constant 12720 : index
    %get3A_1365 = tpu.vector_load %arg5[%get3A_1364] {strides = array<i32>} : memref<13312xi32, #tpu.memory_space<vmem>>, vector<16xi32>,
    %get3A_1366 = vector.shape_cast %get3A_1365 : vector<16xi32> to vector<16xi32>
    %add3A_1367 = vector.broadcast %mul3A_1336 : i32 to vector<16xi32>
    %add3A_1368 = arith.addi %get3A_1366, %add3A_1367 : vector<16xi32>
    %swap3A_1369 = arith.constant 12720 : index
    %swap3A_1370 = tpu.vector_load %arg5[%swap3A_1369] {strides = array<i32>} : memref<13312xi32, #tpu.memory_space<vmem>>, vector<16xi32>,
    %swap3A_1371 = vector.shape_cast %swap3A_1370 : vector<16xi32> to vector<16xi32>
    %swap3A_1372 = vector.shape_cast %add3A_1368 : vector<16xi32> to vector<16xi32>
    tpu.vector_store %arg5[%swap3A_1369], %swap3A_1372 {strides = array<i32>} : memref<13312xi32, #tpu.memory_space<vmem>>, vector<16xi32>,
    %get3A_1373 = arith.constant 12736 : index
    %get3A_1374 = tpu.vector_load %arg5[%get3A_1373] {strides = array<i32>} : memref<13312xi32, #tpu.memory_space<vmem>>, vector<16xi32>,
    %get3A_1375 = vector.shape_cast %get3A_1374 : vector<16xi32> to vector<16xi32>
    %add3A_1376 = vector.broadcast %mul3A_1336 : i32 to vector<16xi32>
    %add3A_1377 = arith.addi %get3A_1375, %add3A_1376 : vector<16xi32>
    %swap3A_1378 = arith.constant 12736 : index
    %swap3A_1379 = tpu.vector_load %arg5[%swap3A_1378] {strides = array<i32>} : memref<13312xi32, #tpu.memory_space<vmem>>, vector<16xi32>,
    %swap3A_1380 = vector.shape_cast %swap3A_1379 : vector<16xi32> to vector<16xi32>
    %swap3A_1381 = vector.shape_cast %add3A_1377 : vector<16xi32> to vector<16xi32>
    tpu.vector_store %arg5[%swap3A_1378], %swap3A_1381 {strides = array<i32>} : memref<13312xi32, #tpu.memory_space<vmem>>, vector<16xi32>,
    %get3A_1382 = arith.constant 12752 : index
    %get3A_1383 = tpu.vector_load %arg5[%get3A_1382] {strides = array<i32>} : memref<13312xi32, #tpu.memory_space<vmem>>, vector<16xi32>,
    %get3A_1384 = vector.shape_cast %get3A_1383 : vector<16xi32> to vector<16xi32>
    %add3A_1385 = vector.broadcast %mul3A_1336 : i32 to vector<16xi32>
    %add3A_1386 = arith.addi %get3A_1384, %add3A_1385 : vector<16xi32>
    %swap3A_1387 = arith.constant 12752 : index
    %swap3A_1388 = tpu.vector_load %arg5[%swap3A_1387] {strides = array<i32>} : memref<13312xi32, #tpu.memory_space<vmem>>, vector<16xi32>,
    %swap3A_1389 = vector.shape_cast %swap3A_1388 : vector<16xi32> to vector<16xi32>
    %swap3A_1390 = vector.shape_cast %add3A_1386 : vector<16xi32> to vector<16xi32>
    tpu.vector_store %arg5[%swap3A_1387], %swap3A_1390 {strides = array<i32>} : memref<13312xi32, #tpu.memory_space<vmem>>, vector<16xi32>,
    %get3A_1391 = arith.constant 12768 : index
    %get3A_1392 = tpu.vector_load %arg5[%get3A_1391] {strides = array<i32>} : memref<13312xi32, #tpu.memory_space<vmem>>, vector<16xi32>,
    %get3A_1393 = vector.shape_cast %get3A_1392 : vector<16xi32> to vector<16xi32>
    %add3A_1394 = vector.broadcast %mul3A_1336 : i32 to vector<16xi32>
    %add3A_1395 = arith.addi %get3A_1393, %add3A_1394 : vector<16xi32>
    %swap3A_1396 = arith.constant 12768 : index
    %swap3A_1397 = tpu.vector_load %arg5[%swap3A_1396] {strides = array<i32>} : memref<13312xi32, #tpu.memory_space<vmem>>, vector<16xi32>,
    %swap3A_1398 = vector.shape_cast %swap3A_1397 : vector<16xi32> to vector<16xi32>
    %swap3A_1399 = vector.shape_cast %add3A_1395 : vector<16xi32> to vector<16xi32>
    tpu.vector_store %arg5[%swap3A_1396], %swap3A_1399 {strides = array<i32>} : memref<13312xi32, #tpu.memory_space<vmem>>, vector<16xi32>,
    %get3A_1400 = arith.constant 12784 : index
    %get3A_1401 = tpu.vector_load %arg5[%get3A_1400] {strides = array<i32>} : memref<13312xi32, #tpu.memory_space<vmem>>, vector<16xi32>,
    %get3A_1402 = vector.shape_cast %get3A_1401 : vector<16xi32> to vector<16xi32>
    %add3A_1403 = vector.broadcast %mul3A_1336 : i32 to vector<16xi32>
    %add3A_1404 = arith.addi %get3A_1402, %add3A_1403 : vector<16xi32>
    %swap3A_1405 = arith.constant 12784 : index
    %swap3A_1406 = tpu.vector_load %arg5[%swap3A_1405] {strides = array<i32>} : memref<13312xi32, #tpu.memory_space<vmem>>, vector<16xi32>,
    %swap3A_1407 = vector.shape_cast %swap3A_1406 : vector<16xi32> to vector<16xi32>
    %swap3A_1408 = vector.shape_cast %add3A_1404 : vector<16xi32> to vector<16xi32>
    tpu.vector_store %arg5[%swap3A_1405], %swap3A_1408 {strides = array<i32>} : memref<13312xi32, #tpu.memory_space<vmem>>, vector<16xi32>,
    %dma_start3A_1409 = arith.constant 0 : i32
    %dma_start3A_1410 = arith.constant 0 : i32
    %dma_start3A_1411 = arith.constant 0 : i32
    %dma_start3A_1412 = tpu.memref_slice %arg6[%dma_start3A_1409, %dma_start3A_1410, %dma_start3A_1411] : memref<6x128x128xf32, #tpu.memory_space<vmem>> -> memref<1x128x128xf32, #tpu.memory_space<vmem>>
    %dma_start3A_1413 = tpu.memref_squeeze %dma_start3A_1412 : memref<1x128x128xf32, #tpu.memory_space<vmem>> -> memref<128x128xf32, #tpu.memory_space<vmem>>
    %dma_start3A_1414 = arith.constant 12288 : i32
    %dma_start3A_1415 = tpu.memref_slice %arg5[%dma_start3A_1414] : memref<13312xi32, #tpu.memory_space<vmem>> -> memref<128xi32, #tpu.memory_space<vmem>>
    %dma_start3A_1416 = arith.constant 0 : i32
    %dma_start3A_1417 = arith.constant 0 : i32
    %dma_start3A_1418 = tpu.memref_slice %arg3[%dma_start3A_1416, %dma_start3A_1417] : memref<26000x128xf32, #tpu.memory_space<hbm>> -> memref<26000x128xf32, #tpu.memory_space<hbm>>
    tpu.enqueue_indirect_dma source(%dma_start3A_1418 : memref<26000x128xf32, #tpu.memory_space<hbm>>) target(%dma_start3A_1413 : memref<128x128xf32, #tpu.memory_space<vmem>>) offsets(%dma_start3A_1415 : memref<128xi32, #tpu.memory_space<vmem>>) semaphore(%arg7 : memref<!tpu.dma_semaphore, #tpu.memory_space<semaphore_mem>>)
    %dma_wait3A_1419 = arith.constant 4 : i32
    %dma_wait3A_1420 = arith.constant 0 : i32
    %dma_wait3A_1421 = arith.constant 0 : i32
    %dma_wait3A_1422 = tpu.memref_slice %arg6[%dma_wait3A_1419, %dma_wait3A_1420, %dma_wait3A_1421] : memref<6x128x128xf32, #tpu.memory_space<vmem>> -> memref<1x128x128xf32, #tpu.memory_space<vmem>>
    %dma_wait3A_1423 = tpu.memref_squeeze %dma_wait3A_1422 : memref<1x128x128xf32, #tpu.memory_space<vmem>> -> memref<128x128xf32, #tpu.memory_space<vmem>>
    %dma_wait3A_1424 = arith.constant 12032 : i32
    %dma_wait3A_1425 = tpu.memref_slice %arg5[%dma_wait3A_1424] : memref<13312xi32, #tpu.memory_space<vmem>> -> memref<128xi32, #tpu.memory_space<vmem>>
    %dma_wait3A_1426 = arith.constant 0 : i32
    %dma_wait3A_1427 = arith.constant 0 : i32
    %dma_wait3A_1428 = tpu.memref_slice %arg3[%dma_wait3A_1426, %dma_wait3A_1427] : memref<26000x128xf32, #tpu.memory_space<hbm>> -> memref<26000x128xf32, #tpu.memory_space<hbm>>
    tpu.wait_indirect_dma semaphore(%arg7 : memref<!tpu.dma_semaphore, #tpu.memory_space<semaphore_mem>>) src(%dma_wait3A_1428 : memref<26000x128xf32, #tpu.memory_space<hbm>>) dst(%dma_wait3A_1423 : memref<128x128xf32, #tpu.memory_space<vmem>>)
    %add3A_1429 = arith.constant 12032 : i32
    %add3A_1430 = arith.addi %mul3A_2, %add3A_1429 : i32
    %jit3A_1431 = arith.constant 16384 : i32
    %div3A_1432 = arith.divsi %add3A_1430, %jit3A_1431 : i32
    %sign3A_1433 = arith.constant 0 : i32
    %sign3A_1434 = arith.cmpi sgt, %add3A_1430, %sign3A_1433 : i32
    %sign3A_1435 = arith.extui %sign3A_1434 : i1 to i32
    %sign3A_1436 = arith.constant 0 : i32
    %sign3A_1437 = arith.cmpi slt, %add3A_1430, %sign3A_1436 : i32
    %sign3A_1438 = arith.extui %sign3A_1437 : i1 to i32
    %sign3A_1439 = arith.subi %sign3A_1435, %sign3A_1438 : i32
    %sign3A_1440 = arith.constant 0 : i32
    %sign3A_1441 = arith.cmpi sgt, %jit3A_1431, %sign3A_1440 : i32
    %sign3A_1442 = arith.extui %sign3A_1441 : i1 to i32
    %sign3A_1443 = arith.constant 0 : i32
    %sign3A_1444 = arith.cmpi slt, %jit3A_1431, %sign3A_1443 : i32
    %sign3A_1445 = arith.extui %sign3A_1444 : i1 to i32
    %sign3A_1446 = arith.subi %sign3A_1442, %sign3A_1445 : i32
    %ne3A_1447 = arith.cmpi ne, %sign3A_1439, %sign3A_1446 : i32
    %rem3A_1448 = arith.remsi %add3A_1430, %jit3A_1431 : i32
    %ne3A_1449 = arith.constant 0 : i32
    %ne3A_1450 = arith.cmpi ne, %rem3A_1448, %ne3A_1449 : i32
    %and3A_1451 = arith.andi %ne3A_1447, %ne3A_1450 : i1
    %sub3A_1452 = arith.constant 1 : i32
    %sub3A_1453 = arith.subi %div3A_1432, %sub3A_1452 : i32
    %select_n3A_1454 = arith.select %and3A_1451, %sub3A_1453, %div3A_1432 : i32
    %jit3A_1455 = arith.constant 16384 : i32
    %eq3A_1456 = arith.constant 0 : i32
    %eq3A_1457 = arith.cmpi eq, %jit3A_1455, %eq3A_1456 : i32
    %jit3A_1458 = arith.constant 1 : i32
    %select_n3A_1459 = arith.select %eq3A_1457, %jit3A_1458, %jit3A_1455 : i32
    %rem3A_1460 = arith.remsi %add3A_1430, %select_n3A_1459 : i32
    %ne3A_1461 = arith.constant 0 : i32
    %ne3A_1462 = arith.cmpi ne, %rem3A_1460, %ne3A_1461 : i32
    %lt3A_1463 = arith.constant 0 : i32
    %lt3A_1464 = arith.cmpi slt, %rem3A_1460, %lt3A_1463 : i32
    %lt3A_1465 = arith.constant 0 : i32
    %lt3A_1466 = arith.cmpi slt, %select_n3A_1459, %lt3A_1465 : i32
    %ne3A_1467 = arith.xori %lt3A_1464, %lt3A_1466 : i1
    %and3A_1468 = arith.andi %ne3A_1467, %ne3A_1462 : i1
    %add3A_1469 = arith.addi %rem3A_1460, %select_n3A_1459 : i32
    %select_n3A_1470 = arith.select %and3A_1468, %add3A_1469, %rem3A_1460 : i32
    %dma_start3A_1471 = arith.constant 4 : i32
    %dma_start3A_1472 = arith.constant 0 : i32
    %dma_start3A_1473 = arith.constant 0 : i32
    %dma_start3A_1474 = tpu.memref_slice %arg6[%dma_start3A_1471, %dma_start3A_1472, %dma_start3A_1473] : memref<6x128x128xf32, #tpu.memory_space<vmem>> -> memref<1x128x128xf32, #tpu.memory_space<vmem>>
    %dma_start3A_1475 = tpu.memref_squeeze %dma_start3A_1474 : memref<1x128x128xf32, #tpu.memory_space<vmem>> -> memref<128x128xf32, #tpu.memory_space<vmem>>
    %dma_start3A_1476 = arith.constant 0 : i32
    %dma_start3A_1477 = arith.constant 0 : i32
    %dma_start3A_1478 = tpu.memref_slice %arg4[%select_n3A_1454, %dma_start3A_1476, %dma_start3A_1477] : memref<26x16384x128xf32, #tpu.memory_space<hbm>> -> memref<1x16384x128xf32, #tpu.memory_space<hbm>>
    %dma_start3A_1479 = tpu.memref_squeeze %dma_start3A_1478 : memref<1x16384x128xf32, #tpu.memory_space<hbm>> -> memref<16384x128xf32, #tpu.memory_space<hbm>>
    %dma_start3A_1480 = arith.constant 0 : i32
    %dma_start3A_1481 = tpu.memref_slice %dma_start3A_1479[%select_n3A_1470, %dma_start3A_1480] : memref<16384x128xf32, #tpu.memory_space<hbm>> -> memref<128x128xf32, #tpu.memory_space<hbm>>
    %dma_start3A_1482 = arith.constant 0 : i32
    %dma_start3A_1483 = arith.constant 0 : i32
    %dma_start3A_1484 = tpu.memref_slice %arg4[%select_n3A_1454, %dma_start3A_1482, %dma_start3A_1483] : memref<26x16384x128xf32, #tpu.memory_space<hbm>> -> memref<1x16384x128xf32, #tpu.memory_space<hbm>>
    %dma_start3A_1485 = tpu.memref_squeeze %dma_start3A_1484 : memref<1x16384x128xf32, #tpu.memory_space<hbm>> -> memref<16384x128xf32, #tpu.memory_space<hbm>>
    %dma_start3A_1486 = arith.constant 0 : i32
    %dma_start3A_1487 = tpu.memref_slice %dma_start3A_1485[%select_n3A_1470, %dma_start3A_1486] : memref<16384x128xf32, #tpu.memory_space<hbm>> -> memref<128x128xf32, #tpu.memory_space<hbm>>
    %dma_start3A_1488 = arith.constant 0 : i32
    %dma_start3A_1489 = arith.constant 0 : i32
    %dma_start3A_1490 = tpu.memref_slice %arg6[%dma_start3A_1471, %dma_start3A_1488, %dma_start3A_1489] : memref<6x128x128xf32, #tpu.memory_space<vmem>> -> memref<1x128x128xf32, #tpu.memory_space<vmem>>
    %dma_start3A_1491 = tpu.memref_squeeze %dma_start3A_1490 : memref<1x128x128xf32, #tpu.memory_space<vmem>> -> memref<128x128xf32, #tpu.memory_space<vmem>>
    tpu.enqueue_dma source(%dma_start3A_1491 : memref<128x128xf32, #tpu.memory_space<vmem>>) target(%dma_start3A_1487 : memref<128x128xf32, #tpu.memory_space<hbm>>) target_semaphore(%arg8 : memref<!tpu.dma_semaphore, #tpu.memory_space<semaphore_mem>>)
    %add3A_1492 = arith.constant 11648 : i32
    %add3A_1493 = arith.addi %mul3A_2, %add3A_1492 : i32
    %jit3A_1494 = arith.constant 16384 : i32
    %div3A_1495 = arith.divsi %add3A_1493, %jit3A_1494 : i32
    %sign3A_1496 = arith.constant 0 : i32
    %sign3A_1497 = arith.cmpi sgt, %add3A_1493, %sign3A_1496 : i32
    %sign3A_1498 = arith.extui %sign3A_1497 : i1 to i32
    %sign3A_1499 = arith.constant 0 : i32
    %sign3A_1500 = arith.cmpi slt, %add3A_1493, %sign3A_1499 : i32
    %sign3A_1501 = arith.extui %sign3A_1500 : i1 to i32
    %sign3A_1502 = arith.subi %sign3A_1498, %sign3A_1501 : i32
    %sign3A_1503 = arith.constant 0 : i32
    %sign3A_1504 = arith.cmpi sgt, %jit3A_1494, %sign3A_1503 : i32
    %sign3A_1505 = arith.extui %sign3A_1504 : i1 to i32
    %sign3A_1506 = arith.constant 0 : i32
    %sign3A_1507 = arith.cmpi slt, %jit3A_1494, %sign3A_1506 : i32
    %sign3A_1508 = arith.extui %sign3A_1507 : i1 to i32
    %sign3A_1509 = arith.subi %sign3A_1505, %sign3A_1508 : i32
    %ne3A_1510 = arith.cmpi ne, %sign3A_1502, %sign3A_1509 : i32
    %rem3A_1511 = arith.remsi %add3A_1493, %jit3A_1494 : i32
    %ne3A_1512 = arith.constant 0 : i32
    %ne3A_1513 = arith.cmpi ne, %rem3A_1511, %ne3A_1512 : i32
    %and3A_1514 = arith.andi %ne3A_1510, %ne3A_1513 : i1
    %sub3A_1515 = arith.constant 1 : i32
    %sub3A_1516 = arith.subi %div3A_1495, %sub3A_1515 : i32
    %select_n3A_1517 = arith.select %and3A_1514, %sub3A_1516, %div3A_1495 : i32
    %jit3A_1518 = arith.constant 16384 : i32
    %eq3A_1519 = arith.constant 0 : i32
    %eq3A_1520 = arith.cmpi eq, %jit3A_1518, %eq3A_1519 : i32
    %jit3A_1521 = arith.constant 1 : i32
    %select_n3A_1522 = arith.select %eq3A_1520, %jit3A_1521, %jit3A_1518 : i32
    %rem3A_1523 = arith.remsi %add3A_1493, %select_n3A_1522 : i32
    %ne3A_1524 = arith.constant 0 : i32
    %ne3A_1525 = arith.cmpi ne, %rem3A_1523, %ne3A_1524 : i32
    %lt3A_1526 = arith.constant 0 : i32
    %lt3A_1527 = arith.cmpi slt, %rem3A_1523, %lt3A_1526 : i32
    %lt3A_1528 = arith.constant 0 : i32
    %lt3A_1529 = arith.cmpi slt, %select_n3A_1522, %lt3A_1528 : i32
    %ne3A_1530 = arith.xori %lt3A_1527, %lt3A_1529 : i1
    %and3A_1531 = arith.andi %ne3A_1530, %ne3A_1525 : i1
    %add3A_1532 = arith.addi %rem3A_1523, %select_n3A_1522 : i32
    %select_n3A_1533 = arith.select %and3A_1531, %add3A_1532, %rem3A_1523 : i32
    %dma_wait3A_1534 = arith.constant 1 : i32
    %dma_wait3A_1535 = arith.constant 0 : i32
    %dma_wait3A_1536 = arith.constant 0 : i32
    %dma_wait3A_1537 = tpu.memref_slice %arg6[%dma_wait3A_1534, %dma_wait3A_1535, %dma_wait3A_1536] : memref<6x128x128xf32, #tpu.memory_space<vmem>> -> memref<1x128x128xf32, #tpu.memory_space<vmem>>
    %dma_wait3A_1538 = tpu.memref_squeeze %dma_wait3A_1537 : memref<1x128x128xf32, #tpu.memory_space<vmem>> -> memref<128x128xf32, #tpu.memory_space<vmem>>
    %dma_wait3A_1539 = arith.constant 0 : i32
    %dma_wait3A_1540 = arith.constant 0 : i32
    %dma_wait3A_1541 = tpu.memref_slice %arg4[%select_n3A_1517, %dma_wait3A_1539, %dma_wait3A_1540] : memref<26x16384x128xf32, #tpu.memory_space<hbm>> -> memref<1x16384x128xf32, #tpu.memory_space<hbm>>
    %dma_wait3A_1542 = tpu.memref_squeeze %dma_wait3A_1541 : memref<1x16384x128xf32, #tpu.memory_space<hbm>> -> memref<16384x128xf32, #tpu.memory_space<hbm>>
    %dma_wait3A_1543 = arith.constant 0 : i32
    %dma_wait3A_1544 = tpu.memref_slice %dma_wait3A_1542[%select_n3A_1533, %dma_wait3A_1543] : memref<16384x128xf32, #tpu.memory_space<hbm>> -> memref<128x128xf32, #tpu.memory_space<hbm>>
    %dma_wait3A_1545 = arith.constant 0 : i32
    %dma_wait3A_1546 = arith.constant 0 : i32
    %dma_wait3A_1547 = tpu.memref_slice %arg4[%select_n3A_1517, %dma_wait3A_1545, %dma_wait3A_1546] : memref<26x16384x128xf32, #tpu.memory_space<hbm>> -> memref<1x16384x128xf32, #tpu.memory_space<hbm>>
    %dma_wait3A_1548 = tpu.memref_squeeze %dma_wait3A_1547 : memref<1x16384x128xf32, #tpu.memory_space<hbm>> -> memref<16384x128xf32, #tpu.memory_space<hbm>>
    %dma_wait3A_1549 = arith.constant 0 : i32
    %dma_wait3A_1550 = tpu.memref_slice %dma_wait3A_1548[%select_n3A_1533, %dma_wait3A_1549] : memref<16384x128xf32, #tpu.memory_space<hbm>> -> memref<128x128xf32, #tpu.memory_space<hbm>>
    %dma_wait3A_1551 = arith.constant 0 : i32
    %dma_wait3A_1552 = arith.constant 0 : i32
    %dma_wait3A_1553 = tpu.memref_slice %arg6[%dma_wait3A_1534, %dma_wait3A_1551, %dma_wait3A_1552] : memref<6x128x128xf32, #tpu.memory_space<vmem>> -> memref<1x128x128xf32, #tpu.memory_space<vmem>>
    %dma_wait3A_1554 = tpu.memref_squeeze %dma_wait3A_1553 : memref<1x128x128xf32, #tpu.memory_space<vmem>> -> memref<128x128xf32, #tpu.memory_space<vmem>>
    tpu.wait_dma2 semaphore(%arg8 : memref<!tpu.dma_semaphore, #tpu.memory_space<semaphore_mem>>) src(%dma_wait3A_1554 : memref<128x128xf32, #tpu.memory_space<vmem>>) dst(%dma_wait3A_1550 : memref<128x128xf32, #tpu.memory_space<hbm>>)
    %add3A_1555 = arith.constant 12800 : i32
    %add3A_1556 = arith.addi %mul3A_2, %add3A_1555 : i32
    %jit3A_1557 = arith.constant 16384 : i32
    %div3A_1558 = arith.divsi %add3A_1556, %jit3A_1557 : i32
    %sign3A_1559 = arith.constant 0 : i32
    %sign3A_1560 = arith.cmpi sgt, %add3A_1556, %sign3A_1559 : i32
    %sign3A_1561 = arith.extui %sign3A_1560 : i1 to i32
    %sign3A_1562 = arith.constant 0 : i32
    %sign3A_1563 = arith.cmpi slt, %add3A_1556, %sign3A_1562 : i32
    %sign3A_1564 = arith.extui %sign3A_1563 : i1 to i32
    %sign3A_1565 = arith.subi %sign3A_1561, %sign3A_1564 : i32
    %sign3A_1566 = arith.constant 0 : i32
    %sign3A_1567 = arith.cmpi sgt, %jit3A_1557, %sign3A_1566 : i32
    %sign3A_1568 = arith.extui %sign3A_1567 : i1 to i32
    %sign3A_1569 = arith.constant 0 : i32
    %sign3A_1570 = arith.cmpi slt, %jit3A_1557, %sign3A_1569 : i32
    %sign3A_1571 = arith.extui %sign3A_1570 : i1 to i32
    %sign3A_1572 = arith.subi %sign3A_1568, %sign3A_1571 : i32
    %ne3A_1573 = arith.cmpi ne, %sign3A_1565, %sign3A_1572 : i32
    %rem3A_1574 = arith.remsi %add3A_1556, %jit3A_1557 : i32
    %ne3A_1575 = arith.constant 0 : i32
    %ne3A_1576 = arith.cmpi ne, %rem3A_1574, %ne3A_1575 : i32
    %and3A_1577 = arith.andi %ne3A_1573, %ne3A_1576 : i1
    %sub3A_1578 = arith.constant 1 : i32
    %sub3A_1579 = arith.subi %div3A_1558, %sub3A_1578 : i32
    %select_n3A_1580 = arith.select %and3A_1577, %sub3A_1579, %div3A_1558 : i32
    %mul3A_1581 = arith.constant 1000 : i32
    %mul3A_1582 = arith.muli %select_n3A_1580, %mul3A_1581 : i32
    %get3A_1583 = arith.constant 12800 : index
    %get3A_1584 = tpu.vector_load %arg5[%get3A_1583] {strides = array<i32>} : memref<13312xi32, #tpu.memory_space<vmem>>, vector<16xi32>,
    %get3A_1585 = vector.shape_cast %get3A_1584 : vector<16xi32> to vector<16xi32>
    %add3A_1586 = vector.broadcast %mul3A_1582 : i32 to vector<16xi32>
    %add3A_1587 = arith.addi %get3A_1585, %add3A_1586 : vector<16xi32>
    %swap3A_1588 = arith.constant 12800 : index
    %swap3A_1589 = tpu.vector_load %arg5[%swap3A_1588] {strides = array<i32>} : memref<13312xi32, #tpu.memory_space<vmem>>, vector<16xi32>,
    %swap3A_1590 = vector.shape_cast %swap3A_1589 : vector<16xi32> to vector<16xi32>
    %swap3A_1591 = vector.shape_cast %add3A_1587 : vector<16xi32> to vector<16xi32>
    tpu.vector_store %arg5[%swap3A_1588], %swap3A_1591 {strides = array<i32>} : memref<13312xi32, #tpu.memory_space<vmem>>, vector<16xi32>,
    %get3A_1592 = arith.constant 12816 : index
    %get3A_1593 = tpu.vector_load %arg5[%get3A_1592] {strides = array<i32>} : memref<13312xi32, #tpu.memory_space<vmem>>, vector<16xi32>,
    %get3A_1594 = vector.shape_cast %get3A_1593 : vector<16xi32> to vector<16xi32>
    %add3A_1595 = vector.broadcast %mul3A_1582 : i32 to vector<16xi32>
    %add3A_1596 = arith.addi %get3A_1594, %add3A_1595 : vector<16xi32>
    %swap3A_1597 = arith.constant 12816 : index
    %swap3A_1598 = tpu.vector_load %arg5[%swap3A_1597] {strides = array<i32>} : memref<13312xi32, #tpu.memory_space<vmem>>, vector<16xi32>,
    %swap3A_1599 = vector.shape_cast %swap3A_1598 : vector<16xi32> to vector<16xi32>
    %swap3A_1600 = vector.shape_cast %add3A_1596 : vector<16xi32> to vector<16xi32>
    tpu.vector_store %arg5[%swap3A_1597], %swap3A_1600 {strides = array<i32>} : memref<13312xi32, #tpu.memory_space<vmem>>, vector<16xi32>,
    %get3A_1601 = arith.constant 12832 : index
    %get3A_1602 = tpu.vector_load %arg5[%get3A_1601] {strides = array<i32>} : memref<13312xi32, #tpu.memory_space<vmem>>, vector<16xi32>,
    %get3A_1603 = vector.shape_cast %get3A_1602 : vector<16xi32> to vector<16xi32>
    %add3A_1604 = vector.broadcast %mul3A_1582 : i32 to vector<16xi32>
    %add3A_1605 = arith.addi %get3A_1603, %add3A_1604 : vector<16xi32>
    %swap3A_1606 = arith.constant 12832 : index
    %swap3A_1607 = tpu.vector_load %arg5[%swap3A_1606] {strides = array<i32>} : memref<13312xi32, #tpu.memory_space<vmem>>, vector<16xi32>,
    %swap3A_1608 = vector.shape_cast %swap3A_1607 : vector<16xi32> to vector<16xi32>
    %swap3A_1609 = vector.shape_cast %add3A_1605 : vector<16xi32> to vector<16xi32>
    tpu.vector_store %arg5[%swap3A_1606], %swap3A_1609 {strides = array<i32>} : memref<13312xi32, #tpu.memory_space<vmem>>, vector<16xi32>,
    %get3A_1610 = arith.constant 12848 : index
    %get3A_1611 = tpu.vector_load %arg5[%get3A_1610] {strides = array<i32>} : memref<13312xi32, #tpu.memory_space<vmem>>, vector<16xi32>,
    %get3A_1612 = vector.shape_cast %get3A_1611 : vector<16xi32> to vector<16xi32>
    %add3A_1613 = vector.broadcast %mul3A_1582 : i32 to vector<16xi32>
    %add3A_1614 = arith.addi %get3A_1612, %add3A_1613 : vector<16xi32>
    %swap3A_1615 = arith.constant 12848 : index
    %swap3A_1616 = tpu.vector_load %arg5[%swap3A_1615] {strides = array<i32>} : memref<13312xi32, #tpu.memory_space<vmem>>, vector<16xi32>,
    %swap3A_1617 = vector.shape_cast %swap3A_1616 : vector<16xi32> to vector<16xi32>
    %swap3A_1618 = vector.shape_cast %add3A_1614 : vector<16xi32> to vector<16xi32>
    tpu.vector_store %arg5[%swap3A_1615], %swap3A_1618 {strides = array<i32>} : memref<13312xi32, #tpu.memory_space<vmem>>, vector<16xi32>,
    %get3A_1619 = arith.constant 12864 : index
    %get3A_1620 = tpu.vector_load %arg5[%get3A_1619] {strides = array<i32>} : memref<13312xi32, #tpu.memory_space<vmem>>, vector<16xi32>,
    %get3A_1621 = vector.shape_cast %get3A_1620 : vector<16xi32> to vector<16xi32>
    %add3A_1622 = vector.broadcast %mul3A_1582 : i32 to vector<16xi32>
    %add3A_1623 = arith.addi %get3A_1621, %add3A_1622 : vector<16xi32>
    %swap3A_1624 = arith.constant 12864 : index
    %swap3A_1625 = tpu.vector_load %arg5[%swap3A_1624] {strides = array<i32>} : memref<13312xi32, #tpu.memory_space<vmem>>, vector<16xi32>,
    %swap3A_1626 = vector.shape_cast %swap3A_1625 : vector<16xi32> to vector<16xi32>
    %swap3A_1627 = vector.shape_cast %add3A_1623 : vector<16xi32> to vector<16xi32>
    tpu.vector_store %arg5[%swap3A_1624], %swap3A_1627 {strides = array<i32>} : memref<13312xi32, #tpu.memory_space<vmem>>, vector<16xi32>,
    %get3A_1628 = arith.constant 12880 : index
    %get3A_1629 = tpu.vector_load %arg5[%get3A_1628] {strides = array<i32>} : memref<13312xi32, #tpu.memory_space<vmem>>, vector<16xi32>,
    %get3A_1630 = vector.shape_cast %get3A_1629 : vector<16xi32> to vector<16xi32>
    %add3A_1631 = vector.broadcast %mul3A_1582 : i32 to vector<16xi32>
    %add3A_1632 = arith.addi %get3A_1630, %add3A_1631 : vector<16xi32>
    %swap3A_1633 = arith.constant 12880 : index
    %swap3A_1634 = tpu.vector_load %arg5[%swap3A_1633] {strides = array<i32>} : memref<13312xi32, #tpu.memory_space<vmem>>, vector<16xi32>,
    %swap3A_1635 = vector.shape_cast %swap3A_1634 : vector<16xi32> to vector<16xi32>
    %swap3A_1636 = vector.shape_cast %add3A_1632 : vector<16xi32> to vector<16xi32>
    tpu.vector_store %arg5[%swap3A_1633], %swap3A_1636 {strides = array<i32>} : memref<13312xi32, #tpu.memory_space<vmem>>, vector<16xi32>,
    %get3A_1637 = arith.constant 12896 : index
    %get3A_1638 = tpu.vector_load %arg5[%get3A_1637] {strides = array<i32>} : memref<13312xi32, #tpu.memory_space<vmem>>, vector<16xi32>,
    %get3A_1639 = vector.shape_cast %get3A_1638 : vector<16xi32> to vector<16xi32>
    %add3A_1640 = vector.broadcast %mul3A_1582 : i32 to vector<16xi32>
    %add3A_1641 = arith.addi %get3A_1639, %add3A_1640 : vector<16xi32>
    %swap3A_1642 = arith.constant 12896 : index
    %swap3A_1643 = tpu.vector_load %arg5[%swap3A_1642] {strides = array<i32>} : memref<13312xi32, #tpu.memory_space<vmem>>, vector<16xi32>,
    %swap3A_1644 = vector.shape_cast %swap3A_1643 : vector<16xi32> to vector<16xi32>
    %swap3A_1645 = vector.shape_cast %add3A_1641 : vector<16xi32> to vector<16xi32>
    tpu.vector_store %arg5[%swap3A_1642], %swap3A_1645 {strides = array<i32>} : memref<13312xi32, #tpu.memory_space<vmem>>, vector<16xi32>,
    %get3A_1646 = arith.constant 12912 : index
    %get3A_1647 = tpu.vector_load %arg5[%get3A_1646] {strides = array<i32>} : memref<13312xi32, #tpu.memory_space<vmem>>, vector<16xi32>,
    %get3A_1648 = vector.shape_cast %get3A_1647 : vector<16xi32> to vector<16xi32>
    %add3A_1649 = vector.broadcast %mul3A_1582 : i32 to vector<16xi32>
    %add3A_1650 = arith.addi %get3A_1648, %add3A_1649 : vector<16xi32>
    %swap3A_1651 = arith.constant 12912 : index
    %swap3A_1652 = tpu.vector_load %arg5[%swap3A_1651] {strides = array<i32>} : memref<13312xi32, #tpu.memory_space<vmem>>, vector<16xi32>,
    %swap3A_1653 = vector.shape_cast %swap3A_1652 : vector<16xi32> to vector<16xi32>
    %swap3A_1654 = vector.shape_cast %add3A_1650 : vector<16xi32> to vector<16xi32>
    tpu.vector_store %arg5[%swap3A_1651], %swap3A_1654 {strides = array<i32>} : memref<13312xi32, #tpu.memory_space<vmem>>, vector<16xi32>,
    %dma_start3A_1655 = arith.constant 1 : i32
    %dma_start3A_1656 = arith.constant 0 : i32
    %dma_start3A_1657 = arith.constant 0 : i32
    %dma_start3A_1658 = tpu.memref_slice %arg6[%dma_start3A_1655, %dma_start3A_1656, %dma_start3A_1657] : memref<6x128x128xf32, #tpu.memory_space<vmem>> -> memref<1x128x128xf32, #tpu.memory_space<vmem>>
    %dma_start3A_1659 = tpu.memref_squeeze %dma_start3A_1658 : memref<1x128x128xf32, #tpu.memory_space<vmem>> -> memref<128x128xf32, #tpu.memory_space<vmem>>
    %dma_start3A_1660 = arith.constant 12416 : i32
    %dma_start3A_1661 = tpu.memref_slice %arg5[%dma_start3A_1660] : memref<13312xi32, #tpu.memory_space<vmem>> -> memref<128xi32, #tpu.memory_space<vmem>>
    %dma_start3A_1662 = arith.constant 0 : i32
    %dma_start3A_1663 = arith.constant 0 : i32
    %dma_start3A_1664 = tpu.memref_slice %arg3[%dma_start3A_1662, %dma_start3A_1663] : memref<26000x128xf32, #tpu.memory_space<hbm>> -> memref<26000x128xf32, #tpu.memory_space<hbm>>
    tpu.enqueue_indirect_dma source(%dma_start3A_1664 : memref<26000x128xf32, #tpu.memory_space<hbm>>) target(%dma_start3A_1659 : memref<128x128xf32, #tpu.memory_space<vmem>>) offsets(%dma_start3A_1661 : memref<128xi32, #tpu.memory_space<vmem>>) semaphore(%arg7 : memref<!tpu.dma_semaphore, #tpu.memory_space<semaphore_mem>>)
    %dma_wait3A_1665 = arith.constant 5 : i32
    %dma_wait3A_1666 = arith.constant 0 : i32
    %dma_wait3A_1667 = arith.constant 0 : i32
    %dma_wait3A_1668 = tpu.memref_slice %arg6[%dma_wait3A_1665, %dma_wait3A_1666, %dma_wait3A_1667] : memref<6x128x128xf32, #tpu.memory_space<vmem>> -> memref<1x128x128xf32, #tpu.memory_space<vmem>>
    %dma_wait3A_1669 = tpu.memref_squeeze %dma_wait3A_1668 : memref<1x128x128xf32, #tpu.memory_space<vmem>> -> memref<128x128xf32, #tpu.memory_space<vmem>>
    %dma_wait3A_1670 = arith.constant 12160 : i32
    %dma_wait3A_1671 = tpu.memref_slice %arg5[%dma_wait3A_1670] : memref<13312xi32, #tpu.memory_space<vmem>> -> memref<128xi32, #tpu.memory_space<vmem>>
    %dma_wait3A_1672 = arith.constant 0 : i32
    %dma_wait3A_1673 = arith.constant 0 : i32
    %dma_wait3A_1674 = tpu.memref_slice %arg3[%dma_wait3A_1672, %dma_wait3A_1673] : memref<26000x128xf32, #tpu.memory_space<hbm>> -> memref<26000x128xf32, #tpu.memory_space<hbm>>
    tpu.wait_indirect_dma semaphore(%arg7 : memref<!tpu.dma_semaphore, #tpu.memory_space<semaphore_mem>>) src(%dma_wait3A_1674 : memref<26000x128xf32, #tpu.memory_space<hbm>>) dst(%dma_wait3A_1669 : memref<128x128xf32, #tpu.memory_space<vmem>>)
    %add3A_1675 = arith.constant 12160 : i32
    %add3A_1676 = arith.addi %mul3A_2, %add3A_1675 : i32
    %jit3A_1677 = arith.constant 16384 : i32
    %div3A_1678 = arith.divsi %add3A_1676, %jit3A_1677 : i32
    %sign3A_1679 = arith.constant 0 : i32
    %sign3A_1680 = arith.cmpi sgt, %add3A_1676, %sign3A_1679 : i32
    %sign3A_1681 = arith.extui %sign3A_1680 : i1 to i32
    %sign3A_1682 = arith.constant 0 : i32
    %sign3A_1683 = arith.cmpi slt, %add3A_1676, %sign3A_1682 : i32
    %sign3A_1684 = arith.extui %sign3A_1683 : i1 to i32
    %sign3A_1685 = arith.subi %sign3A_1681, %sign3A_1684 : i32
    %sign3A_1686 = arith.constant 0 : i32
    %sign3A_1687 = arith.cmpi sgt, %jit3A_1677, %sign3A_1686 : i32
    %sign3A_1688 = arith.extui %sign3A_1687 : i1 to i32
    %sign3A_1689 = arith.constant 0 : i32
    %sign3A_1690 = arith.cmpi slt, %jit3A_1677, %sign3A_1689 : i32
    %sign3A_1691 = arith.extui %sign3A_1690 : i1 to i32
    %sign3A_1692 = arith.subi %sign3A_1688, %sign3A_1691 : i32
    %ne3A_1693 = arith.cmpi ne, %sign3A_1685, %sign3A_1692 : i32
    %rem3A_1694 = arith.remsi %add3A_1676, %jit3A_1677 : i32
    %ne3A_1695 = arith.constant 0 : i32
    %ne3A_1696 = arith.cmpi ne, %rem3A_1694, %ne3A_1695 : i32
    %and3A_1697 = arith.andi %ne3A_1693, %ne3A_1696 : i1
    %sub3A_1698 = arith.constant 1 : i32
    %sub3A_1699 = arith.subi %div3A_1678, %sub3A_1698 : i32
    %select_n3A_1700 = arith.select %and3A_1697, %sub3A_1699, %div3A_1678 : i32
    %jit3A_1701 = arith.constant 16384 : i32
    %eq3A_1702 = arith.constant 0 : i32
    %eq3A_1703 = arith.cmpi eq, %jit3A_1701, %eq3A_1702 : i32
    %jit3A_1704 = arith.constant 1 : i32
    %select_n3A_1705 = arith.select %eq3A_1703, %jit3A_1704, %jit3A_1701 : i32
    %rem3A_1706 = arith.remsi %add3A_1676, %select_n3A_1705 : i32
    %ne3A_1707 = arith.constant 0 : i32
    %ne3A_1708 = arith.cmpi ne, %rem3A_1706, %ne3A_1707 : i32
    %lt3A_1709 = arith.constant 0 : i32
    %lt3A_1710 = arith.cmpi slt, %rem3A_1706, %lt3A_1709 : i32
    %lt3A_1711 = arith.constant 0 : i32
    %lt3A_1712 = arith.cmpi slt, %select_n3A_1705, %lt3A_1711 : i32
    %ne3A_1713 = arith.xori %lt3A_1710, %lt3A_1712 : i1
    %and3A_1714 = arith.andi %ne3A_1713, %ne3A_1708 : i1
    %add3A_1715 = arith.addi %rem3A_1706, %select_n3A_1705 : i32
    %select_n3A_1716 = arith.select %and3A_1714, %add3A_1715, %rem3A_1706 : i32
    %dma_start3A_1717 = arith.constant 5 : i32
    %dma_start3A_1718 = arith.constant 0 : i32
    %dma_start3A_1719 = arith.constant 0 : i32
    %dma_start3A_1720 = tpu.memref_slice %arg6[%dma_start3A_1717, %dma_start3A_1718, %dma_start3A_1719] : memref<6x128x128xf32, #tpu.memory_space<vmem>> -> memref<1x128x128xf32, #tpu.memory_space<vmem>>
    %dma_start3A_1721 = tpu.memref_squeeze %dma_start3A_1720 : memref<1x128x128xf32, #tpu.memory_space<vmem>> -> memref<128x128xf32, #tpu.memory_space<vmem>>
    %dma_start3A_1722 = arith.constant 0 : i32
    %dma_start3A_1723 = arith.constant 0 : i32
    %dma_start3A_1724 = tpu.memref_slice %arg4[%select_n3A_1700, %dma_start3A_1722, %dma_start3A_1723] : memref<26x16384x128xf32, #tpu.memory_space<hbm>> -> memref<1x16384x128xf32, #tpu.memory_space<hbm>>
    %dma_start3A_1725 = tpu.memref_squeeze %dma_start3A_1724 : memref<1x16384x128xf32, #tpu.memory_space<hbm>> -> memref<16384x128xf32, #tpu.memory_space<hbm>>
    %dma_start3A_1726 = arith.constant 0 : i32
    %dma_start3A_1727 = tpu.memref_slice %dma_start3A_1725[%select_n3A_1716, %dma_start3A_1726] : memref<16384x128xf32, #tpu.memory_space<hbm>> -> memref<128x128xf32, #tpu.memory_space<hbm>>
    %dma_start3A_1728 = arith.constant 0 : i32
    %dma_start3A_1729 = arith.constant 0 : i32
    %dma_start3A_1730 = tpu.memref_slice %arg4[%select_n3A_1700, %dma_start3A_1728, %dma_start3A_1729] : memref<26x16384x128xf32, #tpu.memory_space<hbm>> -> memref<1x16384x128xf32, #tpu.memory_space<hbm>>
    %dma_start3A_1731 = tpu.memref_squeeze %dma_start3A_1730 : memref<1x16384x128xf32, #tpu.memory_space<hbm>> -> memref<16384x128xf32, #tpu.memory_space<hbm>>
    %dma_start3A_1732 = arith.constant 0 : i32
    %dma_start3A_1733 = tpu.memref_slice %dma_start3A_1731[%select_n3A_1716, %dma_start3A_1732] : memref<16384x128xf32, #tpu.memory_space<hbm>> -> memref<128x128xf32, #tpu.memory_space<hbm>>
    %dma_start3A_1734 = arith.constant 0 : i32
    %dma_start3A_1735 = arith.constant 0 : i32
    %dma_start3A_1736 = tpu.memref_slice %arg6[%dma_start3A_1717, %dma_start3A_1734, %dma_start3A_1735] : memref<6x128x128xf32, #tpu.memory_space<vmem>> -> memref<1x128x128xf32, #tpu.memory_space<vmem>>
    %dma_start3A_1737 = tpu.memref_squeeze %dma_start3A_1736 : memref<1x128x128xf32, #tpu.memory_space<vmem>> -> memref<128x128xf32, #tpu.memory_space<vmem>>
    tpu.enqueue_dma source(%dma_start3A_1737 : memref<128x128xf32, #tpu.memory_space<vmem>>) target(%dma_start3A_1733 : memref<128x128xf32, #tpu.memory_space<hbm>>) target_semaphore(%arg8 : memref<!tpu.dma_semaphore, #tpu.memory_space<semaphore_mem>>)
    %add3A_1738 = arith.constant 11776 : i32
    %add3A_1739 = arith.addi %mul3A_2, %add3A_1738 : i32
    %jit3A_1740 = arith.constant 16384 : i32
    %div3A_1741 = arith.divsi %add3A_1739, %jit3A_1740 : i32
    %sign3A_1742 = arith.constant 0 : i32
    %sign3A_1743 = arith.cmpi sgt, %add3A_1739, %sign3A_1742 : i32
    %sign3A_1744 = arith.extui %sign3A_1743 : i1 to i32
    %sign3A_1745 = arith.constant 0 : i32
    %sign3A_1746 = arith.cmpi slt, %add3A_1739, %sign3A_1745 : i32
    %sign3A_1747 = arith.extui %sign3A_1746 : i1 to i32
    %sign3A_1748 = arith.subi %sign3A_1744, %sign3A_1747 : i32
    %sign3A_1749 = arith.constant 0 : i32
    %sign3A_1750 = arith.cmpi sgt, %jit3A_1740, %sign3A_1749 : i32
    %sign3A_1751 = arith.extui %sign3A_1750 : i1 to i32
    %sign3A_1752 = arith.constant 0 : i32
    %sign3A_1753 = arith.cmpi slt, %jit3A_1740, %sign3A_1752 : i32
    %sign3A_1754 = arith.extui %sign3A_1753 : i1 to i32
    %sign3A_1755 = arith.subi %sign3A_1751, %sign3A_1754 : i32
    %ne3A_1756 = arith.cmpi ne, %sign3A_1748, %sign3A_1755 : i32
    %rem3A_1757 = arith.remsi %add3A_1739, %jit3A_1740 : i32
    %ne3A_1758 = arith.constant 0 : i32
    %ne3A_1759 = arith.cmpi ne, %rem3A_1757, %ne3A_1758 : i32
    %and3A_1760 = arith.andi %ne3A_1756, %ne3A_1759 : i1
    %sub3A_1761 = arith.constant 1 : i32
    %sub3A_1762 = arith.subi %div3A_1741, %sub3A_1761 : i32
    %select_n3A_1763 = arith.select %and3A_1760, %sub3A_1762, %div3A_1741 : i32
    %jit3A_1764 = arith.constant 16384 : i32
    %eq3A_1765 = arith.constant 0 : i32
    %eq3A_1766 = arith.cmpi eq, %jit3A_1764, %eq3A_1765 : i32
    %jit3A_1767 = arith.constant 1 : i32
    %select_n3A_1768 = arith.select %eq3A_1766, %jit3A_1767, %jit3A_1764 : i32
    %rem3A_1769 = arith.remsi %add3A_1739, %select_n3A_1768 : i32
    %ne3A_1770 = arith.constant 0 : i32
    %ne3A_1771 = arith.cmpi ne, %rem3A_1769, %ne3A_1770 : i32
    %lt3A_1772 = arith.constant 0 : i32
    %lt3A_1773 = arith.cmpi slt, %rem3A_1769, %lt3A_1772 : i32
    %lt3A_1774 = arith.constant 0 : i32
    %lt3A_1775 = arith.cmpi slt, %select_n3A_1768, %lt3A_1774 : i32
    %ne3A_1776 = arith.xori %lt3A_1773, %lt3A_1775 : i1
    %and3A_1777 = arith.andi %ne3A_1776, %ne3A_1771 : i1
    %add3A_1778 = arith.addi %rem3A_1769, %select_n3A_1768 : i32
    %select_n3A_1779 = arith.select %and3A_1777, %add3A_1778, %rem3A_1769 : i32
    %dma_wait3A_1780 = arith.constant 2 : i32
    %dma_wait3A_1781 = arith.constant 0 : i32
    %dma_wait3A_1782 = arith.constant 0 : i32
    %dma_wait3A_1783 = tpu.memref_slice %arg6[%dma_wait3A_1780, %dma_wait3A_1781, %dma_wait3A_1782] : memref<6x128x128xf32, #tpu.memory_space<vmem>> -> memref<1x128x128xf32, #tpu.memory_space<vmem>>
    %dma_wait3A_1784 = tpu.memref_squeeze %dma_wait3A_1783 : memref<1x128x128xf32, #tpu.memory_space<vmem>> -> memref<128x128xf32, #tpu.memory_space<vmem>>
    %dma_wait3A_1785 = arith.constant 0 : i32
    %dma_wait3A_1786 = arith.constant 0 : i32
    %dma_wait3A_1787 = tpu.memref_slice %arg4[%select_n3A_1763, %dma_wait3A_1785, %dma_wait3A_1786] : memref<26x16384x128xf32, #tpu.memory_space<hbm>> -> memref<1x16384x128xf32, #tpu.memory_space<hbm>>
    %dma_wait3A_1788 = tpu.memref_squeeze %dma_wait3A_1787 : memref<1x16384x128xf32, #tpu.memory_space<hbm>> -> memref<16384x128xf32, #tpu.memory_space<hbm>>
    %dma_wait3A_1789 = arith.constant 0 : i32
    %dma_wait3A_1790 = tpu.memref_slice %dma_wait3A_1788[%select_n3A_1779, %dma_wait3A_1789] : memref<16384x128xf32, #tpu.memory_space<hbm>> -> memref<128x128xf32, #tpu.memory_space<hbm>>
    %dma_wait3A_1791 = arith.constant 0 : i32
    %dma_wait3A_1792 = arith.constant 0 : i32
    %dma_wait3A_1793 = tpu.memref_slice %arg4[%select_n3A_1763, %dma_wait3A_1791, %dma_wait3A_1792] : memref<26x16384x128xf32, #tpu.memory_space<hbm>> -> memref<1x16384x128xf32, #tpu.memory_space<hbm>>
    %dma_wait3A_1794 = tpu.memref_squeeze %dma_wait3A_1793 : memref<1x16384x128xf32, #tpu.memory_space<hbm>> -> memref<16384x128xf32, #tpu.memory_space<hbm>>
    %dma_wait3A_1795 = arith.constant 0 : i32
    %dma_wait3A_1796 = tpu.memref_slice %dma_wait3A_1794[%select_n3A_1779, %dma_wait3A_1795] : memref<16384x128xf32, #tpu.memory_space<hbm>> -> memref<128x128xf32, #tpu.memory_space<hbm>>
    %dma_wait3A_1797 = arith.constant 0 : i32
    %dma_wait3A_1798 = arith.constant 0 : i32
    %dma_wait3A_1799 = tpu.memref_slice %arg6[%dma_wait3A_1780, %dma_wait3A_1797, %dma_wait3A_1798] : memref<6x128x128xf32, #tpu.memory_space<vmem>> -> memref<1x128x128xf32, #tpu.memory_space<vmem>>
    %dma_wait3A_1800 = tpu.memref_squeeze %dma_wait3A_1799 : memref<1x128x128xf32, #tpu.memory_space<vmem>> -> memref<128x128xf32, #tpu.memory_space<vmem>>
    tpu.wait_dma2 semaphore(%arg8 : memref<!tpu.dma_semaphore, #tpu.memory_space<semaphore_mem>>) src(%dma_wait3A_1800 : memref<128x128xf32, #tpu.memory_space<vmem>>) dst(%dma_wait3A_1796 : memref<128x128xf32, #tpu.memory_space<hbm>>)
    %add3A_1801 = arith.constant 12928 : i32
    %add3A_1802 = arith.addi %mul3A_2, %add3A_1801 : i32
    %jit3A_1803 = arith.constant 16384 : i32
    %div3A_1804 = arith.divsi %add3A_1802, %jit3A_1803 : i32
    %sign3A_1805 = arith.constant 0 : i32
    %sign3A_1806 = arith.cmpi sgt, %add3A_1802, %sign3A_1805 : i32
    %sign3A_1807 = arith.extui %sign3A_1806 : i1 to i32
    %sign3A_1808 = arith.constant 0 : i32
    %sign3A_1809 = arith.cmpi slt, %add3A_1802, %sign3A_1808 : i32
    %sign3A_1810 = arith.extui %sign3A_1809 : i1 to i32
    %sign3A_1811 = arith.subi %sign3A_1807, %sign3A_1810 : i32
    %sign3A_1812 = arith.constant 0 : i32
    %sign3A_1813 = arith.cmpi sgt, %jit3A_1803, %sign3A_1812 : i32
    %sign3A_1814 = arith.extui %sign3A_1813 : i1 to i32
    %sign3A_1815 = arith.constant 0 : i32
    %sign3A_1816 = arith.cmpi slt, %jit3A_1803, %sign3A_1815 : i32
    %sign3A_1817 = arith.extui %sign3A_1816 : i1 to i32
    %sign3A_1818 = arith.subi %sign3A_1814, %sign3A_1817 : i32
    %ne3A_1819 = arith.cmpi ne, %sign3A_1811, %sign3A_1818 : i32
    %rem3A_1820 = arith.remsi %add3A_1802, %jit3A_1803 : i32
    %ne3A_1821 = arith.constant 0 : i32
    %ne3A_1822 = arith.cmpi ne, %rem3A_1820, %ne3A_1821 : i32
    %and3A_1823 = arith.andi %ne3A_1819, %ne3A_1822 : i1
    %sub3A_1824 = arith.constant 1 : i32
    %sub3A_1825 = arith.subi %div3A_1804, %sub3A_1824 : i32
    %select_n3A_1826 = arith.select %and3A_1823, %sub3A_1825, %div3A_1804 : i32
    %mul3A_1827 = arith.constant 1000 : i32
    %mul3A_1828 = arith.muli %select_n3A_1826, %mul3A_1827 : i32
    %get3A_1829 = arith.constant 12928 : index
    %get3A_1830 = tpu.vector_load %arg5[%get3A_1829] {strides = array<i32>} : memref<13312xi32, #tpu.memory_space<vmem>>, vector<16xi32>,
    %get3A_1831 = vector.shape_cast %get3A_1830 : vector<16xi32> to vector<16xi32>
    %add3A_1832 = vector.broadcast %mul3A_1828 : i32 to vector<16xi32>
    %add3A_1833 = arith.addi %get3A_1831, %add3A_1832 : vector<16xi32>
    %swap3A_1834 = arith.constant 12928 : index
    %swap3A_1835 = tpu.vector_load %arg5[%swap3A_1834] {strides = array<i32>} : memref<13312xi32, #tpu.memory_space<vmem>>, vector<16xi32>,
    %swap3A_1836 = vector.shape_cast %swap3A_1835 : vector<16xi32> to vector<16xi32>
    %swap3A_1837 = vector.shape_cast %add3A_1833 : vector<16xi32> to vector<16xi32>
    tpu.vector_store %arg5[%swap3A_1834], %swap3A_1837 {strides = array<i32>} : memref<13312xi32, #tpu.memory_space<vmem>>, vector<16xi32>,
    %get3A_1838 = arith.constant 12944 : index
    %get3A_1839 = tpu.vector_load %arg5[%get3A_1838] {strides = array<i32>} : memref<13312xi32, #tpu.memory_space<vmem>>, vector<16xi32>,
    %get3A_1840 = vector.shape_cast %get3A_1839 : vector<16xi32> to vector<16xi32>
    %add3A_1841 = vector.broadcast %mul3A_1828 : i32 to vector<16xi32>
    %add3A_1842 = arith.addi %get3A_1840, %add3A_1841 : vector<16xi32>
    %swap3A_1843 = arith.constant 12944 : index
    %swap3A_1844 = tpu.vector_load %arg5[%swap3A_1843] {strides = array<i32>} : memref<13312xi32, #tpu.memory_space<vmem>>, vector<16xi32>,
    %swap3A_1845 = vector.shape_cast %swap3A_1844 : vector<16xi32> to vector<16xi32>
    %swap3A_1846 = vector.shape_cast %add3A_1842 : vector<16xi32> to vector<16xi32>
    tpu.vector_store %arg5[%swap3A_1843], %swap3A_1846 {strides = array<i32>} : memref<13312xi32, #tpu.memory_space<vmem>>, vector<16xi32>,
    %get3A_1847 = arith.constant 12960 : index
    %get3A_1848 = tpu.vector_load %arg5[%get3A_1847] {strides = array<i32>} : memref<13312xi32, #tpu.memory_space<vmem>>, vector<16xi32>,
    %get3A_1849 = vector.shape_cast %get3A_1848 : vector<16xi32> to vector<16xi32>
    %add3A_1850 = vector.broadcast %mul3A_1828 : i32 to vector<16xi32>
    %add3A_1851 = arith.addi %get3A_1849, %add3A_1850 : vector<16xi32>
    %swap3A_1852 = arith.constant 12960 : index
    %swap3A_1853 = tpu.vector_load %arg5[%swap3A_1852] {strides = array<i32>} : memref<13312xi32, #tpu.memory_space<vmem>>, vector<16xi32>,
    %swap3A_1854 = vector.shape_cast %swap3A_1853 : vector<16xi32> to vector<16xi32>
    %swap3A_1855 = vector.shape_cast %add3A_1851 : vector<16xi32> to vector<16xi32>
    tpu.vector_store %arg5[%swap3A_1852], %swap3A_1855 {strides = array<i32>} : memref<13312xi32, #tpu.memory_space<vmem>>, vector<16xi32>,
    %get3A_1856 = arith.constant 12976 : index
    %get3A_1857 = tpu.vector_load %arg5[%get3A_1856] {strides = array<i32>} : memref<13312xi32, #tpu.memory_space<vmem>>, vector<16xi32>,
    %get3A_1858 = vector.shape_cast %get3A_1857 : vector<16xi32> to vector<16xi32>
    %add3A_1859 = vector.broadcast %mul3A_1828 : i32 to vector<16xi32>
    %add3A_1860 = arith.addi %get3A_1858, %add3A_1859 : vector<16xi32>
    %swap3A_1861 = arith.constant 12976 : index
    %swap3A_1862 = tpu.vector_load %arg5[%swap3A_1861] {strides = array<i32>} : memref<13312xi32, #tpu.memory_space<vmem>>, vector<16xi32>,
    %swap3A_1863 = vector.shape_cast %swap3A_1862 : vector<16xi32> to vector<16xi32>
    %swap3A_1864 = vector.shape_cast %add3A_1860 : vector<16xi32> to vector<16xi32>
    tpu.vector_store %arg5[%swap3A_1861], %swap3A_1864 {strides = array<i32>} : memref<13312xi32, #tpu.memory_space<vmem>>, vector<16xi32>,
    %get3A_1865 = arith.constant 12992 : index
    %get3A_1866 = tpu.vector_load %arg5[%get3A_1865] {strides = array<i32>} : memref<13312xi32, #tpu.memory_space<vmem>>, vector<16xi32>,
    %get3A_1867 = vector.shape_cast %get3A_1866 : vector<16xi32> to vector<16xi32>
    %add3A_1868 = vector.broadcast %mul3A_1828 : i32 to vector<16xi32>
    %add3A_1869 = arith.addi %get3A_1867, %add3A_1868 : vector<16xi32>
    %swap3A_1870 = arith.constant 12992 : index
    %swap3A_1871 = tpu.vector_load %arg5[%swap3A_1870] {strides = array<i32>} : memref<13312xi32, #tpu.memory_space<vmem>>, vector<16xi32>,
    %swap3A_1872 = vector.shape_cast %swap3A_1871 : vector<16xi32> to vector<16xi32>
    %swap3A_1873 = vector.shape_cast %add3A_1869 : vector<16xi32> to vector<16xi32>
    tpu.vector_store %arg5[%swap3A_1870], %swap3A_1873 {strides = array<i32>} : memref<13312xi32, #tpu.memory_space<vmem>>, vector<16xi32>,
    %get3A_1874 = arith.constant 13008 : index
    %get3A_1875 = tpu.vector_load %arg5[%get3A_1874] {strides = array<i32>} : memref<13312xi32, #tpu.memory_space<vmem>>, vector<16xi32>,
    %get3A_1876 = vector.shape_cast %get3A_1875 : vector<16xi32> to vector<16xi32>
    %add3A_1877 = vector.broadcast %mul3A_1828 : i32 to vector<16xi32>
    %add3A_1878 = arith.addi %get3A_1876, %add3A_1877 : vector<16xi32>
    %swap3A_1879 = arith.constant 13008 : index
    %swap3A_1880 = tpu.vector_load %arg5[%swap3A_1879] {strides = array<i32>} : memref<13312xi32, #tpu.memory_space<vmem>>, vector<16xi32>,
    %swap3A_1881 = vector.shape_cast %swap3A_1880 : vector<16xi32> to vector<16xi32>
    %swap3A_1882 = vector.shape_cast %add3A_1878 : vector<16xi32> to vector<16xi32>
    tpu.vector_store %arg5[%swap3A_1879], %swap3A_1882 {strides = array<i32>} : memref<13312xi32, #tpu.memory_space<vmem>>, vector<16xi32>,
    %get3A_1883 = arith.constant 13024 : index
    %get3A_1884 = tpu.vector_load %arg5[%get3A_1883] {strides = array<i32>} : memref<13312xi32, #tpu.memory_space<vmem>>, vector<16xi32>,
    %get3A_1885 = vector.shape_cast %get3A_1884 : vector<16xi32> to vector<16xi32>
    %add3A_1886 = vector.broadcast %mul3A_1828 : i32 to vector<16xi32>
    %add3A_1887 = arith.addi %get3A_1885, %add3A_1886 : vector<16xi32>
    %swap3A_1888 = arith.constant 13024 : index
    %swap3A_1889 = tpu.vector_load %arg5[%swap3A_1888] {strides = array<i32>} : memref<13312xi32, #tpu.memory_space<vmem>>, vector<16xi32>,
    %swap3A_1890 = vector.shape_cast %swap3A_1889 : vector<16xi32> to vector<16xi32>
    %swap3A_1891 = vector.shape_cast %add3A_1887 : vector<16xi32> to vector<16xi32>
    tpu.vector_store %arg5[%swap3A_1888], %swap3A_1891 {strides = array<i32>} : memref<13312xi32, #tpu.memory_space<vmem>>, vector<16xi32>,
    %get3A_1892 = arith.constant 13040 : index
    %get3A_1893 = tpu.vector_load %arg5[%get3A_1892] {strides = array<i32>} : memref<13312xi32, #tpu.memory_space<vmem>>, vector<16xi32>,
    %get3A_1894 = vector.shape_cast %get3A_1893 : vector<16xi32> to vector<16xi32>
    %add3A_1895 = vector.broadcast %mul3A_1828 : i32 to vector<16xi32>
    %add3A_1896 = arith.addi %get3A_1894, %add3A_1895 : vector<16xi32>
    %swap3A_1897 = arith.constant 13040 : index
    %swap3A_1898 = tpu.vector_load %arg5[%swap3A_1897] {strides = array<i32>} : memref<13312xi32, #tpu.memory_space<vmem>>, vector<16xi32>,
    %swap3A_1899 = vector.shape_cast %swap3A_1898 : vector<16xi32> to vector<16xi32>
    %swap3A_1900 = vector.shape_cast %add3A_1896 : vector<16xi32> to vector<16xi32>
    tpu.vector_store %arg5[%swap3A_1897], %swap3A_1900 {strides = array<i32>} : memref<13312xi32, #tpu.memory_space<vmem>>, vector<16xi32>,
    %dma_start3A_1901 = arith.constant 2 : i32
    %dma_start3A_1902 = arith.constant 0 : i32
    %dma_start3A_1903 = arith.constant 0 : i32
    %dma_start3A_1904 = tpu.memref_slice %arg6[%dma_start3A_1901, %dma_start3A_1902, %dma_start3A_1903] : memref<6x128x128xf32, #tpu.memory_space<vmem>> -> memref<1x128x128xf32, #tpu.memory_space<vmem>>
    %dma_start3A_1905 = tpu.memref_squeeze %dma_start3A_1904 : memref<1x128x128xf32, #tpu.memory_space<vmem>> -> memref<128x128xf32, #tpu.memory_space<vmem>>
    %dma_start3A_1906 = arith.constant 12544 : i32
    %dma_start3A_1907 = tpu.memref_slice %arg5[%dma_start3A_1906] : memref<13312xi32, #tpu.memory_space<vmem>> -> memref<128xi32, #tpu.memory_space<vmem>>
    %dma_start3A_1908 = arith.constant 0 : i32
    %dma_start3A_1909 = arith.constant 0 : i32
    %dma_start3A_1910 = tpu.memref_slice %arg3[%dma_start3A_1908, %dma_start3A_1909] : memref<26000x128xf32, #tpu.memory_space<hbm>> -> memref<26000x128xf32, #tpu.memory_space<hbm>>
    tpu.enqueue_indirect_dma source(%dma_start3A_1910 : memref<26000x128xf32, #tpu.memory_space<hbm>>) target(%dma_start3A_1905 : memref<128x128xf32, #tpu.memory_space<vmem>>) offsets(%dma_start3A_1907 : memref<128xi32, #tpu.memory_space<vmem>>) semaphore(%arg7 : memref<!tpu.dma_semaphore, #tpu.memory_space<semaphore_mem>>)
    %dma_wait3A_1911 = arith.constant 0 : i32
    %dma_wait3A_1912 = arith.constant 0 : i32
    %dma_wait3A_1913 = arith.constant 0 : i32
    %dma_wait3A_1914 = tpu.memref_slice %arg6[%dma_wait3A_1911, %dma_wait3A_1912, %dma_wait3A_1913] : memref<6x128x128xf32, #tpu.memory_space<vmem>> -> memref<1x128x128xf32, #tpu.memory_space<vmem>>
    %dma_wait3A_1915 = tpu.memref_squeeze %dma_wait3A_1914 : memref<1x128x128xf32, #tpu.memory_space<vmem>> -> memref<128x128xf32, #tpu.memory_space<vmem>>
    %dma_wait3A_1916 = arith.constant 12288 : i32
    %dma_wait3A_1917 = tpu.memref_slice %arg5[%dma_wait3A_1916] : memref<13312xi32, #tpu.memory_space<vmem>> -> memref<128xi32, #tpu.memory_space<vmem>>
    %dma_wait3A_1918 = arith.constant 0 : i32
    %dma_wait3A_1919 = arith.constant 0 : i32
    %dma_wait3A_1920 = tpu.memref_slice %arg3[%dma_wait3A_1918, %dma_wait3A_1919] : memref<26000x128xf32, #tpu.memory_space<hbm>> -> memref<26000x128xf32, #tpu.memory_space<hbm>>
    tpu.wait_indirect_dma semaphore(%arg7 : memref<!tpu.dma_semaphore, #tpu.memory_space<semaphore_mem>>) src(%dma_wait3A_1920 : memref<26000x128xf32, #tpu.memory_space<hbm>>) dst(%dma_wait3A_1915 : memref<128x128xf32, #tpu.memory_space<vmem>>)
    %add3A_1921 = arith.constant 12288 : i32
    %add3A_1922 = arith.addi %mul3A_2, %add3A_1921 : i32
    %jit3A_1923 = arith.constant 16384 : i32
    %div3A_1924 = arith.divsi %add3A_1922, %jit3A_1923 : i32
    %sign3A_1925 = arith.constant 0 : i32
    %sign3A_1926 = arith.cmpi sgt, %add3A_1922, %sign3A_1925 : i32
    %sign3A_1927 = arith.extui %sign3A_1926 : i1 to i32
    %sign3A_1928 = arith.constant 0 : i32
    %sign3A_1929 = arith.cmpi slt, %add3A_1922, %sign3A_1928 : i32
    %sign3A_1930 = arith.extui %sign3A_1929 : i1 to i32
    %sign3A_1931 = arith.subi %sign3A_1927, %sign3A_1930 : i32
    %sign3A_1932 = arith.constant 0 : i32
    %sign3A_1933 = arith.cmpi sgt, %jit3A_1923, %sign3A_1932 : i32
    %sign3A_1934 = arith.extui %sign3A_1933 : i1 to i32
    %sign3A_1935 = arith.constant 0 : i32
    %sign3A_1936 = arith.cmpi slt, %jit3A_1923, %sign3A_1935 : i32
    %sign3A_1937 = arith.extui %sign3A_1936 : i1 to i32
    %sign3A_1938 = arith.subi %sign3A_1934, %sign3A_1937 : i32
    %ne3A_1939 = arith.cmpi ne, %sign3A_1931, %sign3A_1938 : i32
    %rem3A_1940 = arith.remsi %add3A_1922, %jit3A_1923 : i32
    %ne3A_1941 = arith.constant 0 : i32
    %ne3A_1942 = arith.cmpi ne, %rem3A_1940, %ne3A_1941 : i32
    %and3A_1943 = arith.andi %ne3A_1939, %ne3A_1942 : i1
    %sub3A_1944 = arith.constant 1 : i32
    %sub3A_1945 = arith.subi %div3A_1924, %sub3A_1944 : i32
    %select_n3A_1946 = arith.select %and3A_1943, %sub3A_1945, %div3A_1924 : i32
    %jit3A_1947 = arith.constant 16384 : i32
    %eq3A_1948 = arith.constant 0 : i32
    %eq3A_1949 = arith.cmpi eq, %jit3A_1947, %eq3A_1948 : i32
    %jit3A_1950 = arith.constant 1 : i32
    %select_n3A_1951 = arith.select %eq3A_1949, %jit3A_1950, %jit3A_1947 : i32
    %rem3A_1952 = arith.remsi %add3A_1922, %select_n3A_1951 : i32
    %ne3A_1953 = arith.constant 0 : i32
    %ne3A_1954 = arith.cmpi ne, %rem3A_1952, %ne3A_1953 : i32
    %lt3A_1955 = arith.constant 0 : i32
    %lt3A_1956 = arith.cmpi slt, %rem3A_1952, %lt3A_1955 : i32
    %lt3A_1957 = arith.constant 0 : i32
    %lt3A_1958 = arith.cmpi slt, %select_n3A_1951, %lt3A_1957 : i32
    %ne3A_1959 = arith.xori %lt3A_1956, %lt3A_1958 : i1
    %and3A_1960 = arith.andi %ne3A_1959, %ne3A_1954 : i1
    %add3A_1961 = arith.addi %rem3A_1952, %select_n3A_1951 : i32
    %select_n3A_1962 = arith.select %and3A_1960, %add3A_1961, %rem3A_1952 : i32
    %dma_start3A_1963 = arith.constant 0 : i32
    %dma_start3A_1964 = arith.constant 0 : i32
    %dma_start3A_1965 = arith.constant 0 : i32
    %dma_start3A_1966 = tpu.memref_slice %arg6[%dma_start3A_1963, %dma_start3A_1964, %dma_start3A_1965] : memref<6x128x128xf32, #tpu.memory_space<vmem>> -> memref<1x128x128xf32, #tpu.memory_space<vmem>>
    %dma_start3A_1967 = tpu.memref_squeeze %dma_start3A_1966 : memref<1x128x128xf32, #tpu.memory_space<vmem>> -> memref<128x128xf32, #tpu.memory_space<vmem>>
    %dma_start3A_1968 = arith.constant 0 : i32
    %dma_start3A_1969 = arith.constant 0 : i32
    %dma_start3A_1970 = tpu.memref_slice %arg4[%select_n3A_1946, %dma_start3A_1968, %dma_start3A_1969] : memref<26x16384x128xf32, #tpu.memory_space<hbm>> -> memref<1x16384x128xf32, #tpu.memory_space<hbm>>
    %dma_start3A_1971 = tpu.memref_squeeze %dma_start3A_1970 : memref<1x16384x128xf32, #tpu.memory_space<hbm>> -> memref<16384x128xf32, #tpu.memory_space<hbm>>
    %dma_start3A_1972 = arith.constant 0 : i32
    %dma_start3A_1973 = tpu.memref_slice %dma_start3A_1971[%select_n3A_1962, %dma_start3A_1972] : memref<16384x128xf32, #tpu.memory_space<hbm>> -> memref<128x128xf32, #tpu.memory_space<hbm>>
    %dma_start3A_1974 = arith.constant 0 : i32
    %dma_start3A_1975 = arith.constant 0 : i32
    %dma_start3A_1976 = tpu.memref_slice %arg4[%select_n3A_1946, %dma_start3A_1974, %dma_start3A_1975] : memref<26x16384x128xf32, #tpu.memory_space<hbm>> -> memref<1x16384x128xf32, #tpu.memory_space<hbm>>
    %dma_start3A_1977 = tpu.memref_squeeze %dma_start3A_1976 : memref<1x16384x128xf32, #tpu.memory_space<hbm>> -> memref<16384x128xf32, #tpu.memory_space<hbm>>
    %dma_start3A_1978 = arith.constant 0 : i32
    %dma_start3A_1979 = tpu.memref_slice %dma_start3A_1977[%select_n3A_1962, %dma_start3A_1978] : memref<16384x128xf32, #tpu.memory_space<hbm>> -> memref<128x128xf32, #tpu.memory_space<hbm>>
    %dma_start3A_1980 = arith.constant 0 : i32
    %dma_start3A_1981 = arith.constant 0 : i32
    %dma_start3A_1982 = tpu.memref_slice %arg6[%dma_start3A_1963, %dma_start3A_1980, %dma_start3A_1981] : memref<6x128x128xf32, #tpu.memory_space<vmem>> -> memref<1x128x128xf32, #tpu.memory_space<vmem>>
    %dma_start3A_1983 = tpu.memref_squeeze %dma_start3A_1982 : memref<1x128x128xf32, #tpu.memory_space<vmem>> -> memref<128x128xf32, #tpu.memory_space<vmem>>
    tpu.enqueue_dma source(%dma_start3A_1983 : memref<128x128xf32, #tpu.memory_space<vmem>>) target(%dma_start3A_1979 : memref<128x128xf32, #tpu.memory_space<hbm>>) target_semaphore(%arg8 : memref<!tpu.dma_semaphore, #tpu.memory_space<semaphore_mem>>)
    %add3A_1984 = arith.constant 11904 : i32
    %add3A_1985 = arith.addi %mul3A_2, %add3A_1984 : i32
    %jit3A_1986 = arith.constant 16384 : i32
    %div3A_1987 = arith.divsi %add3A_1985, %jit3A_1986 : i32
    %sign3A_1988 = arith.constant 0 : i32
    %sign3A_1989 = arith.cmpi sgt, %add3A_1985, %sign3A_1988 : i32
    %sign3A_1990 = arith.extui %sign3A_1989 : i1 to i32
    %sign3A_1991 = arith.constant 0 : i32
    %sign3A_1992 = arith.cmpi slt, %add3A_1985, %sign3A_1991 : i32
    %sign3A_1993 = arith.extui %sign3A_1992 : i1 to i32
    %sign3A_1994 = arith.subi %sign3A_1990, %sign3A_1993 : i32
    %sign3A_1995 = arith.constant 0 : i32
    %sign3A_1996 = arith.cmpi sgt, %jit3A_1986, %sign3A_1995 : i32
    %sign3A_1997 = arith.extui %sign3A_1996 : i1 to i32
    %sign3A_1998 = arith.constant 0 : i32
    %sign3A_1999 = arith.cmpi slt, %jit3A_1986, %sign3A_1998 : i32
    %sign3A_2000 = arith.extui %sign3A_1999 : i1 to i32
    %sign3A_2001 = arith.subi %sign3A_1997, %sign3A_2000 : i32
    %ne3A_2002 = arith.cmpi ne, %sign3A_1994, %sign3A_2001 : i32
    %rem3A_2003 = arith.remsi %add3A_1985, %jit3A_1986 : i32
    %ne3A_2004 = arith.constant 0 : i32
    %ne3A_2005 = arith.cmpi ne, %rem3A_2003, %ne3A_2004 : i32
    %and3A_2006 = arith.andi %ne3A_2002, %ne3A_2005 : i1
    %sub3A_2007 = arith.constant 1 : i32
    %sub3A_2008 = arith.subi %div3A_1987, %sub3A_2007 : i32
    %select_n3A_2009 = arith.select %and3A_2006, %sub3A_2008, %div3A_1987 : i32
    %jit3A_2010 = arith.constant 16384 : i32
    %eq3A_2011 = arith.constant 0 : i32
    %eq3A_2012 = arith.cmpi eq, %jit3A_2010, %eq3A_2011 : i32
    %jit3A_2013 = arith.constant 1 : i32
    %select_n3A_2014 = arith.select %eq3A_2012, %jit3A_2013, %jit3A_2010 : i32
    %rem3A_2015 = arith.remsi %add3A_1985, %select_n3A_2014 : i32
    %ne3A_2016 = arith.constant 0 : i32
    %ne3A_2017 = arith.cmpi ne, %rem3A_2015, %ne3A_2016 : i32
    %lt3A_2018 = arith.constant 0 : i32
    %lt3A_2019 = arith.cmpi slt, %rem3A_2015, %lt3A_2018 : i32
    %lt3A_2020 = arith.constant 0 : i32
    %lt3A_2021 = arith.cmpi slt, %select_n3A_2014, %lt3A_2020 : i32
    %ne3A_2022 = arith.xori %lt3A_2019, %lt3A_2021 : i1
    %and3A_2023 = arith.andi %ne3A_2022, %ne3A_2017 : i1
    %add3A_2024 = arith.addi %rem3A_2015, %select_n3A_2014 : i32
    %select_n3A_2025 = arith.select %and3A_2023, %add3A_2024, %rem3A_2015 : i32
    %dma_wait3A_2026 = arith.constant 3 : i32
    %dma_wait3A_2027 = arith.constant 0 : i32
    %dma_wait3A_2028 = arith.constant 0 : i32
    %dma_wait3A_2029 = tpu.memref_slice %arg6[%dma_wait3A_2026, %dma_wait3A_2027, %dma_wait3A_2028] : memref<6x128x128xf32, #tpu.memory_space<vmem>> -> memref<1x128x128xf32, #tpu.memory_space<vmem>>
    %dma_wait3A_2030 = tpu.memref_squeeze %dma_wait3A_2029 : memref<1x128x128xf32, #tpu.memory_space<vmem>> -> memref<128x128xf32, #tpu.memory_space<vmem>>
    %dma_wait3A_2031 = arith.constant 0 : i32
    %dma_wait3A_2032 = arith.constant 0 : i32
    %dma_wait3A_2033 = tpu.memref_slice %arg4[%select_n3A_2009, %dma_wait3A_2031, %dma_wait3A_2032] : memref<26x16384x128xf32, #tpu.memory_space<hbm>> -> memref<1x16384x128xf32, #tpu.memory_space<hbm>>
    %dma_wait3A_2034 = tpu.memref_squeeze %dma_wait3A_2033 : memref<1x16384x128xf32, #tpu.memory_space<hbm>> -> memref<16384x128xf32, #tpu.memory_space<hbm>>
    %dma_wait3A_2035 = arith.constant 0 : i32
    %dma_wait3A_2036 = tpu.memref_slice %dma_wait3A_2034[%select_n3A_2025, %dma_wait3A_2035] : memref<16384x128xf32, #tpu.memory_space<hbm>> -> memref<128x128xf32, #tpu.memory_space<hbm>>
    %dma_wait3A_2037 = arith.constant 0 : i32
    %dma_wait3A_2038 = arith.constant 0 : i32
    %dma_wait3A_2039 = tpu.memref_slice %arg4[%select_n3A_2009, %dma_wait3A_2037, %dma_wait3A_2038] : memref<26x16384x128xf32, #tpu.memory_space<hbm>> -> memref<1x16384x128xf32, #tpu.memory_space<hbm>>
    %dma_wait3A_2040 = tpu.memref_squeeze %dma_wait3A_2039 : memref<1x16384x128xf32, #tpu.memory_space<hbm>> -> memref<16384x128xf32, #tpu.memory_space<hbm>>
    %dma_wait3A_2041 = arith.constant 0 : i32
    %dma_wait3A_2042 = tpu.memref_slice %dma_wait3A_2040[%select_n3A_2025, %dma_wait3A_2041] : memref<16384x128xf32, #tpu.memory_space<hbm>> -> memref<128x128xf32, #tpu.memory_space<hbm>>
    %dma_wait3A_2043 = arith.constant 0 : i32
    %dma_wait3A_2044 = arith.constant 0 : i32
    %dma_wait3A_2045 = tpu.memref_slice %arg6[%dma_wait3A_2026, %dma_wait3A_2043, %dma_wait3A_2044] : memref<6x128x128xf32, #tpu.memory_space<vmem>> -> memref<1x128x128xf32, #tpu.memory_space<vmem>>
    %dma_wait3A_2046 = tpu.memref_squeeze %dma_wait3A_2045 : memref<1x128x128xf32, #tpu.memory_space<vmem>> -> memref<128x128xf32, #tpu.memory_space<vmem>>
    tpu.wait_dma2 semaphore(%arg8 : memref<!tpu.dma_semaphore, #tpu.memory_space<semaphore_mem>>) src(%dma_wait3A_2046 : memref<128x128xf32, #tpu.memory_space<vmem>>) dst(%dma_wait3A_2042 : memref<128x128xf32, #tpu.memory_space<hbm>>)
    %add3A_2047 = arith.constant 13056 : i32
    %add3A_2048 = arith.addi %mul3A_2, %add3A_2047 : i32
    %jit3A_2049 = arith.constant 16384 : i32
    %div3A_2050 = arith.divsi %add3A_2048, %jit3A_2049 : i32
    %sign3A_2051 = arith.constant 0 : i32
    %sign3A_2052 = arith.cmpi sgt, %add3A_2048, %sign3A_2051 : i32
    %sign3A_2053 = arith.extui %sign3A_2052 : i1 to i32
    %sign3A_2054 = arith.constant 0 : i32
    %sign3A_2055 = arith.cmpi slt, %add3A_2048, %sign3A_2054 : i32
    %sign3A_2056 = arith.extui %sign3A_2055 : i1 to i32
    %sign3A_2057 = arith.subi %sign3A_2053, %sign3A_2056 : i32
    %sign3A_2058 = arith.constant 0 : i32
    %sign3A_2059 = arith.cmpi sgt, %jit3A_2049, %sign3A_2058 : i32
    %sign3A_2060 = arith.extui %sign3A_2059 : i1 to i32
    %sign3A_2061 = arith.constant 0 : i32
    %sign3A_2062 = arith.cmpi slt, %jit3A_2049, %sign3A_2061 : i32
    %sign3A_2063 = arith.extui %sign3A_2062 : i1 to i32
    %sign3A_2064 = arith.subi %sign3A_2060, %sign3A_2063 : i32
    %ne3A_2065 = arith.cmpi ne, %sign3A_2057, %sign3A_2064 : i32
    %rem3A_2066 = arith.remsi %add3A_2048, %jit3A_2049 : i32
    %ne3A_2067 = arith.constant 0 : i32
    %ne3A_2068 = arith.cmpi ne, %rem3A_2066, %ne3A_2067 : i32
    %and3A_2069 = arith.andi %ne3A_2065, %ne3A_2068 : i1
    %sub3A_2070 = arith.constant 1 : i32
    %sub3A_2071 = arith.subi %div3A_2050, %sub3A_2070 : i32
    %select_n3A_2072 = arith.select %and3A_2069, %sub3A_2071, %div3A_2050 : i32
    %mul3A_2073 = arith.constant 1000 : i32
    %mul3A_2074 = arith.muli %select_n3A_2072, %mul3A_2073 : i32
    %get3A_2075 = arith.constant 13056 : index
    %get3A_2076 = tpu.vector_load %arg5[%get3A_2075] {strides = array<i32>} : memref<13312xi32, #tpu.memory_space<vmem>>, vector<16xi32>,
    %get3A_2077 = vector.shape_cast %get3A_2076 : vector<16xi32> to vector<16xi32>
    %add3A_2078 = vector.broadcast %mul3A_2074 : i32 to vector<16xi32>
    %add3A_2079 = arith.addi %get3A_2077, %add3A_2078 : vector<16xi32>
    %swap3A_2080 = arith.constant 13056 : index
    %swap3A_2081 = tpu.vector_load %arg5[%swap3A_2080] {strides = array<i32>} : memref<13312xi32, #tpu.memory_space<vmem>>, vector<16xi32>,
    %swap3A_2082 = vector.shape_cast %swap3A_2081 : vector<16xi32> to vector<16xi32>
    %swap3A_2083 = vector.shape_cast %add3A_2079 : vector<16xi32> to vector<16xi32>
    tpu.vector_store %arg5[%swap3A_2080], %swap3A_2083 {strides = array<i32>} : memref<13312xi32, #tpu.memory_space<vmem>>, vector<16xi32>,
    %get3A_2084 = arith.constant 13072 : index
    %get3A_2085 = tpu.vector_load %arg5[%get3A_2084] {strides = array<i32>} : memref<13312xi32, #tpu.memory_space<vmem>>, vector<16xi32>,
    %get3A_2086 = vector.shape_cast %get3A_2085 : vector<16xi32> to vector<16xi32>
    %add3A_2087 = vector.broadcast %mul3A_2074 : i32 to vector<16xi32>
    %add3A_2088 = arith.addi %get3A_2086, %add3A_2087 : vector<16xi32>
    %swap3A_2089 = arith.constant 13072 : index
    %swap3A_2090 = tpu.vector_load %arg5[%swap3A_2089] {strides = array<i32>} : memref<13312xi32, #tpu.memory_space<vmem>>, vector<16xi32>,
    %swap3A_2091 = vector.shape_cast %swap3A_2090 : vector<16xi32> to vector<16xi32>
    %swap3A_2092 = vector.shape_cast %add3A_2088 : vector<16xi32> to vector<16xi32>
    tpu.vector_store %arg5[%swap3A_2089], %swap3A_2092 {strides = array<i32>} : memref<13312xi32, #tpu.memory_space<vmem>>, vector<16xi32>,
    %get3A_2093 = arith.constant 13088 : index
    %get3A_2094 = tpu.vector_load %arg5[%get3A_2093] {strides = array<i32>} : memref<13312xi32, #tpu.memory_space<vmem>>, vector<16xi32>,
    %get3A_2095 = vector.shape_cast %get3A_2094 : vector<16xi32> to vector<16xi32>
    %add3A_2096 = vector.broadcast %mul3A_2074 : i32 to vector<16xi32>
    %add3A_2097 = arith.addi %get3A_2095, %add3A_2096 : vector<16xi32>
    %swap3A_2098 = arith.constant 13088 : index
    %swap3A_2099 = tpu.vector_load %arg5[%swap3A_2098] {strides = array<i32>} : memref<13312xi32, #tpu.memory_space<vmem>>, vector<16xi32>,
    %swap3A_2100 = vector.shape_cast %swap3A_2099 : vector<16xi32> to vector<16xi32>
    %swap3A_2101 = vector.shape_cast %add3A_2097 : vector<16xi32> to vector<16xi32>
    tpu.vector_store %arg5[%swap3A_2098], %swap3A_2101 {strides = array<i32>} : memref<13312xi32, #tpu.memory_space<vmem>>, vector<16xi32>,
    %get3A_2102 = arith.constant 13104 : index
    %get3A_2103 = tpu.vector_load %arg5[%get3A_2102] {strides = array<i32>} : memref<13312xi32, #tpu.memory_space<vmem>>, vector<16xi32>,
    %get3A_2104 = vector.shape_cast %get3A_2103 : vector<16xi32> to vector<16xi32>
    %add3A_2105 = vector.broadcast %mul3A_2074 : i32 to vector<16xi32>
    %add3A_2106 = arith.addi %get3A_2104, %add3A_2105 : vector<16xi32>
    %swap3A_2107 = arith.constant 13104 : index
    %swap3A_2108 = tpu.vector_load %arg5[%swap3A_2107] {strides = array<i32>} : memref<13312xi32, #tpu.memory_space<vmem>>, vector<16xi32>,
    %swap3A_2109 = vector.shape_cast %swap3A_2108 : vector<16xi32> to vector<16xi32>
    %swap3A_2110 = vector.shape_cast %add3A_2106 : vector<16xi32> to vector<16xi32>
    tpu.vector_store %arg5[%swap3A_2107], %swap3A_2110 {strides = array<i32>} : memref<13312xi32, #tpu.memory_space<vmem>>, vector<16xi32>,
    %get3A_2111 = arith.constant 13120 : index
    %get3A_2112 = tpu.vector_load %arg5[%get3A_2111] {strides = array<i32>} : memref<13312xi32, #tpu.memory_space<vmem>>, vector<16xi32>,
    %get3A_2113 = vector.shape_cast %get3A_2112 : vector<16xi32> to vector<16xi32>
    %add3A_2114 = vector.broadcast %mul3A_2074 : i32 to vector<16xi32>
    %add3A_2115 = arith.addi %get3A_2113, %add3A_2114 : vector<16xi32>
    %swap3A_2116 = arith.constant 13120 : index
    %swap3A_2117 = tpu.vector_load %arg5[%swap3A_2116] {strides = array<i32>} : memref<13312xi32, #tpu.memory_space<vmem>>, vector<16xi32>,
    %swap3A_2118 = vector.shape_cast %swap3A_2117 : vector<16xi32> to vector<16xi32>
    %swap3A_2119 = vector.shape_cast %add3A_2115 : vector<16xi32> to vector<16xi32>
    tpu.vector_store %arg5[%swap3A_2116], %swap3A_2119 {strides = array<i32>} : memref<13312xi32, #tpu.memory_space<vmem>>, vector<16xi32>,
    %get3A_2120 = arith.constant 13136 : index
    %get3A_2121 = tpu.vector_load %arg5[%get3A_2120] {strides = array<i32>} : memref<13312xi32, #tpu.memory_space<vmem>>, vector<16xi32>,
    %get3A_2122 = vector.shape_cast %get3A_2121 : vector<16xi32> to vector<16xi32>
    %add3A_2123 = vector.broadcast %mul3A_2074 : i32 to vector<16xi32>
    %add3A_2124 = arith.addi %get3A_2122, %add3A_2123 : vector<16xi32>
    %swap3A_2125 = arith.constant 13136 : index
    %swap3A_2126 = tpu.vector_load %arg5[%swap3A_2125] {strides = array<i32>} : memref<13312xi32, #tpu.memory_space<vmem>>, vector<16xi32>,
    %swap3A_2127 = vector.shape_cast %swap3A_2126 : vector<16xi32> to vector<16xi32>
    %swap3A_2128 = vector.shape_cast %add3A_2124 : vector<16xi32> to vector<16xi32>
    tpu.vector_store %arg5[%swap3A_2125], %swap3A_2128 {strides = array<i32>} : memref<13312xi32, #tpu.memory_space<vmem>>, vector<16xi32>,
    %get3A_2129 = arith.constant 13152 : index
    %get3A_2130 = tpu.vector_load %arg5[%get3A_2129] {strides = array<i32>} : memref<13312xi32, #tpu.memory_space<vmem>>, vector<16xi32>,
    %get3A_2131 = vector.shape_cast %get3A_2130 : vector<16xi32> to vector<16xi32>
    %add3A_2132 = vector.broadcast %mul3A_2074 : i32 to vector<16xi32>
    %add3A_2133 = arith.addi %get3A_2131, %add3A_2132 : vector<16xi32>
    %swap3A_2134 = arith.constant 13152 : index
    %swap3A_2135 = tpu.vector_load %arg5[%swap3A_2134] {strides = array<i32>} : memref<13312xi32, #tpu.memory_space<vmem>>, vector<16xi32>,
    %swap3A_2136 = vector.shape_cast %swap3A_2135 : vector<16xi32> to vector<16xi32>
    %swap3A_2137 = vector.shape_cast %add3A_2133 : vector<16xi32> to vector<16xi32>
    tpu.vector_store %arg5[%swap3A_2134], %swap3A_2137 {strides = array<i32>} : memref<13312xi32, #tpu.memory_space<vmem>>, vector<16xi32>,
    %get3A_2138 = arith.constant 13168 : index
    %get3A_2139 = tpu.vector_load %arg5[%get3A_2138] {strides = array<i32>} : memref<13312xi32, #tpu.memory_space<vmem>>, vector<16xi32>,
    %get3A_2140 = vector.shape_cast %get3A_2139 : vector<16xi32> to vector<16xi32>
    %add3A_2141 = vector.broadcast %mul3A_2074 : i32 to vector<16xi32>
    %add3A_2142 = arith.addi %get3A_2140, %add3A_2141 : vector<16xi32>
    %swap3A_2143 = arith.constant 13168 : index
    %swap3A_2144 = tpu.vector_load %arg5[%swap3A_2143] {strides = array<i32>} : memref<13312xi32, #tpu.memory_space<vmem>>, vector<16xi32>,
    %swap3A_2145 = vector.shape_cast %swap3A_2144 : vector<16xi32> to vector<16xi32>
    %swap3A_2146 = vector.shape_cast %add3A_2142 : vector<16xi32> to vector<16xi32>
    tpu.vector_store %arg5[%swap3A_2143], %swap3A_2146 {strides = array<i32>} : memref<13312xi32, #tpu.memory_space<vmem>>, vector<16xi32>,
    %dma_start3A_2147 = arith.constant 3 : i32
    %dma_start3A_2148 = arith.constant 0 : i32
    %dma_start3A_2149 = arith.constant 0 : i32
    %dma_start3A_2150 = tpu.memref_slice %arg6[%dma_start3A_2147, %dma_start3A_2148, %dma_start3A_2149] : memref<6x128x128xf32, #tpu.memory_space<vmem>> -> memref<1x128x128xf32, #tpu.memory_space<vmem>>
    %dma_start3A_2151 = tpu.memref_squeeze %dma_start3A_2150 : memref<1x128x128xf32, #tpu.memory_space<vmem>> -> memref<128x128xf32, #tpu.memory_space<vmem>>
    %dma_start3A_2152 = arith.constant 12672 : i32
    %dma_start3A_2153 = tpu.memref_slice %arg5[%dma_start3A_2152] : memref<13312xi32, #tpu.memory_space<vmem>> -> memref<128xi32, #tpu.memory_space<vmem>>
    %dma_start3A_2154 = arith.constant 0 : i32
    %dma_start3A_2155 = arith.constant 0 : i32
    %dma_start3A_2156 = tpu.memref_slice %arg3[%dma_start3A_2154, %dma_start3A_2155] : memref<26000x128xf32, #tpu.memory_space<hbm>> -> memref<26000x128xf32, #tpu.memory_space<hbm>>
    tpu.enqueue_indirect_dma source(%dma_start3A_2156 : memref<26000x128xf32, #tpu.memory_space<hbm>>) target(%dma_start3A_2151 : memref<128x128xf32, #tpu.memory_space<vmem>>) offsets(%dma_start3A_2153 : memref<128xi32, #tpu.memory_space<vmem>>) semaphore(%arg7 : memref<!tpu.dma_semaphore, #tpu.memory_space<semaphore_mem>>)
    %dma_wait3A_2157 = arith.constant 1 : i32
    %dma_wait3A_2158 = arith.constant 0 : i32
    %dma_wait3A_2159 = arith.constant 0 : i32
    %dma_wait3A_2160 = tpu.memref_slice %arg6[%dma_wait3A_2157, %dma_wait3A_2158, %dma_wait3A_2159] : memref<6x128x128xf32, #tpu.memory_space<vmem>> -> memref<1x128x128xf32, #tpu.memory_space<vmem>>
    %dma_wait3A_2161 = tpu.memref_squeeze %dma_wait3A_2160 : memref<1x128x128xf32, #tpu.memory_space<vmem>> -> memref<128x128xf32, #tpu.memory_space<vmem>>
    %dma_wait3A_2162 = arith.constant 12416 : i32
    %dma_wait3A_2163 = tpu.memref_slice %arg5[%dma_wait3A_2162] : memref<13312xi32, #tpu.memory_space<vmem>> -> memref<128xi32, #tpu.memory_space<vmem>>
    %dma_wait3A_2164 = arith.constant 0 : i32
    %dma_wait3A_2165 = arith.constant 0 : i32
    %dma_wait3A_2166 = tpu.memref_slice %arg3[%dma_wait3A_2164, %dma_wait3A_2165] : memref<26000x128xf32, #tpu.memory_space<hbm>> -> memref<26000x128xf32, #tpu.memory_space<hbm>>
    tpu.wait_indirect_dma semaphore(%arg7 : memref<!tpu.dma_semaphore, #tpu.memory_space<semaphore_mem>>) src(%dma_wait3A_2166 : memref<26000x128xf32, #tpu.memory_space<hbm>>) dst(%dma_wait3A_2161 : memref<128x128xf32, #tpu.memory_space<vmem>>)
    %add3A_2167 = arith.constant 12416 : i32
    %add3A_2168 = arith.addi %mul3A_2, %add3A_2167 : i32
    %jit3A_2169 = arith.constant 16384 : i32
    %div3A_2170 = arith.divsi %add3A_2168, %jit3A_2169 : i32
    %sign3A_2171 = arith.constant 0 : i32
    %sign3A_2172 = arith.cmpi sgt, %add3A_2168, %sign3A_2171 : i32
    %sign3A_2173 = arith.extui %sign3A_2172 : i1 to i32
    %sign3A_2174 = arith.constant 0 : i32
    %sign3A_2175 = arith.cmpi slt, %add3A_2168, %sign3A_2174 : i32
    %sign3A_2176 = arith.extui %sign3A_2175 : i1 to i32
    %sign3A_2177 = arith.subi %sign3A_2173, %sign3A_2176 : i32
    %sign3A_2178 = arith.constant 0 : i32
    %sign3A_2179 = arith.cmpi sgt, %jit3A_2169, %sign3A_2178 : i32
    %sign3A_2180 = arith.extui %sign3A_2179 : i1 to i32
    %sign3A_2181 = arith.constant 0 : i32
    %sign3A_2182 = arith.cmpi slt, %jit3A_2169, %sign3A_2181 : i32
    %sign3A_2183 = arith.extui %sign3A_2182 : i1 to i32
    %sign3A_2184 = arith.subi %sign3A_2180, %sign3A_2183 : i32
    %ne3A_2185 = arith.cmpi ne, %sign3A_2177, %sign3A_2184 : i32
    %rem3A_2186 = arith.remsi %add3A_2168, %jit3A_2169 : i32
    %ne3A_2187 = arith.constant 0 : i32
    %ne3A_2188 = arith.cmpi ne, %rem3A_2186, %ne3A_2187 : i32
    %and3A_2189 = arith.andi %ne3A_2185, %ne3A_2188 : i1
    %sub3A_2190 = arith.constant 1 : i32
    %sub3A_2191 = arith.subi %div3A_2170, %sub3A_2190 : i32
    %select_n3A_2192 = arith.select %and3A_2189, %sub3A_2191, %div3A_2170 : i32
    %jit3A_2193 = arith.constant 16384 : i32
    %eq3A_2194 = arith.constant 0 : i32
    %eq3A_2195 = arith.cmpi eq, %jit3A_2193, %eq3A_2194 : i32
    %jit3A_2196 = arith.constant 1 : i32
    %select_n3A_2197 = arith.select %eq3A_2195, %jit3A_2196, %jit3A_2193 : i32
    %rem3A_2198 = arith.remsi %add3A_2168, %select_n3A_2197 : i32
    %ne3A_2199 = arith.constant 0 : i32
    %ne3A_2200 = arith.cmpi ne, %rem3A_2198, %ne3A_2199 : i32
    %lt3A_2201 = arith.constant 0 : i32
    %lt3A_2202 = arith.cmpi slt, %rem3A_2198, %lt3A_2201 : i32
    %lt3A_2203 = arith.constant 0 : i32
    %lt3A_2204 = arith.cmpi slt, %select_n3A_2197, %lt3A_2203 : i32
    %ne3A_2205 = arith.xori %lt3A_2202, %lt3A_2204 : i1
    %and3A_2206 = arith.andi %ne3A_2205, %ne3A_2200 : i1
    %add3A_2207 = arith.addi %rem3A_2198, %select_n3A_2197 : i32
    %select_n3A_2208 = arith.select %and3A_2206, %add3A_2207, %rem3A_2198 : i32
    %dma_start3A_2209 = arith.constant 1 : i32
    %dma_start3A_2210 = arith.constant 0 : i32
    %dma_start3A_2211 = arith.constant 0 : i32
    %dma_start3A_2212 = tpu.memref_slice %arg6[%dma_start3A_2209, %dma_start3A_2210, %dma_start3A_2211] : memref<6x128x128xf32, #tpu.memory_space<vmem>> -> memref<1x128x128xf32, #tpu.memory_space<vmem>>
    %dma_start3A_2213 = tpu.memref_squeeze %dma_start3A_2212 : memref<1x128x128xf32, #tpu.memory_space<vmem>> -> memref<128x128xf32, #tpu.memory_space<vmem>>
    %dma_start3A_2214 = arith.constant 0 : i32
    %dma_start3A_2215 = arith.constant 0 : i32
    %dma_start3A_2216 = tpu.memref_slice %arg4[%select_n3A_2192, %dma_start3A_2214, %dma_start3A_2215] : memref<26x16384x128xf32, #tpu.memory_space<hbm>> -> memref<1x16384x128xf32, #tpu.memory_space<hbm>>
    %dma_start3A_2217 = tpu.memref_squeeze %dma_start3A_2216 : memref<1x16384x128xf32, #tpu.memory_space<hbm>> -> memref<16384x128xf32, #tpu.memory_space<hbm>>
    %dma_start3A_2218 = arith.constant 0 : i32
    %dma_start3A_2219 = tpu.memref_slice %dma_start3A_2217[%select_n3A_2208, %dma_start3A_2218] : memref<16384x128xf32, #tpu.memory_space<hbm>> -> memref<128x128xf32, #tpu.memory_space<hbm>>
    %dma_start3A_2220 = arith.constant 0 : i32
    %dma_start3A_2221 = arith.constant 0 : i32
    %dma_start3A_2222 = tpu.memref_slice %arg4[%select_n3A_2192, %dma_start3A_2220, %dma_start3A_2221] : memref<26x16384x128xf32, #tpu.memory_space<hbm>> -> memref<1x16384x128xf32, #tpu.memory_space<hbm>>
    %dma_start3A_2223 = tpu.memref_squeeze %dma_start3A_2222 : memref<1x16384x128xf32, #tpu.memory_space<hbm>> -> memref<16384x128xf32, #tpu.memory_space<hbm>>
    %dma_start3A_2224 = arith.constant 0 : i32
    %dma_start3A_2225 = tpu.memref_slice %dma_start3A_2223[%select_n3A_2208, %dma_start3A_2224] : memref<16384x128xf32, #tpu.memory_space<hbm>> -> memref<128x128xf32, #tpu.memory_space<hbm>>
    %dma_start3A_2226 = arith.constant 0 : i32
    %dma_start3A_2227 = arith.constant 0 : i32
    %dma_start3A_2228 = tpu.memref_slice %arg6[%dma_start3A_2209, %dma_start3A_2226, %dma_start3A_2227] : memref<6x128x128xf32, #tpu.memory_space<vmem>> -> memref<1x128x128xf32, #tpu.memory_space<vmem>>
    %dma_start3A_2229 = tpu.memref_squeeze %dma_start3A_2228 : memref<1x128x128xf32, #tpu.memory_space<vmem>> -> memref<128x128xf32, #tpu.memory_space<vmem>>
    tpu.enqueue_dma source(%dma_start3A_2229 : memref<128x128xf32, #tpu.memory_space<vmem>>) target(%dma_start3A_2225 : memref<128x128xf32, #tpu.memory_space<hbm>>) target_semaphore(%arg8 : memref<!tpu.dma_semaphore, #tpu.memory_space<semaphore_mem>>)
    %add3A_2230 = arith.constant 12032 : i32
    %add3A_2231 = arith.addi %mul3A_2, %add3A_2230 : i32
    %jit3A_2232 = arith.constant 16384 : i32
    %div3A_2233 = arith.divsi %add3A_2231, %jit3A_2232 : i32
    %sign3A_2234 = arith.constant 0 : i32
    %sign3A_2235 = arith.cmpi sgt, %add3A_2231, %sign3A_2234 : i32
    %sign3A_2236 = arith.extui %sign3A_2235 : i1 to i32
    %sign3A_2237 = arith.constant 0 : i32
    %sign3A_2238 = arith.cmpi slt, %add3A_2231, %sign3A_2237 : i32
    %sign3A_2239 = arith.extui %sign3A_2238 : i1 to i32
    %sign3A_2240 = arith.subi %sign3A_2236, %sign3A_2239 : i32
    %sign3A_2241 = arith.constant 0 : i32
    %sign3A_2242 = arith.cmpi sgt, %jit3A_2232, %sign3A_2241 : i32
    %sign3A_2243 = arith.extui %sign3A_2242 : i1 to i32
    %sign3A_2244 = arith.constant 0 : i32
    %sign3A_2245 = arith.cmpi slt, %jit3A_2232, %sign3A_2244 : i32
    %sign3A_2246 = arith.extui %sign3A_2245 : i1 to i32
    %sign3A_2247 = arith.subi %sign3A_2243, %sign3A_2246 : i32
    %ne3A_2248 = arith.cmpi ne, %sign3A_2240, %sign3A_2247 : i32
    %rem3A_2249 = arith.remsi %add3A_2231, %jit3A_2232 : i32
    %ne3A_2250 = arith.constant 0 : i32
    %ne3A_2251 = arith.cmpi ne, %rem3A_2249, %ne3A_2250 : i32
    %and3A_2252 = arith.andi %ne3A_2248, %ne3A_2251 : i1
    %sub3A_2253 = arith.constant 1 : i32
    %sub3A_2254 = arith.subi %div3A_2233, %sub3A_2253 : i32
    %select_n3A_2255 = arith.select %and3A_2252, %sub3A_2254, %div3A_2233 : i32
    %jit3A_2256 = arith.constant 16384 : i32
    %eq3A_2257 = arith.constant 0 : i32
    %eq3A_2258 = arith.cmpi eq, %jit3A_2256, %eq3A_2257 : i32
    %jit3A_2259 = arith.constant 1 : i32
    %select_n3A_2260 = arith.select %eq3A_2258, %jit3A_2259, %jit3A_2256 : i32
    %rem3A_2261 = arith.remsi %add3A_2231, %select_n3A_2260 : i32
    %ne3A_2262 = arith.constant 0 : i32
    %ne3A_2263 = arith.cmpi ne, %rem3A_2261, %ne3A_2262 : i32
    %lt3A_2264 = arith.constant 0 : i32
    %lt3A_2265 = arith.cmpi slt, %rem3A_2261, %lt3A_2264 : i32
    %lt3A_2266 = arith.constant 0 : i32
    %lt3A_2267 = arith.cmpi slt, %select_n3A_2260, %lt3A_2266 : i32
    %ne3A_2268 = arith.xori %lt3A_2265, %lt3A_2267 : i1
    %and3A_2269 = arith.andi %ne3A_2268, %ne3A_2263 : i1
    %add3A_2270 = arith.addi %rem3A_2261, %select_n3A_2260 : i32
    %select_n3A_2271 = arith.select %and3A_2269, %add3A_2270, %rem3A_2261 : i32
    %dma_wait3A_2272 = arith.constant 4 : i32
    %dma_wait3A_2273 = arith.constant 0 : i32
    %dma_wait3A_2274 = arith.constant 0 : i32
    %dma_wait3A_2275 = tpu.memref_slice %arg6[%dma_wait3A_2272, %dma_wait3A_2273, %dma_wait3A_2274] : memref<6x128x128xf32, #tpu.memory_space<vmem>> -> memref<1x128x128xf32, #tpu.memory_space<vmem>>
    %dma_wait3A_2276 = tpu.memref_squeeze %dma_wait3A_2275 : memref<1x128x128xf32, #tpu.memory_space<vmem>> -> memref<128x128xf32, #tpu.memory_space<vmem>>
    %dma_wait3A_2277 = arith.constant 0 : i32
    %dma_wait3A_2278 = arith.constant 0 : i32
    %dma_wait3A_2279 = tpu.memref_slice %arg4[%select_n3A_2255, %dma_wait3A_2277, %dma_wait3A_2278] : memref<26x16384x128xf32, #tpu.memory_space<hbm>> -> memref<1x16384x128xf32, #tpu.memory_space<hbm>>
    %dma_wait3A_2280 = tpu.memref_squeeze %dma_wait3A_2279 : memref<1x16384x128xf32, #tpu.memory_space<hbm>> -> memref<16384x128xf32, #tpu.memory_space<hbm>>
    %dma_wait3A_2281 = arith.constant 0 : i32
    %dma_wait3A_2282 = tpu.memref_slice %dma_wait3A_2280[%select_n3A_2271, %dma_wait3A_2281] : memref<16384x128xf32, #tpu.memory_space<hbm>> -> memref<128x128xf32, #tpu.memory_space<hbm>>
    %dma_wait3A_2283 = arith.constant 0 : i32
    %dma_wait3A_2284 = arith.constant 0 : i32
    %dma_wait3A_2285 = tpu.memref_slice %arg4[%select_n3A_2255, %dma_wait3A_2283, %dma_wait3A_2284] : memref<26x16384x128xf32, #tpu.memory_space<hbm>> -> memref<1x16384x128xf32, #tpu.memory_space<hbm>>
    %dma_wait3A_2286 = tpu.memref_squeeze %dma_wait3A_2285 : memref<1x16384x128xf32, #tpu.memory_space<hbm>> -> memref<16384x128xf32, #tpu.memory_space<hbm>>
    %dma_wait3A_2287 = arith.constant 0 : i32
    %dma_wait3A_2288 = tpu.memref_slice %dma_wait3A_2286[%select_n3A_2271, %dma_wait3A_2287] : memref<16384x128xf32, #tpu.memory_space<hbm>> -> memref<128x128xf32, #tpu.memory_space<hbm>>
    %dma_wait3A_2289 = arith.constant 0 : i32
    %dma_wait3A_2290 = arith.constant 0 : i32
    %dma_wait3A_2291 = tpu.memref_slice %arg6[%dma_wait3A_2272, %dma_wait3A_2289, %dma_wait3A_2290] : memref<6x128x128xf32, #tpu.memory_space<vmem>> -> memref<1x128x128xf32, #tpu.memory_space<vmem>>
    %dma_wait3A_2292 = tpu.memref_squeeze %dma_wait3A_2291 : memref<1x128x128xf32, #tpu.memory_space<vmem>> -> memref<128x128xf32, #tpu.memory_space<vmem>>
    tpu.wait_dma2 semaphore(%arg8 : memref<!tpu.dma_semaphore, #tpu.memory_space<semaphore_mem>>) src(%dma_wait3A_2292 : memref<128x128xf32, #tpu.memory_space<vmem>>) dst(%dma_wait3A_2288 : memref<128x128xf32, #tpu.memory_space<hbm>>)
    %add3A_2293 = arith.constant 13184 : i32
    %add3A_2294 = arith.addi %mul3A_2, %add3A_2293 : i32
    %jit3A_2295 = arith.constant 16384 : i32
    %div3A_2296 = arith.divsi %add3A_2294, %jit3A_2295 : i32
    %sign3A_2297 = arith.constant 0 : i32
    %sign3A_2298 = arith.cmpi sgt, %add3A_2294, %sign3A_2297 : i32
    %sign3A_2299 = arith.extui %sign3A_2298 : i1 to i32
    %sign3A_2300 = arith.constant 0 : i32
    %sign3A_2301 = arith.cmpi slt, %add3A_2294, %sign3A_2300 : i32
    %sign3A_2302 = arith.extui %sign3A_2301 : i1 to i32
    %sign3A_2303 = arith.subi %sign3A_2299, %sign3A_2302 : i32
    %sign3A_2304 = arith.constant 0 : i32
    %sign3A_2305 = arith.cmpi sgt, %jit3A_2295, %sign3A_2304 : i32
    %sign3A_2306 = arith.extui %sign3A_2305 : i1 to i32
    %sign3A_2307 = arith.constant 0 : i32
    %sign3A_2308 = arith.cmpi slt, %jit3A_2295, %sign3A_2307 : i32
    %sign3A_2309 = arith.extui %sign3A_2308 : i1 to i32
    %sign3A_2310 = arith.subi %sign3A_2306, %sign3A_2309 : i32
    %ne3A_2311 = arith.cmpi ne, %sign3A_2303, %sign3A_2310 : i32
    %rem3A_2312 = arith.remsi %add3A_2294, %jit3A_2295 : i32
    %ne3A_2313 = arith.constant 0 : i32
    %ne3A_2314 = arith.cmpi ne, %rem3A_2312, %ne3A_2313 : i32
    %and3A_2315 = arith.andi %ne3A_2311, %ne3A_2314 : i1
    %sub3A_2316 = arith.constant 1 : i32
    %sub3A_2317 = arith.subi %div3A_2296, %sub3A_2316 : i32
    %select_n3A_2318 = arith.select %and3A_2315, %sub3A_2317, %div3A_2296 : i32
    %mul3A_2319 = arith.constant 1000 : i32
    %mul3A_2320 = arith.muli %select_n3A_2318, %mul3A_2319 : i32
    %get3A_2321 = arith.constant 13184 : index
    %get3A_2322 = tpu.vector_load %arg5[%get3A_2321] {strides = array<i32>} : memref<13312xi32, #tpu.memory_space<vmem>>, vector<16xi32>,
    %get3A_2323 = vector.shape_cast %get3A_2322 : vector<16xi32> to vector<16xi32>
    %add3A_2324 = vector.broadcast %mul3A_2320 : i32 to vector<16xi32>
    %add3A_2325 = arith.addi %get3A_2323, %add3A_2324 : vector<16xi32>
    %swap3A_2326 = arith.constant 13184 : index
    %swap3A_2327 = tpu.vector_load %arg5[%swap3A_2326] {strides = array<i32>} : memref<13312xi32, #tpu.memory_space<vmem>>, vector<16xi32>,
    %swap3A_2328 = vector.shape_cast %swap3A_2327 : vector<16xi32> to vector<16xi32>
    %swap3A_2329 = vector.shape_cast %add3A_2325 : vector<16xi32> to vector<16xi32>
    tpu.vector_store %arg5[%swap3A_2326], %swap3A_2329 {strides = array<i32>} : memref<13312xi32, #tpu.memory_space<vmem>>, vector<16xi32>,
    %get3A_2330 = arith.constant 13200 : index
    %get3A_2331 = tpu.vector_load %arg5[%get3A_2330] {strides = array<i32>} : memref<13312xi32, #tpu.memory_space<vmem>>, vector<16xi32>,
    %get3A_2332 = vector.shape_cast %get3A_2331 : vector<16xi32> to vector<16xi32>
    %add3A_2333 = vector.broadcast %mul3A_2320 : i32 to vector<16xi32>
    %add3A_2334 = arith.addi %get3A_2332, %add3A_2333 : vector<16xi32>
    %swap3A_2335 = arith.constant 13200 : index
    %swap3A_2336 = tpu.vector_load %arg5[%swap3A_2335] {strides = array<i32>} : memref<13312xi32, #tpu.memory_space<vmem>>, vector<16xi32>,
    %swap3A_2337 = vector.shape_cast %swap3A_2336 : vector<16xi32> to vector<16xi32>
    %swap3A_2338 = vector.shape_cast %add3A_2334 : vector<16xi32> to vector<16xi32>
    tpu.vector_store %arg5[%swap3A_2335], %swap3A_2338 {strides = array<i32>} : memref<13312xi32, #tpu.memory_space<vmem>>, vector<16xi32>,
    %get3A_2339 = arith.constant 13216 : index
    %get3A_2340 = tpu.vector_load %arg5[%get3A_2339] {strides = array<i32>} : memref<13312xi32, #tpu.memory_space<vmem>>, vector<16xi32>,
    %get3A_2341 = vector.shape_cast %get3A_2340 : vector<16xi32> to vector<16xi32>
    %add3A_2342 = vector.broadcast %mul3A_2320 : i32 to vector<16xi32>
    %add3A_2343 = arith.addi %get3A_2341, %add3A_2342 : vector<16xi32>
    %swap3A_2344 = arith.constant 13216 : index
    %swap3A_2345 = tpu.vector_load %arg5[%swap3A_2344] {strides = array<i32>} : memref<13312xi32, #tpu.memory_space<vmem>>, vector<16xi32>,
    %swap3A_2346 = vector.shape_cast %swap3A_2345 : vector<16xi32> to vector<16xi32>
    %swap3A_2347 = vector.shape_cast %add3A_2343 : vector<16xi32> to vector<16xi32>
    tpu.vector_store %arg5[%swap3A_2344], %swap3A_2347 {strides = array<i32>} : memref<13312xi32, #tpu.memory_space<vmem>>, vector<16xi32>,
    %get3A_2348 = arith.constant 13232 : index
    %get3A_2349 = tpu.vector_load %arg5[%get3A_2348] {strides = array<i32>} : memref<13312xi32, #tpu.memory_space<vmem>>, vector<16xi32>,
    %get3A_2350 = vector.shape_cast %get3A_2349 : vector<16xi32> to vector<16xi32>
    %add3A_2351 = vector.broadcast %mul3A_2320 : i32 to vector<16xi32>
    %add3A_2352 = arith.addi %get3A_2350, %add3A_2351 : vector<16xi32>
    %swap3A_2353 = arith.constant 13232 : index
    %swap3A_2354 = tpu.vector_load %arg5[%swap3A_2353] {strides = array<i32>} : memref<13312xi32, #tpu.memory_space<vmem>>, vector<16xi32>,
    %swap3A_2355 = vector.shape_cast %swap3A_2354 : vector<16xi32> to vector<16xi32>
    %swap3A_2356 = vector.shape_cast %add3A_2352 : vector<16xi32> to vector<16xi32>
    tpu.vector_store %arg5[%swap3A_2353], %swap3A_2356 {strides = array<i32>} : memref<13312xi32, #tpu.memory_space<vmem>>, vector<16xi32>,
    %get3A_2357 = arith.constant 13248 : index
    %get3A_2358 = tpu.vector_load %arg5[%get3A_2357] {strides = array<i32>} : memref<13312xi32, #tpu.memory_space<vmem>>, vector<16xi32>,
    %get3A_2359 = vector.shape_cast %get3A_2358 : vector<16xi32> to vector<16xi32>
    %add3A_2360 = vector.broadcast %mul3A_2320 : i32 to vector<16xi32>
    %add3A_2361 = arith.addi %get3A_2359, %add3A_2360 : vector<16xi32>
    %swap3A_2362 = arith.constant 13248 : index
    %swap3A_2363 = tpu.vector_load %arg5[%swap3A_2362] {strides = array<i32>} : memref<13312xi32, #tpu.memory_space<vmem>>, vector<16xi32>,
    %swap3A_2364 = vector.shape_cast %swap3A_2363 : vector<16xi32> to vector<16xi32>
    %swap3A_2365 = vector.shape_cast %add3A_2361 : vector<16xi32> to vector<16xi32>
    tpu.vector_store %arg5[%swap3A_2362], %swap3A_2365 {strides = array<i32>} : memref<13312xi32, #tpu.memory_space<vmem>>, vector<16xi32>,
    %get3A_2366 = arith.constant 13264 : index
    %get3A_2367 = tpu.vector_load %arg5[%get3A_2366] {strides = array<i32>} : memref<13312xi32, #tpu.memory_space<vmem>>, vector<16xi32>,
    %get3A_2368 = vector.shape_cast %get3A_2367 : vector<16xi32> to vector<16xi32>
    %add3A_2369 = vector.broadcast %mul3A_2320 : i32 to vector<16xi32>
    %add3A_2370 = arith.addi %get3A_2368, %add3A_2369 : vector<16xi32>
    %swap3A_2371 = arith.constant 13264 : index
    %swap3A_2372 = tpu.vector_load %arg5[%swap3A_2371] {strides = array<i32>} : memref<13312xi32, #tpu.memory_space<vmem>>, vector<16xi32>,
    %swap3A_2373 = vector.shape_cast %swap3A_2372 : vector<16xi32> to vector<16xi32>
    %swap3A_2374 = vector.shape_cast %add3A_2370 : vector<16xi32> to vector<16xi32>
    tpu.vector_store %arg5[%swap3A_2371], %swap3A_2374 {strides = array<i32>} : memref<13312xi32, #tpu.memory_space<vmem>>, vector<16xi32>,
    %get3A_2375 = arith.constant 13280 : index
    %get3A_2376 = tpu.vector_load %arg5[%get3A_2375] {strides = array<i32>} : memref<13312xi32, #tpu.memory_space<vmem>>, vector<16xi32>,
    %get3A_2377 = vector.shape_cast %get3A_2376 : vector<16xi32> to vector<16xi32>
    %add3A_2378 = vector.broadcast %mul3A_2320 : i32 to vector<16xi32>
    %add3A_2379 = arith.addi %get3A_2377, %add3A_2378 : vector<16xi32>
    %swap3A_2380 = arith.constant 13280 : index
    %swap3A_2381 = tpu.vector_load %arg5[%swap3A_2380] {strides = array<i32>} : memref<13312xi32, #tpu.memory_space<vmem>>, vector<16xi32>,
    %swap3A_2382 = vector.shape_cast %swap3A_2381 : vector<16xi32> to vector<16xi32>
    %swap3A_2383 = vector.shape_cast %add3A_2379 : vector<16xi32> to vector<16xi32>
    tpu.vector_store %arg5[%swap3A_2380], %swap3A_2383 {strides = array<i32>} : memref<13312xi32, #tpu.memory_space<vmem>>, vector<16xi32>,
    %get3A_2384 = arith.constant 13296 : index
    %get3A_2385 = tpu.vector_load %arg5[%get3A_2384] {strides = array<i32>} : memref<13312xi32, #tpu.memory_space<vmem>>, vector<16xi32>,
    %get3A_2386 = vector.shape_cast %get3A_2385 : vector<16xi32> to vector<16xi32>
    %add3A_2387 = vector.broadcast %mul3A_2320 : i32 to vector<16xi32>
    %add3A_2388 = arith.addi %get3A_2386, %add3A_2387 : vector<16xi32>
    %swap3A_2389 = arith.constant 13296 : index
    %swap3A_2390 = tpu.vector_load %arg5[%swap3A_2389] {strides = array<i32>} : memref<13312xi32, #tpu.memory_space<vmem>>, vector<16xi32>,
    %swap3A_2391 = vector.shape_cast %swap3A_2390 : vector<16xi32> to vector<16xi32>
    %swap3A_2392 = vector.shape_cast %add3A_2388 : vector<16xi32> to vector<16xi32>
    tpu.vector_store %arg5[%swap3A_2389], %swap3A_2392 {strides = array<i32>} : memref<13312xi32, #tpu.memory_space<vmem>>, vector<16xi32>,
    %dma_start3A_2393 = arith.constant 4 : i32
    %dma_start3A_2394 = arith.constant 0 : i32
    %dma_start3A_2395 = arith.constant 0 : i32
    %dma_start3A_2396 = tpu.memref_slice %arg6[%dma_start3A_2393, %dma_start3A_2394, %dma_start3A_2395] : memref<6x128x128xf32, #tpu.memory_space<vmem>> -> memref<1x128x128xf32, #tpu.memory_space<vmem>>
    %dma_start3A_2397 = tpu.memref_squeeze %dma_start3A_2396 : memref<1x128x128xf32, #tpu.memory_space<vmem>> -> memref<128x128xf32, #tpu.memory_space<vmem>>
    %dma_start3A_2398 = arith.constant 12800 : i32
    %dma_start3A_2399 = tpu.memref_slice %arg5[%dma_start3A_2398] : memref<13312xi32, #tpu.memory_space<vmem>> -> memref<128xi32, #tpu.memory_space<vmem>>
    %dma_start3A_2400 = arith.constant 0 : i32
    %dma_start3A_2401 = arith.constant 0 : i32
    %dma_start3A_2402 = tpu.memref_slice %arg3[%dma_start3A_2400, %dma_start3A_2401] : memref<26000x128xf32, #tpu.memory_space<hbm>> -> memref<26000x128xf32, #tpu.memory_space<hbm>>
    tpu.enqueue_indirect_dma source(%dma_start3A_2402 : memref<26000x128xf32, #tpu.memory_space<hbm>>) target(%dma_start3A_2397 : memref<128x128xf32, #tpu.memory_space<vmem>>) offsets(%dma_start3A_2399 : memref<128xi32, #tpu.memory_space<vmem>>) semaphore(%arg7 : memref<!tpu.dma_semaphore, #tpu.memory_space<semaphore_mem>>)
    %dma_wait3A_2403 = arith.constant 2 : i32
    %dma_wait3A_2404 = arith.constant 0 : i32
    %dma_wait3A_2405 = arith.constant 0 : i32
    %dma_wait3A_2406 = tpu.memref_slice %arg6[%dma_wait3A_2403, %dma_wait3A_2404, %dma_wait3A_2405] : memref<6x128x128xf32, #tpu.memory_space<vmem>> -> memref<1x128x128xf32, #tpu.memory_space<vmem>>
    %dma_wait3A_2407 = tpu.memref_squeeze %dma_wait3A_2406 : memref<1x128x128xf32, #tpu.memory_space<vmem>> -> memref<128x128xf32, #tpu.memory_space<vmem>>
    %dma_wait3A_2408 = arith.constant 12544 : i32
    %dma_wait3A_2409 = tpu.memref_slice %arg5[%dma_wait3A_2408] : memref<13312xi32, #tpu.memory_space<vmem>> -> memref<128xi32, #tpu.memory_space<vmem>>
    %dma_wait3A_2410 = arith.constant 0 : i32
    %dma_wait3A_2411 = arith.constant 0 : i32
    %dma_wait3A_2412 = tpu.memref_slice %arg3[%dma_wait3A_2410, %dma_wait3A_2411] : memref<26000x128xf32, #tpu.memory_space<hbm>> -> memref<26000x128xf32, #tpu.memory_space<hbm>>
    tpu.wait_indirect_dma semaphore(%arg7 : memref<!tpu.dma_semaphore, #tpu.memory_space<semaphore_mem>>) src(%dma_wait3A_2412 : memref<26000x128xf32, #tpu.memory_space<hbm>>) dst(%dma_wait3A_2407 : memref<128x128xf32, #tpu.memory_space<vmem>>)
    %add3A_2413 = arith.constant 12544 : i32
    %add3A_2414 = arith.addi %mul3A_2, %add3A_2413 : i32
    %jit3A_2415 = arith.constant 16384 : i32
    %div3A_2416 = arith.divsi %add3A_2414, %jit3A_2415 : i32
    %sign3A_2417 = arith.constant 0 : i32
    %sign3A_2418 = arith.cmpi sgt, %add3A_2414, %sign3A_2417 : i32
    %sign3A_2419 = arith.extui %sign3A_2418 : i1 to i32
    %sign3A_2420 = arith.constant 0 : i32
    %sign3A_2421 = arith.cmpi slt, %add3A_2414, %sign3A_2420 : i32
    %sign3A_2422 = arith.extui %sign3A_2421 : i1 to i32
    %sign3A_2423 = arith.subi %sign3A_2419, %sign3A_2422 : i32
    %sign3A_2424 = arith.constant 0 : i32
    %sign3A_2425 = arith.cmpi sgt, %jit3A_2415, %sign3A_2424 : i32
    %sign3A_2426 = arith.extui %sign3A_2425 : i1 to i32
    %sign3A_2427 = arith.constant 0 : i32
    %sign3A_2428 = arith.cmpi slt, %jit3A_2415, %sign3A_2427 : i32
    %sign3A_2429 = arith.extui %sign3A_2428 : i1 to i32
    %sign3A_2430 = arith.subi %sign3A_2426, %sign3A_2429 : i32
    %ne3A_2431 = arith.cmpi ne, %sign3A_2423, %sign3A_2430 : i32
    %rem3A_2432 = arith.remsi %add3A_2414, %jit3A_2415 : i32
    %ne3A_2433 = arith.constant 0 : i32
    %ne3A_2434 = arith.cmpi ne, %rem3A_2432, %ne3A_2433 : i32
    %and3A_2435 = arith.andi %ne3A_2431, %ne3A_2434 : i1
    %sub3A_2436 = arith.constant 1 : i32
    %sub3A_2437 = arith.subi %div3A_2416, %sub3A_2436 : i32
    %select_n3A_2438 = arith.select %and3A_2435, %sub3A_2437, %div3A_2416 : i32
    %jit3A_2439 = arith.constant 16384 : i32
    %eq3A_2440 = arith.constant 0 : i32
    %eq3A_2441 = arith.cmpi eq, %jit3A_2439, %eq3A_2440 : i32
    %jit3A_2442 = arith.constant 1 : i32
    %select_n3A_2443 = arith.select %eq3A_2441, %jit3A_2442, %jit3A_2439 : i32
    %rem3A_2444 = arith.remsi %add3A_2414, %select_n3A_2443 : i32
    %ne3A_2445 = arith.constant 0 : i32
    %ne3A_2446 = arith.cmpi ne, %rem3A_2444, %ne3A_2445 : i32
    %lt3A_2447 = arith.constant 0 : i32
    %lt3A_2448 = arith.cmpi slt, %rem3A_2444, %lt3A_2447 : i32
    %lt3A_2449 = arith.constant 0 : i32
    %lt3A_2450 = arith.cmpi slt, %select_n3A_2443, %lt3A_2449 : i32
    %ne3A_2451 = arith.xori %lt3A_2448, %lt3A_2450 : i1
    %and3A_2452 = arith.andi %ne3A_2451, %ne3A_2446 : i1
    %add3A_2453 = arith.addi %rem3A_2444, %select_n3A_2443 : i32
    %select_n3A_2454 = arith.select %and3A_2452, %add3A_2453, %rem3A_2444 : i32
    %dma_start3A_2455 = arith.constant 2 : i32
    %dma_start3A_2456 = arith.constant 0 : i32
    %dma_start3A_2457 = arith.constant 0 : i32
    %dma_start3A_2458 = tpu.memref_slice %arg6[%dma_start3A_2455, %dma_start3A_2456, %dma_start3A_2457] : memref<6x128x128xf32, #tpu.memory_space<vmem>> -> memref<1x128x128xf32, #tpu.memory_space<vmem>>
    %dma_start3A_2459 = tpu.memref_squeeze %dma_start3A_2458 : memref<1x128x128xf32, #tpu.memory_space<vmem>> -> memref<128x128xf32, #tpu.memory_space<vmem>>
    %dma_start3A_2460 = arith.constant 0 : i32
    %dma_start3A_2461 = arith.constant 0 : i32
    %dma_start3A_2462 = tpu.memref_slice %arg4[%select_n3A_2438, %dma_start3A_2460, %dma_start3A_2461] : memref<26x16384x128xf32, #tpu.memory_space<hbm>> -> memref<1x16384x128xf32, #tpu.memory_space<hbm>>
    %dma_start3A_2463 = tpu.memref_squeeze %dma_start3A_2462 : memref<1x16384x128xf32, #tpu.memory_space<hbm>> -> memref<16384x128xf32, #tpu.memory_space<hbm>>
    %dma_start3A_2464 = arith.constant 0 : i32
    %dma_start3A_2465 = tpu.memref_slice %dma_start3A_2463[%select_n3A_2454, %dma_start3A_2464] : memref<16384x128xf32, #tpu.memory_space<hbm>> -> memref<128x128xf32, #tpu.memory_space<hbm>>
    %dma_start3A_2466 = arith.constant 0 : i32
    %dma_start3A_2467 = arith.constant 0 : i32
    %dma_start3A_2468 = tpu.memref_slice %arg4[%select_n3A_2438, %dma_start3A_2466, %dma_start3A_2467] : memref<26x16384x128xf32, #tpu.memory_space<hbm>> -> memref<1x16384x128xf32, #tpu.memory_space<hbm>>
    %dma_start3A_2469 = tpu.memref_squeeze %dma_start3A_2468 : memref<1x16384x128xf32, #tpu.memory_space<hbm>> -> memref<16384x128xf32, #tpu.memory_space<hbm>>
    %dma_start3A_2470 = arith.constant 0 : i32
    %dma_start3A_2471 = tpu.memref_slice %dma_start3A_2469[%select_n3A_2454, %dma_start3A_2470] : memref<16384x128xf32, #tpu.memory_space<hbm>> -> memref<128x128xf32, #tpu.memory_space<hbm>>
    %dma_start3A_2472 = arith.constant 0 : i32
    %dma_start3A_2473 = arith.constant 0 : i32
    %dma_start3A_2474 = tpu.memref_slice %arg6[%dma_start3A_2455, %dma_start3A_2472, %dma_start3A_2473] : memref<6x128x128xf32, #tpu.memory_space<vmem>> -> memref<1x128x128xf32, #tpu.memory_space<vmem>>
    %dma_start3A_2475 = tpu.memref_squeeze %dma_start3A_2474 : memref<1x128x128xf32, #tpu.memory_space<vmem>> -> memref<128x128xf32, #tpu.memory_space<vmem>>
    tpu.enqueue_dma source(%dma_start3A_2475 : memref<128x128xf32, #tpu.memory_space<vmem>>) target(%dma_start3A_2471 : memref<128x128xf32, #tpu.memory_space<hbm>>) target_semaphore(%arg8 : memref<!tpu.dma_semaphore, #tpu.memory_space<semaphore_mem>>)
    %add3A_2476 = arith.constant 12160 : i32
    %add3A_2477 = arith.addi %mul3A_2, %add3A_2476 : i32
    %jit3A_2478 = arith.constant 16384 : i32
    %div3A_2479 = arith.divsi %add3A_2477, %jit3A_2478 : i32
    %sign3A_2480 = arith.constant 0 : i32
    %sign3A_2481 = arith.cmpi sgt, %add3A_2477, %sign3A_2480 : i32
    %sign3A_2482 = arith.extui %sign3A_2481 : i1 to i32
    %sign3A_2483 = arith.constant 0 : i32
    %sign3A_2484 = arith.cmpi slt, %add3A_2477, %sign3A_2483 : i32
    %sign3A_2485 = arith.extui %sign3A_2484 : i1 to i32
    %sign3A_2486 = arith.subi %sign3A_2482, %sign3A_2485 : i32
    %sign3A_2487 = arith.constant 0 : i32
    %sign3A_2488 = arith.cmpi sgt, %jit3A_2478, %sign3A_2487 : i32
    %sign3A_2489 = arith.extui %sign3A_2488 : i1 to i32
    %sign3A_2490 = arith.constant 0 : i32
    %sign3A_2491 = arith.cmpi slt, %jit3A_2478, %sign3A_2490 : i32
    %sign3A_2492 = arith.extui %sign3A_2491 : i1 to i32
    %sign3A_2493 = arith.subi %sign3A_2489, %sign3A_2492 : i32
    %ne3A_2494 = arith.cmpi ne, %sign3A_2486, %sign3A_2493 : i32
    %rem3A_2495 = arith.remsi %add3A_2477, %jit3A_2478 : i32
    %ne3A_2496 = arith.constant 0 : i32
    %ne3A_2497 = arith.cmpi ne, %rem3A_2495, %ne3A_2496 : i32
    %and3A_2498 = arith.andi %ne3A_2494, %ne3A_2497 : i1
    %sub3A_2499 = arith.constant 1 : i32
    %sub3A_2500 = arith.subi %div3A_2479, %sub3A_2499 : i32
    %select_n3A_2501 = arith.select %and3A_2498, %sub3A_2500, %div3A_2479 : i32
    %jit3A_2502 = arith.constant 16384 : i32
    %eq3A_2503 = arith.constant 0 : i32
    %eq3A_2504 = arith.cmpi eq, %jit3A_2502, %eq3A_2503 : i32
    %jit3A_2505 = arith.constant 1 : i32
    %select_n3A_2506 = arith.select %eq3A_2504, %jit3A_2505, %jit3A_2502 : i32
    %rem3A_2507 = arith.remsi %add3A_2477, %select_n3A_2506 : i32
    %ne3A_2508 = arith.constant 0 : i32
    %ne3A_2509 = arith.cmpi ne, %rem3A_2507, %ne3A_2508 : i32
    %lt3A_2510 = arith.constant 0 : i32
    %lt3A_2511 = arith.cmpi slt, %rem3A_2507, %lt3A_2510 : i32
    %lt3A_2512 = arith.constant 0 : i32
    %lt3A_2513 = arith.cmpi slt, %select_n3A_2506, %lt3A_2512 : i32
    %ne3A_2514 = arith.xori %lt3A_2511, %lt3A_2513 : i1
    %and3A_2515 = arith.andi %ne3A_2514, %ne3A_2509 : i1
    %add3A_2516 = arith.addi %rem3A_2507, %select_n3A_2506 : i32
    %select_n3A_2517 = arith.select %and3A_2515, %add3A_2516, %rem3A_2507 : i32
    %dma_wait3A_2518 = arith.constant 5 : i32
    %dma_wait3A_2519 = arith.constant 0 : i32
    %dma_wait3A_2520 = arith.constant 0 : i32
    %dma_wait3A_2521 = tpu.memref_slice %arg6[%dma_wait3A_2518, %dma_wait3A_2519, %dma_wait3A_2520] : memref<6x128x128xf32, #tpu.memory_space<vmem>> -> memref<1x128x128xf32, #tpu.memory_space<vmem>>
    %dma_wait3A_2522 = tpu.memref_squeeze %dma_wait3A_2521 : memref<1x128x128xf32, #tpu.memory_space<vmem>> -> memref<128x128xf32, #tpu.memory_space<vmem>>
    %dma_wait3A_2523 = arith.constant 0 : i32
    %dma_wait3A_2524 = arith.constant 0 : i32
    %dma_wait3A_2525 = tpu.memref_slice %arg4[%select_n3A_2501, %dma_wait3A_2523, %dma_wait3A_2524] : memref<26x16384x128xf32, #tpu.memory_space<hbm>> -> memref<1x16384x128xf32, #tpu.memory_space<hbm>>
    %dma_wait3A_2526 = tpu.memref_squeeze %dma_wait3A_2525 : memref<1x16384x128xf32, #tpu.memory_space<hbm>> -> memref<16384x128xf32, #tpu.memory_space<hbm>>
    %dma_wait3A_2527 = arith.constant 0 : i32
    %dma_wait3A_2528 = tpu.memref_slice %dma_wait3A_2526[%select_n3A_2517, %dma_wait3A_2527] : memref<16384x128xf32, #tpu.memory_space<hbm>> -> memref<128x128xf32, #tpu.memory_space<hbm>>
    %dma_wait3A_2529 = arith.constant 0 : i32
    %dma_wait3A_2530 = arith.constant 0 : i32
    %dma_wait3A_2531 = tpu.memref_slice %arg4[%select_n3A_2501, %dma_wait3A_2529, %dma_wait3A_2530] : memref<26x16384x128xf32, #tpu.memory_space<hbm>> -> memref<1x16384x128xf32, #tpu.memory_space<hbm>>
    %dma_wait3A_2532 = tpu.memref_squeeze %dma_wait3A_2531 : memref<1x16384x128xf32, #tpu.memory_space<hbm>> -> memref<16384x128xf32, #tpu.memory_space<hbm>>
    %dma_wait3A_2533 = arith.constant 0 : i32
    %dma_wait3A_2534 = tpu.memref_slice %dma_wait3A_2532[%select_n3A_2517, %dma_wait3A_2533] : memref<16384x128xf32, #tpu.memory_space<hbm>> -> memref<128x128xf32, #tpu.memory_space<hbm>>
    %dma_wait3A_2535 = arith.constant 0 : i32
    %dma_wait3A_2536 = arith.constant 0 : i32
    %dma_wait3A_2537 = tpu.memref_slice %arg6[%dma_wait3A_2518, %dma_wait3A_2535, %dma_wait3A_2536] : memref<6x128x128xf32, #tpu.memory_space<vmem>> -> memref<1x128x128xf32, #tpu.memory_space<vmem>>
    %dma_wait3A_2538 = tpu.memref_squeeze %dma_wait3A_2537 : memref<1x128x128xf32, #tpu.memory_space<vmem>> -> memref<128x128xf32, #tpu.memory_space<vmem>>
    tpu.wait_dma2 semaphore(%arg8 : memref<!tpu.dma_semaphore, #tpu.memory_space<semaphore_mem>>) src(%dma_wait3A_2538 : memref<128x128xf32, #tpu.memory_space<vmem>>) dst(%dma_wait3A_2534 : memref<128x128xf32, #tpu.memory_space<hbm>>)
    %dma_start3A_2539 = arith.constant 5 : i32
    %dma_start3A_2540 = arith.constant 0 : i32
    %dma_start3A_2541 = arith.constant 0 : i32
    %dma_start3A_2542 = tpu.memref_slice %arg6[%dma_start3A_2539, %dma_start3A_2540, %dma_start3A_2541] : memref<6x128x128xf32, #tpu.memory_space<vmem>> -> memref<1x128x128xf32, #tpu.memory_space<vmem>>
    %dma_start3A_2543 = tpu.memref_squeeze %dma_start3A_2542 : memref<1x128x128xf32, #tpu.memory_space<vmem>> -> memref<128x128xf32, #tpu.memory_space<vmem>>
    %dma_start3A_2544 = arith.constant 12928 : i32
    %dma_start3A_2545 = tpu.memref_slice %arg5[%dma_start3A_2544] : memref<13312xi32, #tpu.memory_space<vmem>> -> memref<128xi32, #tpu.memory_space<vmem>>
    %dma_start3A_2546 = arith.constant 0 : i32
    %dma_start3A_2547 = arith.constant 0 : i32
    %dma_start3A_2548 = tpu.memref_slice %arg3[%dma_start3A_2546, %dma_start3A_2547] : memref<26000x128xf32, #tpu.memory_space<hbm>> -> memref<26000x128xf32, #tpu.memory_space<hbm>>
    tpu.enqueue_indirect_dma source(%dma_start3A_2548 : memref<26000x128xf32, #tpu.memory_space<hbm>>) target(%dma_start3A_2543 : memref<128x128xf32, #tpu.memory_space<vmem>>) offsets(%dma_start3A_2545 : memref<128xi32, #tpu.memory_space<vmem>>) semaphore(%arg7 : memref<!tpu.dma_semaphore, #tpu.memory_space<semaphore_mem>>)
    %dma_wait3A_2549 = arith.constant 3 : i32
    %dma_wait3A_2550 = arith.constant 0 : i32
    %dma_wait3A_2551 = arith.constant 0 : i32
    %dma_wait3A_2552 = tpu.memref_slice %arg6[%dma_wait3A_2549, %dma_wait3A_2550, %dma_wait3A_2551] : memref<6x128x128xf32, #tpu.memory_space<vmem>> -> memref<1x128x128xf32, #tpu.memory_space<vmem>>
    %dma_wait3A_2553 = tpu.memref_squeeze %dma_wait3A_2552 : memref<1x128x128xf32, #tpu.memory_space<vmem>> -> memref<128x128xf32, #tpu.memory_space<vmem>>
    %dma_wait3A_2554 = arith.constant 12672 : i32
    %dma_wait3A_2555 = tpu.memref_slice %arg5[%dma_wait3A_2554] : memref<13312xi32, #tpu.memory_space<vmem>> -> memref<128xi32, #tpu.memory_space<vmem>>
    %dma_wait3A_2556 = arith.constant 0 : i32
    %dma_wait3A_2557 = arith.constant 0 : i32
    %dma_wait3A_2558 = tpu.memref_slice %arg3[%dma_wait3A_2556, %dma_wait3A_2557] : memref<26000x128xf32, #tpu.memory_space<hbm>> -> memref<26000x128xf32, #tpu.memory_space<hbm>>
    tpu.wait_indirect_dma semaphore(%arg7 : memref<!tpu.dma_semaphore, #tpu.memory_space<semaphore_mem>>) src(%dma_wait3A_2558 : memref<26000x128xf32, #tpu.memory_space<hbm>>) dst(%dma_wait3A_2553 : memref<128x128xf32, #tpu.memory_space<vmem>>)
    %add3A_2559 = arith.constant 12672 : i32
    %add3A_2560 = arith.addi %mul3A_2, %add3A_2559 : i32
    %jit3A_2561 = arith.constant 16384 : i32
    %div3A_2562 = arith.divsi %add3A_2560, %jit3A_2561 : i32
    %sign3A_2563 = arith.constant 0 : i32
    %sign3A_2564 = arith.cmpi sgt, %add3A_2560, %sign3A_2563 : i32
    %sign3A_2565 = arith.extui %sign3A_2564 : i1 to i32
    %sign3A_2566 = arith.constant 0 : i32
    %sign3A_2567 = arith.cmpi slt, %add3A_2560, %sign3A_2566 : i32
    %sign3A_2568 = arith.extui %sign3A_2567 : i1 to i32
    %sign3A_2569 = arith.subi %sign3A_2565, %sign3A_2568 : i32
    %sign3A_2570 = arith.constant 0 : i32
    %sign3A_2571 = arith.cmpi sgt, %jit3A_2561, %sign3A_2570 : i32
    %sign3A_2572 = arith.extui %sign3A_2571 : i1 to i32
    %sign3A_2573 = arith.constant 0 : i32
    %sign3A_2574 = arith.cmpi slt, %jit3A_2561, %sign3A_2573 : i32
    %sign3A_2575 = arith.extui %sign3A_2574 : i1 to i32
    %sign3A_2576 = arith.subi %sign3A_2572, %sign3A_2575 : i32
    %ne3A_2577 = arith.cmpi ne, %sign3A_2569, %sign3A_2576 : i32
    %rem3A_2578 = arith.remsi %add3A_2560, %jit3A_2561 : i32
    %ne3A_2579 = arith.constant 0 : i32
    %ne3A_2580 = arith.cmpi ne, %rem3A_2578, %ne3A_2579 : i32
    %and3A_2581 = arith.andi %ne3A_2577, %ne3A_2580 : i1
    %sub3A_2582 = arith.constant 1 : i32
    %sub3A_2583 = arith.subi %div3A_2562, %sub3A_2582 : i32
    %select_n3A_2584 = arith.select %and3A_2581, %sub3A_2583, %div3A_2562 : i32
    %jit3A_2585 = arith.constant 16384 : i32
    %eq3A_2586 = arith.constant 0 : i32
    %eq3A_2587 = arith.cmpi eq, %jit3A_2585, %eq3A_2586 : i32
    %jit3A_2588 = arith.constant 1 : i32
    %select_n3A_2589 = arith.select %eq3A_2587, %jit3A_2588, %jit3A_2585 : i32
    %rem3A_2590 = arith.remsi %add3A_2560, %select_n3A_2589 : i32
    %ne3A_2591 = arith.constant 0 : i32
    %ne3A_2592 = arith.cmpi ne, %rem3A_2590, %ne3A_2591 : i32
    %lt3A_2593 = arith.constant 0 : i32
    %lt3A_2594 = arith.cmpi slt, %rem3A_2590, %lt3A_2593 : i32
    %lt3A_2595 = arith.constant 0 : i32
    %lt3A_2596 = arith.cmpi slt, %select_n3A_2589, %lt3A_2595 : i32
    %ne3A_2597 = arith.xori %lt3A_2594, %lt3A_2596 : i1
    %and3A_2598 = arith.andi %ne3A_2597, %ne3A_2592 : i1
    %add3A_2599 = arith.addi %rem3A_2590, %select_n3A_2589 : i32
    %select_n3A_2600 = arith.select %and3A_2598, %add3A_2599, %rem3A_2590 : i32
    %dma_start3A_2601 = arith.constant 3 : i32
    %dma_start3A_2602 = arith.constant 0 : i32
    %dma_start3A_2603 = arith.constant 0 : i32
    %dma_start3A_2604 = tpu.memref_slice %arg6[%dma_start3A_2601, %dma_start3A_2602, %dma_start3A_2603] : memref<6x128x128xf32, #tpu.memory_space<vmem>> -> memref<1x128x128xf32, #tpu.memory_space<vmem>>
    %dma_start3A_2605 = tpu.memref_squeeze %dma_start3A_2604 : memref<1x128x128xf32, #tpu.memory_space<vmem>> -> memref<128x128xf32, #tpu.memory_space<vmem>>
    %dma_start3A_2606 = arith.constant 0 : i32
    %dma_start3A_2607 = arith.constant 0 : i32
    %dma_start3A_2608 = tpu.memref_slice %arg4[%select_n3A_2584, %dma_start3A_2606, %dma_start3A_2607] : memref<26x16384x128xf32, #tpu.memory_space<hbm>> -> memref<1x16384x128xf32, #tpu.memory_space<hbm>>
    %dma_start3A_2609 = tpu.memref_squeeze %dma_start3A_2608 : memref<1x16384x128xf32, #tpu.memory_space<hbm>> -> memref<16384x128xf32, #tpu.memory_space<hbm>>
    %dma_start3A_2610 = arith.constant 0 : i32
    %dma_start3A_2611 = tpu.memref_slice %dma_start3A_2609[%select_n3A_2600, %dma_start3A_2610] : memref<16384x128xf32, #tpu.memory_space<hbm>> -> memref<128x128xf32, #tpu.memory_space<hbm>>
    %dma_start3A_2612 = arith.constant 0 : i32
    %dma_start3A_2613 = arith.constant 0 : i32
    %dma_start3A_2614 = tpu.memref_slice %arg4[%select_n3A_2584, %dma_start3A_2612, %dma_start3A_2613] : memref<26x16384x128xf32, #tpu.memory_space<hbm>> -> memref<1x16384x128xf32, #tpu.memory_space<hbm>>
    %dma_start3A_2615 = tpu.memref_squeeze %dma_start3A_2614 : memref<1x16384x128xf32, #tpu.memory_space<hbm>> -> memref<16384x128xf32, #tpu.memory_space<hbm>>
    %dma_start3A_2616 = arith.constant 0 : i32
    %dma_start3A_2617 = tpu.memref_slice %dma_start3A_2615[%select_n3A_2600, %dma_start3A_2616] : memref<16384x128xf32, #tpu.memory_space<hbm>> -> memref<128x128xf32, #tpu.memory_space<hbm>>
    %dma_start3A_2618 = arith.constant 0 : i32
    %dma_start3A_2619 = arith.constant 0 : i32
    %dma_start3A_2620 = tpu.memref_slice %arg6[%dma_start3A_2601, %dma_start3A_2618, %dma_start3A_2619] : memref<6x128x128xf32, #tpu.memory_space<vmem>> -> memref<1x128x128xf32, #tpu.memory_space<vmem>>
    %dma_start3A_2621 = tpu.memref_squeeze %dma_start3A_2620 : memref<1x128x128xf32, #tpu.memory_space<vmem>> -> memref<128x128xf32, #tpu.memory_space<vmem>>
    tpu.enqueue_dma source(%dma_start3A_2621 : memref<128x128xf32, #tpu.memory_space<vmem>>) target(%dma_start3A_2617 : memref<128x128xf32, #tpu.memory_space<hbm>>) target_semaphore(%arg8 : memref<!tpu.dma_semaphore, #tpu.memory_space<semaphore_mem>>)
    %add3A_2622 = arith.constant 12288 : i32
    %add3A_2623 = arith.addi %mul3A_2, %add3A_2622 : i32
    %jit3A_2624 = arith.constant 16384 : i32
    %div3A_2625 = arith.divsi %add3A_2623, %jit3A_2624 : i32
    %sign3A_2626 = arith.constant 0 : i32
    %sign3A_2627 = arith.cmpi sgt, %add3A_2623, %sign3A_2626 : i32
    %sign3A_2628 = arith.extui %sign3A_2627 : i1 to i32
    %sign3A_2629 = arith.constant 0 : i32
    %sign3A_2630 = arith.cmpi slt, %add3A_2623, %sign3A_2629 : i32
    %sign3A_2631 = arith.extui %sign3A_2630 : i1 to i32
    %sign3A_2632 = arith.subi %sign3A_2628, %sign3A_2631 : i32
    %sign3A_2633 = arith.constant 0 : i32
    %sign3A_2634 = arith.cmpi sgt, %jit3A_2624, %sign3A_2633 : i32
    %sign3A_2635 = arith.extui %sign3A_2634 : i1 to i32
    %sign3A_2636 = arith.constant 0 : i32
    %sign3A_2637 = arith.cmpi slt, %jit3A_2624, %sign3A_2636 : i32
    %sign3A_2638 = arith.extui %sign3A_2637 : i1 to i32
    %sign3A_2639 = arith.subi %sign3A_2635, %sign3A_2638 : i32
    %ne3A_2640 = arith.cmpi ne, %sign3A_2632, %sign3A_2639 : i32
    %rem3A_2641 = arith.remsi %add3A_2623, %jit3A_2624 : i32
    %ne3A_2642 = arith.constant 0 : i32
    %ne3A_2643 = arith.cmpi ne, %rem3A_2641, %ne3A_2642 : i32
    %and3A_2644 = arith.andi %ne3A_2640, %ne3A_2643 : i1
    %sub3A_2645 = arith.constant 1 : i32
    %sub3A_2646 = arith.subi %div3A_2625, %sub3A_2645 : i32
    %select_n3A_2647 = arith.select %and3A_2644, %sub3A_2646, %div3A_2625 : i32
    %jit3A_2648 = arith.constant 16384 : i32
    %eq3A_2649 = arith.constant 0 : i32
    %eq3A_2650 = arith.cmpi eq, %jit3A_2648, %eq3A_2649 : i32
    %jit3A_2651 = arith.constant 1 : i32
    %select_n3A_2652 = arith.select %eq3A_2650, %jit3A_2651, %jit3A_2648 : i32
    %rem3A_2653 = arith.remsi %add3A_2623, %select_n3A_2652 : i32
    %ne3A_2654 = arith.constant 0 : i32
    %ne3A_2655 = arith.cmpi ne, %rem3A_2653, %ne3A_2654 : i32
    %lt3A_2656 = arith.constant 0 : i32
    %lt3A_2657 = arith.cmpi slt, %rem3A_2653, %lt3A_2656 : i32
    %lt3A_2658 = arith.constant 0 : i32
    %lt3A_2659 = arith.cmpi slt, %select_n3A_2652, %lt3A_2658 : i32
    %ne3A_2660 = arith.xori %lt3A_2657, %lt3A_2659 : i1
    %and3A_2661 = arith.andi %ne3A_2660, %ne3A_2655 : i1
    %add3A_2662 = arith.addi %rem3A_2653, %select_n3A_2652 : i32
    %select_n3A_2663 = arith.select %and3A_2661, %add3A_2662, %rem3A_2653 : i32
    %dma_wait3A_2664 = arith.constant 0 : i32
    %dma_wait3A_2665 = arith.constant 0 : i32
    %dma_wait3A_2666 = arith.constant 0 : i32
    %dma_wait3A_2667 = tpu.memref_slice %arg6[%dma_wait3A_2664, %dma_wait3A_2665, %dma_wait3A_2666] : memref<6x128x128xf32, #tpu.memory_space<vmem>> -> memref<1x128x128xf32, #tpu.memory_space<vmem>>
    %dma_wait3A_2668 = tpu.memref_squeeze %dma_wait3A_2667 : memref<1x128x128xf32, #tpu.memory_space<vmem>> -> memref<128x128xf32, #tpu.memory_space<vmem>>
    %dma_wait3A_2669 = arith.constant 0 : i32
    %dma_wait3A_2670 = arith.constant 0 : i32
    %dma_wait3A_2671 = tpu.memref_slice %arg4[%select_n3A_2647, %dma_wait3A_2669, %dma_wait3A_2670] : memref<26x16384x128xf32, #tpu.memory_space<hbm>> -> memref<1x16384x128xf32, #tpu.memory_space<hbm>>
    %dma_wait3A_2672 = tpu.memref_squeeze %dma_wait3A_2671 : memref<1x16384x128xf32, #tpu.memory_space<hbm>> -> memref<16384x128xf32, #tpu.memory_space<hbm>>
    %dma_wait3A_2673 = arith.constant 0 : i32
    %dma_wait3A_2674 = tpu.memref_slice %dma_wait3A_2672[%select_n3A_2663, %dma_wait3A_2673] : memref<16384x128xf32, #tpu.memory_space<hbm>> -> memref<128x128xf32, #tpu.memory_space<hbm>>
    %dma_wait3A_2675 = arith.constant 0 : i32
    %dma_wait3A_2676 = arith.constant 0 : i32
    %dma_wait3A_2677 = tpu.memref_slice %arg4[%select_n3A_2647, %dma_wait3A_2675, %dma_wait3A_2676] : memref<26x16384x128xf32, #tpu.memory_space<hbm>> -> memref<1x16384x128xf32, #tpu.memory_space<hbm>>
    %dma_wait3A_2678 = tpu.memref_squeeze %dma_wait3A_2677 : memref<1x16384x128xf32, #tpu.memory_space<hbm>> -> memref<16384x128xf32, #tpu.memory_space<hbm>>
    %dma_wait3A_2679 = arith.constant 0 : i32
    %dma_wait3A_2680 = tpu.memref_slice %dma_wait3A_2678[%select_n3A_2663, %dma_wait3A_2679] : memref<16384x128xf32, #tpu.memory_space<hbm>> -> memref<128x128xf32, #tpu.memory_space<hbm>>
    %dma_wait3A_2681 = arith.constant 0 : i32
    %dma_wait3A_2682 = arith.constant 0 : i32
    %dma_wait3A_2683 = tpu.memref_slice %arg6[%dma_wait3A_2664, %dma_wait3A_2681, %dma_wait3A_2682] : memref<6x128x128xf32, #tpu.memory_space<vmem>> -> memref<1x128x128xf32, #tpu.memory_space<vmem>>
    %dma_wait3A_2684 = tpu.memref_squeeze %dma_wait3A_2683 : memref<1x128x128xf32, #tpu.memory_space<vmem>> -> memref<128x128xf32, #tpu.memory_space<vmem>>
    tpu.wait_dma2 semaphore(%arg8 : memref<!tpu.dma_semaphore, #tpu.memory_space<semaphore_mem>>) src(%dma_wait3A_2684 : memref<128x128xf32, #tpu.memory_space<vmem>>) dst(%dma_wait3A_2680 : memref<128x128xf32, #tpu.memory_space<hbm>>)
    %dma_start3A_2685 = arith.constant 0 : i32
    %dma_start3A_2686 = arith.constant 0 : i32
    %dma_start3A_2687 = arith.constant 0 : i32
    %dma_start3A_2688 = tpu.memref_slice %arg6[%dma_start3A_2685, %dma_start3A_2686, %dma_start3A_2687] : memref<6x128x128xf32, #tpu.memory_space<vmem>> -> memref<1x128x128xf32, #tpu.memory_space<vmem>>
    %dma_start3A_2689 = tpu.memref_squeeze %dma_start3A_2688 : memref<1x128x128xf32, #tpu.memory_space<vmem>> -> memref<128x128xf32, #tpu.memory_space<vmem>>
    %dma_start3A_2690 = arith.constant 13056 : i32
    %dma_start3A_2691 = tpu.memref_slice %arg5[%dma_start3A_2690] : memref<13312xi32, #tpu.memory_space<vmem>> -> memref<128xi32, #tpu.memory_space<vmem>>
    %dma_start3A_2692 = arith.constant 0 : i32
    %dma_start3A_2693 = arith.constant 0 : i32
    %dma_start3A_2694 = tpu.memref_slice %arg3[%dma_start3A_2692, %dma_start3A_2693] : memref<26000x128xf32, #tpu.memory_space<hbm>> -> memref<26000x128xf32, #tpu.memory_space<hbm>>
    tpu.enqueue_indirect_dma source(%dma_start3A_2694 : memref<26000x128xf32, #tpu.memory_space<hbm>>) target(%dma_start3A_2689 : memref<128x128xf32, #tpu.memory_space<vmem>>) offsets(%dma_start3A_2691 : memref<128xi32, #tpu.memory_space<vmem>>) semaphore(%arg7 : memref<!tpu.dma_semaphore, #tpu.memory_space<semaphore_mem>>)
    %dma_wait3A_2695 = arith.constant 4 : i32
    %dma_wait3A_2696 = arith.constant 0 : i32
    %dma_wait3A_2697 = arith.constant 0 : i32
    %dma_wait3A_2698 = tpu.memref_slice %arg6[%dma_wait3A_2695, %dma_wait3A_2696, %dma_wait3A_2697] : memref<6x128x128xf32, #tpu.memory_space<vmem>> -> memref<1x128x128xf32, #tpu.memory_space<vmem>>
    %dma_wait3A_2699 = tpu.memref_squeeze %dma_wait3A_2698 : memref<1x128x128xf32, #tpu.memory_space<vmem>> -> memref<128x128xf32, #tpu.memory_space<vmem>>
    %dma_wait3A_2700 = arith.constant 12800 : i32
    %dma_wait3A_2701 = tpu.memref_slice %arg5[%dma_wait3A_2700] : memref<13312xi32, #tpu.memory_space<vmem>> -> memref<128xi32, #tpu.memory_space<vmem>>
    %dma_wait3A_2702 = arith.constant 0 : i32
    %dma_wait3A_2703 = arith.constant 0 : i32
    %dma_wait3A_2704 = tpu.memref_slice %arg3[%dma_wait3A_2702, %dma_wait3A_2703] : memref<26000x128xf32, #tpu.memory_space<hbm>> -> memref<26000x128xf32, #tpu.memory_space<hbm>>
    tpu.wait_indirect_dma semaphore(%arg7 : memref<!tpu.dma_semaphore, #tpu.memory_space<semaphore_mem>>) src(%dma_wait3A_2704 : memref<26000x128xf32, #tpu.memory_space<hbm>>) dst(%dma_wait3A_2699 : memref<128x128xf32, #tpu.memory_space<vmem>>)
    %add3A_2705 = arith.constant 12800 : i32
    %add3A_2706 = arith.addi %mul3A_2, %add3A_2705 : i32
    %jit3A_2707 = arith.constant 16384 : i32
    %div3A_2708 = arith.divsi %add3A_2706, %jit3A_2707 : i32
    %sign3A_2709 = arith.constant 0 : i32
    %sign3A_2710 = arith.cmpi sgt, %add3A_2706, %sign3A_2709 : i32
    %sign3A_2711 = arith.extui %sign3A_2710 : i1 to i32
    %sign3A_2712 = arith.constant 0 : i32
    %sign3A_2713 = arith.cmpi slt, %add3A_2706, %sign3A_2712 : i32
    %sign3A_2714 = arith.extui %sign3A_2713 : i1 to i32
    %sign3A_2715 = arith.subi %sign3A_2711, %sign3A_2714 : i32
    %sign3A_2716 = arith.constant 0 : i32
    %sign3A_2717 = arith.cmpi sgt, %jit3A_2707, %sign3A_2716 : i32
    %sign3A_2718 = arith.extui %sign3A_2717 : i1 to i32
    %sign3A_2719 = arith.constant 0 : i32
    %sign3A_2720 = arith.cmpi slt, %jit3A_2707, %sign3A_2719 : i32
    %sign3A_2721 = arith.extui %sign3A_2720 : i1 to i32
    %sign3A_2722 = arith.subi %sign3A_2718, %sign3A_2721 : i32
    %ne3A_2723 = arith.cmpi ne, %sign3A_2715, %sign3A_2722 : i32
    %rem3A_2724 = arith.remsi %add3A_2706, %jit3A_2707 : i32
    %ne3A_2725 = arith.constant 0 : i32
    %ne3A_2726 = arith.cmpi ne, %rem3A_2724, %ne3A_2725 : i32
    %and3A_2727 = arith.andi %ne3A_2723, %ne3A_2726 : i1
    %sub3A_2728 = arith.constant 1 : i32
    %sub3A_2729 = arith.subi %div3A_2708, %sub3A_2728 : i32
    %select_n3A_2730 = arith.select %and3A_2727, %sub3A_2729, %div3A_2708 : i32
    %jit3A_2731 = arith.constant 16384 : i32
    %eq3A_2732 = arith.constant 0 : i32
    %eq3A_2733 = arith.cmpi eq, %jit3A_2731, %eq3A_2732 : i32
    %jit3A_2734 = arith.constant 1 : i32
    %select_n3A_2735 = arith.select %eq3A_2733, %jit3A_2734, %jit3A_2731 : i32
    %rem3A_2736 = arith.remsi %add3A_2706, %select_n3A_2735 : i32
    %ne3A_2737 = arith.constant 0 : i32
    %ne3A_2738 = arith.cmpi ne, %rem3A_2736, %ne3A_2737 : i32
    %lt3A_2739 = arith.constant 0 : i32
    %lt3A_2740 = arith.cmpi slt, %rem3A_2736, %lt3A_2739 : i32
    %lt3A_2741 = arith.constant 0 : i32
    %lt3A_2742 = arith.cmpi slt, %select_n3A_2735, %lt3A_2741 : i32
    %ne3A_2743 = arith.xori %lt3A_2740, %lt3A_2742 : i1
    %and3A_2744 = arith.andi %ne3A_2743, %ne3A_2738 : i1
    %add3A_2745 = arith.addi %rem3A_2736, %select_n3A_2735 : i32
    %select_n3A_2746 = arith.select %and3A_2744, %add3A_2745, %rem3A_2736 : i32
    %dma_start3A_2747 = arith.constant 4 : i32
    %dma_start3A_2748 = arith.constant 0 : i32
    %dma_start3A_2749 = arith.constant 0 : i32
    %dma_start3A_2750 = tpu.memref_slice %arg6[%dma_start3A_2747, %dma_start3A_2748, %dma_start3A_2749] : memref<6x128x128xf32, #tpu.memory_space<vmem>> -> memref<1x128x128xf32, #tpu.memory_space<vmem>>
    %dma_start3A_2751 = tpu.memref_squeeze %dma_start3A_2750 : memref<1x128x128xf32, #tpu.memory_space<vmem>> -> memref<128x128xf32, #tpu.memory_space<vmem>>
    %dma_start3A_2752 = arith.constant 0 : i32
    %dma_start3A_2753 = arith.constant 0 : i32
    %dma_start3A_2754 = tpu.memref_slice %arg4[%select_n3A_2730, %dma_start3A_2752, %dma_start3A_2753] : memref<26x16384x128xf32, #tpu.memory_space<hbm>> -> memref<1x16384x128xf32, #tpu.memory_space<hbm>>
    %dma_start3A_2755 = tpu.memref_squeeze %dma_start3A_2754 : memref<1x16384x128xf32, #tpu.memory_space<hbm>> -> memref<16384x128xf32, #tpu.memory_space<hbm>>
    %dma_start3A_2756 = arith.constant 0 : i32
    %dma_start3A_2757 = tpu.memref_slice %dma_start3A_2755[%select_n3A_2746, %dma_start3A_2756] : memref<16384x128xf32, #tpu.memory_space<hbm>> -> memref<128x128xf32, #tpu.memory_space<hbm>>
    %dma_start3A_2758 = arith.constant 0 : i32
    %dma_start3A_2759 = arith.constant 0 : i32
    %dma_start3A_2760 = tpu.memref_slice %arg4[%select_n3A_2730, %dma_start3A_2758, %dma_start3A_2759] : memref<26x16384x128xf32, #tpu.memory_space<hbm>> -> memref<1x16384x128xf32, #tpu.memory_space<hbm>>
    %dma_start3A_2761 = tpu.memref_squeeze %dma_start3A_2760 : memref<1x16384x128xf32, #tpu.memory_space<hbm>> -> memref<16384x128xf32, #tpu.memory_space<hbm>>
    %dma_start3A_2762 = arith.constant 0 : i32
    %dma_start3A_2763 = tpu.memref_slice %dma_start3A_2761[%select_n3A_2746, %dma_start3A_2762] : memref<16384x128xf32, #tpu.memory_space<hbm>> -> memref<128x128xf32, #tpu.memory_space<hbm>>
    %dma_start3A_2764 = arith.constant 0 : i32
    %dma_start3A_2765 = arith.constant 0 : i32
    %dma_start3A_2766 = tpu.memref_slice %arg6[%dma_start3A_2747, %dma_start3A_2764, %dma_start3A_2765] : memref<6x128x128xf32, #tpu.memory_space<vmem>> -> memref<1x128x128xf32, #tpu.memory_space<vmem>>
    %dma_start3A_2767 = tpu.memref_squeeze %dma_start3A_2766 : memref<1x128x128xf32, #tpu.memory_space<vmem>> -> memref<128x128xf32, #tpu.memory_space<vmem>>
    tpu.enqueue_dma source(%dma_start3A_2767 : memref<128x128xf32, #tpu.memory_space<vmem>>) target(%dma_start3A_2763 : memref<128x128xf32, #tpu.memory_space<hbm>>) target_semaphore(%arg8 : memref<!tpu.dma_semaphore, #tpu.memory_space<semaphore_mem>>)
    %add3A_2768 = arith.constant 12416 : i32
    %add3A_2769 = arith.addi %mul3A_2, %add3A_2768 : i32
    %jit3A_2770 = arith.constant 16384 : i32
    %div3A_2771 = arith.divsi %add3A_2769, %jit3A_2770 : i32
    %sign3A_2772 = arith.constant 0 : i32
    %sign3A_2773 = arith.cmpi sgt, %add3A_2769, %sign3A_2772 : i32
    %sign3A_2774 = arith.extui %sign3A_2773 : i1 to i32
    %sign3A_2775 = arith.constant 0 : i32
    %sign3A_2776 = arith.cmpi slt, %add3A_2769, %sign3A_2775 : i32
    %sign3A_2777 = arith.extui %sign3A_2776 : i1 to i32
    %sign3A_2778 = arith.subi %sign3A_2774, %sign3A_2777 : i32
    %sign3A_2779 = arith.constant 0 : i32
    %sign3A_2780 = arith.cmpi sgt, %jit3A_2770, %sign3A_2779 : i32
    %sign3A_2781 = arith.extui %sign3A_2780 : i1 to i32
    %sign3A_2782 = arith.constant 0 : i32
    %sign3A_2783 = arith.cmpi slt, %jit3A_2770, %sign3A_2782 : i32
    %sign3A_2784 = arith.extui %sign3A_2783 : i1 to i32
    %sign3A_2785 = arith.subi %sign3A_2781, %sign3A_2784 : i32
    %ne3A_2786 = arith.cmpi ne, %sign3A_2778, %sign3A_2785 : i32
    %rem3A_2787 = arith.remsi %add3A_2769, %jit3A_2770 : i32
    %ne3A_2788 = arith.constant 0 : i32
    %ne3A_2789 = arith.cmpi ne, %rem3A_2787, %ne3A_2788 : i32
    %and3A_2790 = arith.andi %ne3A_2786, %ne3A_2789 : i1
    %sub3A_2791 = arith.constant 1 : i32
    %sub3A_2792 = arith.subi %div3A_2771, %sub3A_2791 : i32
    %select_n3A_2793 = arith.select %and3A_2790, %sub3A_2792, %div3A_2771 : i32
    %jit3A_2794 = arith.constant 16384 : i32
    %eq3A_2795 = arith.constant 0 : i32
    %eq3A_2796 = arith.cmpi eq, %jit3A_2794, %eq3A_2795 : i32
    %jit3A_2797 = arith.constant 1 : i32
    %select_n3A_2798 = arith.select %eq3A_2796, %jit3A_2797, %jit3A_2794 : i32
    %rem3A_2799 = arith.remsi %add3A_2769, %select_n3A_2798 : i32
    %ne3A_2800 = arith.constant 0 : i32
    %ne3A_2801 = arith.cmpi ne, %rem3A_2799, %ne3A_2800 : i32
    %lt3A_2802 = arith.constant 0 : i32
    %lt3A_2803 = arith.cmpi slt, %rem3A_2799, %lt3A_2802 : i32
    %lt3A_2804 = arith.constant 0 : i32
    %lt3A_2805 = arith.cmpi slt, %select_n3A_2798, %lt3A_2804 : i32
    %ne3A_2806 = arith.xori %lt3A_2803, %lt3A_2805 : i1
    %and3A_2807 = arith.andi %ne3A_2806, %ne3A_2801 : i1
    %add3A_2808 = arith.addi %rem3A_2799, %select_n3A_2798 : i32
    %select_n3A_2809 = arith.select %and3A_2807, %add3A_2808, %rem3A_2799 : i32
    %dma_wait3A_2810 = arith.constant 1 : i32
    %dma_wait3A_2811 = arith.constant 0 : i32
    %dma_wait3A_2812 = arith.constant 0 : i32
    %dma_wait3A_2813 = tpu.memref_slice %arg6[%dma_wait3A_2810, %dma_wait3A_2811, %dma_wait3A_2812] : memref<6x128x128xf32, #tpu.memory_space<vmem>> -> memref<1x128x128xf32, #tpu.memory_space<vmem>>
    %dma_wait3A_2814 = tpu.memref_squeeze %dma_wait3A_2813 : memref<1x128x128xf32, #tpu.memory_space<vmem>> -> memref<128x128xf32, #tpu.memory_space<vmem>>
    %dma_wait3A_2815 = arith.constant 0 : i32
    %dma_wait3A_2816 = arith.constant 0 : i32
    %dma_wait3A_2817 = tpu.memref_slice %arg4[%select_n3A_2793, %dma_wait3A_2815, %dma_wait3A_2816] : memref<26x16384x128xf32, #tpu.memory_space<hbm>> -> memref<1x16384x128xf32, #tpu.memory_space<hbm>>
    %dma_wait3A_2818 = tpu.memref_squeeze %dma_wait3A_2817 : memref<1x16384x128xf32, #tpu.memory_space<hbm>> -> memref<16384x128xf32, #tpu.memory_space<hbm>>
    %dma_wait3A_2819 = arith.constant 0 : i32
    %dma_wait3A_2820 = tpu.memref_slice %dma_wait3A_2818[%select_n3A_2809, %dma_wait3A_2819] : memref<16384x128xf32, #tpu.memory_space<hbm>> -> memref<128x128xf32, #tpu.memory_space<hbm>>
    %dma_wait3A_2821 = arith.constant 0 : i32
    %dma_wait3A_2822 = arith.constant 0 : i32
    %dma_wait3A_2823 = tpu.memref_slice %arg4[%select_n3A_2793, %dma_wait3A_2821, %dma_wait3A_2822] : memref<26x16384x128xf32, #tpu.memory_space<hbm>> -> memref<1x16384x128xf32, #tpu.memory_space<hbm>>
    %dma_wait3A_2824 = tpu.memref_squeeze %dma_wait3A_2823 : memref<1x16384x128xf32, #tpu.memory_space<hbm>> -> memref<16384x128xf32, #tpu.memory_space<hbm>>
    %dma_wait3A_2825 = arith.constant 0 : i32
    %dma_wait3A_2826 = tpu.memref_slice %dma_wait3A_2824[%select_n3A_2809, %dma_wait3A_2825] : memref<16384x128xf32, #tpu.memory_space<hbm>> -> memref<128x128xf32, #tpu.memory_space<hbm>>
    %dma_wait3A_2827 = arith.constant 0 : i32
    %dma_wait3A_2828 = arith.constant 0 : i32
    %dma_wait3A_2829 = tpu.memref_slice %arg6[%dma_wait3A_2810, %dma_wait3A_2827, %dma_wait3A_2828] : memref<6x128x128xf32, #tpu.memory_space<vmem>> -> memref<1x128x128xf32, #tpu.memory_space<vmem>>
    %dma_wait3A_2830 = tpu.memref_squeeze %dma_wait3A_2829 : memref<1x128x128xf32, #tpu.memory_space<vmem>> -> memref<128x128xf32, #tpu.memory_space<vmem>>
    tpu.wait_dma2 semaphore(%arg8 : memref<!tpu.dma_semaphore, #tpu.memory_space<semaphore_mem>>) src(%dma_wait3A_2830 : memref<128x128xf32, #tpu.memory_space<vmem>>) dst(%dma_wait3A_2826 : memref<128x128xf32, #tpu.memory_space<hbm>>)
    %dma_start3A_2831 = arith.constant 1 : i32
    %dma_start3A_2832 = arith.constant 0 : i32
    %dma_start3A_2833 = arith.constant 0 : i32
    %dma_start3A_2834 = tpu.memref_slice %arg6[%dma_start3A_2831, %dma_start3A_2832, %dma_start3A_2833] : memref<6x128x128xf32, #tpu.memory_space<vmem>> -> memref<1x128x128xf32, #tpu.memory_space<vmem>>
    %dma_start3A_2835 = tpu.memref_squeeze %dma_start3A_2834 : memref<1x128x128xf32, #tpu.memory_space<vmem>> -> memref<128x128xf32, #tpu.memory_space<vmem>>
    %dma_start3A_2836 = arith.constant 13184 : i32
    %dma_start3A_2837 = tpu.memref_slice %arg5[%dma_start3A_2836] : memref<13312xi32, #tpu.memory_space<vmem>> -> memref<128xi32, #tpu.memory_space<vmem>>
    %dma_start3A_2838 = arith.constant 0 : i32
    %dma_start3A_2839 = arith.constant 0 : i32
    %dma_start3A_2840 = tpu.memref_slice %arg3[%dma_start3A_2838, %dma_start3A_2839] : memref<26000x128xf32, #tpu.memory_space<hbm>> -> memref<26000x128xf32, #tpu.memory_space<hbm>>
    tpu.enqueue_indirect_dma source(%dma_start3A_2840 : memref<26000x128xf32, #tpu.memory_space<hbm>>) target(%dma_start3A_2835 : memref<128x128xf32, #tpu.memory_space<vmem>>) offsets(%dma_start3A_2837 : memref<128xi32, #tpu.memory_space<vmem>>) semaphore(%arg7 : memref<!tpu.dma_semaphore, #tpu.memory_space<semaphore_mem>>)
    %dma_wait3A_2841 = arith.constant 5 : i32
    %dma_wait3A_2842 = arith.constant 0 : i32
    %dma_wait3A_2843 = arith.constant 0 : i32
    %dma_wait3A_2844 = tpu.memref_slice %arg6[%dma_wait3A_2841, %dma_wait3A_2842, %dma_wait3A_2843] : memref<6x128x128xf32, #tpu.memory_space<vmem>> -> memref<1x128x128xf32, #tpu.memory_space<vmem>>
    %dma_wait3A_2845 = tpu.memref_squeeze %dma_wait3A_2844 : memref<1x128x128xf32, #tpu.memory_space<vmem>> -> memref<128x128xf32, #tpu.memory_space<vmem>>
    %dma_wait3A_2846 = arith.constant 12928 : i32
    %dma_wait3A_2847 = tpu.memref_slice %arg5[%dma_wait3A_2846] : memref<13312xi32, #tpu.memory_space<vmem>> -> memref<128xi32, #tpu.memory_space<vmem>>
    %dma_wait3A_2848 = arith.constant 0 : i32
    %dma_wait3A_2849 = arith.constant 0 : i32
    %dma_wait3A_2850 = tpu.memref_slice %arg3[%dma_wait3A_2848, %dma_wait3A_2849] : memref<26000x128xf32, #tpu.memory_space<hbm>> -> memref<26000x128xf32, #tpu.memory_space<hbm>>
    tpu.wait_indirect_dma semaphore(%arg7 : memref<!tpu.dma_semaphore, #tpu.memory_space<semaphore_mem>>) src(%dma_wait3A_2850 : memref<26000x128xf32, #tpu.memory_space<hbm>>) dst(%dma_wait3A_2845 : memref<128x128xf32, #tpu.memory_space<vmem>>)
    %add3A_2851 = arith.constant 12928 : i32
    %add3A_2852 = arith.addi %mul3A_2, %add3A_2851 : i32
    %jit3A_2853 = arith.constant 16384 : i32
    %div3A_2854 = arith.divsi %add3A_2852, %jit3A_2853 : i32
    %sign3A_2855 = arith.constant 0 : i32
    %sign3A_2856 = arith.cmpi sgt, %add3A_2852, %sign3A_2855 : i32
    %sign3A_2857 = arith.extui %sign3A_2856 : i1 to i32
    %sign3A_2858 = arith.constant 0 : i32
    %sign3A_2859 = arith.cmpi slt, %add3A_2852, %sign3A_2858 : i32
    %sign3A_2860 = arith.extui %sign3A_2859 : i1 to i32
    %sign3A_2861 = arith.subi %sign3A_2857, %sign3A_2860 : i32
    %sign3A_2862 = arith.constant 0 : i32
    %sign3A_2863 = arith.cmpi sgt, %jit3A_2853, %sign3A_2862 : i32
    %sign3A_2864 = arith.extui %sign3A_2863 : i1 to i32
    %sign3A_2865 = arith.constant 0 : i32
    %sign3A_2866 = arith.cmpi slt, %jit3A_2853, %sign3A_2865 : i32
    %sign3A_2867 = arith.extui %sign3A_2866 : i1 to i32
    %sign3A_2868 = arith.subi %sign3A_2864, %sign3A_2867 : i32
    %ne3A_2869 = arith.cmpi ne, %sign3A_2861, %sign3A_2868 : i32
    %rem3A_2870 = arith.remsi %add3A_2852, %jit3A_2853 : i32
    %ne3A_2871 = arith.constant 0 : i32
    %ne3A_2872 = arith.cmpi ne, %rem3A_2870, %ne3A_2871 : i32
    %and3A_2873 = arith.andi %ne3A_2869, %ne3A_2872 : i1
    %sub3A_2874 = arith.constant 1 : i32
    %sub3A_2875 = arith.subi %div3A_2854, %sub3A_2874 : i32
    %select_n3A_2876 = arith.select %and3A_2873, %sub3A_2875, %div3A_2854 : i32
    %jit3A_2877 = arith.constant 16384 : i32
    %eq3A_2878 = arith.constant 0 : i32
    %eq3A_2879 = arith.cmpi eq, %jit3A_2877, %eq3A_2878 : i32
    %jit3A_2880 = arith.constant 1 : i32
    %select_n3A_2881 = arith.select %eq3A_2879, %jit3A_2880, %jit3A_2877 : i32
    %rem3A_2882 = arith.remsi %add3A_2852, %select_n3A_2881 : i32
    %ne3A_2883 = arith.constant 0 : i32
    %ne3A_2884 = arith.cmpi ne, %rem3A_2882, %ne3A_2883 : i32
    %lt3A_2885 = arith.constant 0 : i32
    %lt3A_2886 = arith.cmpi slt, %rem3A_2882, %lt3A_2885 : i32
    %lt3A_2887 = arith.constant 0 : i32
    %lt3A_2888 = arith.cmpi slt, %select_n3A_2881, %lt3A_2887 : i32
    %ne3A_2889 = arith.xori %lt3A_2886, %lt3A_2888 : i1
    %and3A_2890 = arith.andi %ne3A_2889, %ne3A_2884 : i1
    %add3A_2891 = arith.addi %rem3A_2882, %select_n3A_2881 : i32
    %select_n3A_2892 = arith.select %and3A_2890, %add3A_2891, %rem3A_2882 : i32
    %dma_start3A_2893 = arith.constant 5 : i32
    %dma_start3A_2894 = arith.constant 0 : i32
    %dma_start3A_2895 = arith.constant 0 : i32
    %dma_start3A_2896 = tpu.memref_slice %arg6[%dma_start3A_2893, %dma_start3A_2894, %dma_start3A_2895] : memref<6x128x128xf32, #tpu.memory_space<vmem>> -> memref<1x128x128xf32, #tpu.memory_space<vmem>>
    %dma_start3A_2897 = tpu.memref_squeeze %dma_start3A_2896 : memref<1x128x128xf32, #tpu.memory_space<vmem>> -> memref<128x128xf32, #tpu.memory_space<vmem>>
    %dma_start3A_2898 = arith.constant 0 : i32
    %dma_start3A_2899 = arith.constant 0 : i32
    %dma_start3A_2900 = tpu.memref_slice %arg4[%select_n3A_2876, %dma_start3A_2898, %dma_start3A_2899] : memref<26x16384x128xf32, #tpu.memory_space<hbm>> -> memref<1x16384x128xf32, #tpu.memory_space<hbm>>
    %dma_start3A_2901 = tpu.memref_squeeze %dma_start3A_2900 : memref<1x16384x128xf32, #tpu.memory_space<hbm>> -> memref<16384x128xf32, #tpu.memory_space<hbm>>
    %dma_start3A_2902 = arith.constant 0 : i32
    %dma_start3A_2903 = tpu.memref_slice %dma_start3A_2901[%select_n3A_2892, %dma_start3A_2902] : memref<16384x128xf32, #tpu.memory_space<hbm>> -> memref<128x128xf32, #tpu.memory_space<hbm>>
    %dma_start3A_2904 = arith.constant 0 : i32
    %dma_start3A_2905 = arith.constant 0 : i32
    %dma_start3A_2906 = tpu.memref_slice %arg4[%select_n3A_2876, %dma_start3A_2904, %dma_start3A_2905] : memref<26x16384x128xf32, #tpu.memory_space<hbm>> -> memref<1x16384x128xf32, #tpu.memory_space<hbm>>
    %dma_start3A_2907 = tpu.memref_squeeze %dma_start3A_2906 : memref<1x16384x128xf32, #tpu.memory_space<hbm>> -> memref<16384x128xf32, #tpu.memory_space<hbm>>
    %dma_start3A_2908 = arith.constant 0 : i32
    %dma_start3A_2909 = tpu.memref_slice %dma_start3A_2907[%select_n3A_2892, %dma_start3A_2908] : memref<16384x128xf32, #tpu.memory_space<hbm>> -> memref<128x128xf32, #tpu.memory_space<hbm>>
    %dma_start3A_2910 = arith.constant 0 : i32
    %dma_start3A_2911 = arith.constant 0 : i32
    %dma_start3A_2912 = tpu.memref_slice %arg6[%dma_start3A_2893, %dma_start3A_2910, %dma_start3A_2911] : memref<6x128x128xf32, #tpu.memory_space<vmem>> -> memref<1x128x128xf32, #tpu.memory_space<vmem>>
    %dma_start3A_2913 = tpu.memref_squeeze %dma_start3A_2912 : memref<1x128x128xf32, #tpu.memory_space<vmem>> -> memref<128x128xf32, #tpu.memory_space<vmem>>
    tpu.enqueue_dma source(%dma_start3A_2913 : memref<128x128xf32, #tpu.memory_space<vmem>>) target(%dma_start3A_2909 : memref<128x128xf32, #tpu.memory_space<hbm>>) target_semaphore(%arg8 : memref<!tpu.dma_semaphore, #tpu.memory_space<semaphore_mem>>)
    %add3A_2914 = arith.constant 12544 : i32
    %add3A_2915 = arith.addi %mul3A_2, %add3A_2914 : i32
    %jit3A_2916 = arith.constant 16384 : i32
    %div3A_2917 = arith.divsi %add3A_2915, %jit3A_2916 : i32
    %sign3A_2918 = arith.constant 0 : i32
    %sign3A_2919 = arith.cmpi sgt, %add3A_2915, %sign3A_2918 : i32
    %sign3A_2920 = arith.extui %sign3A_2919 : i1 to i32
    %sign3A_2921 = arith.constant 0 : i32
    %sign3A_2922 = arith.cmpi slt, %add3A_2915, %sign3A_2921 : i32
    %sign3A_2923 = arith.extui %sign3A_2922 : i1 to i32
    %sign3A_2924 = arith.subi %sign3A_2920, %sign3A_2923 : i32
    %sign3A_2925 = arith.constant 0 : i32
    %sign3A_2926 = arith.cmpi sgt, %jit3A_2916, %sign3A_2925 : i32
    %sign3A_2927 = arith.extui %sign3A_2926 : i1 to i32
    %sign3A_2928 = arith.constant 0 : i32
    %sign3A_2929 = arith.cmpi slt, %jit3A_2916, %sign3A_2928 : i32
    %sign3A_2930 = arith.extui %sign3A_2929 : i1 to i32
    %sign3A_2931 = arith.subi %sign3A_2927, %sign3A_2930 : i32
    %ne3A_2932 = arith.cmpi ne, %sign3A_2924, %sign3A_2931 : i32
    %rem3A_2933 = arith.remsi %add3A_2915, %jit3A_2916 : i32
    %ne3A_2934 = arith.constant 0 : i32
    %ne3A_2935 = arith.cmpi ne, %rem3A_2933, %ne3A_2934 : i32
    %and3A_2936 = arith.andi %ne3A_2932, %ne3A_2935 : i1
    %sub3A_2937 = arith.constant 1 : i32
    %sub3A_2938 = arith.subi %div3A_2917, %sub3A_2937 : i32
    %select_n3A_2939 = arith.select %and3A_2936, %sub3A_2938, %div3A_2917 : i32
    %jit3A_2940 = arith.constant 16384 : i32
    %eq3A_2941 = arith.constant 0 : i32
    %eq3A_2942 = arith.cmpi eq, %jit3A_2940, %eq3A_2941 : i32
    %jit3A_2943 = arith.constant 1 : i32
    %select_n3A_2944 = arith.select %eq3A_2942, %jit3A_2943, %jit3A_2940 : i32
    %rem3A_2945 = arith.remsi %add3A_2915, %select_n3A_2944 : i32
    %ne3A_2946 = arith.constant 0 : i32
    %ne3A_2947 = arith.cmpi ne, %rem3A_2945, %ne3A_2946 : i32
    %lt3A_2948 = arith.constant 0 : i32
    %lt3A_2949 = arith.cmpi slt, %rem3A_2945, %lt3A_2948 : i32
    %lt3A_2950 = arith.constant 0 : i32
    %lt3A_2951 = arith.cmpi slt, %select_n3A_2944, %lt3A_2950 : i32
    %ne3A_2952 = arith.xori %lt3A_2949, %lt3A_2951 : i1
    %and3A_2953 = arith.andi %ne3A_2952, %ne3A_2947 : i1
    %add3A_2954 = arith.addi %rem3A_2945, %select_n3A_2944 : i32
    %select_n3A_2955 = arith.select %and3A_2953, %add3A_2954, %rem3A_2945 : i32
    %dma_wait3A_2956 = arith.constant 2 : i32
    %dma_wait3A_2957 = arith.constant 0 : i32
    %dma_wait3A_2958 = arith.constant 0 : i32
    %dma_wait3A_2959 = tpu.memref_slice %arg6[%dma_wait3A_2956, %dma_wait3A_2957, %dma_wait3A_2958] : memref<6x128x128xf32, #tpu.memory_space<vmem>> -> memref<1x128x128xf32, #tpu.memory_space<vmem>>
    %dma_wait3A_2960 = tpu.memref_squeeze %dma_wait3A_2959 : memref<1x128x128xf32, #tpu.memory_space<vmem>> -> memref<128x128xf32, #tpu.memory_space<vmem>>
    %dma_wait3A_2961 = arith.constant 0 : i32
    %dma_wait3A_2962 = arith.constant 0 : i32
    %dma_wait3A_2963 = tpu.memref_slice %arg4[%select_n3A_2939, %dma_wait3A_2961, %dma_wait3A_2962] : memref<26x16384x128xf32, #tpu.memory_space<hbm>> -> memref<1x16384x128xf32, #tpu.memory_space<hbm>>
    %dma_wait3A_2964 = tpu.memref_squeeze %dma_wait3A_2963 : memref<1x16384x128xf32, #tpu.memory_space<hbm>> -> memref<16384x128xf32, #tpu.memory_space<hbm>>
    %dma_wait3A_2965 = arith.constant 0 : i32
    %dma_wait3A_2966 = tpu.memref_slice %dma_wait3A_2964[%select_n3A_2955, %dma_wait3A_2965] : memref<16384x128xf32, #tpu.memory_space<hbm>> -> memref<128x128xf32, #tpu.memory_space<hbm>>
    %dma_wait3A_2967 = arith.constant 0 : i32
    %dma_wait3A_2968 = arith.constant 0 : i32
    %dma_wait3A_2969 = tpu.memref_slice %arg4[%select_n3A_2939, %dma_wait3A_2967, %dma_wait3A_2968] : memref<26x16384x128xf32, #tpu.memory_space<hbm>> -> memref<1x16384x128xf32, #tpu.memory_space<hbm>>
    %dma_wait3A_2970 = tpu.memref_squeeze %dma_wait3A_2969 : memref<1x16384x128xf32, #tpu.memory_space<hbm>> -> memref<16384x128xf32, #tpu.memory_space<hbm>>
    %dma_wait3A_2971 = arith.constant 0 : i32
    %dma_wait3A_2972 = tpu.memref_slice %dma_wait3A_2970[%select_n3A_2955, %dma_wait3A_2971] : memref<16384x128xf32, #tpu.memory_space<hbm>> -> memref<128x128xf32, #tpu.memory_space<hbm>>
    %dma_wait3A_2973 = arith.constant 0 : i32
    %dma_wait3A_2974 = arith.constant 0 : i32
    %dma_wait3A_2975 = tpu.memref_slice %arg6[%dma_wait3A_2956, %dma_wait3A_2973, %dma_wait3A_2974] : memref<6x128x128xf32, #tpu.memory_space<vmem>> -> memref<1x128x128xf32, #tpu.memory_space<vmem>>
    %dma_wait3A_2976 = tpu.memref_squeeze %dma_wait3A_2975 : memref<1x128x128xf32, #tpu.memory_space<vmem>> -> memref<128x128xf32, #tpu.memory_space<vmem>>
    tpu.wait_dma2 semaphore(%arg8 : memref<!tpu.dma_semaphore, #tpu.memory_space<semaphore_mem>>) src(%dma_wait3A_2976 : memref<128x128xf32, #tpu.memory_space<vmem>>) dst(%dma_wait3A_2972 : memref<128x128xf32, #tpu.memory_space<hbm>>)
    %dma_wait3A_2977 = arith.constant 0 : i32
    %dma_wait3A_2978 = arith.constant 0 : i32
    %dma_wait3A_2979 = arith.constant 0 : i32
    %dma_wait3A_2980 = tpu.memref_slice %arg6[%dma_wait3A_2977, %dma_wait3A_2978, %dma_wait3A_2979] : memref<6x128x128xf32, #tpu.memory_space<vmem>> -> memref<1x128x128xf32, #tpu.memory_space<vmem>>
    %dma_wait3A_2981 = tpu.memref_squeeze %dma_wait3A_2980 : memref<1x128x128xf32, #tpu.memory_space<vmem>> -> memref<128x128xf32, #tpu.memory_space<vmem>>
    %dma_wait3A_2982 = arith.constant 13056 : i32
    %dma_wait3A_2983 = tpu.memref_slice %arg5[%dma_wait3A_2982] : memref<13312xi32, #tpu.memory_space<vmem>> -> memref<128xi32, #tpu.memory_space<vmem>>
    %dma_wait3A_2984 = arith.constant 0 : i32
    %dma_wait3A_2985 = arith.constant 0 : i32
    %dma_wait3A_2986 = tpu.memref_slice %arg3[%dma_wait3A_2984, %dma_wait3A_2985] : memref<26000x128xf32, #tpu.memory_space<hbm>> -> memref<26000x128xf32, #tpu.memory_space<hbm>>
    tpu.wait_indirect_dma semaphore(%arg7 : memref<!tpu.dma_semaphore, #tpu.memory_space<semaphore_mem>>) src(%dma_wait3A_2986 : memref<26000x128xf32, #tpu.memory_space<hbm>>) dst(%dma_wait3A_2981 : memref<128x128xf32, #tpu.memory_space<vmem>>)
    %add3A_2987 = arith.constant 13056 : i32
    %add3A_2988 = arith.addi %mul3A_2, %add3A_2987 : i32
    %jit3A_2989 = arith.constant 16384 : i32
    %div3A_2990 = arith.divsi %add3A_2988, %jit3A_2989 : i32
    %sign3A_2991 = arith.constant 0 : i32
    %sign3A_2992 = arith.cmpi sgt, %add3A_2988, %sign3A_2991 : i32
    %sign3A_2993 = arith.extui %sign3A_2992 : i1 to i32
    %sign3A_2994 = arith.constant 0 : i32
    %sign3A_2995 = arith.cmpi slt, %add3A_2988, %sign3A_2994 : i32
    %sign3A_2996 = arith.extui %sign3A_2995 : i1 to i32
    %sign3A_2997 = arith.subi %sign3A_2993, %sign3A_2996 : i32
    %sign3A_2998 = arith.constant 0 : i32
    %sign3A_2999 = arith.cmpi sgt, %jit3A_2989, %sign3A_2998 : i32
    %sign3A_3000 = arith.extui %sign3A_2999 : i1 to i32
    %sign3A_3001 = arith.constant 0 : i32
    %sign3A_3002 = arith.cmpi slt, %jit3A_2989, %sign3A_3001 : i32
    %sign3A_3003 = arith.extui %sign3A_3002 : i1 to i32
    %sign3A_3004 = arith.subi %sign3A_3000, %sign3A_3003 : i32
    %ne3A_3005 = arith.cmpi ne, %sign3A_2997, %sign3A_3004 : i32
    %rem3A_3006 = arith.remsi %add3A_2988, %jit3A_2989 : i32
    %ne3A_3007 = arith.constant 0 : i32
    %ne3A_3008 = arith.cmpi ne, %rem3A_3006, %ne3A_3007 : i32
    %and3A_3009 = arith.andi %ne3A_3005, %ne3A_3008 : i1
    %sub3A_3010 = arith.constant 1 : i32
    %sub3A_3011 = arith.subi %div3A_2990, %sub3A_3010 : i32
    %select_n3A_3012 = arith.select %and3A_3009, %sub3A_3011, %div3A_2990 : i32
    %jit3A_3013 = arith.constant 16384 : i32
    %eq3A_3014 = arith.constant 0 : i32
    %eq3A_3015 = arith.cmpi eq, %jit3A_3013, %eq3A_3014 : i32
    %jit3A_3016 = arith.constant 1 : i32
    %select_n3A_3017 = arith.select %eq3A_3015, %jit3A_3016, %jit3A_3013 : i32
    %rem3A_3018 = arith.remsi %add3A_2988, %select_n3A_3017 : i32
    %ne3A_3019 = arith.constant 0 : i32
    %ne3A_3020 = arith.cmpi ne, %rem3A_3018, %ne3A_3019 : i32
    %lt3A_3021 = arith.constant 0 : i32
    %lt3A_3022 = arith.cmpi slt, %rem3A_3018, %lt3A_3021 : i32
    %lt3A_3023 = arith.constant 0 : i32
    %lt3A_3024 = arith.cmpi slt, %select_n3A_3017, %lt3A_3023 : i32
    %ne3A_3025 = arith.xori %lt3A_3022, %lt3A_3024 : i1
    %and3A_3026 = arith.andi %ne3A_3025, %ne3A_3020 : i1
    %add3A_3027 = arith.addi %rem3A_3018, %select_n3A_3017 : i32
    %select_n3A_3028 = arith.select %and3A_3026, %add3A_3027, %rem3A_3018 : i32
    %dma_start3A_3029 = arith.constant 0 : i32
    %dma_start3A_3030 = arith.constant 0 : i32
    %dma_start3A_3031 = arith.constant 0 : i32
    %dma_start3A_3032 = tpu.memref_slice %arg6[%dma_start3A_3029, %dma_start3A_3030, %dma_start3A_3031] : memref<6x128x128xf32, #tpu.memory_space<vmem>> -> memref<1x128x128xf32, #tpu.memory_space<vmem>>
    %dma_start3A_3033 = tpu.memref_squeeze %dma_start3A_3032 : memref<1x128x128xf32, #tpu.memory_space<vmem>> -> memref<128x128xf32, #tpu.memory_space<vmem>>
    %dma_start3A_3034 = arith.constant 0 : i32
    %dma_start3A_3035 = arith.constant 0 : i32
    %dma_start3A_3036 = tpu.memref_slice %arg4[%select_n3A_3012, %dma_start3A_3034, %dma_start3A_3035] : memref<26x16384x128xf32, #tpu.memory_space<hbm>> -> memref<1x16384x128xf32, #tpu.memory_space<hbm>>
    %dma_start3A_3037 = tpu.memref_squeeze %dma_start3A_3036 : memref<1x16384x128xf32, #tpu.memory_space<hbm>> -> memref<16384x128xf32, #tpu.memory_space<hbm>>
    %dma_start3A_3038 = arith.constant 0 : i32
    %dma_start3A_3039 = tpu.memref_slice %dma_start3A_3037[%select_n3A_3028, %dma_start3A_3038] : memref<16384x128xf32, #tpu.memory_space<hbm>> -> memref<128x128xf32, #tpu.memory_space<hbm>>
    %dma_start3A_3040 = arith.constant 0 : i32
    %dma_start3A_3041 = arith.constant 0 : i32
    %dma_start3A_3042 = tpu.memref_slice %arg4[%select_n3A_3012, %dma_start3A_3040, %dma_start3A_3041] : memref<26x16384x128xf32, #tpu.memory_space<hbm>> -> memref<1x16384x128xf32, #tpu.memory_space<hbm>>
    %dma_start3A_3043 = tpu.memref_squeeze %dma_start3A_3042 : memref<1x16384x128xf32, #tpu.memory_space<hbm>> -> memref<16384x128xf32, #tpu.memory_space<hbm>>
    %dma_start3A_3044 = arith.constant 0 : i32
    %dma_start3A_3045 = tpu.memref_slice %dma_start3A_3043[%select_n3A_3028, %dma_start3A_3044] : memref<16384x128xf32, #tpu.memory_space<hbm>> -> memref<128x128xf32, #tpu.memory_space<hbm>>
    %dma_start3A_3046 = arith.constant 0 : i32
    %dma_start3A_3047 = arith.constant 0 : i32
    %dma_start3A_3048 = tpu.memref_slice %arg6[%dma_start3A_3029, %dma_start3A_3046, %dma_start3A_3047] : memref<6x128x128xf32, #tpu.memory_space<vmem>> -> memref<1x128x128xf32, #tpu.memory_space<vmem>>
    %dma_start3A_3049 = tpu.memref_squeeze %dma_start3A_3048 : memref<1x128x128xf32, #tpu.memory_space<vmem>> -> memref<128x128xf32, #tpu.memory_space<vmem>>
    tpu.enqueue_dma source(%dma_start3A_3049 : memref<128x128xf32, #tpu.memory_space<vmem>>) target(%dma_start3A_3045 : memref<128x128xf32, #tpu.memory_space<hbm>>) target_semaphore(%arg8 : memref<!tpu.dma_semaphore, #tpu.memory_space<semaphore_mem>>)
    %add3A_3050 = arith.constant 12672 : i32
    %add3A_3051 = arith.addi %mul3A_2, %add3A_3050 : i32
    %jit3A_3052 = arith.constant 16384 : i32
    %div3A_3053 = arith.divsi %add3A_3051, %jit3A_3052 : i32
    %sign3A_3054 = arith.constant 0 : i32
    %sign3A_3055 = arith.cmpi sgt, %add3A_3051, %sign3A_3054 : i32
    %sign3A_3056 = arith.extui %sign3A_3055 : i1 to i32
    %sign3A_3057 = arith.constant 0 : i32
    %sign3A_3058 = arith.cmpi slt, %add3A_3051, %sign3A_3057 : i32
    %sign3A_3059 = arith.extui %sign3A_3058 : i1 to i32
    %sign3A_3060 = arith.subi %sign3A_3056, %sign3A_3059 : i32
    %sign3A_3061 = arith.constant 0 : i32
    %sign3A_3062 = arith.cmpi sgt, %jit3A_3052, %sign3A_3061 : i32
    %sign3A_3063 = arith.extui %sign3A_3062 : i1 to i32
    %sign3A_3064 = arith.constant 0 : i32
    %sign3A_3065 = arith.cmpi slt, %jit3A_3052, %sign3A_3064 : i32
    %sign3A_3066 = arith.extui %sign3A_3065 : i1 to i32
    %sign3A_3067 = arith.subi %sign3A_3063, %sign3A_3066 : i32
    %ne3A_3068 = arith.cmpi ne, %sign3A_3060, %sign3A_3067 : i32
    %rem3A_3069 = arith.remsi %add3A_3051, %jit3A_3052 : i32
    %ne3A_3070 = arith.constant 0 : i32
    %ne3A_3071 = arith.cmpi ne, %rem3A_3069, %ne3A_3070 : i32
    %and3A_3072 = arith.andi %ne3A_3068, %ne3A_3071 : i1
    %sub3A_3073 = arith.constant 1 : i32
    %sub3A_3074 = arith.subi %div3A_3053, %sub3A_3073 : i32
    %select_n3A_3075 = arith.select %and3A_3072, %sub3A_3074, %div3A_3053 : i32
    %jit3A_3076 = arith.constant 16384 : i32
    %eq3A_3077 = arith.constant 0 : i32
    %eq3A_3078 = arith.cmpi eq, %jit3A_3076, %eq3A_3077 : i32
    %jit3A_3079 = arith.constant 1 : i32
    %select_n3A_3080 = arith.select %eq3A_3078, %jit3A_3079, %jit3A_3076 : i32
    %rem3A_3081 = arith.remsi %add3A_3051, %select_n3A_3080 : i32
    %ne3A_3082 = arith.constant 0 : i32
    %ne3A_3083 = arith.cmpi ne, %rem3A_3081, %ne3A_3082 : i32
    %lt3A_3084 = arith.constant 0 : i32
    %lt3A_3085 = arith.cmpi slt, %rem3A_3081, %lt3A_3084 : i32
    %lt3A_3086 = arith.constant 0 : i32
    %lt3A_3087 = arith.cmpi slt, %select_n3A_3080, %lt3A_3086 : i32
    %ne3A_3088 = arith.xori %lt3A_3085, %lt3A_3087 : i1
    %and3A_3089 = arith.andi %ne3A_3088, %ne3A_3083 : i1
    %add3A_3090 = arith.addi %rem3A_3081, %select_n3A_3080 : i32
    %select_n3A_3091 = arith.select %and3A_3089, %add3A_3090, %rem3A_3081 : i32
    %dma_wait3A_3092 = arith.constant 3 : i32
    %dma_wait3A_3093 = arith.constant 0 : i32
    %dma_wait3A_3094 = arith.constant 0 : i32
    %dma_wait3A_3095 = tpu.memref_slice %arg6[%dma_wait3A_3092, %dma_wait3A_3093, %dma_wait3A_3094] : memref<6x128x128xf32, #tpu.memory_space<vmem>> -> memref<1x128x128xf32, #tpu.memory_space<vmem>>
    %dma_wait3A_3096 = tpu.memref_squeeze %dma_wait3A_3095 : memref<1x128x128xf32, #tpu.memory_space<vmem>> -> memref<128x128xf32, #tpu.memory_space<vmem>>
    %dma_wait3A_3097 = arith.constant 0 : i32
    %dma_wait3A_3098 = arith.constant 0 : i32
    %dma_wait3A_3099 = tpu.memref_slice %arg4[%select_n3A_3075, %dma_wait3A_3097, %dma_wait3A_3098] : memref<26x16384x128xf32, #tpu.memory_space<hbm>> -> memref<1x16384x128xf32, #tpu.memory_space<hbm>>
    %dma_wait3A_3100 = tpu.memref_squeeze %dma_wait3A_3099 : memref<1x16384x128xf32, #tpu.memory_space<hbm>> -> memref<16384x128xf32, #tpu.memory_space<hbm>>
    %dma_wait3A_3101 = arith.constant 0 : i32
    %dma_wait3A_3102 = tpu.memref_slice %dma_wait3A_3100[%select_n3A_3091, %dma_wait3A_3101] : memref<16384x128xf32, #tpu.memory_space<hbm>> -> memref<128x128xf32, #tpu.memory_space<hbm>>
    %dma_wait3A_3103 = arith.constant 0 : i32
    %dma_wait3A_3104 = arith.constant 0 : i32
    %dma_wait3A_3105 = tpu.memref_slice %arg4[%select_n3A_3075, %dma_wait3A_3103, %dma_wait3A_3104] : memref<26x16384x128xf32, #tpu.memory_space<hbm>> -> memref<1x16384x128xf32, #tpu.memory_space<hbm>>
    %dma_wait3A_3106 = tpu.memref_squeeze %dma_wait3A_3105 : memref<1x16384x128xf32, #tpu.memory_space<hbm>> -> memref<16384x128xf32, #tpu.memory_space<hbm>>
    %dma_wait3A_3107 = arith.constant 0 : i32
    %dma_wait3A_3108 = tpu.memref_slice %dma_wait3A_3106[%select_n3A_3091, %dma_wait3A_3107] : memref<16384x128xf32, #tpu.memory_space<hbm>> -> memref<128x128xf32, #tpu.memory_space<hbm>>
    %dma_wait3A_3109 = arith.constant 0 : i32
    %dma_wait3A_3110 = arith.constant 0 : i32
    %dma_wait3A_3111 = tpu.memref_slice %arg6[%dma_wait3A_3092, %dma_wait3A_3109, %dma_wait3A_3110] : memref<6x128x128xf32, #tpu.memory_space<vmem>> -> memref<1x128x128xf32, #tpu.memory_space<vmem>>
    %dma_wait3A_3112 = tpu.memref_squeeze %dma_wait3A_3111 : memref<1x128x128xf32, #tpu.memory_space<vmem>> -> memref<128x128xf32, #tpu.memory_space<vmem>>
    tpu.wait_dma2 semaphore(%arg8 : memref<!tpu.dma_semaphore, #tpu.memory_space<semaphore_mem>>) src(%dma_wait3A_3112 : memref<128x128xf32, #tpu.memory_space<vmem>>) dst(%dma_wait3A_3108 : memref<128x128xf32, #tpu.memory_space<hbm>>)
    %dma_wait3A_3113 = arith.constant 1 : i32
    %dma_wait3A_3114 = arith.constant 0 : i32
    %dma_wait3A_3115 = arith.constant 0 : i32
    %dma_wait3A_3116 = tpu.memref_slice %arg6[%dma_wait3A_3113, %dma_wait3A_3114, %dma_wait3A_3115] : memref<6x128x128xf32, #tpu.memory_space<vmem>> -> memref<1x128x128xf32, #tpu.memory_space<vmem>>
    %dma_wait3A_3117 = tpu.memref_squeeze %dma_wait3A_3116 : memref<1x128x128xf32, #tpu.memory_space<vmem>> -> memref<128x128xf32, #tpu.memory_space<vmem>>
    %dma_wait3A_3118 = arith.constant 13184 : i32
    %dma_wait3A_3119 = tpu.memref_slice %arg5[%dma_wait3A_3118] : memref<13312xi32, #tpu.memory_space<vmem>> -> memref<128xi32, #tpu.memory_space<vmem>>
    %dma_wait3A_3120 = arith.constant 0 : i32
    %dma_wait3A_3121 = arith.constant 0 : i32
    %dma_wait3A_3122 = tpu.memref_slice %arg3[%dma_wait3A_3120, %dma_wait3A_3121] : memref<26000x128xf32, #tpu.memory_space<hbm>> -> memref<26000x128xf32, #tpu.memory_space<hbm>>
    tpu.wait_indirect_dma semaphore(%arg7 : memref<!tpu.dma_semaphore, #tpu.memory_space<semaphore_mem>>) src(%dma_wait3A_3122 : memref<26000x128xf32, #tpu.memory_space<hbm>>) dst(%dma_wait3A_3117 : memref<128x128xf32, #tpu.memory_space<vmem>>)
    %add3A_3123 = arith.constant 13184 : i32
    %add3A_3124 = arith.addi %mul3A_2, %add3A_3123 : i32
    %jit3A_3125 = arith.constant 16384 : i32
    %div3A_3126 = arith.divsi %add3A_3124, %jit3A_3125 : i32
    %sign3A_3127 = arith.constant 0 : i32
    %sign3A_3128 = arith.cmpi sgt, %add3A_3124, %sign3A_3127 : i32
    %sign3A_3129 = arith.extui %sign3A_3128 : i1 to i32
    %sign3A_3130 = arith.constant 0 : i32
    %sign3A_3131 = arith.cmpi slt, %add3A_3124, %sign3A_3130 : i32
    %sign3A_3132 = arith.extui %sign3A_3131 : i1 to i32
    %sign3A_3133 = arith.subi %sign3A_3129, %sign3A_3132 : i32
    %sign3A_3134 = arith.constant 0 : i32
    %sign3A_3135 = arith.cmpi sgt, %jit3A_3125, %sign3A_3134 : i32
    %sign3A_3136 = arith.extui %sign3A_3135 : i1 to i32
    %sign3A_3137 = arith.constant 0 : i32
    %sign3A_3138 = arith.cmpi slt, %jit3A_3125, %sign3A_3137 : i32
    %sign3A_3139 = arith.extui %sign3A_3138 : i1 to i32
    %sign3A_3140 = arith.subi %sign3A_3136, %sign3A_3139 : i32
    %ne3A_3141 = arith.cmpi ne, %sign3A_3133, %sign3A_3140 : i32
    %rem3A_3142 = arith.remsi %add3A_3124, %jit3A_3125 : i32
    %ne3A_3143 = arith.constant 0 : i32
    %ne3A_3144 = arith.cmpi ne, %rem3A_3142, %ne3A_3143 : i32
    %and3A_3145 = arith.andi %ne3A_3141, %ne3A_3144 : i1
    %sub3A_3146 = arith.constant 1 : i32
    %sub3A_3147 = arith.subi %div3A_3126, %sub3A_3146 : i32
    %select_n3A_3148 = arith.select %and3A_3145, %sub3A_3147, %div3A_3126 : i32
    %jit3A_3149 = arith.constant 16384 : i32
    %eq3A_3150 = arith.constant 0 : i32
    %eq3A_3151 = arith.cmpi eq, %jit3A_3149, %eq3A_3150 : i32
    %jit3A_3152 = arith.constant 1 : i32
    %select_n3A_3153 = arith.select %eq3A_3151, %jit3A_3152, %jit3A_3149 : i32
    %rem3A_3154 = arith.remsi %add3A_3124, %select_n3A_3153 : i32
    %ne3A_3155 = arith.constant 0 : i32
    %ne3A_3156 = arith.cmpi ne, %rem3A_3154, %ne3A_3155 : i32
    %lt3A_3157 = arith.constant 0 : i32
    %lt3A_3158 = arith.cmpi slt, %rem3A_3154, %lt3A_3157 : i32
    %lt3A_3159 = arith.constant 0 : i32
    %lt3A_3160 = arith.cmpi slt, %select_n3A_3153, %lt3A_3159 : i32
    %ne3A_3161 = arith.xori %lt3A_3158, %lt3A_3160 : i1
    %and3A_3162 = arith.andi %ne3A_3161, %ne3A_3156 : i1
    %add3A_3163 = arith.addi %rem3A_3154, %select_n3A_3153 : i32
    %select_n3A_3164 = arith.select %and3A_3162, %add3A_3163, %rem3A_3154 : i32
    %dma_start3A_3165 = arith.constant 1 : i32
    %dma_start3A_3166 = arith.constant 0 : i32
    %dma_start3A_3167 = arith.constant 0 : i32
    %dma_start3A_3168 = tpu.memref_slice %arg6[%dma_start3A_3165, %dma_start3A_3166, %dma_start3A_3167] : memref<6x128x128xf32, #tpu.memory_space<vmem>> -> memref<1x128x128xf32, #tpu.memory_space<vmem>>
    %dma_start3A_3169 = tpu.memref_squeeze %dma_start3A_3168 : memref<1x128x128xf32, #tpu.memory_space<vmem>> -> memref<128x128xf32, #tpu.memory_space<vmem>>
    %dma_start3A_3170 = arith.constant 0 : i32
    %dma_start3A_3171 = arith.constant 0 : i32
    %dma_start3A_3172 = tpu.memref_slice %arg4[%select_n3A_3148, %dma_start3A_3170, %dma_start3A_3171] : memref<26x16384x128xf32, #tpu.memory_space<hbm>> -> memref<1x16384x128xf32, #tpu.memory_space<hbm>>
    %dma_start3A_3173 = tpu.memref_squeeze %dma_start3A_3172 : memref<1x16384x128xf32, #tpu.memory_space<hbm>> -> memref<16384x128xf32, #tpu.memory_space<hbm>>
    %dma_start3A_3174 = arith.constant 0 : i32
    %dma_start3A_3175 = tpu.memref_slice %dma_start3A_3173[%select_n3A_3164, %dma_start3A_3174] : memref<16384x128xf32, #tpu.memory_space<hbm>> -> memref<128x128xf32, #tpu.memory_space<hbm>>
    %dma_start3A_3176 = arith.constant 0 : i32
    %dma_start3A_3177 = arith.constant 0 : i32
    %dma_start3A_3178 = tpu.memref_slice %arg4[%select_n3A_3148, %dma_start3A_3176, %dma_start3A_3177] : memref<26x16384x128xf32, #tpu.memory_space<hbm>> -> memref<1x16384x128xf32, #tpu.memory_space<hbm>>
    %dma_start3A_3179 = tpu.memref_squeeze %dma_start3A_3178 : memref<1x16384x128xf32, #tpu.memory_space<hbm>> -> memref<16384x128xf32, #tpu.memory_space<hbm>>
    %dma_start3A_3180 = arith.constant 0 : i32
    %dma_start3A_3181 = tpu.memref_slice %dma_start3A_3179[%select_n3A_3164, %dma_start3A_3180] : memref<16384x128xf32, #tpu.memory_space<hbm>> -> memref<128x128xf32, #tpu.memory_space<hbm>>
    %dma_start3A_3182 = arith.constant 0 : i32
    %dma_start3A_3183 = arith.constant 0 : i32
    %dma_start3A_3184 = tpu.memref_slice %arg6[%dma_start3A_3165, %dma_start3A_3182, %dma_start3A_3183] : memref<6x128x128xf32, #tpu.memory_space<vmem>> -> memref<1x128x128xf32, #tpu.memory_space<vmem>>
    %dma_start3A_3185 = tpu.memref_squeeze %dma_start3A_3184 : memref<1x128x128xf32, #tpu.memory_space<vmem>> -> memref<128x128xf32, #tpu.memory_space<vmem>>
    tpu.enqueue_dma source(%dma_start3A_3185 : memref<128x128xf32, #tpu.memory_space<vmem>>) target(%dma_start3A_3181 : memref<128x128xf32, #tpu.memory_space<hbm>>) target_semaphore(%arg8 : memref<!tpu.dma_semaphore, #tpu.memory_space<semaphore_mem>>)
    %add3A_3186 = arith.constant 12800 : i32
    %add3A_3187 = arith.addi %mul3A_2, %add3A_3186 : i32
    %jit3A_3188 = arith.constant 16384 : i32
    %div3A_3189 = arith.divsi %add3A_3187, %jit3A_3188 : i32
    %sign3A_3190 = arith.constant 0 : i32
    %sign3A_3191 = arith.cmpi sgt, %add3A_3187, %sign3A_3190 : i32
    %sign3A_3192 = arith.extui %sign3A_3191 : i1 to i32
    %sign3A_3193 = arith.constant 0 : i32
    %sign3A_3194 = arith.cmpi slt, %add3A_3187, %sign3A_3193 : i32
    %sign3A_3195 = arith.extui %sign3A_3194 : i1 to i32
    %sign3A_3196 = arith.subi %sign3A_3192, %sign3A_3195 : i32
    %sign3A_3197 = arith.constant 0 : i32
    %sign3A_3198 = arith.cmpi sgt, %jit3A_3188, %sign3A_3197 : i32
    %sign3A_3199 = arith.extui %sign3A_3198 : i1 to i32
    %sign3A_3200 = arith.constant 0 : i32
    %sign3A_3201 = arith.cmpi slt, %jit3A_3188, %sign3A_3200 : i32
    %sign3A_3202 = arith.extui %sign3A_3201 : i1 to i32
    %sign3A_3203 = arith.subi %sign3A_3199, %sign3A_3202 : i32
    %ne3A_3204 = arith.cmpi ne, %sign3A_3196, %sign3A_3203 : i32
    %rem3A_3205 = arith.remsi %add3A_3187, %jit3A_3188 : i32
    %ne3A_3206 = arith.constant 0 : i32
    %ne3A_3207 = arith.cmpi ne, %rem3A_3205, %ne3A_3206 : i32
    %and3A_3208 = arith.andi %ne3A_3204, %ne3A_3207 : i1
    %sub3A_3209 = arith.constant 1 : i32
    %sub3A_3210 = arith.subi %div3A_3189, %sub3A_3209 : i32
    %select_n3A_3211 = arith.select %and3A_3208, %sub3A_3210, %div3A_3189 : i32
    %jit3A_3212 = arith.constant 16384 : i32
    %eq3A_3213 = arith.constant 0 : i32
    %eq3A_3214 = arith.cmpi eq, %jit3A_3212, %eq3A_3213 : i32
    %jit3A_3215 = arith.constant 1 : i32
    %select_n3A_3216 = arith.select %eq3A_3214, %jit3A_3215, %jit3A_3212 : i32
    %rem3A_3217 = arith.remsi %add3A_3187, %select_n3A_3216 : i32
    %ne3A_3218 = arith.constant 0 : i32
    %ne3A_3219 = arith.cmpi ne, %rem3A_3217, %ne3A_3218 : i32
    %lt3A_3220 = arith.constant 0 : i32
    %lt3A_3221 = arith.cmpi slt, %rem3A_3217, %lt3A_3220 : i32
    %lt3A_3222 = arith.constant 0 : i32
    %lt3A_3223 = arith.cmpi slt, %select_n3A_3216, %lt3A_3222 : i32
    %ne3A_3224 = arith.xori %lt3A_3221, %lt3A_3223 : i1
    %and3A_3225 = arith.andi %ne3A_3224, %ne3A_3219 : i1
    %add3A_3226 = arith.addi %rem3A_3217, %select_n3A_3216 : i32
    %select_n3A_3227 = arith.select %and3A_3225, %add3A_3226, %rem3A_3217 : i32
    %dma_wait3A_3228 = arith.constant 4 : i32
    %dma_wait3A_3229 = arith.constant 0 : i32
    %dma_wait3A_3230 = arith.constant 0 : i32
    %dma_wait3A_3231 = tpu.memref_slice %arg6[%dma_wait3A_3228, %dma_wait3A_3229, %dma_wait3A_3230] : memref<6x128x128xf32, #tpu.memory_space<vmem>> -> memref<1x128x128xf32, #tpu.memory_space<vmem>>
    %dma_wait3A_3232 = tpu.memref_squeeze %dma_wait3A_3231 : memref<1x128x128xf32, #tpu.memory_space<vmem>> -> memref<128x128xf32, #tpu.memory_space<vmem>>
    %dma_wait3A_3233 = arith.constant 0 : i32
    %dma_wait3A_3234 = arith.constant 0 : i32
    %dma_wait3A_3235 = tpu.memref_slice %arg4[%select_n3A_3211, %dma_wait3A_3233, %dma_wait3A_3234] : memref<26x16384x128xf32, #tpu.memory_space<hbm>> -> memref<1x16384x128xf32, #tpu.memory_space<hbm>>
    %dma_wait3A_3236 = tpu.memref_squeeze %dma_wait3A_3235 : memref<1x16384x128xf32, #tpu.memory_space<hbm>> -> memref<16384x128xf32, #tpu.memory_space<hbm>>
    %dma_wait3A_3237 = arith.constant 0 : i32
    %dma_wait3A_3238 = tpu.memref_slice %dma_wait3A_3236[%select_n3A_3227, %dma_wait3A_3237] : memref<16384x128xf32, #tpu.memory_space<hbm>> -> memref<128x128xf32, #tpu.memory_space<hbm>>
    %dma_wait3A_3239 = arith.constant 0 : i32
    %dma_wait3A_3240 = arith.constant 0 : i32
    %dma_wait3A_3241 = tpu.memref_slice %arg4[%select_n3A_3211, %dma_wait3A_3239, %dma_wait3A_3240] : memref<26x16384x128xf32, #tpu.memory_space<hbm>> -> memref<1x16384x128xf32, #tpu.memory_space<hbm>>
    %dma_wait3A_3242 = tpu.memref_squeeze %dma_wait3A_3241 : memref<1x16384x128xf32, #tpu.memory_space<hbm>> -> memref<16384x128xf32, #tpu.memory_space<hbm>>
    %dma_wait3A_3243 = arith.constant 0 : i32
    %dma_wait3A_3244 = tpu.memref_slice %dma_wait3A_3242[%select_n3A_3227, %dma_wait3A_3243] : memref<16384x128xf32, #tpu.memory_space<hbm>> -> memref<128x128xf32, #tpu.memory_space<hbm>>
    %dma_wait3A_3245 = arith.constant 0 : i32
    %dma_wait3A_3246 = arith.constant 0 : i32
    %dma_wait3A_3247 = tpu.memref_slice %arg6[%dma_wait3A_3228, %dma_wait3A_3245, %dma_wait3A_3246] : memref<6x128x128xf32, #tpu.memory_space<vmem>> -> memref<1x128x128xf32, #tpu.memory_space<vmem>>
    %dma_wait3A_3248 = tpu.memref_squeeze %dma_wait3A_3247 : memref<1x128x128xf32, #tpu.memory_space<vmem>> -> memref<128x128xf32, #tpu.memory_space<vmem>>
    tpu.wait_dma2 semaphore(%arg8 : memref<!tpu.dma_semaphore, #tpu.memory_space<semaphore_mem>>) src(%dma_wait3A_3248 : memref<128x128xf32, #tpu.memory_space<vmem>>) dst(%dma_wait3A_3244 : memref<128x128xf32, #tpu.memory_space<hbm>>)
    %add3A_3249 = arith.constant 12928 : i32
    %add3A_3250 = arith.addi %mul3A_2, %add3A_3249 : i32
    %jit3A_3251 = arith.constant 16384 : i32
    %div3A_3252 = arith.divsi %add3A_3250, %jit3A_3251 : i32
    %sign3A_3253 = arith.constant 0 : i32
    %sign3A_3254 = arith.cmpi sgt, %add3A_3250, %sign3A_3253 : i32
    %sign3A_3255 = arith.extui %sign3A_3254 : i1 to i32
    %sign3A_3256 = arith.constant 0 : i32
    %sign3A_3257 = arith.cmpi slt, %add3A_3250, %sign3A_3256 : i32
    %sign3A_3258 = arith.extui %sign3A_3257 : i1 to i32
    %sign3A_3259 = arith.subi %sign3A_3255, %sign3A_3258 : i32
    %sign3A_3260 = arith.constant 0 : i32
    %sign3A_3261 = arith.cmpi sgt, %jit3A_3251, %sign3A_3260 : i32
    %sign3A_3262 = arith.extui %sign3A_3261 : i1 to i32
    %sign3A_3263 = arith.constant 0 : i32
    %sign3A_3264 = arith.cmpi slt, %jit3A_3251, %sign3A_3263 : i32
    %sign3A_3265 = arith.extui %sign3A_3264 : i1 to i32
    %sign3A_3266 = arith.subi %sign3A_3262, %sign3A_3265 : i32
    %ne3A_3267 = arith.cmpi ne, %sign3A_3259, %sign3A_3266 : i32
    %rem3A_3268 = arith.remsi %add3A_3250, %jit3A_3251 : i32
    %ne3A_3269 = arith.constant 0 : i32
    %ne3A_3270 = arith.cmpi ne, %rem3A_3268, %ne3A_3269 : i32
    %and3A_3271 = arith.andi %ne3A_3267, %ne3A_3270 : i1
    %sub3A_3272 = arith.constant 1 : i32
    %sub3A_3273 = arith.subi %div3A_3252, %sub3A_3272 : i32
    %select_n3A_3274 = arith.select %and3A_3271, %sub3A_3273, %div3A_3252 : i32
    %jit3A_3275 = arith.constant 16384 : i32
    %eq3A_3276 = arith.constant 0 : i32
    %eq3A_3277 = arith.cmpi eq, %jit3A_3275, %eq3A_3276 : i32
    %jit3A_3278 = arith.constant 1 : i32
    %select_n3A_3279 = arith.select %eq3A_3277, %jit3A_3278, %jit3A_3275 : i32
    %rem3A_3280 = arith.remsi %add3A_3250, %select_n3A_3279 : i32
    %ne3A_3281 = arith.constant 0 : i32
    %ne3A_3282 = arith.cmpi ne, %rem3A_3280, %ne3A_3281 : i32
    %lt3A_3283 = arith.constant 0 : i32
    %lt3A_3284 = arith.cmpi slt, %rem3A_3280, %lt3A_3283 : i32
    %lt3A_3285 = arith.constant 0 : i32
    %lt3A_3286 = arith.cmpi slt, %select_n3A_3279, %lt3A_3285 : i32
    %ne3A_3287 = arith.xori %lt3A_3284, %lt3A_3286 : i1
    %and3A_3288 = arith.andi %ne3A_3287, %ne3A_3282 : i1
    %add3A_3289 = arith.addi %rem3A_3280, %select_n3A_3279 : i32
    %select_n3A_3290 = arith.select %and3A_3288, %add3A_3289, %rem3A_3280 : i32
    %dma_wait3A_3291 = arith.constant 5 : i32
    %dma_wait3A_3292 = arith.constant 0 : i32
    %dma_wait3A_3293 = arith.constant 0 : i32
    %dma_wait3A_3294 = tpu.memref_slice %arg6[%dma_wait3A_3291, %dma_wait3A_3292, %dma_wait3A_3293] : memref<6x128x128xf32, #tpu.memory_space<vmem>> -> memref<1x128x128xf32, #tpu.memory_space<vmem>>
    %dma_wait3A_3295 = tpu.memref_squeeze %dma_wait3A_3294 : memref<1x128x128xf32, #tpu.memory_space<vmem>> -> memref<128x128xf32, #tpu.memory_space<vmem>>
    %dma_wait3A_3296 = arith.constant 0 : i32
    %dma_wait3A_3297 = arith.constant 0 : i32
    %dma_wait3A_3298 = tpu.memref_slice %arg4[%select_n3A_3274, %dma_wait3A_3296, %dma_wait3A_3297] : memref<26x16384x128xf32, #tpu.memory_space<hbm>> -> memref<1x16384x128xf32, #tpu.memory_space<hbm>>
    %dma_wait3A_3299 = tpu.memref_squeeze %dma_wait3A_3298 : memref<1x16384x128xf32, #tpu.memory_space<hbm>> -> memref<16384x128xf32, #tpu.memory_space<hbm>>
    %dma_wait3A_3300 = arith.constant 0 : i32
    %dma_wait3A_3301 = tpu.memref_slice %dma_wait3A_3299[%select_n3A_3290, %dma_wait3A_3300] : memref<16384x128xf32, #tpu.memory_space<hbm>> -> memref<128x128xf32, #tpu.memory_space<hbm>>
    %dma_wait3A_3302 = arith.constant 0 : i32
    %dma_wait3A_3303 = arith.constant 0 : i32
    %dma_wait3A_3304 = tpu.memref_slice %arg4[%select_n3A_3274, %dma_wait3A_3302, %dma_wait3A_3303] : memref<26x16384x128xf32, #tpu.memory_space<hbm>> -> memref<1x16384x128xf32, #tpu.memory_space<hbm>>
    %dma_wait3A_3305 = tpu.memref_squeeze %dma_wait3A_3304 : memref<1x16384x128xf32, #tpu.memory_space<hbm>> -> memref<16384x128xf32, #tpu.memory_space<hbm>>
    %dma_wait3A_3306 = arith.constant 0 : i32
    %dma_wait3A_3307 = tpu.memref_slice %dma_wait3A_3305[%select_n3A_3290, %dma_wait3A_3306] : memref<16384x128xf32, #tpu.memory_space<hbm>> -> memref<128x128xf32, #tpu.memory_space<hbm>>
    %dma_wait3A_3308 = arith.constant 0 : i32
    %dma_wait3A_3309 = arith.constant 0 : i32
    %dma_wait3A_3310 = tpu.memref_slice %arg6[%dma_wait3A_3291, %dma_wait3A_3308, %dma_wait3A_3309] : memref<6x128x128xf32, #tpu.memory_space<vmem>> -> memref<1x128x128xf32, #tpu.memory_space<vmem>>
    %dma_wait3A_3311 = tpu.memref_squeeze %dma_wait3A_3310 : memref<1x128x128xf32, #tpu.memory_space<vmem>> -> memref<128x128xf32, #tpu.memory_space<vmem>>
    tpu.wait_dma2 semaphore(%arg8 : memref<!tpu.dma_semaphore, #tpu.memory_space<semaphore_mem>>) src(%dma_wait3A_3311 : memref<128x128xf32, #tpu.memory_space<vmem>>) dst(%dma_wait3A_3307 : memref<128x128xf32, #tpu.memory_space<hbm>>)
    %add3A_3312 = arith.constant 13056 : i32
    %add3A_3313 = arith.addi %mul3A_2, %add3A_3312 : i32
    %jit3A_3314 = arith.constant 16384 : i32
    %div3A_3315 = arith.divsi %add3A_3313, %jit3A_3314 : i32
    %sign3A_3316 = arith.constant 0 : i32
    %sign3A_3317 = arith.cmpi sgt, %add3A_3313, %sign3A_3316 : i32
    %sign3A_3318 = arith.extui %sign3A_3317 : i1 to i32
    %sign3A_3319 = arith.constant 0 : i32
    %sign3A_3320 = arith.cmpi slt, %add3A_3313, %sign3A_3319 : i32
    %sign3A_3321 = arith.extui %sign3A_3320 : i1 to i32
    %sign3A_3322 = arith.subi %sign3A_3318, %sign3A_3321 : i32
    %sign3A_3323 = arith.constant 0 : i32
    %sign3A_3324 = arith.cmpi sgt, %jit3A_3314, %sign3A_3323 : i32
    %sign3A_3325 = arith.extui %sign3A_3324 : i1 to i32
    %sign3A_3326 = arith.constant 0 : i32
    %sign3A_3327 = arith.cmpi slt, %jit3A_3314, %sign3A_3326 : i32
    %sign3A_3328 = arith.extui %sign3A_3327 : i1 to i32
    %sign3A_3329 = arith.subi %sign3A_3325, %sign3A_3328 : i32
    %ne3A_3330 = arith.cmpi ne, %sign3A_3322, %sign3A_3329 : i32
    %rem3A_3331 = arith.remsi %add3A_3313, %jit3A_3314 : i32
    %ne3A_3332 = arith.constant 0 : i32
    %ne3A_3333 = arith.cmpi ne, %rem3A_3331, %ne3A_3332 : i32
    %and3A_3334 = arith.andi %ne3A_3330, %ne3A_3333 : i1
    %sub3A_3335 = arith.constant 1 : i32
    %sub3A_3336 = arith.subi %div3A_3315, %sub3A_3335 : i32
    %select_n3A_3337 = arith.select %and3A_3334, %sub3A_3336, %div3A_3315 : i32
    %jit3A_3338 = arith.constant 16384 : i32
    %eq3A_3339 = arith.constant 0 : i32
    %eq3A_3340 = arith.cmpi eq, %jit3A_3338, %eq3A_3339 : i32
    %jit3A_3341 = arith.constant 1 : i32
    %select_n3A_3342 = arith.select %eq3A_3340, %jit3A_3341, %jit3A_3338 : i32
    %rem3A_3343 = arith.remsi %add3A_3313, %select_n3A_3342 : i32
    %ne3A_3344 = arith.constant 0 : i32
    %ne3A_3345 = arith.cmpi ne, %rem3A_3343, %ne3A_3344 : i32
    %lt3A_3346 = arith.constant 0 : i32
    %lt3A_3347 = arith.cmpi slt, %rem3A_3343, %lt3A_3346 : i32
    %lt3A_3348 = arith.constant 0 : i32
    %lt3A_3349 = arith.cmpi slt, %select_n3A_3342, %lt3A_3348 : i32
    %ne3A_3350 = arith.xori %lt3A_3347, %lt3A_3349 : i1
    %and3A_3351 = arith.andi %ne3A_3350, %ne3A_3345 : i1
    %add3A_3352 = arith.addi %rem3A_3343, %select_n3A_3342 : i32
    %select_n3A_3353 = arith.select %and3A_3351, %add3A_3352, %rem3A_3343 : i32
    %dma_wait3A_3354 = arith.constant 0 : i32
    %dma_wait3A_3355 = arith.constant 0 : i32
    %dma_wait3A_3356 = arith.constant 0 : i32
    %dma_wait3A_3357 = tpu.memref_slice %arg6[%dma_wait3A_3354, %dma_wait3A_3355, %dma_wait3A_3356] : memref<6x128x128xf32, #tpu.memory_space<vmem>> -> memref<1x128x128xf32, #tpu.memory_space<vmem>>
    %dma_wait3A_3358 = tpu.memref_squeeze %dma_wait3A_3357 : memref<1x128x128xf32, #tpu.memory_space<vmem>> -> memref<128x128xf32, #tpu.memory_space<vmem>>
    %dma_wait3A_3359 = arith.constant 0 : i32
    %dma_wait3A_3360 = arith.constant 0 : i32
    %dma_wait3A_3361 = tpu.memref_slice %arg4[%select_n3A_3337, %dma_wait3A_3359, %dma_wait3A_3360] : memref<26x16384x128xf32, #tpu.memory_space<hbm>> -> memref<1x16384x128xf32, #tpu.memory_space<hbm>>
    %dma_wait3A_3362 = tpu.memref_squeeze %dma_wait3A_3361 : memref<1x16384x128xf32, #tpu.memory_space<hbm>> -> memref<16384x128xf32, #tpu.memory_space<hbm>>
    %dma_wait3A_3363 = arith.constant 0 : i32
    %dma_wait3A_3364 = tpu.memref_slice %dma_wait3A_3362[%select_n3A_3353, %dma_wait3A_3363] : memref<16384x128xf32, #tpu.memory_space<hbm>> -> memref<128x128xf32, #tpu.memory_space<hbm>>
    %dma_wait3A_3365 = arith.constant 0 : i32
    %dma_wait3A_3366 = arith.constant 0 : i32
    %dma_wait3A_3367 = tpu.memref_slice %arg4[%select_n3A_3337, %dma_wait3A_3365, %dma_wait3A_3366] : memref<26x16384x128xf32, #tpu.memory_space<hbm>> -> memref<1x16384x128xf32, #tpu.memory_space<hbm>>
    %dma_wait3A_3368 = tpu.memref_squeeze %dma_wait3A_3367 : memref<1x16384x128xf32, #tpu.memory_space<hbm>> -> memref<16384x128xf32, #tpu.memory_space<hbm>>
    %dma_wait3A_3369 = arith.constant 0 : i32
    %dma_wait3A_3370 = tpu.memref_slice %dma_wait3A_3368[%select_n3A_3353, %dma_wait3A_3369] : memref<16384x128xf32, #tpu.memory_space<hbm>> -> memref<128x128xf32, #tpu.memory_space<hbm>>
    %dma_wait3A_3371 = arith.constant 0 : i32
    %dma_wait3A_3372 = arith.constant 0 : i32
    %dma_wait3A_3373 = tpu.memref_slice %arg6[%dma_wait3A_3354, %dma_wait3A_3371, %dma_wait3A_3372] : memref<6x128x128xf32, #tpu.memory_space<vmem>> -> memref<1x128x128xf32, #tpu.memory_space<vmem>>
    %dma_wait3A_3374 = tpu.memref_squeeze %dma_wait3A_3373 : memref<1x128x128xf32, #tpu.memory_space<vmem>> -> memref<128x128xf32, #tpu.memory_space<vmem>>
    tpu.wait_dma2 semaphore(%arg8 : memref<!tpu.dma_semaphore, #tpu.memory_space<semaphore_mem>>) src(%dma_wait3A_3374 : memref<128x128xf32, #tpu.memory_space<vmem>>) dst(%dma_wait3A_3370 : memref<128x128xf32, #tpu.memory_space<hbm>>)
    %add3A_3375 = arith.constant 13184 : i32
    %add3A_3376 = arith.addi %mul3A_2, %add3A_3375 : i32
    %jit3A_3377 = arith.constant 16384 : i32
    %div3A_3378 = arith.divsi %add3A_3376, %jit3A_3377 : i32
    %sign3A_3379 = arith.constant 0 : i32
    %sign3A_3380 = arith.cmpi sgt, %add3A_3376, %sign3A_3379 : i32
    %sign3A_3381 = arith.extui %sign3A_3380 : i1 to i32
    %sign3A_3382 = arith.constant 0 : i32
    %sign3A_3383 = arith.cmpi slt, %add3A_3376, %sign3A_3382 : i32
    %sign3A_3384 = arith.extui %sign3A_3383 : i1 to i32
    %sign3A_3385 = arith.subi %sign3A_3381, %sign3A_3384 : i32
    %sign3A_3386 = arith.constant 0 : i32
    %sign3A_3387 = arith.cmpi sgt, %jit3A_3377, %sign3A_3386 : i32
    %sign3A_3388 = arith.extui %sign3A_3387 : i1 to i32
    %sign3A_3389 = arith.constant 0 : i32
    %sign3A_3390 = arith.cmpi slt, %jit3A_3377, %sign3A_3389 : i32
    %sign3A_3391 = arith.extui %sign3A_3390 : i1 to i32
    %sign3A_3392 = arith.subi %sign3A_3388, %sign3A_3391 : i32
    %ne3A_3393 = arith.cmpi ne, %sign3A_3385, %sign3A_3392 : i32
    %rem3A_3394 = arith.remsi %add3A_3376, %jit3A_3377 : i32
    %ne3A_3395 = arith.constant 0 : i32
    %ne3A_3396 = arith.cmpi ne, %rem3A_3394, %ne3A_3395 : i32
    %and3A_3397 = arith.andi %ne3A_3393, %ne3A_3396 : i1
    %sub3A_3398 = arith.constant 1 : i32
    %sub3A_3399 = arith.subi %div3A_3378, %sub3A_3398 : i32
    %select_n3A_3400 = arith.select %and3A_3397, %sub3A_3399, %div3A_3378 : i32
    %jit3A_3401 = arith.constant 16384 : i32
    %eq3A_3402 = arith.constant 0 : i32
    %eq3A_3403 = arith.cmpi eq, %jit3A_3401, %eq3A_3402 : i32
    %jit3A_3404 = arith.constant 1 : i32
    %select_n3A_3405 = arith.select %eq3A_3403, %jit3A_3404, %jit3A_3401 : i32
    %rem3A_3406 = arith.remsi %add3A_3376, %select_n3A_3405 : i32
    %ne3A_3407 = arith.constant 0 : i32
    %ne3A_3408 = arith.cmpi ne, %rem3A_3406, %ne3A_3407 : i32
    %lt3A_3409 = arith.constant 0 : i32
    %lt3A_3410 = arith.cmpi slt, %rem3A_3406, %lt3A_3409 : i32
    %lt3A_3411 = arith.constant 0 : i32
    %lt3A_3412 = arith.cmpi slt, %select_n3A_3405, %lt3A_3411 : i32
    %ne3A_3413 = arith.xori %lt3A_3410, %lt3A_3412 : i1
    %and3A_3414 = arith.andi %ne3A_3413, %ne3A_3408 : i1
    %add3A_3415 = arith.addi %rem3A_3406, %select_n3A_3405 : i32
    %select_n3A_3416 = arith.select %and3A_3414, %add3A_3415, %rem3A_3406 : i32
    %dma_wait3A_3417 = arith.constant 1 : i32
    %dma_wait3A_3418 = arith.constant 0 : i32
    %dma_wait3A_3419 = arith.constant 0 : i32
    %dma_wait3A_3420 = tpu.memref_slice %arg6[%dma_wait3A_3417, %dma_wait3A_3418, %dma_wait3A_3419] : memref<6x128x128xf32, #tpu.memory_space<vmem>> -> memref<1x128x128xf32, #tpu.memory_space<vmem>>
    %dma_wait3A_3421 = tpu.memref_squeeze %dma_wait3A_3420 : memref<1x128x128xf32, #tpu.memory_space<vmem>> -> memref<128x128xf32, #tpu.memory_space<vmem>>
    %dma_wait3A_3422 = arith.constant 0 : i32
    %dma_wait3A_3423 = arith.constant 0 : i32
    %dma_wait3A_3424 = tpu.memref_slice %arg4[%select_n3A_3400, %dma_wait3A_3422, %dma_wait3A_3423] : memref<26x16384x128xf32, #tpu.memory_space<hbm>> -> memref<1x16384x128xf32, #tpu.memory_space<hbm>>
    %dma_wait3A_3425 = tpu.memref_squeeze %dma_wait3A_3424 : memref<1x16384x128xf32, #tpu.memory_space<hbm>> -> memref<16384x128xf32, #tpu.memory_space<hbm>>
    %dma_wait3A_3426 = arith.constant 0 : i32
    %dma_wait3A_3427 = tpu.memref_slice %dma_wait3A_3425[%select_n3A_3416, %dma_wait3A_3426] : memref<16384x128xf32, #tpu.memory_space<hbm>> -> memref<128x128xf32, #tpu.memory_space<hbm>>
    %dma_wait3A_3428 = arith.constant 0 : i32
    %dma_wait3A_3429 = arith.constant 0 : i32
    %dma_wait3A_3430 = tpu.memref_slice %arg4[%select_n3A_3400, %dma_wait3A_3428, %dma_wait3A_3429] : memref<26x16384x128xf32, #tpu.memory_space<hbm>> -> memref<1x16384x128xf32, #tpu.memory_space<hbm>>
    %dma_wait3A_3431 = tpu.memref_squeeze %dma_wait3A_3430 : memref<1x16384x128xf32, #tpu.memory_space<hbm>> -> memref<16384x128xf32, #tpu.memory_space<hbm>>
    %dma_wait3A_3432 = arith.constant 0 : i32
    %dma_wait3A_3433 = tpu.memref_slice %dma_wait3A_3431[%select_n3A_3416, %dma_wait3A_3432] : memref<16384x128xf32, #tpu.memory_space<hbm>> -> memref<128x128xf32, #tpu.memory_space<hbm>>
    %dma_wait3A_3434 = arith.constant 0 : i32
    %dma_wait3A_3435 = arith.constant 0 : i32
    %dma_wait3A_3436 = tpu.memref_slice %arg6[%dma_wait3A_3417, %dma_wait3A_3434, %dma_wait3A_3435] : memref<6x128x128xf32, #tpu.memory_space<vmem>> -> memref<1x128x128xf32, #tpu.memory_space<vmem>>
    %dma_wait3A_3437 = tpu.memref_squeeze %dma_wait3A_3436 : memref<1x128x128xf32, #tpu.memory_space<vmem>> -> memref<128x128xf32, #tpu.memory_space<vmem>>
    tpu.wait_dma2 semaphore(%arg8 : memref<!tpu.dma_semaphore, #tpu.memory_space<semaphore_mem>>) src(%dma_wait3A_3437 : memref<128x128xf32, #tpu.memory_space<vmem>>) dst(%dma_wait3A_3433 : memref<128x128xf32, #tpu.memory_space<hbm>>)
    return
  }
}

</mosaic_0001>

<sc_bundles>
// kernel: kernel.3.cloned.1.call-start
scs
__scs_entry_jumppad:
0x0: {  	(pc) =	sbr.rel $0x88, $3  }
0x1: {  	(tag) =	ssettag $0x0;
	lr =	simm.s32 $0x1  }
0x2: {  	[smem:$0x3F9F] =	sst lr;
	_ =	strace $0xD0000000  }
0x3: {  	_ = 	snop  }
0x4: {  	_ = 	snop  }
0x5: {  	_ = 	snop  }
0x6: {  	_ = 	snop  }
0x7: {  	_ = 	snop  }
__scs_overlays_trampoline_lowered:
0x8: {  	[smem:$0x3FAE] =	sst s0  }
0x9: {  	[smem:$0x3FAF] =	sst s1  }
0xa: {  	[smem:$0x3FB0] =	sst s2  }
0xb: {  	[smem:$0x3FB1] =	sst s3  }
0xc: {  	[smem:$0x3FB2] =	sst s4  }
0xd: {  	[smem:$0x3FB3] =	sst s5  }
0xe: {  	[smem:$0x3FB4] =	sst s6  }
0xf: {  	[smem:$0x3FB5] =	sst s7  }
0x10: {  	[smem:$0x3FB6] =	sst s8  }
0x11: {  	[smem:$0x3FB7] =	sst s9;
	s0 =	simm.s32 @!p0 $0x0  }
0x12: {  	s1 =	sld [smem:$0x3F9D];
	s0 =	simm.s32 @p0 $0x1  }
0x13: {  	[smem:$0x3FB8] =	sst s0;
	s0 =	simm.s32 @!p1 $0x0  }
0x14: {  	s2 =	sld [smem:$0x3F9C];
	s0 =	simm.s32 @p1 $0x1  }
0x15: {  	[smem:$0x3FB9] =	sst s0;
	s0 =	simm.s32 @!p2 $0x0  }
0x16: {  	s3 =	sld [smem:$0x3FDB];
	s0 =	simm.s32 @p2 $0x1  }
0x17: {  	s4 =	simm.s32 $0x1BF5;
	[smem:$0x3FBB] =	sst s0  }
0x18: {  	s0 =	sld [smem:$0x3F9E];
	_ =	swait.ge [sflag:s4], $0x0  }
0x19: {  	s7 =	sld [smem:$0x3F9F]  }
0x1a: {  	s8 =	sadd.s32 $0xFFFFE003, lr  }
0x1b: {  	s9 =	sadd.s32 $0xFFFFFEF7, lr;
	s5 =	simm.s32 $0xFFFFFFFF;
	p2 =	slt.u32 s8, $0xFFFFF086  }
0x1c: {  	p1 =	slt.u32 s9, $0xF7A;
	s5 =	simm.s32 @!p2 $0x0  }
0x1d: {  	s5 =	simm.s32 @p1 $0x1;
	p0 =	seq.s32 s7, s2  }
0x1e: {  	s7 =	smul.u32 @!p0 $0xF7A, s2;
	p2 =	seq.s32 @!p0 s5, $0x0  }
0x1f: {  	s9 =	smul.u32 $0xF7A, s1;
	s8 =	simm.s32 @!p0 $0x1BF5;
	p2 =	por !p2, p0  }
0x20: {  	[sflag:s8] =	ssyncset.s32 @!p0 $0xFFFFF086;
	s6 =	sadd.s32 @!p0 s3, s7;
	s7 =	simm.s32 @!p0 $0x108  }
0x21: {  	s3 =	sadd.s32 s3, s9;
	s6 =	sadd.s32 @!p0 $0x88, s6;
	s7 =	simm.s32 @p2 $0x1082  }
0x22: {  	[simem:s7], [sflag:s8] =	dma.local @!p0 [hbm:s6], $0xF7A  }
0x23: {  	s9 =	sor.u32 $0xD0000000, s2;
	s6 =	simm.s32 $0x108;
	_ =	swait.ge @!p0 [sflag:s8], $0x0  }
0x24: {  	s3 =	sadd.s32 $0x88, s3;
	s6 =	simm.s32 @!p1 $0x1082;
	[sflag:s4] =	ssyncset.s32 $0xFFFFF086  }
0x25: {  	[simem:s6], [sflag:s4] =	dma.local [hbm:s3], $0xF7A  }
0x26: {  	[smem:$0x3F9F] =	sst s1;
	(tag) =	ssettag s2;
	_ =	strace s9  }
0x27: {  	s1 =	sld [smem:$0x3FAF]  }
0x28: {  	s2 =	sld [smem:$0x3FB0]  }
0x29: {  	s4 =	sld [smem:$0x3FB2]  }
0x2a: {  	p0 =	seq.s32 s5, $0x0;
	s5 =	sld [smem:$0x3FB3]  }
0x2b: {  	s6 =	sld [smem:$0x3FB4]  }
0x2c: {  	s7 =	sld [smem:$0x3FB5]  }
0x2d: {  	s3 =	simm.s32 $0x108;
	s8 =	sld [smem:$0x3FB6]  }
0x2e: {  	s3 =	simm.s32 @!p0 $0x1082;
	s9 =	sld [smem:$0x3FB7]  }
0x2f: {  	lr =	sadd.s32 s0, s3;
	s0 =	sld [smem:$0x3FAE]  }
0x30: {  	s3 =	sld [smem:$0x3FB1]  }
0x31: {  	[smem:$0x3FBA] =	sst s10  }
0x32: {  	s10 =	sld [smem:$0x3FB8];
	_ =	sdelay $0x3  }
0x33: {  	p0 =	seq.s32 s10, $0x1;
	s10 =	sld [smem:$0x3FBA];
	_ =	sdelay $0x3  }
0x34: {  	[smem:$0x3FBA] =	sst s10  }
0x35: {  	s10 =	sld [smem:$0x3FB9];
	_ =	sdelay $0x3  }
0x36: {  	p1 =	seq.s32 s10, $0x1;
	s10 =	sld [smem:$0x3FBA];
	_ =	sdelay $0x3  }
0x37: {  	[smem:$0x3FBA] =	sst s10  }
0x38: {  	s10 =	sld [smem:$0x3FBB]  }
0x39: {  	_ = 	snop;
	(pc) =	sbr.ind lr, $3  }
0x3a: {  	_ = 	snop  }
0x3b: {  	_ = 	snop  }
0x3c: {  	p2 =	seq.s32 s10, $0x1;
	s10 =	sld [smem:$0x3FBA]  }
0x3d: {  	_ =	shalt  }
0x3e: {  	_ =	shalt  }
0x3f: {  	_ =	shalt  }
0x40: {  	_ =	shalt  }
0x41: {  	_ =	shalt  }
0x42: {  	_ =	shalt  }
0x43: {  	_ =	shalt  }
0x44: {  	_ =	shalt  }
0x45: {  	_ =	shalt  }
0x46: {  	_ =	shalt  }
0x47: {  	_ =	shalt  }
0x48: {  	_ =	shalt  }
0x49: {  	_ =	shalt  }
0x4a: {  	_ =	shalt  }
0x4b: {  	_ =	shalt  }
0x4c: {  	_ =	shalt  }
0x4d: {  	_ =	shalt  }
0x4e: {  	_ =	shalt  }
0x4f: {  	_ =	shalt  }
0x50: {  	_ =	shalt  }
0x51: {  	_ =	shalt  }
0x52: {  	_ =	shalt  }
0x53: {  	_ =	shalt  }
0x54: {  	_ =	shalt  }
0x55: {  	_ =	shalt  }
0x56: {  	_ =	shalt  }
0x57: {  	_ =	shalt  }
0x58: {  	_ =	shalt  }
0x59: {  	_ =	shalt  }
0x5a: {  	_ =	shalt  }
0x5b: {  	_ =	shalt  }
0x5c: {  	_ =	shalt  }
0x5d: {  	_ =	shalt  }
0x5e: {  	_ =	shalt  }
0x5f: {  	_ =	shalt  }
0x60: {  	_ =	shalt  }
0x61: {  	_ =	shalt  }
0x62: {  	_ =	shalt  }
0x63: {  	_ =	shalt  }
0x64: {  	_ =	shalt  }
0x65: {  	_ =	shalt  }
0x66: {  	_ =	shalt  }
0x67: {  	_ =	shalt  }
0x68: {  	_ =	shalt  }
0x69: {  	_ =	shalt  }
0x6a: {  	_ =	shalt  }
0x6b: {  	_ =	shalt  }
0x6c: {  	_ =	shalt  }
0x6d: {  	_ =	shalt  }
0x6e: {  	_ =	shalt  }
0x6f: {  	_ =	shalt  }
0x70: {  	_ =	shalt  }
0x71: {  	_ =	shalt  }
0x72: {  	_ =	shalt  }
0x73: {  	_ =	shalt  }
0x74: {  	_ =	shalt  }
0x75: {  	_ =	shalt  }
0x76: {  	_ =	shalt  }
0x77: {  	_ =	shalt  }
0x78: {  	_ =	shalt  }
0x79: {  	_ =	shalt  }
0x7a: {  	_ =	shalt  }
0x7b: {  	_ =	shalt  }
0x7c: {  	_ =	shalt  }
0x7d: {  	_ =	shalt  }
0x7e: {  	_ =	shalt  }
0x7f: {  	_ =	shalt  }
0x80: {  	_ =	shalt  }
0x81: {  	_ =	shalt  }
0x82: {  	_ =	shalt  }
0x83: {  	_ =	shalt  }
0x84: {  	_ =	shalt  }
0x85: {  	_ =	shalt  }
0x86: {  	_ =	shalt  }
0x87: {  	_ =	shalt  }
.Lfunc_end0:
.L_simem_size_0:
called_computation_lowered:
.L_overlay_start_0:
0x88: {  	s2 =	sld [smem:$0x3FD9]  }
0x89: {  	s3 =	sld [smem:$0x3FFE];
	_ =	sdelay $0x1  }
0x8a: {  	s1 =	srdreg.scid  }
0x8b: {  	s0 =	sand.u32 $0x1, s1  }
0x8c: {  	s17 =	sshll.u32 s0, $0xA;
	s2 =	sadd.s32 s3, s2  }
0x8d: {  	s2 =	sadd.s32 s2, s17  }
0x8e: {  	[smem:$0x3FC6] =	sst s2  }
0x8f: {  	_ = 	snop  }
0x90: {  	s2 =	sld [smem:$0x3FC8]  }
0x91: {  	s18 =	sld [smem:$0x3FD0];
	(tm) =	ssettm $0x1  }
0x92: {  	s4 =	sld [smem:$0x3FFB];
	_ =	sdelay $0x3  }
0x93: {  	_ =	strace s4  }
0x94: {  	s4 =	sld [smem:$0x3FFC];
	_ =	sdelay $0x3  }
0x95: {  	_ =	strace s4  }
0x96: {  	s4 =	sld [smem:$0x3FFD];
	_ =	sdelay $0x3  }
0x97: {  	_ =	strace s4  }
0x98: {  	_ =	strace $0x8FFFFFFF  }
0x99: {  	s19 =	sld [smem:$0x3FDB];
	_ =	sdelay $0x1  }
0x9a: {  	s5 =	simm.s32 $_scs_section_size  }
0x9b: {  	s6 =	simm.s32 $_size__tile_overlayer_lowered;
	s7 =	simm.s32 $_tile_overlayer_lowered  }
0x9c: {  	s22 =	simm.s32 $0x1BFF;
	s21 =	sshll.u32 s7, $0x1;
	s4 =	sadd.s32 s5, s19  }
0x9d: {  	s8 =	simm.s32 $0x0;
	s20 =	sshll.u32 s6, $0x1;
	s6 =	sadd.s32 s21, s4  }
0x9e: {  	[timem:s8], [sflag:s22] =	dma.local [hbm:s6], s20  }
0x9f: {  	_ =	swait.ge [sflag:s22], s20  }
0xa0: {  	s5 =	ssub.s32 $0x0, s20;
	[sflag:s22] =	ssyncset.done $0x0  }
0xa1: {  	[sflag:s22] =	ssyncadd.s32 s5;
	_ =	sdelay $0x1  }
0xa2: {  	s23 =	simm.s32 $0x1B8B  }
0xa3: {  	_ =	swait.ge [sflag:s23], $0x1  }
0xa4: {  	[sflag:s23] =	ssyncset.done $0x0  }
0xa5: {  	s25 =	simm.s32 $0x1B8E;
	s24 =	sld [smem:$0x3FFE];
	[sflag:s23] =	ssyncadd.s32 $0xFFFFFFFF  }
0xa6: {  	s26 =	simm.s32 $execute0_lowered;
	[smem:$0x3FD2] =	sst s25  }
0xa7: {  	s6 =	sshll.u32 s26, $0x1;
	_ =	strace $0x80000046;
	[dreg:$0x1] =	wrdreg $0xFFFFFFFF  }
0xa8: {  	s28 =	simm.s32 $_size_execute0_lowered;
	s4 =	sadd.s32 s4, s6;
	[dreg:$0x0] =	wrdreg $0x0  }
0xa9: {  	s6 =	sshll.u32 s28, $0x1;
	[dreg:$0x2] =	wrdreg s4  }
0xaa: {  	[dreg:$0x3] =	wrdreg s6  }
0xab: {  	[dreg:$0x4] =	wrdreg $0xC0  }
0xac: {  	_ =	task [dreg:s8], $0x5FFFF  }
0xad: {  	[dreg:$0x1] =	wrdreg $0xFFFFFFFF  }
0xae: {  	[dreg:$0x0] =	wrdreg $0x60  }
0xaf: {  	[dreg:$0x2] =	wrdreg s24  }
0xb0: {  	[dreg:$0x3] =	wrdreg s2  }
0xb1: {  	[dreg:$0x4] =	wrdreg s18  }
0xb2: {  	[dreg:$0x5] =	wrdreg $0x9  }
0xb3: {  	_ =	task.clear_ibuf [dreg:s8], $0x6FFFF;
	_ =	strace $0x90000046  }
0xb4: {  	s29 =	simm.s32 $0x9;
	_ =	strace $0x80000048  }
0xb5: {  	_ =	swait.ge [sflag:s29], $0x1  }
0xb6: {  	[sflag:s29] =	ssyncadd.s32 $0xFFFFFFFF  }
0xb7: {  	_ =	strace $0x90000048  }
0xb8: {  	_ =	sfence  }
0xb9: {  	s30 =	sld [smem:$0x0];
	_ =	sdelay $0x2  }
0xba: {  	s31 =	sshll.u32 s1, $0xD;
	s1 =	sshrl.u32 s1, $0x2  }
0xbb: {  	s3 =	sand.u32 $0x4000, s31;
	s1 =	sadd.s32 s1, s30  }
0xbc: {  	s0 =	sor.u32 s3, s0;
	s1 =	sshll.u32 s1, $0x11  }
0xbd: {  	s0 =	sor.u32 s1, s0  }
0xbe: {  	s0 =	sadd.s32 $0x8F2B, s0  }
0xbf: {  	[sflag:s0] =	ssyncadd.remote.s32 $0x1  }
0xc0: {  	_ =	sfence.sel $0xFFFF  }
0xc1: {  	[dreg:$0x0] =	wrdreg $0xFFFFFFFF;
	(pc) =	sbr.abs _section_cstart, $3  }
0xc2: {  	[dreg:$0x1] =	wrdreg $0xFFFFFFFF  }
0xc3: {  	_ =	task.clear_ibuf [dreg:s8], $0x2FFFF;
	_ =	strace $0x9FFFFFFF  }
0xc4: {  	(tm) =	ssettm $0x7FFFFFFF  }
0xc5: {  	_ =	shalt  }
tec
execute0_lowered:
.L_overlay_start_1:
0x0: {  	(tag) =	ssettag $0x1  }
0x1: {  	s0 =	srdreg.scid;
	s2 =	rddreg [dreg:$0x0]  }
0x2: {  	s21 =	stileid.u32;
	s1 =	rddreg [dreg:$0x2]  }
0x3: {  	s28 =	simm.s32 $0x7400;
	s8 =	sand.u32 $0x1, s0;
	s14 =	sshll.u32 s21, $0x1  }
0x4: {  	s30 =	simm.s32 $0xB400;
	s0 =	sor.u32 s8, s14;
	s19 =	smul.u32 $0x34000, s8  }
0x5: {  	s31 =	simm.s32 $0x1;
	s5 =	ssub.s32 $0x2, s8;
	s3 =	smul.u32 $0x3400, s0  }
0x6: {  	s29 =	simm.s32 $0x17400;
	s0 =	smul.u32 $0x34000, s0;
	s15 =	sshrl.u32 s5, $0x1  }
0x7: {  	s8 =	smul.u32 $0x3400, s8;
	s25 =	ssub.s32 s5, s15;
	s4 =	sshrl.u32 s3, $0x3  }
0x8: {  	s6 =	sadd.s32 $0x2E800, s0;
	s7 =	sadd.s32 $0x2F000, s0;
	s5 =	sadd.s32 $0x3180, s3  }
0x9: {  	s12 =	sadd.s32 $0x2F800, s0;
	s15 =	sadd.s32 $0x30000, s0;
	s22 =	sadd.s32 $0x3300, s3  }
0xa: {  	s23 =	sadd.s32 $0x3380, s3;
	s24 =	sadd.s32 $0x31000, s0;
	s4 =	sadd.s32 s4, s2  }
0xb: {  	s16 =	sand.u32 $0xFC0000, s6;
	s10 =	sand.u32 $0x3E800, s6;
	s17 =	sand.u32 $0xFC0000, s7  }
0xc: {  	s13 =	sand.u32 $0x3F000, s7;
	s6 =	sadd.s32 $0x3200, s3;
	s18 =	sand.u32 $0xFC0000, s12  }
0xd: {  	s12 =	sand.u32 $0x3F800, s12;
	s7 =	sadd.s32 $0x3280, s3;
	s2 =	sshrl.u32 s3, $0xE  }
0xe: {  	s9 =	sadd.s32 s1, s16;
	s11 =	sadd.s32 s1, s17;
	s14 =	sadd.s32 s1, s18  }
0xf: {  	s16 =	sand.u32 $0xFC0000, s15;
	s17 =	smul.u32 $0x68000, s21;
	s18 =	sadd.s32 $0x30800, s0  }
0x10: {  	s15 =	sand.u32 $0x3C000, s15;
	s21 =	smul.u32 $0x6800, s21;
	s16 =	sadd.s32 s1, s16  }
0x11: {  	s20 =	sand.u32 $0xFC0000, s18;
	s18 =	sand.u32 $0x3C800, s18;
	s13 =	sadd.s32 s13, s11  }
0x12: {  	s11 =	sshll.u32 s6, $0x4;
	s14 =	sadd.s32 s12, s14;
	s12 =	sshll.u32 s7, $0x4  }
0x13: {  	s20 =	sadd.s32 s1, s20;
	s19 =	sadd.s32 s19, s17;
	[dreg:$0x6] =	wrdreg s13  }
0x14: {  	s17 =	sshll.u32 s5, $0x4;
	s26 =	sadd.s32 s8, s21;
	[dreg:$0x7] =	wrdreg s14  }
0x15: {  	s21 =	sadd.s32 s10, s9;
	s16 =	sadd.s32 s15, s16;
	[dreg:$0x4] =	wrdreg s19  }
0x16: {  	s19 =	sand.u32 $0xFC0000, s24;
	[dreg:$0x5] =	wrdreg s21;
	s8 =	sand.u32 $0xFC0000, s17  }
0x17: {  	s17 =	sand.u32 $0x3D800, s17;
	[dreg:$0x8] =	wrdreg s16;
	s21 =	sand.u32 $0xFC0000, s11  }
0x18: {  	s11 =	sand.u32 $0x3E000, s11;
	s16 =	sshll.u32 s22, $0x4;
	s10 =	sadd.s32 s1, s19  }
0x19: {  	s19 =	sand.u32 $0x3D000, s24;
	s9 =	sadd.s32 s1, s8;
	s24 =	sadd.s32 s18, s20  }
0x1a: {  	s8 =	sand.u32 $0xFC0000, s12;
	s13 =	sadd.s32 s1, s21;
	s12 =	sand.u32 $0x3E800, s12  }
0x1b: {  	s18 =	sshll.u32 s23, $0x4;
	s20 =	sand.u32 $0xFC0000, s16;
	[dreg:$0x9] =	wrdreg s24  }
0x1c: {  	s14 =	sadd.s32 s1, s8;
	s15 =	sadd.s32 s19, s10;
	s17 =	sadd.s32 s17, s9  }
0x1d: {  	s19 =	sadd.s32 s11, s13;
	s21 =	sand.u32 $0xFC0000, s18;
	s13 =	rddreg [dreg:$0x1]  }
0x1e: {  	s24 =	sadd.s32 s1, s20;
	s8 =	sadd.s32 $0x400, s3;
	[dreg:$0xa] =	wrdreg s15  }
0x1f: {  	s9 =	smul.u32 $0x3E8, s2;
	s3 =	sshll.u32 s3, $0x4;
	[dreg:$0xb] =	wrdreg s17  }
0x20: {  	s20 =	sshrl.u32 s7, $0xE;
	[dreg:$0xc] =	wrdreg s19;
	s11 =	sadd.s32 s12, s14  }
0x21: {  	s15 =	sand.u32 $0x3F000, s16;
	s12 =	sadd.s32 s1, s21;
	s16 =	sand.u32 $0x3F800, s18  }
0x22: {  	s14 =	simm.s32 $0x0;
	s2 =	sshrl.u32 s8, $0xE;
	s17 =	sadd.s32 $0x400, s4  }
0x23: {  	s18 =	sshrl.u32 s5, $0xE;
	s19 =	sshrl.u32 s6, $0xE;
	s7 =	smul.u32 $0x3E8, s20  }
0x24: {  	s3 =	sand.u32 $0x7C0000, s3;
	s4 =	sshrl.u32 s23, $0xE;
	s8 =	smul.u32 $0x3E8, s2  }
0x25: {  	s20 =	smax.u32 s25, $0x1;
	s15 =	sadd.s32 s15, s24;
	s5 =	smul.u32 $0x3E8, s18  }
0x26: {  	s16 =	sadd.s32 s16, s12;
	[smem:$0x7FF] =	sst s14;
	s6 =	smul.u32 $0x3E8, s19  }
0x27: {  	s18 =	sadd.s32 s1, s3;
	s24 =	sshrl.u32 s22, $0xE;
	s19 =	sand.u32 $0x3C000, s0  }
0x28: {  	s10 =	smul.u32 $0x3E8, s4;
	s4 =	sadd.s32 $0x700, s26;
	s0 =	simm.s32 $0xF400  }
0x29: {  	s12 =	simm.s32 $0x13400;
	s3 =	simm.s32 $0x2;
	_ =	strace $0x80000047  }
0x2a: {  	v0 =	vmov s9;
	s2 =	smul.u32 $0x3E8, s24;
	s25 =	sor.u32 $0x800, s19;
	s26 =	sor.u32 $0x1000, s19  }
0x2b: {  	s24 =	simm.s32 $0x3;
	v4 =	vmov s7;
	s22 =	sadd.s32 s18, s25;
	s23 =	sadd.s32 s18, s26;
	v1 =	vmov s8;
	v2 =	vmov s5  }
0x2c: {  	s25 =	simm.s32 $0x80;
	s26 =	simm.s32 $0x3400;
	v3 =	vmov s6;
	v6 =	vmov s10;
	v5 =	vmov s2;
	s2 =	simm.s32 $0x0  }
.LBB2_1:
0x2d: {  	[tilespmem:s14], [sflag:$0x3] =	stream.linear.gather [hbm4b:s17+s14], $0x3400, $0x38;
	[tilespmem:$0x1B400] =	vst v63  }
0x2e: {  	_ =	swait.ge [sflag:s24], $0x3400  }
0x2f: {  	[sflag:s24] =	ssyncset.done $0x0  }
0x30: {  	[sflag:s24] =	ssyncadd.s32 $0xFFFFCC00  }
0x31: {  	v7 =	vld [tilespmem:$0x0]  }
0x32: {  	v8 =	vld [tilespmem:$0x10]  }
0x33: {  	v9 =	vld [tilespmem:$0x20]  }
0x34: {  	v10 =	vld [tilespmem:$0x30]  }
0x35: {  	v11 =	vld [tilespmem:$0x40]  }
0x36: {  	v12 =	vld [tilespmem:$0x50];
	v7 =	vadd.s32 v0, v7  }
0x37: {  	[tilespmem:$0x0] =	vst v7;
	v7 =	vadd.s32 v0, v8;
	v8 =	vld [tilespmem:$0x60]  }
0x38: {  	v16 =	vld [tilespmem:$0x70];
	[tilespmem:$0x10] =	vst v7;
	v7 =	vadd.s32 v0, v9  }
0x39: {  	v17 =	vld [tilespmem:$0x80];
	[tilespmem:$0x20] =	vst v7;
	v7 =	vadd.s32 v0, v10  }
0x3a: {  	v18 =	vld [tilespmem:$0x90];
	[tilespmem:$0x30] =	vst v7;
	v7 =	vadd.s32 v0, v11  }
0x3b: {  	v19 =	vld [tilespmem:$0xA0];
	[tilespmem:$0x40] =	vst v7;
	v7 =	vadd.s32 v0, v12  }
0x3c: {  	[tilespmem:$0x50] =	vst v7;
	v7 =	vadd.s32 v0, v8;
	v8 =	vld [tilespmem:$0xB0]  }
0x3d: {  	v20 =	vld [tilespmem:$0xC0];
	[tilespmem:$0x60] =	vst v7;
	v7 =	vadd.s32 v0, v16  }
0x3e: {  	v21 =	vld [tilespmem:$0xD0];
	[tilespmem:$0x70] =	vst v7;
	v7 =	vadd.s32 v0, v17  }
0x3f: {  	v22 =	vld [tilespmem:$0xE0];
	[tilespmem:$0x80] =	vst v7;
	v7 =	vadd.s32 v0, v18  }
0x40: {  	v23 =	vld [tilespmem:$0xF0];
	[tilespmem:$0x90] =	vst v7;
	v7 =	vadd.s32 v0, v19  }
0x41: {  	[tilespmem:$0xA0] =	vst v7;
	v7 =	vadd.s32 v0, v8;
	v8 =	vld [tilespmem:$0x100]  }
0x42: {  	v24 =	vld [tilespmem:$0x110];
	[tilespmem:$0xB0] =	vst v7;
	v7 =	vadd.s32 v0, v20  }
0x43: {  	v25 =	vld [tilespmem:$0x120];
	[tilespmem:$0xC0] =	vst v7;
	v7 =	vadd.s32 v0, v21  }
0x44: {  	v26 =	vld [tilespmem:$0x130];
	[tilespmem:$0xD0] =	vst v7;
	v7 =	vadd.s32 v0, v22  }
0x45: {  	v27 =	vld [tilespmem:$0x140];
	[tilespmem:$0xE0] =	vst v7;
	v7 =	vadd.s32 v0, v23  }
0x46: {  	[tilespmem:$0xF0] =	vst v7;
	v7 =	vadd.s32 v0, v8;
	v8 =	vld [tilespmem:$0x150]  }
0x47: {  	v28 =	vld [tilespmem:$0x160];
	[tilespmem:$0x100] =	vst v7;
	v7 =	vadd.s32 v0, v24  }
0x48: {  	v29 =	vld [tilespmem:$0x170];
	[tilespmem:$0x110] =	vst v7;
	v7 =	vadd.s32 v0, v25  }
0x49: {  	v30 =	vld [tilespmem:$0x180];
	[tilespmem:$0x120] =	vst v7;
	v7 =	vadd.s32 v0, v26  }
0x4a: {  	v31 =	vld [tilespmem:$0x190];
	[tilespmem:$0x130] =	vst v7;
	v7 =	vadd.s32 v0, v27  }
0x4b: {  	[tilespmem:$0x140] =	vst v7;
	v7 =	vadd.s32 v0, v8;
	v8 =	vld [tilespmem:$0x1A0]  }
0x4c: {  	v32 =	vld [tilespmem:$0x1B0];
	[tilespmem:$0x150] =	vst v7;
	v7 =	vadd.s32 v0, v28  }
0x4d: {  	v33 =	vld [tilespmem:$0x1C0];
	[tilespmem:$0x160] =	vst v7;
	v7 =	vadd.s32 v0, v29  }
0x4e: {  	v34 =	vld [tilespmem:$0x1D0];
	[tilespmem:$0x170] =	vst v7;
	v7 =	vadd.s32 v0, v30  }
0x4f: {  	v35 =	vld [tilespmem:$0x1E0];
	[tilespmem:$0x180] =	vst v7;
	v7 =	vadd.s32 v0, v31  }
0x50: {  	[tilespmem:$0x190] =	vst v7;
	v7 =	vadd.s32 v0, v8;
	v8 =	vld [tilespmem:$0x1F0]  }
0x51: {  	v36 =	vld [tilespmem:$0x200];
	[tilespmem:$0x1A0] =	vst v7;
	v7 =	vadd.s32 v0, v32  }
0x52: {  	v37 =	vld [tilespmem:$0x210];
	[tilespmem:$0x1B0] =	vst v7;
	v7 =	vadd.s32 v0, v33  }
0x53: {  	v38 =	vld [tilespmem:$0x220];
	[tilespmem:$0x1C0] =	vst v7;
	v7 =	vadd.s32 v0, v34  }
0x54: {  	v39 =	vld [tilespmem:$0x230];
	[tilespmem:$0x1D0] =	vst v7;
	v7 =	vadd.s32 v0, v35  }
0x55: {  	[tilespmem:$0x1E0] =	vst v7;
	v7 =	vadd.s32 v0, v8;
	v8 =	vld [tilespmem:$0x240]  }
0x56: {  	v40 =	vld [tilespmem:$0x250];
	[tilespmem:$0x1F0] =	vst v7;
	v7 =	vadd.s32 v0, v36  }
0x57: {  	v41 =	vld [tilespmem:$0x260];
	[tilespmem:$0x200] =	vst v7;
	v7 =	vadd.s32 v0, v37  }
0x58: {  	v42 =	vld [tilespmem:$0x270];
	[tilespmem:$0x210] =	vst v7;
	v7 =	vadd.s32 v0, v38  }
0x59: {  	v43 =	vld [tilespmem:$0x280];
	[tilespmem:$0x220] =	vst v7;
	v7 =	vadd.s32 v0, v39  }
0x5a: {  	[tilespmem:$0x230] =	vst v7;
	v7 =	vadd.s32 v0, v8;
	v8 =	vld [tilespmem:$0x290]  }
0x5b: {  	v44 =	vld [tilespmem:$0x2A0];
	[tilespmem:$0x240] =	vst v7;
	v7 =	vadd.s32 v0, v40  }
0x5c: {  	v45 =	vld [tilespmem:$0x2B0];
	[tilespmem:$0x250] =	vst v7;
	v7 =	vadd.s32 v0, v41  }
0x5d: {  	v46 =	vld [tilespmem:$0x2C0];
	[tilespmem:$0x260] =	vst v7;
	v7 =	vadd.s32 v0, v42  }
0x5e: {  	v47 =	vld [tilespmem:$0x2D0];
	[tilespmem:$0x270] =	vst v7;
	v7 =	vadd.s32 v0, v43  }
0x5f: {  	[tilespmem:$0x280] =	vst v7;
	v7 =	vadd.s32 v0, v8;
	v8 =	vld [tilespmem:$0x2E0]  }
0x60: {  	v48 =	vld [tilespmem:$0x2F0];
	[tilespmem:$0x290] =	vst v7;
	v7 =	vadd.s32 v0, v44  }
0x61: {  	[tilespmem:$0x2A0] =	vst v7;
	v7 =	vadd.s32 v0, v45  }
0x62: {  	[tilespmem:$0x2B0] =	vst v7;
	v7 =	vadd.s32 v0, v46  }
0x63: {  	[tilespmem:$0x2C0] =	vst v7;
	v7 =	vadd.s32 v0, v47  }
0x64: {  	[tilespmem:$0x2D0] =	vst v7;
	v7 =	vadd.s32 v0, v8  }
0x65: {  	[tilespmem:$0x2E0] =	vst v7;
	v7 =	vadd.s32 v0, v48  }
0x66: {  	[tilespmem:$0x2F0] =	vst v7  }
0x67: {  	[tilespmem:s26], [sflag:$0x1] =	stream.indirect.gather [hbm4b:s13+s25], $0x80, s14, s25, $0xb8;
	[tilespmem:$0x1B400] =	vst v63  }
0x68: {  	_ = 	snop  }
0x69: {  	[tilespmem:s28], [sflag:$0x1] =	stream.indirect.gather [hbm4b:s13+s25], $0x80, s25, s25, $0xb8;
	[tilespmem:$0x1B400] =	vst v63  }
0x6a: {  	s5 =	simm.s32 $0x100  }
0x6b: {  	[tilespmem:s30], [sflag:$0x1] =	stream.indirect.gather [hbm4b:s13+s25], $0x80, s5, s25, $0xb8;
	[tilespmem:$0x1B400] =	vst v63  }
0x6c: {  	_ =	swait.ge [sflag:s31], $0x4000  }
0x6d: {  	[sflag:s31] =	ssyncset.done $0x0  }
0x6e: {  	s8 =	sadd.s32 s19, s18;
	[sflag:s31] =	ssyncadd.s32 $0xFFFFC000  }
0x6f: {  	[hbm4b:s8+s14] =	stream.linear.scatter [tilespmem:s26], [sflag:$0x2], $0x4000, $0x38;
	[tilespmem:$0x1B400] =	vst v63  }
0x70: {  	v7 =	vld [tilespmem:$0x300]  }
0x71: {  	v8 =	vld [tilespmem:$0x310]  }
0x72: {  	v49 =	vld [tilespmem:$0x320]  }
0x73: {  	v50 =	vld [tilespmem:$0x330]  }
0x74: {  	v51 =	vld [tilespmem:$0x340]  }
0x75: {  	v52 =	vld [tilespmem:$0x350];
	v7 =	vadd.s32 v0, v7  }
0x76: {  	[tilespmem:$0x300] =	vst v7;
	v7 =	vadd.s32 v0, v8;
	v8 =	vld [tilespmem:$0x360]  }
0x77: {  	v53 =	vld [tilespmem:$0x370];
	[tilespmem:$0x310] =	vst v7;
	v7 =	vadd.s32 v0, v49  }
0x78: {  	[tilespmem:$0x320] =	vst v7;
	v7 =	vadd.s32 v0, v50  }
0x79: {  	[tilespmem:$0x330] =	vst v7;
	v7 =	vadd.s32 v0, v51  }
0x7a: {  	[tilespmem:$0x340] =	vst v7;
	v7 =	vadd.s32 v0, v52  }
0x7b: {  	[tilespmem:$0x350] =	vst v7;
	v7 =	vadd.s32 v0, v8  }
0x7c: {  	[tilespmem:$0x360] =	vst v7;
	v7 =	vadd.s32 v0, v53  }
0x7d: {  	s9 =	simm.s32 $0x180;
	[tilespmem:$0x370] =	vst v7  }
0x7e: {  	[tilespmem:s0], [sflag:$0x1] =	stream.indirect.gather [hbm4b:s13+s25], $0x80, s9, s25, $0xb8;
	[tilespmem:$0x1B400] =	vst v63  }
0x7f: {  	_ =	swait.ge [sflag:s31], $0x4000  }
0x80: {  	[sflag:s31] =	ssyncset.done $0x0  }
0x81: {  	[sflag:s31] =	ssyncadd.s32 $0xFFFFC000  }
0x82: {  	[hbm4b:s22+s14] =	stream.linear.scatter [tilespmem:s28], [sflag:$0x2], $0x4000, $0x38;
	[tilespmem:$0x1B400] =	vst v63  }
0x83: {  	v7 =	vld [tilespmem:$0x380]  }
0x84: {  	v8 =	vld [tilespmem:$0x390]  }
0x85: {  	v54 =	vld [tilespmem:$0x3A0]  }
0x86: {  	v55 =	vld [tilespmem:$0x3B0]  }
0x87: {  	v56 =	vld [tilespmem:$0x3C0]  }
0x88: {  	v57 =	vld [tilespmem:$0x3D0];
	v7 =	vadd.s32 v0, v7  }
0x89: {  	[tilespmem:$0x380] =	vst v7;
	v7 =	vadd.s32 v0, v8;
	v8 =	vld [tilespmem:$0x3E0]  }
0x8a: {  	v58 =	vld [tilespmem:$0x3F0];
	[tilespmem:$0x390] =	vst v7;
	v7 =	vadd.s32 v0, v54  }
0x8b: {  	[tilespmem:$0x3A0] =	vst v7;
	v7 =	vadd.s32 v0, v55  }
0x8c: {  	[tilespmem:$0x3B0] =	vst v7;
	v7 =	vadd.s32 v0, v56  }
0x8d: {  	[tilespmem:$0x3C0] =	vst v7;
	v7 =	vadd.s32 v0, v57  }
0x8e: {  	[tilespmem:$0x3D0] =	vst v7;
	v7 =	vadd.s32 v0, v8  }
0x8f: {  	[tilespmem:$0x3E0] =	vst v7;
	v7 =	vadd.s32 v0, v58  }
0x90: {  	s10 =	simm.s32 $0x200;
	[tilespmem:$0x3F0] =	vst v7  }
0x91: {  	[tilespmem:s12], [sflag:$0x1] =	stream.indirect.gather [hbm4b:s13+s25], $0x80, s10, s25, $0xb8;
	[tilespmem:$0x1B400] =	vst v63  }
0x92: {  	_ =	swait.ge [sflag:s31], $0x4000  }
0x93: {  	[sflag:s31] =	ssyncset.done $0x0  }
0x94: {  	[sflag:s31] =	ssyncadd.s32 $0xFFFFC000  }
0x95: {  	[hbm4b:s23+s14] =	stream.linear.scatter [tilespmem:s30], [sflag:$0x2], $0x4000, $0x38;
	[tilespmem:$0x1B400] =	vst v63  }
0x96: {  	v7 =	vld [tilespmem:$0x400]  }
0x97: {  	v8 =	vld [tilespmem:$0x410]  }
0x98: {  	v59 =	vld [tilespmem:$0x420]  }
0x99: {  	v60 =	vld [tilespmem:$0x430]  }
0x9a: {  	v61 =	vld [tilespmem:$0x440]  }
0x9b: {  	v62 =	vld [tilespmem:$0x450];
	v7 =	vadd.s32 v1, v7  }
0x9c: {  	[tilespmem:$0x400] =	vst v7;
	v7 =	vadd.s32 v1, v8;
	v8 =	vld [tilespmem:$0x460]  }
0x9d: {  	v63 =	vld [tilespmem:$0x470];
	[tilespmem:$0x410] =	vst v7;
	v7 =	vadd.s32 v1, v59  }
0x9e: {  	[tilespmem:$0x420] =	vst v7;
	v7 =	vadd.s32 v1, v60  }
0x9f: {  	[tilespmem:$0x430] =	vst v7;
	v7 =	vadd.s32 v1, v61  }
0xa0: {  	[tilespmem:$0x440] =	vst v7;
	v7 =	vadd.s32 v1, v62  }
0xa1: {  	[tilespmem:$0x450] =	vst v7;
	v7 =	vadd.s32 v1, v8  }
0xa2: {  	[tilespmem:$0x460] =	vst v7;
	v7 =	vadd.s32 v1, v63  }
0xa3: {  	s21 =	simm.s32 $0x280;
	[tilespmem:$0x470] =	vst v7  }
0xa4: {  	[tilespmem:s29], [sflag:$0x1] =	stream.indirect.gather [hbm4b:s13+s25], $0x80, s21, s25, $0xb8;
	[tilespmem:$0x1B400] =	vst v63  }
0xa5: {  	s5 =	simm.s32 $0x0;
	s7 =	rddreg [dreg:$0x4];
	s21 =	smov.u32 s4  }
.LBB2_2:
0xa6: {  	s6 =	sadd.s32 $0x1800, s7  }
0xa7: {  	_ =	swait.ge [sflag:s31], $0x4000;
	s8 =	sand.u32 $0x1FFC0000, s6  }
0xa8: {  	[sflag:s31] =	ssyncset.done $0x0;
	s6 =	sand.u32 $0x3F800, s6;
	s8 =	sadd.s32 s1, s8  }
0xa9: {  	[sflag:s31] =	ssyncadd.s32 $0xFFFFC000;
	s6 =	sadd.s32 s6, s8  }
0xaa: {  	[hbm4b:s6+s14] =	stream.linear.scatter [tilespmem:s0], [sflag:$0x2], $0x4000, $0x38;
	[tilespmem:$0x1B400] =	vst v63  }
0xab: {  	_ =	swait.ge [sflag:s3], $0x4000  }
0xac: {  	[sflag:s3] =	ssyncset.done $0x0  }
0xad: {  	s6 =	sshra.s32 s5, $0x2;
	[sflag:s3] =	ssyncadd.s32 $0xFFFFC000  }
0xae: {  	v7 =	vld [tilespmem:s6+$0x480]  }
0xaf: {  	s10 =	sadd.s32 $0xFFFFFD80, s21;
	v8 =	vld [tilespmem:s6+$0x490]  }
0xb0: {  	s8 =	sshrl.u32 s10, $0xE;
	v9 =	vld [tilespmem:s6+$0x4A0]  }
0xb1: {  	s8 =	smul.u32 $0x3E8, s8;
	v10 =	vld [tilespmem:s6+$0x4B0]  }
0xb2: {  	v11 =	vld [tilespmem:s6+$0x4C0]  }
0xb3: {  	v12 =	vld [tilespmem:s6+$0x4D0];
	v7 =	vadd.s32 s8, v7  }
0xb4: {  	[tilespmem:s6+$0x480] =	vst v7;
	v7 =	vadd.s32 s8, v8;
	v8 =	vld [tilespmem:s6+$0x4E0]  }
0xb5: {  	v38 =	vld [tilespmem:s6+$0x4F0];
	[tilespmem:s6+$0x490] =	vst v7;
	v7 =	vadd.s32 s8, v9  }
0xb6: {  	[tilespmem:s6+$0x4A0] =	vst v7;
	v7 =	vadd.s32 s8, v10  }
0xb7: {  	[tilespmem:s6+$0x4B0] =	vst v7;
	v7 =	vadd.s32 s8, v11  }
0xb8: {  	[tilespmem:s6+$0x4C0] =	vst v7;
	v7 =	vadd.s32 s8, v12  }
0xb9: {  	[tilespmem:s6+$0x4D0] =	vst v7;
	v7 =	vadd.s32 s8, v8  }
0xba: {  	[tilespmem:s6+$0x4E0] =	vst v7;
	v7 =	vadd.s32 s8, v38  }
0xbb: {  	s10 =	sadd.s32 $0x2000, s7;
	s9 =	sadd.s32 $0x300, s6;
	[tilespmem:s6+$0x4F0] =	vst v7  }
0xbc: {  	[tilespmem:s26], [sflag:$0x1] =	stream.indirect.gather [hbm4b:s13+s25], $0x80, s9, s25, $0xb8;
	[tilespmem:$0x1B400] =	vst v63  }
0xbd: {  	s9 =	sand.u32 $0x1FFC0000, s10;
	_ =	swait.ge [sflag:s31], $0x4000  }
0xbe: {  	s8 =	sand.u32 $0x3F000, s10;
	s9 =	sadd.s32 s1, s9;
	[sflag:s31] =	ssyncset.done $0x0  }
0xbf: {  	s8 =	sadd.s32 s8, s9;
	[sflag:s31] =	ssyncadd.s32 $0xFFFFC000  }
0xc0: {  	[hbm4b:s8+s14] =	stream.linear.scatter [tilespmem:s12], [sflag:$0x2], $0x4000, $0x38;
	[tilespmem:$0x1B400] =	vst v63  }
0xc1: {  	_ =	swait.ge [sflag:s3], $0x4000  }
0xc2: {  	[sflag:s3] =	ssyncset.done $0x0  }
0xc3: {  	[sflag:s3] =	ssyncadd.s32 $0xFFFFC000  }
0xc4: {  	v7 =	vld [tilespmem:s6+$0x500]  }
0xc5: {  	s10 =	sadd.s32 $0xFFFFFE00, s21;
	v8 =	vld [tilespmem:s6+$0x510]  }
0xc6: {  	s8 =	sshrl.u32 s10, $0xE;
	v39 =	vld [tilespmem:s6+$0x520]  }
0xc7: {  	s8 =	smul.u32 $0x3E8, s8;
	v40 =	vld [tilespmem:s6+$0x530]  }
0xc8: {  	v41 =	vld [tilespmem:s6+$0x540]  }
0xc9: {  	v42 =	vld [tilespmem:s6+$0x550];
	v7 =	vadd.s32 s8, v7  }
0xca: {  	[tilespmem:s6+$0x500] =	vst v7;
	v7 =	vadd.s32 s8, v8;
	v8 =	vld [tilespmem:s6+$0x560]  }
0xcb: {  	v43 =	vld [tilespmem:s6+$0x570];
	[tilespmem:s6+$0x510] =	vst v7;
	v7 =	vadd.s32 s8, v39  }
0xcc: {  	[tilespmem:s6+$0x520] =	vst v7;
	v7 =	vadd.s32 s8, v40  }
0xcd: {  	[tilespmem:s6+$0x530] =	vst v7;
	v7 =	vadd.s32 s8, v41  }
0xce: {  	[tilespmem:s6+$0x540] =	vst v7;
	v7 =	vadd.s32 s8, v42  }
0xcf: {  	[tilespmem:s6+$0x550] =	vst v7;
	v7 =	vadd.s32 s8, v8  }
0xd0: {  	[tilespmem:s6+$0x560] =	vst v7;
	v7 =	vadd.s32 s8, v43  }
0xd1: {  	s9 =	sadd.s32 $0x380, s6;
	s8 =	sadd.s32 $0x2800, s7;
	[tilespmem:s6+$0x570] =	vst v7  }
0xd2: {  	[tilespmem:s28], [sflag:$0x1] =	stream.indirect.gather [hbm4b:s13+s25], $0x80, s9, s25, $0xb8;
	[tilespmem:$0x1B400] =	vst v63  }
0xd3: {  	s10 =	sand.u32 $0x1FFC0000, s8;
	_ =	swait.ge [sflag:s31], $0x4000  }
0xd4: {  	s8 =	sand.u32 $0x3F800, s8;
	s9 =	sadd.s32 s1, s10;
	[sflag:s31] =	ssyncset.done $0x0  }
0xd5: {  	s8 =	sadd.s32 s8, s9;
	[sflag:s31] =	ssyncadd.s32 $0xFFFFC000  }
0xd6: {  	[hbm4b:s8+s14] =	stream.linear.scatter [tilespmem:s29], [sflag:$0x2], $0x4000, $0x38;
	[tilespmem:$0x1B400] =	vst v63  }
0xd7: {  	_ =	swait.ge [sflag:s3], $0x4000  }
0xd8: {  	[sflag:s3] =	ssyncset.done $0x0  }
0xd9: {  	[sflag:s3] =	ssyncadd.s32 $0xFFFFC000  }
0xda: {  	v7 =	vld [tilespmem:s6+$0x580]  }
0xdb: {  	s10 =	sadd.s32 $0xFFFFFE80, s21;
	v8 =	vld [tilespmem:s6+$0x590]  }
0xdc: {  	s8 =	sshrl.u32 s10, $0xE;
	v44 =	vld [tilespmem:s6+$0x5A0]  }
0xdd: {  	s8 =	smul.u32 $0x3E8, s8;
	v45 =	vld [tilespmem:s6+$0x5B0]  }
0xde: {  	v46 =	vld [tilespmem:s6+$0x5C0]  }
0xdf: {  	v47 =	vld [tilespmem:s6+$0x5D0];
	v7 =	vadd.s32 s8, v7  }
0xe0: {  	[tilespmem:s6+$0x580] =	vst v7;
	v7 =	vadd.s32 s8, v8;
	v8 =	vld [tilespmem:s6+$0x5E0]  }
0xe1: {  	v48 =	vld [tilespmem:s6+$0x5F0];
	[tilespmem:s6+$0x590] =	vst v7;
	v7 =	vadd.s32 s8, v44  }
0xe2: {  	[tilespmem:s6+$0x5A0] =	vst v7;
	v7 =	vadd.s32 s8, v45  }
0xe3: {  	[tilespmem:s6+$0x5B0] =	vst v7;
	v7 =	vadd.s32 s8, v46  }
0xe4: {  	[tilespmem:s6+$0x5C0] =	vst v7;
	v7 =	vadd.s32 s8, v47  }
0xe5: {  	[tilespmem:s6+$0x5D0] =	vst v7;
	v7 =	vadd.s32 s8, v8  }
0xe6: {  	[tilespmem:s6+$0x5E0] =	vst v7;
	v7 =	vadd.s32 s8, v48  }
0xe7: {  	s9 =	sadd.s32 $0x400, s6;
	s8 =	sadd.s32 $0x3000, s7;
	[tilespmem:s6+$0x5F0] =	vst v7  }
0xe8: {  	[tilespmem:s30], [sflag:$0x1] =	stream.indirect.gather [hbm4b:s13+s25], $0x80, s9, s25, $0xb8;
	[tilespmem:$0x1B400] =	vst v63  }
0xe9: {  	s10 =	sand.u32 $0x1FFC0000, s8;
	_ =	swait.ge [sflag:s31], $0x4000  }
0xea: {  	s9 =	sadd.s32 s1, s10;
	s10 =	sand.u32 $0x3F000, s8;
	[sflag:s31] =	ssyncset.done $0x0  }
0xeb: {  	s9 =	sadd.s32 s10, s9;
	[sflag:s31] =	ssyncadd.s32 $0xFFFFC000  }
0xec: {  	[hbm4b:s9+s14] =	stream.linear.scatter [tilespmem:s26], [sflag:$0x2], $0x4000, $0x38;
	[tilespmem:$0x1B400] =	vst v63  }
0xed: {  	_ =	swait.ge [sflag:s3], $0x4000  }
0xee: {  	[sflag:s3] =	ssyncset.done $0x0  }
0xef: {  	[sflag:s3] =	ssyncadd.s32 $0xFFFFC000  }
0xf0: {  	v7 =	vld [tilespmem:s6+$0x600]  }
0xf1: {  	s10 =	sadd.s32 $0xFFFFFF00, s21;
	v8 =	vld [tilespmem:s6+$0x610]  }
0xf2: {  	s9 =	sshrl.u32 s10, $0xE;
	v49 =	vld [tilespmem:s6+$0x620]  }
0xf3: {  	s9 =	smul.u32 $0x3E8, s9;
	v50 =	vld [tilespmem:s6+$0x630]  }
0xf4: {  	v51 =	vld [tilespmem:s6+$0x640]  }
0xf5: {  	v52 =	vld [tilespmem:s6+$0x650];
	v7 =	vadd.s32 s9, v7  }
0xf6: {  	[tilespmem:s6+$0x600] =	vst v7;
	v7 =	vadd.s32 s9, v8;
	v8 =	vld [tilespmem:s6+$0x660]  }
0xf7: {  	v53 =	vld [tilespmem:s6+$0x670];
	[tilespmem:s6+$0x610] =	vst v7;
	v7 =	vadd.s32 s9, v49  }
0xf8: {  	[tilespmem:s6+$0x620] =	vst v7;
	v7 =	vadd.s32 s9, v50  }
0xf9: {  	[tilespmem:s6+$0x630] =	vst v7;
	v7 =	vadd.s32 s9, v51  }
0xfa: {  	[tilespmem:s6+$0x640] =	vst v7;
	v7 =	vadd.s32 s9, v52  }
0xfb: {  	[tilespmem:s6+$0x650] =	vst v7;
	v7 =	vadd.s32 s9, v8  }
0xfc: {  	[tilespmem:s6+$0x660] =	vst v7;
	v7 =	vadd.s32 s9, v53  }
0xfd: {  	s10 =	sadd.s32 $0x480, s6;
	s9 =	sadd.s32 $0x3800, s7;
	[tilespmem:s6+$0x670] =	vst v7  }
0xfe: {  	[tilespmem:s0], [sflag:$0x1] =	stream.indirect.gather [hbm4b:s13+s25], $0x80, s10, s25, $0xb8;
	[tilespmem:$0x1B400] =	vst v63  }
0xff: {  	s10 =	sand.u32 $0x1FFC0000, s9;
	_ =	swait.ge [sflag:s31], $0x4000  }
0x100: {  	s9 =	sand.u32 $0x3F800, s9;
	s10 =	sadd.s32 s1, s10;
	[sflag:s31] =	ssyncset.done $0x0  }
0x101: {  	s9 =	sadd.s32 s9, s10;
	[sflag:s31] =	ssyncadd.s32 $0xFFFFC000  }
0x102: {  	[hbm4b:s9+s14] =	stream.linear.scatter [tilespmem:s28], [sflag:$0x2], $0x4000, $0x38;
	[tilespmem:$0x1B400] =	vst v63  }
0x103: {  	_ =	swait.ge [sflag:s3], $0x4000  }
0x104: {  	[sflag:s3] =	ssyncset.done $0x0  }
0x105: {  	[sflag:s3] =	ssyncadd.s32 $0xFFFFC000  }
0x106: {  	v7 =	vld [tilespmem:s6+$0x680]  }
0x107: {  	s10 =	sadd.s32 $0xFFFFFF80, s21;
	v8 =	vld [tilespmem:s6+$0x690]  }
0x108: {  	s9 =	sshrl.u32 s10, $0xE;
	v54 =	vld [tilespmem:s6+$0x6A0]  }
0x109: {  	s9 =	smul.u32 $0x3E8, s9;
	v55 =	vld [tilespmem:s6+$0x6B0]  }
0x10a: {  	v56 =	vld [tilespmem:s6+$0x6C0]  }
0x10b: {  	v57 =	vld [tilespmem:s6+$0x6D0];
	v7 =	vadd.s32 s9, v7  }
0x10c: {  	[tilespmem:s6+$0x680] =	vst v7;
	v7 =	vadd.s32 s9, v8;
	v8 =	vld [tilespmem:s6+$0x6E0]  }
0x10d: {  	v58 =	vld [tilespmem:s6+$0x6F0];
	[tilespmem:s6+$0x690] =	vst v7;
	v7 =	vadd.s32 s9, v54  }
0x10e: {  	[tilespmem:s6+$0x6A0] =	vst v7;
	v7 =	vadd.s32 s9, v55  }
0x10f: {  	[tilespmem:s6+$0x6B0] =	vst v7;
	v7 =	vadd.s32 s9, v56  }
0x110: {  	[tilespmem:s6+$0x6C0] =	vst v7;
	v7 =	vadd.s32 s9, v57  }
0x111: {  	[tilespmem:s6+$0x6D0] =	vst v7;
	v7 =	vadd.s32 s9, v8  }
0x112: {  	[tilespmem:s6+$0x6E0] =	vst v7;
	v7 =	vadd.s32 s9, v58  }
0x113: {  	s7 =	sadd.s32 $0x4000, s7;
	s10 =	sadd.s32 $0x500, s6;
	[tilespmem:s6+$0x6F0] =	vst v7  }
0x114: {  	[tilespmem:s12], [sflag:$0x1] =	stream.indirect.gather [hbm4b:s13+s25], $0x80, s10, s25, $0xb8;
	[tilespmem:$0x1B400] =	vst v63  }
0x115: {  	s10 =	sand.u32 $0x1FFC0000, s7;
	_ =	swait.ge [sflag:s31], $0x4000  }
0x116: {  	s7 =	sand.u32 $0x3F000, s7;
	s9 =	sadd.s32 s1, s10;
	[sflag:s31] =	ssyncset.done $0x0  }
0x117: {  	s7 =	sadd.s32 s7, s9;
	[sflag:s31] =	ssyncadd.s32 $0xFFFFC000  }
0x118: {  	[hbm4b:s7+s14] =	stream.linear.scatter [tilespmem:s30], [sflag:$0x2], $0x4000, $0x38;
	[tilespmem:$0x1B400] =	vst v63  }
0x119: {  	_ =	swait.ge [sflag:s3], $0x4000  }
0x11a: {  	[sflag:s3] =	ssyncset.done $0x0  }
0x11b: {  	[sflag:s3] =	ssyncadd.s32 $0xFFFFC000  }
0x11c: {  	v7 =	vld [tilespmem:s6+$0x700]  }
0x11d: {  	v8 =	vld [tilespmem:s6+$0x710]  }
0x11e: {  	s9 =	sshrl.u32 s21, $0xE;
	v59 =	vld [tilespmem:s6+$0x720]  }
0x11f: {  	s7 =	smul.u32 $0x3E8, s9;
	v60 =	vld [tilespmem:s6+$0x730]  }
0x120: {  	v61 =	vld [tilespmem:s6+$0x740]  }
0x121: {  	v62 =	vld [tilespmem:s6+$0x750];
	v7 =	vadd.s32 s7, v7  }
0x122: {  	[tilespmem:s6+$0x700] =	vst v7;
	v7 =	vadd.s32 s7, v8;
	v8 =	vld [tilespmem:s6+$0x760]  }
0x123: {  	v63 =	vld [tilespmem:s6+$0x770];
	[tilespmem:s6+$0x710] =	vst v7;
	v7 =	vadd.s32 s7, v59  }
0x124: {  	[tilespmem:s6+$0x720] =	vst v7;
	v7 =	vadd.s32 s7, v60  }
0x125: {  	p0 =	sne.s32 s5, $0xA800;
	[tilespmem:s6+$0x730] =	vst v7;
	v7 =	vadd.s32 s7, v61  }
.Ltmp0:
0x126: {  	[tilespmem:s6+$0x740] =	vst v7;
	v7 =	vadd.s32 s7, v62;
	(pc) =	sbr.rel @p0 .LBB2_2-.Ltmp0, $4  }
0x127: {  	[tilespmem:s6+$0x750] =	vst v7;
	v7 =	vadd.s32 s7, v8  }
0x128: {  	s5 =	sadd.s32 $0xC00, s5;
	[tilespmem:s6+$0x760] =	vst v7;
	v7 =	vadd.s32 s7, v63  }
0x129: {  	s10 =	sadd.s32 $0x580, s6;
	s21 =	sadd.s32 $0x300, s21;
	s7 =	smov.u32 s8;
	[tilespmem:s6+$0x770] =	vst v7  }
0x12a: {  	[tilespmem:s29], [sflag:$0x1] =	stream.indirect.gather [hbm4b:s13+s25], $0x80, s10, s25, $0xb8;
	[tilespmem:$0x1B400] =	vst v63  }
0x12b: {  	_ =	swait.ge [sflag:s31], $0x4000  }
0x12c: {  	[sflag:s31] =	ssyncset.done $0x0  }
0x12d: {  	s5 =	rddreg [dreg:$0x5];
	[sflag:s31] =	ssyncadd.s32 $0xFFFFC000  }
0x12e: {  	[hbm4b:s5+s14] =	stream.linear.scatter [tilespmem:s0], [sflag:$0x2], $0x4000, $0x38;
	[tilespmem:$0x1B400] =	vst v63  }
0x12f: {  	_ =	swait.ge [sflag:s3], $0x4000  }
0x130: {  	[sflag:s3] =	ssyncset.done $0x0  }
0x131: {  	[sflag:s3] =	ssyncadd.s32 $0xFFFFC000  }
0x132: {  	v7 =	vld [tilespmem:$0x3180]  }
0x133: {  	v8 =	vld [tilespmem:$0x3190]  }
0x134: {  	v9 =	vld [tilespmem:$0x31A0]  }
0x135: {  	v10 =	vld [tilespmem:$0x31B0]  }
0x136: {  	v11 =	vld [tilespmem:$0x31C0]  }
0x137: {  	v12 =	vld [tilespmem:$0x31D0];
	v7 =	vadd.s32 v2, v7  }
0x138: {  	[tilespmem:$0x3180] =	vst v7;
	v7 =	vadd.s32 v2, v8;
	v8 =	vld [tilespmem:$0x31E0]  }
0x139: {  	v43 =	vld [tilespmem:$0x31F0];
	[tilespmem:$0x3190] =	vst v7;
	v7 =	vadd.s32 v2, v9  }
0x13a: {  	[tilespmem:$0x31A0] =	vst v7;
	v7 =	vadd.s32 v2, v10  }
0x13b: {  	[tilespmem:$0x31B0] =	vst v7;
	v7 =	vadd.s32 v2, v11  }
0x13c: {  	[tilespmem:$0x31C0] =	vst v7;
	v7 =	vadd.s32 v2, v12  }
0x13d: {  	[tilespmem:$0x31D0] =	vst v7;
	v7 =	vadd.s32 v2, v8  }
0x13e: {  	[tilespmem:$0x31E0] =	vst v7;
	v7 =	vadd.s32 v2, v43  }
0x13f: {  	s9 =	simm.s32 $0x3000;
	[tilespmem:$0x31F0] =	vst v7  }
0x140: {  	[tilespmem:s26], [sflag:$0x1] =	stream.indirect.gather [hbm4b:s13+s25], $0x80, s9, s25, $0xb8;
	[tilespmem:$0x1B400] =	vst v63  }
0x141: {  	_ =	swait.ge [sflag:s31], $0x4000  }
0x142: {  	[sflag:s31] =	ssyncset.done $0x0  }
0x143: {  	s10 =	rddreg [dreg:$0x6];
	[sflag:s31] =	ssyncadd.s32 $0xFFFFC000  }
0x144: {  	[hbm4b:s10+s14] =	stream.linear.scatter [tilespmem:s12], [sflag:$0x2], $0x4000, $0x38;
	[tilespmem:$0x1B400] =	vst v63  }
0x145: {  	_ =	swait.ge [sflag:s3], $0x4000  }
0x146: {  	[sflag:s3] =	ssyncset.done $0x0  }
0x147: {  	[sflag:s3] =	ssyncadd.s32 $0xFFFFC000  }
0x148: {  	v7 =	vld [tilespmem:$0x3200]  }
0x149: {  	v8 =	vld [tilespmem:$0x3210]  }
0x14a: {  	v44 =	vld [tilespmem:$0x3220]  }
0x14b: {  	v45 =	vld [tilespmem:$0x3230]  }
0x14c: {  	v46 =	vld [tilespmem:$0x3240]  }
0x14d: {  	v47 =	vld [tilespmem:$0x3250];
	v7 =	vadd.s32 v3, v7  }
0x14e: {  	[tilespmem:$0x3200] =	vst v7;
	v7 =	vadd.s32 v3, v8;
	v8 =	vld [tilespmem:$0x3260]  }
0x14f: {  	v48 =	vld [tilespmem:$0x3270];
	[tilespmem:$0x3210] =	vst v7;
	v7 =	vadd.s32 v3, v44  }
0x150: {  	[tilespmem:$0x3220] =	vst v7;
	v7 =	vadd.s32 v3, v45  }
0x151: {  	[tilespmem:$0x3230] =	vst v7;
	v7 =	vadd.s32 v3, v46  }
0x152: {  	[tilespmem:$0x3240] =	vst v7;
	v7 =	vadd.s32 v3, v47  }
0x153: {  	[tilespmem:$0x3250] =	vst v7;
	v7 =	vadd.s32 v3, v8  }
0x154: {  	[tilespmem:$0x3260] =	vst v7;
	v7 =	vadd.s32 v3, v48  }
0x155: {  	s21 =	simm.s32 $0x3080;
	[tilespmem:$0x3270] =	vst v7  }
0x156: {  	[tilespmem:s28], [sflag:$0x1] =	stream.indirect.gather [hbm4b:s13+s25], $0x80, s21, s25, $0xb8;
	[tilespmem:$0x1B400] =	vst v63  }
0x157: {  	_ =	swait.ge [sflag:s31], $0x4000  }
0x158: {  	[sflag:s31] =	ssyncset.done $0x0  }
0x159: {  	s6 =	rddreg [dreg:$0x7];
	[sflag:s31] =	ssyncadd.s32 $0xFFFFC000  }
0x15a: {  	[hbm4b:s6+s14] =	stream.linear.scatter [tilespmem:s29], [sflag:$0x2], $0x4000, $0x38;
	[tilespmem:$0x1B400] =	vst v63  }
0x15b: {  	_ =	swait.ge [sflag:s3], $0x4000  }
0x15c: {  	[sflag:s3] =	ssyncset.done $0x0  }
0x15d: {  	[sflag:s3] =	ssyncadd.s32 $0xFFFFC000  }
0x15e: {  	v7 =	vld [tilespmem:$0x3280]  }
0x15f: {  	v8 =	vld [tilespmem:$0x3290]  }
0x160: {  	v49 =	vld [tilespmem:$0x32A0]  }
0x161: {  	v50 =	vld [tilespmem:$0x32B0]  }
0x162: {  	v51 =	vld [tilespmem:$0x32C0]  }
0x163: {  	v52 =	vld [tilespmem:$0x32D0];
	v7 =	vadd.s32 v4, v7  }
0x164: {  	[tilespmem:$0x3280] =	vst v7;
	v7 =	vadd.s32 v4, v8;
	v8 =	vld [tilespmem:$0x32E0]  }
0x165: {  	v53 =	vld [tilespmem:$0x32F0];
	[tilespmem:$0x3290] =	vst v7;
	v7 =	vadd.s32 v4, v49  }
0x166: {  	[tilespmem:$0x32A0] =	vst v7;
	v7 =	vadd.s32 v4, v50  }
0x167: {  	[tilespmem:$0x32B0] =	vst v7;
	v7 =	vadd.s32 v4, v51  }
0x168: {  	[tilespmem:$0x32C0] =	vst v7;
	v7 =	vadd.s32 v4, v52  }
0x169: {  	[tilespmem:$0x32D0] =	vst v7;
	v7 =	vadd.s32 v4, v8  }
0x16a: {  	[tilespmem:$0x32E0] =	vst v7;
	v7 =	vadd.s32 v4, v53  }
0x16b: {  	s7 =	simm.s32 $0x3100;
	[tilespmem:$0x32F0] =	vst v7  }
0x16c: {  	[tilespmem:s30], [sflag:$0x1] =	stream.indirect.gather [hbm4b:s13+s25], $0x80, s7, s25, $0xb8;
	[tilespmem:$0x1B400] =	vst v63  }
0x16d: {  	_ =	swait.ge [sflag:s31], $0x4000  }
0x16e: {  	[sflag:s31] =	ssyncset.done $0x0  }
0x16f: {  	s8 =	rddreg [dreg:$0x8];
	[sflag:s31] =	ssyncadd.s32 $0xFFFFC000  }
0x170: {  	[hbm4b:s8+s14] =	stream.linear.scatter [tilespmem:s26], [sflag:$0x2], $0x4000, $0x38;
	[tilespmem:$0x1B400] =	vst v63  }
0x171: {  	_ =	swait.ge [sflag:s3], $0x4000  }
0x172: {  	[sflag:s3] =	ssyncset.done $0x0  }
0x173: {  	[sflag:s3] =	ssyncadd.s32 $0xFFFFC000  }
0x174: {  	v7 =	vld [tilespmem:$0x3300]  }
0x175: {  	v8 =	vld [tilespmem:$0x3310]  }
0x176: {  	v54 =	vld [tilespmem:$0x3320]  }
0x177: {  	v55 =	vld [tilespmem:$0x3330]  }
0x178: {  	v56 =	vld [tilespmem:$0x3340]  }
0x179: {  	v57 =	vld [tilespmem:$0x3350];
	v7 =	vadd.s32 v5, v7  }
0x17a: {  	[tilespmem:$0x3300] =	vst v7;
	v7 =	vadd.s32 v5, v8;
	v8 =	vld [tilespmem:$0x3360]  }
0x17b: {  	v58 =	vld [tilespmem:$0x3370];
	[tilespmem:$0x3310] =	vst v7;
	v7 =	vadd.s32 v5, v54  }
0x17c: {  	[tilespmem:$0x3320] =	vst v7;
	v7 =	vadd.s32 v5, v55  }
0x17d: {  	[tilespmem:$0x3330] =	vst v7;
	v7 =	vadd.s32 v5, v56  }
0x17e: {  	[tilespmem:$0x3340] =	vst v7;
	v7 =	vadd.s32 v5, v57  }
0x17f: {  	[tilespmem:$0x3350] =	vst v7;
	v7 =	vadd.s32 v5, v8  }
0x180: {  	[tilespmem:$0x3360] =	vst v7;
	v7 =	vadd.s32 v5, v58  }
0x181: {  	s9 =	simm.s32 $0x3180;
	[tilespmem:$0x3370] =	vst v7  }
0x182: {  	[tilespmem:s0], [sflag:$0x1] =	stream.indirect.gather [hbm4b:s13+s25], $0x80, s9, s25, $0xb8;
	[tilespmem:$0x1B400] =	vst v63  }
0x183: {  	_ =	swait.ge [sflag:s31], $0x4000  }
0x184: {  	[sflag:s31] =	ssyncset.done $0x0  }
0x185: {  	s10 =	rddreg [dreg:$0x9];
	[sflag:s31] =	ssyncadd.s32 $0xFFFFC000  }
0x186: {  	[hbm4b:s10+s14] =	stream.linear.scatter [tilespmem:s28], [sflag:$0x2], $0x4000, $0x38;
	[tilespmem:$0x1B400] =	vst v63  }
0x187: {  	_ =	swait.ge [sflag:s3], $0x4000  }
0x188: {  	[sflag:s3] =	ssyncset.done $0x0  }
0x189: {  	[sflag:s3] =	ssyncadd.s32 $0xFFFFC000  }
0x18a: {  	v7 =	vld [tilespmem:$0x3380]  }
0x18b: {  	v8 =	vld [tilespmem:$0x3390]  }
0x18c: {  	v59 =	vld [tilespmem:$0x33A0]  }
0x18d: {  	v60 =	vld [tilespmem:$0x33B0]  }
0x18e: {  	v61 =	vld [tilespmem:$0x33C0]  }
0x18f: {  	v62 =	vld [tilespmem:$0x33D0];
	v7 =	vadd.s32 v6, v7  }
0x190: {  	[tilespmem:$0x3380] =	vst v7;
	v7 =	vadd.s32 v6, v8;
	v8 =	vld [tilespmem:$0x33E0]  }
0x191: {  	v63 =	vld [tilespmem:$0x33F0];
	[tilespmem:$0x3390] =	vst v7;
	v7 =	vadd.s32 v6, v59  }
0x192: {  	[tilespmem:$0x33A0] =	vst v7;
	v7 =	vadd.s32 v6, v60  }
0x193: {  	[tilespmem:$0x33B0] =	vst v7;
	v7 =	vadd.s32 v6, v61  }
0x194: {  	[tilespmem:$0x33C0] =	vst v7;
	v7 =	vadd.s32 v6, v62  }
0x195: {  	[tilespmem:$0x33D0] =	vst v7;
	v7 =	vadd.s32 v6, v8  }
0x196: {  	[tilespmem:$0x33E0] =	vst v7;
	v7 =	vadd.s32 v6, v63  }
0x197: {  	s21 =	simm.s32 $0x3200;
	[tilespmem:$0x33F0] =	vst v7  }
0x198: {  	[tilespmem:s12], [sflag:$0x1] =	stream.indirect.gather [hbm4b:s13+s25], $0x80, s21, s25, $0xb8;
	[tilespmem:$0x1B400] =	vst v63  }
0x199: {  	_ =	swait.ge [sflag:s31], $0x4000  }
0x19a: {  	[sflag:s31] =	ssyncset.done $0x0  }
0x19b: {  	s6 =	rddreg [dreg:$0xa];
	[sflag:s31] =	ssyncadd.s32 $0xFFFFC000  }
0x19c: {  	[hbm4b:s6+s14] =	stream.linear.scatter [tilespmem:s30], [sflag:$0x2], $0x4000, $0x38;
	[tilespmem:$0x1B400] =	vst v63  }
0x19d: {  	_ =	swait.ge [sflag:s3], $0x4000  }
0x19e: {  	[sflag:s3] =	ssyncset.done $0x0  }
0x19f: {  	s7 =	simm.s32 $0x3280;
	[sflag:s3] =	ssyncadd.s32 $0xFFFFC000  }
0x1a0: {  	[tilespmem:s29], [sflag:$0x1] =	stream.indirect.gather [hbm4b:s13+s25], $0x80, s7, s25, $0xb8;
	[tilespmem:$0x1B400] =	vst v63  }
0x1a1: {  	_ =	swait.ge [sflag:s31], $0x4000  }
0x1a2: {  	[sflag:s31] =	ssyncset.done $0x0  }
0x1a3: {  	s8 =	rddreg [dreg:$0xb];
	[sflag:s31] =	ssyncadd.s32 $0xFFFFC000  }
0x1a4: {  	[hbm4b:s8+s14] =	stream.linear.scatter [tilespmem:s0], [sflag:$0x2], $0x4000, $0x38;
	[tilespmem:$0x1B400] =	vst v63  }
0x1a5: {  	_ =	swait.ge [sflag:s3], $0x4000  }
0x1a6: {  	[sflag:s3] =	ssyncset.done $0x0  }
0x1a7: {  	s9 =	simm.s32 $0x3300;
	[sflag:s3] =	ssyncadd.s32 $0xFFFFC000  }
0x1a8: {  	[tilespmem:s26], [sflag:$0x1] =	stream.indirect.gather [hbm4b:s13+s25], $0x80, s9, s25, $0xb8;
	[tilespmem:$0x1B400] =	vst v63  }
0x1a9: {  	_ =	swait.ge [sflag:s31], $0x4000  }
0x1aa: {  	[sflag:s31] =	ssyncset.done $0x0  }
0x1ab: {  	s10 =	rddreg [dreg:$0xc];
	[sflag:s31] =	ssyncadd.s32 $0xFFFFC000  }
0x1ac: {  	[hbm4b:s10+s14] =	stream.linear.scatter [tilespmem:s12], [sflag:$0x2], $0x4000, $0x38;
	[tilespmem:$0x1B400] =	vst v63  }
0x1ad: {  	_ =	swait.ge [sflag:s3], $0x4000  }
0x1ae: {  	[sflag:s3] =	ssyncset.done $0x0  }
0x1af: {  	s21 =	simm.s32 $0x3380;
	[sflag:s3] =	ssyncadd.s32 $0xFFFFC000  }
0x1b0: {  	[tilespmem:s28], [sflag:$0x1] =	stream.indirect.gather [hbm4b:s13+s25], $0x80, s21, s25, $0xb8;
	[tilespmem:$0x1B400] =	vst v63  }
0x1b1: {  	_ =	swait.ge [sflag:s31], $0x4000  }
0x1b2: {  	[sflag:s31] =	ssyncset.done $0x0  }
0x1b3: {  	[sflag:s31] =	ssyncadd.s32 $0xFFFFC000  }
0x1b4: {  	[hbm4b:s11+s14] =	stream.linear.scatter [tilespmem:s29], [sflag:$0x2], $0x4000, $0x38;
	[tilespmem:$0x1B400] =	vst v63  }
0x1b5: {  	_ =	swait.ge [sflag:s3], $0x4000  }
0x1b6: {  	[sflag:s3] =	ssyncset.done $0x0  }
0x1b7: {  	[sflag:s3] =	ssyncadd.s32 $0xFFFFC000  }
0x1b8: {  	_ =	swait.ge [sflag:s31], $0x4000  }
0x1b9: {  	[sflag:s31] =	ssyncset.done $0x0  }
0x1ba: {  	[sflag:s31] =	ssyncadd.s32 $0xFFFFC000  }
0x1bb: {  	[hbm4b:s15+s14] =	stream.linear.scatter [tilespmem:s26], [sflag:$0x2], $0x4000, $0x38;
	[tilespmem:$0x1B400] =	vst v63  }
0x1bc: {  	_ =	swait.ge [sflag:s3], $0x4000  }
0x1bd: {  	[sflag:s3] =	ssyncset.done $0x0  }
0x1be: {  	[sflag:s3] =	ssyncadd.s32 $0xFFFFC000  }
0x1bf: {  	_ =	swait.ge [sflag:s31], $0x4000  }
0x1c0: {  	[sflag:s31] =	ssyncset.done $0x0  }
0x1c1: {  	[sflag:s31] =	ssyncadd.s32 $0xFFFFC000  }
0x1c2: {  	[hbm4b:s16+s14] =	stream.linear.scatter [tilespmem:s28], [sflag:$0x2], $0x4000, $0x38;
	[tilespmem:$0x1B400] =	vst v63  }
0x1c3: {  	_ =	swait.ge [sflag:s3], $0x4000  }
0x1c4: {  	[sflag:s3] =	ssyncset.done $0x0  }
0x1c5: {  	[sflag:s3] =	ssyncadd.s32 $0xFFFFC000  }
0x1c6: {  	_ =	swait.ge [sflag:s3], $0x4000  }
0x1c7: {  	[sflag:s3] =	ssyncset.done $0x0  }
0x1c8: {  	s2 =	sadd.s32 $0x1, s2;
	[sflag:s3] =	ssyncadd.s32 $0xFFFFC000  }
0x1c9: {  	p0 =	sne.s32 s2, s20;
	_ =	swait.ge [sflag:s3], $0x4000  }
.Ltmp1:
0x1ca: {  	[sflag:s3] =	ssyncset.done $0x0;
	(pc) =	sbr.rel @p0 .LBB2_1-.Ltmp1, $4  }
0x1cb: {  	[sflag:s3] =	ssyncadd.s32 $0xFFFFC000  }
0x1cc: {  	_ =	swait.ge [sflag:s3], $0x4000  }
0x1cd: {  	[sflag:s3] =	ssyncset.done $0x0  }
0x1ce: {  	[sflag:s3] =	ssyncadd.s32 $0xFFFFC000  }
0x1cf: {  	_ =	sfence.sel $0x180000  }
0x1d0: {  	[bflag:$0x0] =	sbarrier.arrive $0xFFFF  }
0x1d1: {  	_ =	strace $0x90000047  }
0x1d2: {  	s0 =	stileid.u32;
	[bflag:$0x2] =	sbarrier.arrive $0xFFFF  }
0x1d3: {  	p0 =	sne.s32 s0, $0x0;
	s0 =	rddreg [dreg:$0x3]  }
0x1d4: {  	s0 =	sadd.s32 @!p0 $0x100000, s0  }
0x1d5: {  	[sflag:s0] =	ssyncadd.tile.s32 @!p0 $0x1;
	_ =	shalt  }
.Lfunc_end2:
_tile_overlayer_lowered:
.L_overlay_start_2:
0x1d6: {  	(tag) =	ssettag $0x2  }
0x1d7: {  	s0 =	rddreg [dreg:$0x0];
	s2 =	stileid.u32  }
0x1d8: {  	s1 =	rddreg [dreg:$0x1];
	p0 =	sne.s32 s2, $0x0  }
0x1d9: {  	s3 =	rddreg [dreg:$0x2];
	[bflag:$0x3] =	sbarrier.arrive $0xFFFF;
	s2 =	simm.s32 @!p0 $0x1C03  }
0x1da: {  	[timem:s3], [sflag:s2] =	dma.local @!p0 [hbm:s0], s1  }
0x1db: {  	s0 =	simm.s32 @!p0 $0x3  }
0x1dc: {  	_ =	swait.ge @!p0 [sflag:s0], s1  }
0x1dd: {  	s1 =	ssub.s32 @!p0 $0x0, s1;
	[sflag:s0] =	ssyncset.done @!p0 $0x0  }
0x1de: {  	[sflag:s0] =	ssyncadd.s32 @!p0 s1  }
0x1df: {  	[bflag:$0x3] =	sbarrier.arrive $0xFFFF  }
0x1e0: {  	_ =	shalt  }

</sc_bundles>
